<compile_context>
chip_gen: v7x
topology: tpu7x:2x2x1
jax: 0.10.2.dev20260603
libtpu: 0.0.44.dev20260713+nightly
codegen_flags: <defaults>
</compile_context>

<pallas_src>
import functools

import jax
import jax.numpy as jnp
from jax import lax
from jax.experimental import pallas as pl
from jax.experimental.pallas import tpu as pltpu
from jax.experimental.pallas import tpu_sc as plsc

D = 128
L = 32

_NC = 2
_NS = 16
_NW = _NC * _NS

_CH = 256


def _proj_kernel(feat_ref, a_ref, w1a_ref, p_ref, f1_ref):
    f = feat_ref[...]
    p_ref[...] = jnp.dot(f, a_ref[...], preferred_element_type=jnp.float32)
    f1_ref[...] = jnp.dot(f, w1a_ref[...], preferred_element_type=jnp.float32)


def _ctab_kernel(r_ref, bm_ref, bgv_ref, c_ref):
    c_ref[...] = (
        jnp.dot(r_ref[...], bm_ref[...], preferred_element_type=jnp.float32)
        + bgv_ref[...]
    )


def _combine_kernel(g_ref, r_ref, c_ref, s1_ref, w1b_ref, b1_ref, out_ref):
    g = g_ref[...]
    r = r_ref[0, 0, :]
    rc = jnp.take_along_axis(
        c_ref[...], jnp.broadcast_to(r[:, None], (r.shape[0], D)), axis=0)
    h = jnp.maximum(g + rc, 0.0)
    neigh = jnp.sum(h.reshape(-1, L, D), axis=1) * (1.0 / L)
    comb = (s1_ref[...]
            + jnp.dot(neigh, w1b_ref[...], preferred_element_type=jnp.float32)
            + b1_ref[...])
    out_ref[...] = jnp.maximum(comb, 0.0)


def _sc_gather_body(p_hbm, f1_hbm, uv_hbm, nodes_hbm, g_out, s_out,
                    uvidx_v, buf_a, buf_b, rows_s, nidx_v, sem):
    wid = lax.axis_index("s") * _NC + lax.axis_index("c")
    bpw = uv_hbm.shape[1]
    nch = bpw * 128 // _CH
    spw = nodes_hbm.shape[0] * 128 // _NW
    ipc = _CH // 128

    pltpu.sync_copy(uv_hbm.at[wid], uvidx_v)

    def fire(buf, t):
        for j in range(ipc):
            pltpu.async_copy(p_hbm.at[uvidx_v.at[t * ipc + j]],
                             buf.at[pl.ds(j * 128, 128)], sem)

    def drain(buf):
        pltpu.make_async_copy(p_hbm.at[pl.ds(0, _CH)], buf, sem).wait()

    def writeback(buf, t):
        pltpu.sync_copy(buf, g_out.at[pl.ds(wid * bpw * 128 + t * _CH, _CH)])

    fire(buf_a, 0)

    def two_chunks(i, carry):
        t0 = i * 2
        fire(buf_b, t0 + 1)
        drain(buf_a)
        writeback(buf_a, t0)

        @pl.when(i < nch // 2 - 1)
        def _():
            fire(buf_a, t0 + 2)

        drain(buf_b)
        writeback(buf_b, t0 + 1)
        return carry

    lax.fori_loop(0, nch // 2, two_chunks, 0)

    pltpu.sync_copy(nodes_hbm.at[pl.ds(wid * (spw // 128), spw // 128)],
                    nidx_v)
    for h in range(spw // 128):
        pltpu.async_copy(f1_hbm.at[nidx_v.at[h]], rows_s, sem)
        pltpu.make_async_copy(f1_hbm.at[pl.ds(0, 128)], rows_s, sem).wait()
        pltpu.sync_copy(rows_s, s_out.at[pl.ds(wid * spw + h * 128, 128)])


_NSLICE = 4


def kernel(nodes, history_uv, history_r, feat_table, r_table, W_gv, b_gv, W1, b1):
    B = nodes.shape[0]
    V = feat_table.shape[0]
    BS = B // _NSLICE
    BLS = BS * L
    bpw = BLS // _NW // 128

    nodes_i = nodes.astype(jnp.int32).reshape(_NSLICE, BS // 128, 128)
    uv_i = history_uv.astype(jnp.int32).reshape(_NSLICE, _NW, bpw, 128)
    r3 = history_r.astype(jnp.int32).reshape(_NSLICE, BS // 128, 1, 128 * L)

    A = W_gv[:D]
    Bm = W_gv[D:]
    W1a = W1[:D]
    W1b = W1[D:]
    r_pad = jnp.pad(r_table, ((0, 8 - r_table.shape[0]), (0, 0)))

    rb = 10000
    P, F1 = pl.pallas_call(
        _proj_kernel,
        grid=(V // rb,),
        in_specs=[
            pl.BlockSpec((rb, D), lambda i: (i, 0)),
            pl.BlockSpec((D, D), lambda i: (0, 0)),
            pl.BlockSpec((D, D), lambda i: (0, 0)),
        ],
        out_specs=[
            pl.BlockSpec((rb, D), lambda i: (i, 0)),
            pl.BlockSpec((rb, D), lambda i: (i, 0)),
        ],
        out_shape=[jax.ShapeDtypeStruct((V, D), jnp.float32)] * 2,
    )(feat_table, A, W1a)

    C = pl.pallas_call(
        _ctab_kernel,
        out_shape=jax.ShapeDtypeStruct((8, D), jnp.float32),
    )(r_pad, Bm, b_gv.reshape(1, D))

    mesh = plsc.VectorSubcoreMesh(core_axis_name="c", subcore_axis_name="s")
    sc_gather = functools.partial(
        pl.kernel,
        mesh=mesh,
        out_type=(
            jax.ShapeDtypeStruct((BLS, D), jnp.float32),
            jax.ShapeDtypeStruct((BS, D), jnp.float32),
        ),
        scratch_types=[
            pltpu.VMEM((bpw, 128), jnp.int32),
            pltpu.VMEM((_CH, D), jnp.float32),
            pltpu.VMEM((_CH, D), jnp.float32),
            pltpu.VMEM((128, D), jnp.float32),
            pltpu.VMEM((max(BS // _NW // 128, 1), 128), jnp.int32),

            pltpu.SemaphoreType.DMA,
        ],
    )(_sc_gather_body)

    rbl = 128 * L
    b1r = b1.reshape(1, D)
    outs = []
    for s in range(_NSLICE):
        G, S1 = sc_gather(P, F1, uv_i[s], nodes_i[s])
        outs.append(pl.pallas_call(
            _combine_kernel,
            grid=(BS // 128,),
            in_specs=[
                pl.BlockSpec((rbl, D), lambda i: (i, 0)),
                pl.BlockSpec((1, 1, rbl), lambda i: (i, 0, 0)),
                pl.BlockSpec((8, D), lambda i: (0, 0)),
                pl.BlockSpec((128, D), lambda i: (i, 0)),
                pl.BlockSpec((D, D), lambda i: (0, 0)),
                pl.BlockSpec((1, D), lambda i: (0, 0)),
            ],
            out_specs=pl.BlockSpec((128, D), lambda i: (i, 0)),
            out_shape=jax.ShapeDtypeStruct((BS, D), jnp.float32),
        )(G, r3[s], C, S1, W1b, b1r))
    return jnp.concatenate(outs, axis=0)

# --- scband reference (transcript-rebuilt; emitter-appended) ---
"""Pipeline reference for scband-uv-encoder-6004364279882 (READ-ONLY COPY).

The authoritative reference and input builder live on the scoring server;
editing this copy changes nothing except your own understanding.
"""

import jax, jax.numpy as jnp
import numpy as np

NUM_NODES = 100000
NUM_RATINGS = 6
EMBED_DIM = 128
BATCH = 16384
HIST_LEN = 32


def setup_inputs(seed: int = 0) -> dict:
    key = jax.random.key(seed)
    ks = jax.random.split(key, 9)
    nodes = jax.random.randint(ks[0], (BATCH,), 0, NUM_NODES, dtype=jnp.int64 if jax.config.jax_enable_x64 else jnp.int32)
    history_uv = jax.random.randint(ks[1], (BATCH, HIST_LEN), 0, NUM_NODES, dtype=nodes.dtype)
    history_r = jax.random.randint(ks[2], (BATCH, HIST_LEN), 0, NUM_RATINGS, dtype=nodes.dtype)
    feat_table = jax.random.normal(ks[3], (NUM_NODES, EMBED_DIM), dtype=jnp.float32) * 0.1
    r_table = jax.random.normal(ks[4], (NUM_RATINGS, EMBED_DIM), dtype=jnp.float32) * 0.1
    # aggregator g_v MLP: combines neighbor feature and rating embedding
    W_gv = jax.random.normal(ks[5], (2 * EMBED_DIM, EMBED_DIM), dtype=jnp.float32) * (1.0 / np.sqrt(2 * EMBED_DIM))
    b_gv = jnp.zeros((EMBED_DIM,), dtype=jnp.float32)
    # encoder linear1: 2*embed_dim -> embed_dim
    W1 = jax.random.normal(ks[6], (2 * EMBED_DIM, EMBED_DIM), dtype=jnp.float32) * (1.0 / np.sqrt(2 * EMBED_DIM))
    b1 = jnp.zeros((EMBED_DIM,), dtype=jnp.float32)
    return {
        "nodes": nodes,
        "history_uv": history_uv,
        "history_r": history_r,
        "feat_table": feat_table,
        "r_table": r_table,
        "W_gv": W_gv,
        "b_gv": b_gv,
        "W1": W1,
        "b1": b1,
    }


def reference(nodes, history_uv, history_r, feat_table, r_table, W_gv, b_gv, W1, b1):
    # aggregator.forward(nodes, history_uv, history_r):
    #   gather neighbor (item/user) embeddings and rating embeddings,
    #   fuse with g_v MLP, mean-pool over the history dimension.
    e_uv = jnp.take(feat_table, history_uv, axis=0)      # [B, L, D] gather
    e_r = jnp.take(r_table, history_r, axis=0)           # [B, L, D] gather
    x = jnp.concatenate([e_uv, e_r], axis=-1)            # [B, L, 2D]
    x = jax.nn.relu(jnp.dot(x, W_gv) + b_gv)             # [B, L, D]
    neigh_feats = jnp.mean(x, axis=1)                    # [B, D]
    # self_feats = self.features.weight[nodes]
    self_feats = jnp.take(feat_table, nodes, axis=0)     # [B, D] gather
    combined = jnp.concatenate([self_feats, neigh_feats], axis=1)  # [B, 2D]
    combined = jax.nn.relu(jnp.dot(combined, W1) + b1)   # [B, D]
    return combined

if __name__ == "__main__":
    import jax
    _d = setup_inputs()
    print(jax.jit(kernel)(*tuple(_d.values())))

</pallas_src>

<mosaic_0001>
#map = affine_map<(d0, d1) -> (0, 0)>
#map1 = affine_map<(d0, d1) -> (0, 0, 0)>
module attributes {stable_mosaic.version = 14 : i64} {
  func.func @_sc_gather_body(%arg0: i32, %arg1: i32, %arg2: memref<100000x128xf32, #tpu.memory_space<hbm>>, %arg3: memref<100000x128xf32, #tpu.memory_space<hbm>>, %arg4: memref<32x32x128xi32, #tpu.memory_space<hbm>>, %arg5: memref<32x128xi32, #tpu.memory_space<hbm>>, %arg6: memref<131072x128xf32, #tpu.memory_space<hbm>>, %arg7: memref<4096x128xf32, #tpu.memory_space<hbm>>, %arg8: memref<32x128xi32, #tpu.memory_space<vmem>>, %arg9: memref<256x128xf32, #tpu.memory_space<vmem>>, %arg10: memref<256x128xf32, #tpu.memory_space<vmem>>, %arg11: memref<128x128xf32, #tpu.memory_space<vmem>>, %arg12: memref<1x128xi32, #tpu.memory_space<vmem>>, %arg13: memref<!tpu.dma_semaphore, #tpu.memory_space<semaphore_mem>>) attributes {dimension_semantics = [#tpu.dimension_semantics<core_parallel>, #tpu.dimension_semantics<subcore_parallel>], iteration_bounds = array<i64: 2, 16>, scalar_prefetch = 0 : i64, scratch_operands = 6 : i64, tpu.core_type = #tpu.core_type<sc_vector_subcore>, window_params = [{transform_indices = #map}, {transform_indices = #map}, {transform_indices = #map1}, {transform_indices = #map}, {transform_indices = #map}, {transform_indices = #map}]} {
    %mul3A = arith.constant 2 : i32
    %mul3A_0 = arith.muli %arg1, %mul3A : i32
    %add3A = arith.addi %mul3A_0, %arg0 : i32
    "tpu.region"() ({
      %run_scoped3A = tpu.sem_alloc : memref<!tpu.dma_semaphore, #tpu.memory_space<semaphore_mem>>
      %dma_start3A_43 = arith.constant 0 : i32
      %dma_start3A_44 = arith.constant 0 : i32
      %dma_start3A_45 = tpu.memref_slice %arg4[%add3A, %dma_start3A_43, %dma_start3A_44] : memref<32x32x128xi32, #tpu.memory_space<hbm>> -> memref<1x32x128xi32, #tpu.memory_space<hbm>>
      %dma_start3A_46 = tpu.memref_squeeze %dma_start3A_45 : memref<1x32x128xi32, #tpu.memory_space<hbm>> -> memref<32x128xi32, #tpu.memory_space<hbm>>
      %dma_start3A_47 = arith.constant 0 : i32
      %dma_start3A_48 = arith.constant 0 : i32
      %dma_start3A_49 = tpu.memref_slice %arg4[%add3A, %dma_start3A_47, %dma_start3A_48] : memref<32x32x128xi32, #tpu.memory_space<hbm>> -> memref<1x32x128xi32, #tpu.memory_space<hbm>>
      %dma_start3A_50 = tpu.memref_squeeze %dma_start3A_49 : memref<1x32x128xi32, #tpu.memory_space<hbm>> -> memref<32x128xi32, #tpu.memory_space<hbm>>
      tpu.enqueue_dma source(%dma_start3A_50 : memref<32x128xi32, #tpu.memory_space<hbm>>) target(%arg8 : memref<32x128xi32, #tpu.memory_space<vmem>>) target_semaphore(%run_scoped3A : memref<!tpu.dma_semaphore, #tpu.memory_space<semaphore_mem>>)
      %dma_wait3A_51 = arith.constant 0 : i32
      %dma_wait3A_52 = arith.constant 0 : i32
      %dma_wait3A_53 = tpu.memref_slice %arg4[%add3A, %dma_wait3A_51, %dma_wait3A_52] : memref<32x32x128xi32, #tpu.memory_space<hbm>> -> memref<1x32x128xi32, #tpu.memory_space<hbm>>
      %dma_wait3A_54 = tpu.memref_squeeze %dma_wait3A_53 : memref<1x32x128xi32, #tpu.memory_space<hbm>> -> memref<32x128xi32, #tpu.memory_space<hbm>>
      %dma_wait3A_55 = arith.constant 0 : i32
      %dma_wait3A_56 = arith.constant 0 : i32
      %dma_wait3A_57 = tpu.memref_slice %arg4[%add3A, %dma_wait3A_55, %dma_wait3A_56] : memref<32x32x128xi32, #tpu.memory_space<hbm>> -> memref<1x32x128xi32, #tpu.memory_space<hbm>>
      %dma_wait3A_58 = tpu.memref_squeeze %dma_wait3A_57 : memref<1x32x128xi32, #tpu.memory_space<hbm>> -> memref<32x128xi32, #tpu.memory_space<hbm>>
      tpu.wait_dma2 semaphore(%run_scoped3A : memref<!tpu.dma_semaphore, #tpu.memory_space<semaphore_mem>>) src(%dma_wait3A_58 : memref<32x128xi32, #tpu.memory_space<hbm>>) dst(%arg8 : memref<32x128xi32, #tpu.memory_space<vmem>>)
      tpu.yield
    }) : () -> ()
    %dma_start3A = arith.constant 0 : i32
    %dma_start3A_1 = arith.constant 0 : i32
    %dma_start3A_2 = arith.constant 0 : i32
    %dma_start3A_3 = tpu.memref_slice %arg9[%dma_start3A_1, %dma_start3A_2] : memref<256x128xf32, #tpu.memory_space<vmem>> -> memref<128x128xf32, #tpu.memory_space<vmem>>
    %dma_start3A_4 = arith.constant 0 : i32
    %dma_start3A_5 = tpu.memref_slice %arg8[%dma_start3A, %dma_start3A_4] : memref<32x128xi32, #tpu.memory_space<vmem>> -> memref<1x128xi32, #tpu.memory_space<vmem>>
    %dma_start3A_6 = tpu.memref_squeeze %dma_start3A_5 : memref<1x128xi32, #tpu.memory_space<vmem>> -> memref<128xi32, #tpu.memory_space<vmem>>
    %dma_start3A_7 = arith.constant 0 : i32
    %dma_start3A_8 = arith.constant 0 : i32
    %dma_start3A_9 = tpu.memref_slice %arg2[%dma_start3A_7, %dma_start3A_8] : memref<100000x128xf32, #tpu.memory_space<hbm>> -> memref<100000x128xf32, #tpu.memory_space<hbm>>
    tpu.enqueue_indirect_dma source(%dma_start3A_9 : memref<100000x128xf32, #tpu.memory_space<hbm>>) target(%dma_start3A_3 : memref<128x128xf32, #tpu.memory_space<vmem>>) offsets(%dma_start3A_6 : memref<128xi32, #tpu.memory_space<vmem>>) semaphore(%arg13 : memref<!tpu.dma_semaphore, #tpu.memory_space<semaphore_mem>>)
    %dma_start3A_10 = arith.constant 1 : i32
    %dma_start3A_11 = arith.constant 128 : i32
    %dma_start3A_12 = arith.constant 0 : i32
    %dma_start3A_13 = tpu.memref_slice %arg9[%dma_start3A_11, %dma_start3A_12] : memref<256x128xf32, #tpu.memory_space<vmem>> -> memref<128x128xf32, #tpu.memory_space<vmem>>
    %dma_start3A_14 = arith.constant 0 : i32
    %dma_start3A_15 = tpu.memref_slice %arg8[%dma_start3A_10, %dma_start3A_14] : memref<32x128xi32, #tpu.memory_space<vmem>> -> memref<1x128xi32, #tpu.memory_space<vmem>>
    %dma_start3A_16 = tpu.memref_squeeze %dma_start3A_15 : memref<1x128xi32, #tpu.memory_space<vmem>> -> memref<128xi32, #tpu.memory_space<vmem>>
    %dma_start3A_17 = arith.constant 0 : i32
    %dma_start3A_18 = arith.constant 0 : i32
    %dma_start3A_19 = tpu.memref_slice %arg2[%dma_start3A_17, %dma_start3A_18] : memref<100000x128xf32, #tpu.memory_space<hbm>> -> memref<100000x128xf32, #tpu.memory_space<hbm>>
    tpu.enqueue_indirect_dma source(%dma_start3A_19 : memref<100000x128xf32, #tpu.memory_space<hbm>>) target(%dma_start3A_13 : memref<128x128xf32, #tpu.memory_space<vmem>>) offsets(%dma_start3A_16 : memref<128xi32, #tpu.memory_space<vmem>>) semaphore(%arg13 : memref<!tpu.dma_semaphore, #tpu.memory_space<semaphore_mem>>)
    %scan3A = arith.constant 0 : i32
    %scan3A_20 = arith.constant 0 : i32
    %scan3A_21 = arith.constant 8 : i32
    %scan3A_22 = arith.addi %scan3A_20, %scan3A_21 : i32
    %scan3A_23 = arith.constant 1 : i32
    scf.for %scan3A_43 = %scan3A_20 to %scan3A_22 step %scan3A_23  : i32 {
      %mul3A_44 = arith.constant 2 : i32
      %mul3A_45 = arith.muli %scan3A_43, %mul3A_44 : i32
      %add3A_46 = arith.constant 1 : i32
      %add3A_47 = arith.addi %mul3A_45, %add3A_46 : i32
      %mul3A_48 = arith.constant 2 : i32
      %mul3A_49 = arith.muli %add3A_47, %mul3A_48 : i32
      %add3A_50 = arith.constant 0 : i32
      %add3A_51 = arith.addi %mul3A_49, %add3A_50 : i32
      %dma_start3A_52 = arith.constant 0 : i32
      %dma_start3A_53 = arith.constant 0 : i32
      %dma_start3A_54 = tpu.memref_slice %arg10[%dma_start3A_52, %dma_start3A_53] : memref<256x128xf32, #tpu.memory_space<vmem>> -> memref<128x128xf32, #tpu.memory_space<vmem>>
      %dma_start3A_55 = arith.constant 0 : i32
      %dma_start3A_56 = tpu.memref_slice %arg8[%add3A_51, %dma_start3A_55] : memref<32x128xi32, #tpu.memory_space<vmem>> -> memref<1x128xi32, #tpu.memory_space<vmem>>
      %dma_start3A_57 = tpu.memref_squeeze %dma_start3A_56 : memref<1x128xi32, #tpu.memory_space<vmem>> -> memref<128xi32, #tpu.memory_space<vmem>>
      %dma_start3A_58 = arith.constant 0 : i32
      %dma_start3A_59 = arith.constant 0 : i32
      %dma_start3A_60 = tpu.memref_slice %arg2[%dma_start3A_58, %dma_start3A_59] : memref<100000x128xf32, #tpu.memory_space<hbm>> -> memref<100000x128xf32, #tpu.memory_space<hbm>>
      tpu.enqueue_indirect_dma source(%dma_start3A_60 : memref<100000x128xf32, #tpu.memory_space<hbm>>) target(%dma_start3A_54 : memref<128x128xf32, #tpu.memory_space<vmem>>) offsets(%dma_start3A_57 : memref<128xi32, #tpu.memory_space<vmem>>) semaphore(%arg13 : memref<!tpu.dma_semaphore, #tpu.memory_space<semaphore_mem>>)
      %mul3A_61 = arith.constant 2 : i32
      %mul3A_62 = arith.muli %add3A_47, %mul3A_61 : i32
      %add3A_63 = arith.constant 1 : i32
      %add3A_64 = arith.addi %mul3A_62, %add3A_63 : i32
      %dma_start3A_65 = arith.constant 128 : i32
      %dma_start3A_66 = arith.constant 0 : i32
      %dma_start3A_67 = tpu.memref_slice %arg10[%dma_start3A_65, %dma_start3A_66] : memref<256x128xf32, #tpu.memory_space<vmem>> -> memref<128x128xf32, #tpu.memory_space<vmem>>
      %dma_start3A_68 = arith.constant 0 : i32
      %dma_start3A_69 = tpu.memref_slice %arg8[%add3A_64, %dma_start3A_68] : memref<32x128xi32, #tpu.memory_space<vmem>> -> memref<1x128xi32, #tpu.memory_space<vmem>>
      %dma_start3A_70 = tpu.memref_squeeze %dma_start3A_69 : memref<1x128xi32, #tpu.memory_space<vmem>> -> memref<128xi32, #tpu.memory_space<vmem>>
      %dma_start3A_71 = arith.constant 0 : i32
      %dma_start3A_72 = arith.constant 0 : i32
      %dma_start3A_73 = tpu.memref_slice %arg2[%dma_start3A_71, %dma_start3A_72] : memref<100000x128xf32, #tpu.memory_space<hbm>> -> memref<100000x128xf32, #tpu.memory_space<hbm>>
      tpu.enqueue_indirect_dma source(%dma_start3A_73 : memref<100000x128xf32, #tpu.memory_space<hbm>>) target(%dma_start3A_67 : memref<128x128xf32, #tpu.memory_space<vmem>>) offsets(%dma_start3A_70 : memref<128xi32, #tpu.memory_space<vmem>>) semaphore(%arg13 : memref<!tpu.dma_semaphore, #tpu.memory_space<semaphore_mem>>)
      %dma_wait3A_74 = arith.constant 0 : i32
      %dma_wait3A_75 = arith.constant 0 : i32
      %dma_wait3A_76 = tpu.memref_slice %arg2[%dma_wait3A_74, %dma_wait3A_75] : memref<100000x128xf32, #tpu.memory_space<hbm>> -> memref<256x128xf32, #tpu.memory_space<hbm>>
      %dma_wait3A_77 = arith.constant 0 : i32
      %dma_wait3A_78 = arith.constant 0 : i32
      %dma_wait3A_79 = tpu.memref_slice %arg2[%dma_wait3A_77, %dma_wait3A_78] : memref<100000x128xf32, #tpu.memory_space<hbm>> -> memref<256x128xf32, #tpu.memory_space<hbm>>
      tpu.wait_dma2 semaphore(%arg13 : memref<!tpu.dma_semaphore, #tpu.memory_space<semaphore_mem>>) src(%dma_wait3A_79 : memref<256x128xf32, #tpu.memory_space<hbm>>) dst(%arg9 : memref<256x128xf32, #tpu.memory_space<vmem>>)
      %mul3A_80 = arith.constant 32 : i32
      %mul3A_81 = arith.muli %add3A, %mul3A_80 : i32
      %mul3A_82 = arith.constant 128 : i32
      %mul3A_83 = arith.muli %mul3A_81, %mul3A_82 : i32
      %mul3A_84 = arith.constant 256 : i32
      %mul3A_85 = arith.muli %mul3A_45, %mul3A_84 : i32
      %add3A_86 = arith.addi %mul3A_83, %mul3A_85 : i32
      "tpu.region"() ({
        %run_scoped3A = tpu.sem_alloc : memref<!tpu.dma_semaphore, #tpu.memory_space<semaphore_mem>>
        %dma_start3A_104 = arith.constant 0 : i32
        %dma_start3A_105 = tpu.memref_slice %arg6[%add3A_86, %dma_start3A_104] : memref<131072x128xf32, #tpu.memory_space<hbm>> -> memref<256x128xf32, #tpu.memory_space<hbm>>
        %dma_start3A_106 = arith.constant 0 : i32
        %dma_start3A_107 = tpu.memref_slice %arg6[%add3A_86, %dma_start3A_106] : memref<131072x128xf32, #tpu.memory_space<hbm>> -> memref<256x128xf32, #tpu.memory_space<hbm>>
        tpu.enqueue_dma source(%arg9 : memref<256x128xf32, #tpu.memory_space<vmem>>) target(%dma_start3A_107 : memref<256x128xf32, #tpu.memory_space<hbm>>) target_semaphore(%run_scoped3A : memref<!tpu.dma_semaphore, #tpu.memory_space<semaphore_mem>>)
        %dma_wait3A_108 = arith.constant 0 : i32
        %dma_wait3A_109 = tpu.memref_slice %arg6[%add3A_86, %dma_wait3A_108] : memref<131072x128xf32, #tpu.memory_space<hbm>> -> memref<256x128xf32, #tpu.memory_space<hbm>>
        %dma_wait3A_110 = arith.constant 0 : i32
        %dma_wait3A_111 = tpu.memref_slice %arg6[%add3A_86, %dma_wait3A_110] : memref<131072x128xf32, #tpu.memory_space<hbm>> -> memref<256x128xf32, #tpu.memory_space<hbm>>
        tpu.wait_dma2 semaphore(%run_scoped3A : memref<!tpu.dma_semaphore, #tpu.memory_space<semaphore_mem>>) src(%arg9 : memref<256x128xf32, #tpu.memory_space<vmem>>) dst(%dma_wait3A_111 : memref<256x128xf32, #tpu.memory_space<hbm>>)
        tpu.yield
      }) : () -> ()
      %lt3A = arith.constant 7 : i32
      %lt3A_87 = arith.cmpi slt, %scan3A_43, %lt3A : i32
      %convert_element_type3A = arith.extui %lt3A_87 : i1 to i32
      %cond3A = arith.constant 0 : i32
      %cond3A_88 = arith.cmpi ne, %convert_element_type3A, %cond3A : i32
      scf.if %cond3A_88 {
        %add3A_104 = arith.constant 2 : i32
        %add3A_105 = arith.addi %mul3A_45, %add3A_104 : i32
        %mul3A_106 = arith.constant 2 : i32
        %mul3A_107 = arith.muli %add3A_105, %mul3A_106 : i32
        %add3A_108 = arith.constant 0 : i32
        %add3A_109 = arith.addi %mul3A_107, %add3A_108 : i32
        %dma_start3A_110 = arith.constant 0 : i32
        %dma_start3A_111 = arith.constant 0 : i32
        %dma_start3A_112 = tpu.memref_slice %arg9[%dma_start3A_110, %dma_start3A_111] : memref<256x128xf32, #tpu.memory_space<vmem>> -> memref<128x128xf32, #tpu.memory_space<vmem>>
        %dma_start3A_113 = arith.constant 0 : i32
        %dma_start3A_114 = tpu.memref_slice %arg8[%add3A_109, %dma_start3A_113] : memref<32x128xi32, #tpu.memory_space<vmem>> -> memref<1x128xi32, #tpu.memory_space<vmem>>
        %dma_start3A_115 = tpu.memref_squeeze %dma_start3A_114 : memref<1x128xi32, #tpu.memory_space<vmem>> -> memref<128xi32, #tpu.memory_space<vmem>>
        %dma_start3A_116 = arith.constant 0 : i32
        %dma_start3A_117 = arith.constant 0 : i32
        %dma_start3A_118 = tpu.memref_slice %arg2[%dma_start3A_116, %dma_start3A_117] : memref<100000x128xf32, #tpu.memory_space<hbm>> -> memref<100000x128xf32, #tpu.memory_space<hbm>>
        tpu.enqueue_indirect_dma source(%dma_start3A_118 : memref<100000x128xf32, #tpu.memory_space<hbm>>) target(%dma_start3A_112 : memref<128x128xf32, #tpu.memory_space<vmem>>) offsets(%dma_start3A_115 : memref<128xi32, #tpu.memory_space<vmem>>) semaphore(%arg13 : memref<!tpu.dma_semaphore, #tpu.memory_space<semaphore_mem>>)
        %mul3A_119 = arith.constant 2 : i32
        %mul3A_120 = arith.muli %add3A_105, %mul3A_119 : i32
        %add3A_121 = arith.constant 1 : i32
        %add3A_122 = arith.addi %mul3A_120, %add3A_121 : i32
        %dma_start3A_123 = arith.constant 128 : i32
        %dma_start3A_124 = arith.constant 0 : i32
        %dma_start3A_125 = tpu.memref_slice %arg9[%dma_start3A_123, %dma_start3A_124] : memref<256x128xf32, #tpu.memory_space<vmem>> -> memref<128x128xf32, #tpu.memory_space<vmem>>
        %dma_start3A_126 = arith.constant 0 : i32
        %dma_start3A_127 = tpu.memref_slice %arg8[%add3A_122, %dma_start3A_126] : memref<32x128xi32, #tpu.memory_space<vmem>> -> memref<1x128xi32, #tpu.memory_space<vmem>>
        %dma_start3A_128 = tpu.memref_squeeze %dma_start3A_127 : memref<1x128xi32, #tpu.memory_space<vmem>> -> memref<128xi32, #tpu.memory_space<vmem>>
        %dma_start3A_129 = arith.constant 0 : i32
        %dma_start3A_130 = arith.constant 0 : i32
        %dma_start3A_131 = tpu.memref_slice %arg2[%dma_start3A_129, %dma_start3A_130] : memref<100000x128xf32, #tpu.memory_space<hbm>> -> memref<100000x128xf32, #tpu.memory_space<hbm>>
        tpu.enqueue_indirect_dma source(%dma_start3A_131 : memref<100000x128xf32, #tpu.memory_space<hbm>>) target(%dma_start3A_125 : memref<128x128xf32, #tpu.memory_space<vmem>>) offsets(%dma_start3A_128 : memref<128xi32, #tpu.memory_space<vmem>>) semaphore(%arg13 : memref<!tpu.dma_semaphore, #tpu.memory_space<semaphore_mem>>)
      } else {
      }
      %dma_wait3A_89 = arith.constant 0 : i32
      %dma_wait3A_90 = arith.constant 0 : i32
      %dma_wait3A_91 = tpu.memref_slice %arg2[%dma_wait3A_89, %dma_wait3A_90] : memref<100000x128xf32, #tpu.memory_space<hbm>> -> memref<256x128xf32, #tpu.memory_space<hbm>>
      %dma_wait3A_92 = arith.constant 0 : i32
      %dma_wait3A_93 = arith.constant 0 : i32
      %dma_wait3A_94 = tpu.memref_slice %arg2[%dma_wait3A_92, %dma_wait3A_93] : memref<100000x128xf32, #tpu.memory_space<hbm>> -> memref<256x128xf32, #tpu.memory_space<hbm>>
      tpu.wait_dma2 semaphore(%arg13 : memref<!tpu.dma_semaphore, #tpu.memory_space<semaphore_mem>>) src(%dma_wait3A_94 : memref<256x128xf32, #tpu.memory_space<hbm>>) dst(%arg10 : memref<256x128xf32, #tpu.memory_space<vmem>>)
      %add3A_95 = arith.constant 1 : i32
      %add3A_96 = arith.addi %mul3A_45, %add3A_95 : i32
      %mul3A_97 = arith.constant 32 : i32
      %mul3A_98 = arith.muli %add3A, %mul3A_97 : i32
      %mul3A_99 = arith.constant 128 : i32
      %mul3A_100 = arith.muli %mul3A_98, %mul3A_99 : i32
      %mul3A_101 = arith.constant 256 : i32
      %mul3A_102 = arith.muli %add3A_96, %mul3A_101 : i32
      %add3A_103 = arith.addi %mul3A_100, %mul3A_102 : i32
      "tpu.region"() ({
        %run_scoped3A = tpu.sem_alloc : memref<!tpu.dma_semaphore, #tpu.memory_space<semaphore_mem>>
        %dma_start3A_104 = arith.constant 0 : i32
        %dma_start3A_105 = tpu.memref_slice %arg6[%add3A_103, %dma_start3A_104] : memref<131072x128xf32, #tpu.memory_space<hbm>> -> memref<256x128xf32, #tpu.memory_space<hbm>>
        %dma_start3A_106 = arith.constant 0 : i32
        %dma_start3A_107 = tpu.memref_slice %arg6[%add3A_103, %dma_start3A_106] : memref<131072x128xf32, #tpu.memory_space<hbm>> -> memref<256x128xf32, #tpu.memory_space<hbm>>
        tpu.enqueue_dma source(%arg10 : memref<256x128xf32, #tpu.memory_space<vmem>>) target(%dma_start3A_107 : memref<256x128xf32, #tpu.memory_space<hbm>>) target_semaphore(%run_scoped3A : memref<!tpu.dma_semaphore, #tpu.memory_space<semaphore_mem>>)
        %dma_wait3A_108 = arith.constant 0 : i32
        %dma_wait3A_109 = tpu.memref_slice %arg6[%add3A_103, %dma_wait3A_108] : memref<131072x128xf32, #tpu.memory_space<hbm>> -> memref<256x128xf32, #tpu.memory_space<hbm>>
        %dma_wait3A_110 = arith.constant 0 : i32
        %dma_wait3A_111 = tpu.memref_slice %arg6[%add3A_103, %dma_wait3A_110] : memref<131072x128xf32, #tpu.memory_space<hbm>> -> memref<256x128xf32, #tpu.memory_space<hbm>>
        tpu.wait_dma2 semaphore(%run_scoped3A : memref<!tpu.dma_semaphore, #tpu.memory_space<semaphore_mem>>) src(%arg10 : memref<256x128xf32, #tpu.memory_space<vmem>>) dst(%dma_wait3A_111 : memref<256x128xf32, #tpu.memory_space<hbm>>)
        tpu.yield
      }) : () -> ()
    }
    %scan3A_24 = arith.constant 8 : i32
    %mul3A_25 = arith.constant 1 : i32
    %mul3A_26 = arith.muli %add3A, %mul3A_25 : i32
    "tpu.region"() ({
      %run_scoped3A = tpu.sem_alloc : memref<!tpu.dma_semaphore, #tpu.memory_space<semaphore_mem>>
      %dma_start3A_43 = arith.constant 0 : i32
      %dma_start3A_44 = tpu.memref_slice %arg5[%mul3A_26, %dma_start3A_43] : memref<32x128xi32, #tpu.memory_space<hbm>> -> memref<1x128xi32, #tpu.memory_space<hbm>>
      %dma_start3A_45 = arith.constant 0 : i32
      %dma_start3A_46 = tpu.memref_slice %arg5[%mul3A_26, %dma_start3A_45] : memref<32x128xi32, #tpu.memory_space<hbm>> -> memref<1x128xi32, #tpu.memory_space<hbm>>
      tpu.enqueue_dma source(%dma_start3A_46 : memref<1x128xi32, #tpu.memory_space<hbm>>) target(%arg12 : memref<1x128xi32, #tpu.memory_space<vmem>>) target_semaphore(%run_scoped3A : memref<!tpu.dma_semaphore, #tpu.memory_space<semaphore_mem>>)
      %dma_wait3A_47 = arith.constant 0 : i32
      %dma_wait3A_48 = tpu.memref_slice %arg5[%mul3A_26, %dma_wait3A_47] : memref<32x128xi32, #tpu.memory_space<hbm>> -> memref<1x128xi32, #tpu.memory_space<hbm>>
      %dma_wait3A_49 = arith.constant 0 : i32
      %dma_wait3A_50 = tpu.memref_slice %arg5[%mul3A_26, %dma_wait3A_49] : memref<32x128xi32, #tpu.memory_space<hbm>> -> memref<1x128xi32, #tpu.memory_space<hbm>>
      tpu.wait_dma2 semaphore(%run_scoped3A : memref<!tpu.dma_semaphore, #tpu.memory_space<semaphore_mem>>) src(%dma_wait3A_50 : memref<1x128xi32, #tpu.memory_space<hbm>>) dst(%arg12 : memref<1x128xi32, #tpu.memory_space<vmem>>)
      tpu.yield
    }) : () -> ()
    %dma_start3A_27 = arith.constant 0 : i32
    %dma_start3A_28 = arith.constant 0 : i32
    %dma_start3A_29 = tpu.memref_slice %arg12[%dma_start3A_27, %dma_start3A_28] : memref<1x128xi32, #tpu.memory_space<vmem>> -> memref<1x128xi32, #tpu.memory_space<vmem>>
    %dma_start3A_30 = tpu.memref_squeeze %dma_start3A_29 : memref<1x128xi32, #tpu.memory_space<vmem>> -> memref<128xi32, #tpu.memory_space<vmem>>
    %dma_start3A_31 = arith.constant 0 : i32
    %dma_start3A_32 = arith.constant 0 : i32
    %dma_start3A_33 = tpu.memref_slice %arg3[%dma_start3A_31, %dma_start3A_32] : memref<100000x128xf32, #tpu.memory_space<hbm>> -> memref<100000x128xf32, #tpu.memory_space<hbm>>
    tpu.enqueue_indirect_dma source(%dma_start3A_33 : memref<100000x128xf32, #tpu.memory_space<hbm>>) target(%arg11 : memref<128x128xf32, #tpu.memory_space<vmem>>) offsets(%dma_start3A_30 : memref<128xi32, #tpu.memory_space<vmem>>) semaphore(%arg13 : memref<!tpu.dma_semaphore, #tpu.memory_space<semaphore_mem>>)
    %dma_wait3A = arith.constant 0 : i32
    %dma_wait3A_34 = arith.constant 0 : i32
    %dma_wait3A_35 = tpu.memref_slice %arg3[%dma_wait3A, %dma_wait3A_34] : memref<100000x128xf32, #tpu.memory_space<hbm>> -> memref<128x128xf32, #tpu.memory_space<hbm>>
    %dma_wait3A_36 = arith.constant 0 : i32
    %dma_wait3A_37 = arith.constant 0 : i32
    %dma_wait3A_38 = tpu.memref_slice %arg3[%dma_wait3A_36, %dma_wait3A_37] : memref<100000x128xf32, #tpu.memory_space<hbm>> -> memref<128x128xf32, #tpu.memory_space<hbm>>
    tpu.wait_dma2 semaphore(%arg13 : memref<!tpu.dma_semaphore, #tpu.memory_space<semaphore_mem>>) src(%dma_wait3A_38 : memref<128x128xf32, #tpu.memory_space<hbm>>) dst(%arg11 : memref<128x128xf32, #tpu.memory_space<vmem>>)
    %mul3A_39 = arith.constant 128 : i32
    %mul3A_40 = arith.muli %add3A, %mul3A_39 : i32
    %add3A_41 = arith.constant 0 : i32
    %add3A_42 = arith.addi %mul3A_40, %add3A_41 : i32
    "tpu.region"() ({
      %run_scoped3A = tpu.sem_alloc : memref<!tpu.dma_semaphore, #tpu.memory_space<semaphore_mem>>
      %dma_start3A_43 = arith.constant 0 : i32
      %dma_start3A_44 = tpu.memref_slice %arg7[%add3A_42, %dma_start3A_43] : memref<4096x128xf32, #tpu.memory_space<hbm>> -> memref<128x128xf32, #tpu.memory_space<hbm>>
      %dma_start3A_45 = arith.constant 0 : i32
      %dma_start3A_46 = tpu.memref_slice %arg7[%add3A_42, %dma_start3A_45] : memref<4096x128xf32, #tpu.memory_space<hbm>> -> memref<128x128xf32, #tpu.memory_space<hbm>>
      tpu.enqueue_dma source(%arg11 : memref<128x128xf32, #tpu.memory_space<vmem>>) target(%dma_start3A_46 : memref<128x128xf32, #tpu.memory_space<hbm>>) target_semaphore(%run_scoped3A : memref<!tpu.dma_semaphore, #tpu.memory_space<semaphore_mem>>)
      %dma_wait3A_47 = arith.constant 0 : i32
      %dma_wait3A_48 = tpu.memref_slice %arg7[%add3A_42, %dma_wait3A_47] : memref<4096x128xf32, #tpu.memory_space<hbm>> -> memref<128x128xf32, #tpu.memory_space<hbm>>
      %dma_wait3A_49 = arith.constant 0 : i32
      %dma_wait3A_50 = tpu.memref_slice %arg7[%add3A_42, %dma_wait3A_49] : memref<4096x128xf32, #tpu.memory_space<hbm>> -> memref<128x128xf32, #tpu.memory_space<hbm>>
      tpu.wait_dma2 semaphore(%run_scoped3A : memref<!tpu.dma_semaphore, #tpu.memory_space<semaphore_mem>>) src(%arg11 : memref<128x128xf32, #tpu.memory_space<vmem>>) dst(%dma_wait3A_50 : memref<128x128xf32, #tpu.memory_space<hbm>>)
      tpu.yield
    }) : () -> ()
    return
  }
}

#map = affine_map<(d0, d1) -> (0, 0)>
#map1 = affine_map<(d0, d1) -> (0, 0, 0)>
module attributes {stable_mosaic.version = 14 : i64} {
  func.func @_sc_gather_body(%arg0: i32, %arg1: i32, %arg2: memref<100000x128xf32, #tpu.memory_space<hbm>>, %arg3: memref<100000x128xf32, #tpu.memory_space<hbm>>, %arg4: memref<32x32x128xi32, #tpu.memory_space<hbm>>, %arg5: memref<32x128xi32, #tpu.memory_space<hbm>>, %arg6: memref<131072x128xf32, #tpu.memory_space<hbm>>, %arg7: memref<4096x128xf32, #tpu.memory_space<hbm>>, %arg8: memref<32x128xi32, #tpu.memory_space<vmem>>, %arg9: memref<256x128xf32, #tpu.memory_space<vmem>>, %arg10: memref<256x128xf32, #tpu.memory_space<vmem>>, %arg11: memref<128x128xf32, #tpu.memory_space<vmem>>, %arg12: memref<1x128xi32, #tpu.memory_space<vmem>>, %arg13: memref<!tpu.dma_semaphore, #tpu.memory_space<semaphore_mem>>) attributes {dimension_semantics = [#tpu.dimension_semantics<core_parallel>, #tpu.dimension_semantics<subcore_parallel>], iteration_bounds = array<i64: 2, 16>, scalar_prefetch = 0 : i64, scratch_operands = 6 : i64, tpu.core_type = #tpu.core_type<sc_vector_subcore>, window_params = [{transform_indices = #map}, {transform_indices = #map}, {transform_indices = #map1}, {transform_indices = #map}, {transform_indices = #map}, {transform_indices = #map}]} {
    %mul3A = arith.constant 2 : i32
    %mul3A_0 = arith.muli %arg1, %mul3A : i32
    %add3A = arith.addi %mul3A_0, %arg0 : i32
    "tpu.region"() ({
      %run_scoped3A = tpu.sem_alloc : memref<!tpu.dma_semaphore, #tpu.memory_space<semaphore_mem>>
      %dma_start3A_43 = arith.constant 0 : i32
      %dma_start3A_44 = arith.constant 0 : i32
      %dma_start3A_45 = tpu.memref_slice %arg4[%add3A, %dma_start3A_43, %dma_start3A_44] : memref<32x32x128xi32, #tpu.memory_space<hbm>> -> memref<1x32x128xi32, #tpu.memory_space<hbm>>
      %dma_start3A_46 = tpu.memref_squeeze %dma_start3A_45 : memref<1x32x128xi32, #tpu.memory_space<hbm>> -> memref<32x128xi32, #tpu.memory_space<hbm>>
      %dma_start3A_47 = arith.constant 0 : i32
      %dma_start3A_48 = arith.constant 0 : i32
      %dma_start3A_49 = tpu.memref_slice %arg4[%add3A, %dma_start3A_47, %dma_start3A_48] : memref<32x32x128xi32, #tpu.memory_space<hbm>> -> memref<1x32x128xi32, #tpu.memory_space<hbm>>
      %dma_start3A_50 = tpu.memref_squeeze %dma_start3A_49 : memref<1x32x128xi32, #tpu.memory_space<hbm>> -> memref<32x128xi32, #tpu.memory_space<hbm>>
      tpu.enqueue_dma source(%dma_start3A_50 : memref<32x128xi32, #tpu.memory_space<hbm>>) target(%arg8 : memref<32x128xi32, #tpu.memory_space<vmem>>) target_semaphore(%run_scoped3A : memref<!tpu.dma_semaphore, #tpu.memory_space<semaphore_mem>>)
      %dma_wait3A_51 = arith.constant 0 : i32
      %dma_wait3A_52 = arith.constant 0 : i32
      %dma_wait3A_53 = tpu.memref_slice %arg4[%add3A, %dma_wait3A_51, %dma_wait3A_52] : memref<32x32x128xi32, #tpu.memory_space<hbm>> -> memref<1x32x128xi32, #tpu.memory_space<hbm>>
      %dma_wait3A_54 = tpu.memref_squeeze %dma_wait3A_53 : memref<1x32x128xi32, #tpu.memory_space<hbm>> -> memref<32x128xi32, #tpu.memory_space<hbm>>
      %dma_wait3A_55 = arith.constant 0 : i32
      %dma_wait3A_56 = arith.constant 0 : i32
      %dma_wait3A_57 = tpu.memref_slice %arg4[%add3A, %dma_wait3A_55, %dma_wait3A_56] : memref<32x32x128xi32, #tpu.memory_space<hbm>> -> memref<1x32x128xi32, #tpu.memory_space<hbm>>
      %dma_wait3A_58 = tpu.memref_squeeze %dma_wait3A_57 : memref<1x32x128xi32, #tpu.memory_space<hbm>> -> memref<32x128xi32, #tpu.memory_space<hbm>>
      tpu.wait_dma2 semaphore(%run_scoped3A : memref<!tpu.dma_semaphore, #tpu.memory_space<semaphore_mem>>) src(%dma_wait3A_58 : memref<32x128xi32, #tpu.memory_space<hbm>>) dst(%arg8 : memref<32x128xi32, #tpu.memory_space<vmem>>)
      tpu.yield
    }) : () -> ()
    %dma_start3A = arith.constant 0 : i32
    %dma_start3A_1 = arith.constant 0 : i32
    %dma_start3A_2 = arith.constant 0 : i32
    %dma_start3A_3 = tpu.memref_slice %arg9[%dma_start3A_1, %dma_start3A_2] : memref<256x128xf32, #tpu.memory_space<vmem>> -> memref<128x128xf32, #tpu.memory_space<vmem>>
    %dma_start3A_4 = arith.constant 0 : i32
    %dma_start3A_5 = tpu.memref_slice %arg8[%dma_start3A, %dma_start3A_4] : memref<32x128xi32, #tpu.memory_space<vmem>> -> memref<1x128xi32, #tpu.memory_space<vmem>>
    %dma_start3A_6 = tpu.memref_squeeze %dma_start3A_5 : memref<1x128xi32, #tpu.memory_space<vmem>> -> memref<128xi32, #tpu.memory_space<vmem>>
    %dma_start3A_7 = arith.constant 0 : i32
    %dma_start3A_8 = arith.constant 0 : i32
    %dma_start3A_9 = tpu.memref_slice %arg2[%dma_start3A_7, %dma_start3A_8] : memref<100000x128xf32, #tpu.memory_space<hbm>> -> memref<100000x128xf32, #tpu.memory_space<hbm>>
    tpu.enqueue_indirect_dma source(%dma_start3A_9 : memref<100000x128xf32, #tpu.memory_space<hbm>>) target(%dma_start3A_3 : memref<128x128xf32, #tpu.memory_space<vmem>>) offsets(%dma_start3A_6 : memref<128xi32, #tpu.memory_space<vmem>>) semaphore(%arg13 : memref<!tpu.dma_semaphore, #tpu.memory_space<semaphore_mem>>)
    %dma_start3A_10 = arith.constant 1 : i32
    %dma_start3A_11 = arith.constant 128 : i32
    %dma_start3A_12 = arith.constant 0 : i32
    %dma_start3A_13 = tpu.memref_slice %arg9[%dma_start3A_11, %dma_start3A_12] : memref<256x128xf32, #tpu.memory_space<vmem>> -> memref<128x128xf32, #tpu.memory_space<vmem>>
    %dma_start3A_14 = arith.constant 0 : i32
    %dma_start3A_15 = tpu.memref_slice %arg8[%dma_start3A_10, %dma_start3A_14] : memref<32x128xi32, #tpu.memory_space<vmem>> -> memref<1x128xi32, #tpu.memory_space<vmem>>
    %dma_start3A_16 = tpu.memref_squeeze %dma_start3A_15 : memref<1x128xi32, #tpu.memory_space<vmem>> -> memref<128xi32, #tpu.memory_space<vmem>>
    %dma_start3A_17 = arith.constant 0 : i32
    %dma_start3A_18 = arith.constant 0 : i32
    %dma_start3A_19 = tpu.memref_slice %arg2[%dma_start3A_17, %dma_start3A_18] : memref<100000x128xf32, #tpu.memory_space<hbm>> -> memref<100000x128xf32, #tpu.memory_space<hbm>>
    tpu.enqueue_indirect_dma source(%dma_start3A_19 : memref<100000x128xf32, #tpu.memory_space<hbm>>) target(%dma_start3A_13 : memref<128x128xf32, #tpu.memory_space<vmem>>) offsets(%dma_start3A_16 : memref<128xi32, #tpu.memory_space<vmem>>) semaphore(%arg13 : memref<!tpu.dma_semaphore, #tpu.memory_space<semaphore_mem>>)
    %scan3A = arith.constant 0 : i32
    %scan3A_20 = arith.constant 0 : i32
    %scan3A_21 = arith.constant 8 : i32
    %scan3A_22 = arith.addi %scan3A_20, %scan3A_21 : i32
    %scan3A_23 = arith.constant 1 : i32
    scf.for %scan3A_43 = %scan3A_20 to %scan3A_22 step %scan3A_23  : i32 {
      %mul3A_44 = arith.constant 2 : i32
      %mul3A_45 = arith.muli %scan3A_43, %mul3A_44 : i32
      %add3A_46 = arith.constant 1 : i32
      %add3A_47 = arith.addi %mul3A_45, %add3A_46 : i32
      %mul3A_48 = arith.constant 2 : i32
      %mul3A_49 = arith.muli %add3A_47, %mul3A_48 : i32
      %add3A_50 = arith.constant 0 : i32
      %add3A_51 = arith.addi %mul3A_49, %add3A_50 : i32
      %dma_start3A_52 = arith.constant 0 : i32
      %dma_start3A_53 = arith.constant 0 : i32
      %dma_start3A_54 = tpu.memref_slice %arg10[%dma_start3A_52, %dma_start3A_53] : memref<256x128xf32, #tpu.memory_space<vmem>> -> memref<128x128xf32, #tpu.memory_space<vmem>>
      %dma_start3A_55 = arith.constant 0 : i32
      %dma_start3A_56 = tpu.memref_slice %arg8[%add3A_51, %dma_start3A_55] : memref<32x128xi32, #tpu.memory_space<vmem>> -> memref<1x128xi32, #tpu.memory_space<vmem>>
      %dma_start3A_57 = tpu.memref_squeeze %dma_start3A_56 : memref<1x128xi32, #tpu.memory_space<vmem>> -> memref<128xi32, #tpu.memory_space<vmem>>
      %dma_start3A_58 = arith.constant 0 : i32
      %dma_start3A_59 = arith.constant 0 : i32
      %dma_start3A_60 = tpu.memref_slice %arg2[%dma_start3A_58, %dma_start3A_59] : memref<100000x128xf32, #tpu.memory_space<hbm>> -> memref<100000x128xf32, #tpu.memory_space<hbm>>
      tpu.enqueue_indirect_dma source(%dma_start3A_60 : memref<100000x128xf32, #tpu.memory_space<hbm>>) target(%dma_start3A_54 : memref<128x128xf32, #tpu.memory_space<vmem>>) offsets(%dma_start3A_57 : memref<128xi32, #tpu.memory_space<vmem>>) semaphore(%arg13 : memref<!tpu.dma_semaphore, #tpu.memory_space<semaphore_mem>>)
      %mul3A_61 = arith.constant 2 : i32
      %mul3A_62 = arith.muli %add3A_47, %mul3A_61 : i32
      %add3A_63 = arith.constant 1 : i32
      %add3A_64 = arith.addi %mul3A_62, %add3A_63 : i32
      %dma_start3A_65 = arith.constant 128 : i32
      %dma_start3A_66 = arith.constant 0 : i32
      %dma_start3A_67 = tpu.memref_slice %arg10[%dma_start3A_65, %dma_start3A_66] : memref<256x128xf32, #tpu.memory_space<vmem>> -> memref<128x128xf32, #tpu.memory_space<vmem>>
      %dma_start3A_68 = arith.constant 0 : i32
      %dma_start3A_69 = tpu.memref_slice %arg8[%add3A_64, %dma_start3A_68] : memref<32x128xi32, #tpu.memory_space<vmem>> -> memref<1x128xi32, #tpu.memory_space<vmem>>
      %dma_start3A_70 = tpu.memref_squeeze %dma_start3A_69 : memref<1x128xi32, #tpu.memory_space<vmem>> -> memref<128xi32, #tpu.memory_space<vmem>>
      %dma_start3A_71 = arith.constant 0 : i32
      %dma_start3A_72 = arith.constant 0 : i32
      %dma_start3A_73 = tpu.memref_slice %arg2[%dma_start3A_71, %dma_start3A_72] : memref<100000x128xf32, #tpu.memory_space<hbm>> -> memref<100000x128xf32, #tpu.memory_space<hbm>>
      tpu.enqueue_indirect_dma source(%dma_start3A_73 : memref<100000x128xf32, #tpu.memory_space<hbm>>) target(%dma_start3A_67 : memref<128x128xf32, #tpu.memory_space<vmem>>) offsets(%dma_start3A_70 : memref<128xi32, #tpu.memory_space<vmem>>) semaphore(%arg13 : memref<!tpu.dma_semaphore, #tpu.memory_space<semaphore_mem>>)
      %dma_wait3A_74 = arith.constant 0 : i32
      %dma_wait3A_75 = arith.constant 0 : i32
      %dma_wait3A_76 = tpu.memref_slice %arg2[%dma_wait3A_74, %dma_wait3A_75] : memref<100000x128xf32, #tpu.memory_space<hbm>> -> memref<256x128xf32, #tpu.memory_space<hbm>>
      %dma_wait3A_77 = arith.constant 0 : i32
      %dma_wait3A_78 = arith.constant 0 : i32
      %dma_wait3A_79 = tpu.memref_slice %arg2[%dma_wait3A_77, %dma_wait3A_78] : memref<100000x128xf32, #tpu.memory_space<hbm>> -> memref<256x128xf32, #tpu.memory_space<hbm>>
      tpu.wait_dma2 semaphore(%arg13 : memref<!tpu.dma_semaphore, #tpu.memory_space<semaphore_mem>>) src(%dma_wait3A_79 : memref<256x128xf32, #tpu.memory_space<hbm>>) dst(%arg9 : memref<256x128xf32, #tpu.memory_space<vmem>>)
      %mul3A_80 = arith.constant 32 : i32
      %mul3A_81 = arith.muli %add3A, %mul3A_80 : i32
      %mul3A_82 = arith.constant 128 : i32
      %mul3A_83 = arith.muli %mul3A_81, %mul3A_82 : i32
      %mul3A_84 = arith.constant 256 : i32
      %mul3A_85 = arith.muli %mul3A_45, %mul3A_84 : i32
      %add3A_86 = arith.addi %mul3A_83, %mul3A_85 : i32
      "tpu.region"() ({
        %run_scoped3A = tpu.sem_alloc : memref<!tpu.dma_semaphore, #tpu.memory_space<semaphore_mem>>
        %dma_start3A_104 = arith.constant 0 : i32
        %dma_start3A_105 = tpu.memref_slice %arg6[%add3A_86, %dma_start3A_104] : memref<131072x128xf32, #tpu.memory_space<hbm>> -> memref<256x128xf32, #tpu.memory_space<hbm>>
        %dma_start3A_106 = arith.constant 0 : i32
        %dma_start3A_107 = tpu.memref_slice %arg6[%add3A_86, %dma_start3A_106] : memref<131072x128xf32, #tpu.memory_space<hbm>> -> memref<256x128xf32, #tpu.memory_space<hbm>>
        tpu.enqueue_dma source(%arg9 : memref<256x128xf32, #tpu.memory_space<vmem>>) target(%dma_start3A_107 : memref<256x128xf32, #tpu.memory_space<hbm>>) target_semaphore(%run_scoped3A : memref<!tpu.dma_semaphore, #tpu.memory_space<semaphore_mem>>)
        %dma_wait3A_108 = arith.constant 0 : i32
        %dma_wait3A_109 = tpu.memref_slice %arg6[%add3A_86, %dma_wait3A_108] : memref<131072x128xf32, #tpu.memory_space<hbm>> -> memref<256x128xf32, #tpu.memory_space<hbm>>
        %dma_wait3A_110 = arith.constant 0 : i32
        %dma_wait3A_111 = tpu.memref_slice %arg6[%add3A_86, %dma_wait3A_110] : memref<131072x128xf32, #tpu.memory_space<hbm>> -> memref<256x128xf32, #tpu.memory_space<hbm>>
        tpu.wait_dma2 semaphore(%run_scoped3A : memref<!tpu.dma_semaphore, #tpu.memory_space<semaphore_mem>>) src(%arg9 : memref<256x128xf32, #tpu.memory_space<vmem>>) dst(%dma_wait3A_111 : memref<256x128xf32, #tpu.memory_space<hbm>>)
        tpu.yield
      }) : () -> ()
      %lt3A = arith.constant 7 : i32
      %lt3A_87 = arith.cmpi slt, %scan3A_43, %lt3A : i32
      %convert_element_type3A = arith.extui %lt3A_87 : i1 to i32
      %cond3A = arith.constant 0 : i32
      %cond3A_88 = arith.cmpi ne, %convert_element_type3A, %cond3A : i32
      scf.if %cond3A_88 {
        %add3A_104 = arith.constant 2 : i32
        %add3A_105 = arith.addi %mul3A_45, %add3A_104 : i32
        %mul3A_106 = arith.constant 2 : i32
        %mul3A_107 = arith.muli %add3A_105, %mul3A_106 : i32
        %add3A_108 = arith.constant 0 : i32
        %add3A_109 = arith.addi %mul3A_107, %add3A_108 : i32
        %dma_start3A_110 = arith.constant 0 : i32
        %dma_start3A_111 = arith.constant 0 : i32
        %dma_start3A_112 = tpu.memref_slice %arg9[%dma_start3A_110, %dma_start3A_111] : memref<256x128xf32, #tpu.memory_space<vmem>> -> memref<128x128xf32, #tpu.memory_space<vmem>>
        %dma_start3A_113 = arith.constant 0 : i32
        %dma_start3A_114 = tpu.memref_slice %arg8[%add3A_109, %dma_start3A_113] : memref<32x128xi32, #tpu.memory_space<vmem>> -> memref<1x128xi32, #tpu.memory_space<vmem>>
        %dma_start3A_115 = tpu.memref_squeeze %dma_start3A_114 : memref<1x128xi32, #tpu.memory_space<vmem>> -> memref<128xi32, #tpu.memory_space<vmem>>
        %dma_start3A_116 = arith.constant 0 : i32
        %dma_start3A_117 = arith.constant 0 : i32
        %dma_start3A_118 = tpu.memref_slice %arg2[%dma_start3A_116, %dma_start3A_117] : memref<100000x128xf32, #tpu.memory_space<hbm>> -> memref<100000x128xf32, #tpu.memory_space<hbm>>
        tpu.enqueue_indirect_dma source(%dma_start3A_118 : memref<100000x128xf32, #tpu.memory_space<hbm>>) target(%dma_start3A_112 : memref<128x128xf32, #tpu.memory_space<vmem>>) offsets(%dma_start3A_115 : memref<128xi32, #tpu.memory_space<vmem>>) semaphore(%arg13 : memref<!tpu.dma_semaphore, #tpu.memory_space<semaphore_mem>>)
        %mul3A_119 = arith.constant 2 : i32
        %mul3A_120 = arith.muli %add3A_105, %mul3A_119 : i32
        %add3A_121 = arith.constant 1 : i32
        %add3A_122 = arith.addi %mul3A_120, %add3A_121 : i32
        %dma_start3A_123 = arith.constant 128 : i32
        %dma_start3A_124 = arith.constant 0 : i32
        %dma_start3A_125 = tpu.memref_slice %arg9[%dma_start3A_123, %dma_start3A_124] : memref<256x128xf32, #tpu.memory_space<vmem>> -> memref<128x128xf32, #tpu.memory_space<vmem>>
        %dma_start3A_126 = arith.constant 0 : i32
        %dma_start3A_127 = tpu.memref_slice %arg8[%add3A_122, %dma_start3A_126] : memref<32x128xi32, #tpu.memory_space<vmem>> -> memref<1x128xi32, #tpu.memory_space<vmem>>
        %dma_start3A_128 = tpu.memref_squeeze %dma_start3A_127 : memref<1x128xi32, #tpu.memory_space<vmem>> -> memref<128xi32, #tpu.memory_space<vmem>>
        %dma_start3A_129 = arith.constant 0 : i32
        %dma_start3A_130 = arith.constant 0 : i32
        %dma_start3A_131 = tpu.memref_slice %arg2[%dma_start3A_129, %dma_start3A_130] : memref<100000x128xf32, #tpu.memory_space<hbm>> -> memref<100000x128xf32, #tpu.memory_space<hbm>>
        tpu.enqueue_indirect_dma source(%dma_start3A_131 : memref<100000x128xf32, #tpu.memory_space<hbm>>) target(%dma_start3A_125 : memref<128x128xf32, #tpu.memory_space<vmem>>) offsets(%dma_start3A_128 : memref<128xi32, #tpu.memory_space<vmem>>) semaphore(%arg13 : memref<!tpu.dma_semaphore, #tpu.memory_space<semaphore_mem>>)
      } else {
      }
      %dma_wait3A_89 = arith.constant 0 : i32
      %dma_wait3A_90 = arith.constant 0 : i32
      %dma_wait3A_91 = tpu.memref_slice %arg2[%dma_wait3A_89, %dma_wait3A_90] : memref<100000x128xf32, #tpu.memory_space<hbm>> -> memref<256x128xf32, #tpu.memory_space<hbm>>
      %dma_wait3A_92 = arith.constant 0 : i32
      %dma_wait3A_93 = arith.constant 0 : i32
      %dma_wait3A_94 = tpu.memref_slice %arg2[%dma_wait3A_92, %dma_wait3A_93] : memref<100000x128xf32, #tpu.memory_space<hbm>> -> memref<256x128xf32, #tpu.memory_space<hbm>>
      tpu.wait_dma2 semaphore(%arg13 : memref<!tpu.dma_semaphore, #tpu.memory_space<semaphore_mem>>) src(%dma_wait3A_94 : memref<256x128xf32, #tpu.memory_space<hbm>>) dst(%arg10 : memref<256x128xf32, #tpu.memory_space<vmem>>)
      %add3A_95 = arith.constant 1 : i32
      %add3A_96 = arith.addi %mul3A_45, %add3A_95 : i32
      %mul3A_97 = arith.constant 32 : i32
      %mul3A_98 = arith.muli %add3A, %mul3A_97 : i32
      %mul3A_99 = arith.constant 128 : i32
      %mul3A_100 = arith.muli %mul3A_98, %mul3A_99 : i32
      %mul3A_101 = arith.constant 256 : i32
      %mul3A_102 = arith.muli %add3A_96, %mul3A_101 : i32
      %add3A_103 = arith.addi %mul3A_100, %mul3A_102 : i32
      "tpu.region"() ({
        %run_scoped3A = tpu.sem_alloc : memref<!tpu.dma_semaphore, #tpu.memory_space<semaphore_mem>>
        %dma_start3A_104 = arith.constant 0 : i32
        %dma_start3A_105 = tpu.memref_slice %arg6[%add3A_103, %dma_start3A_104] : memref<131072x128xf32, #tpu.memory_space<hbm>> -> memref<256x128xf32, #tpu.memory_space<hbm>>
        %dma_start3A_106 = arith.constant 0 : i32
        %dma_start3A_107 = tpu.memref_slice %arg6[%add3A_103, %dma_start3A_106] : memref<131072x128xf32, #tpu.memory_space<hbm>> -> memref<256x128xf32, #tpu.memory_space<hbm>>
        tpu.enqueue_dma source(%arg10 : memref<256x128xf32, #tpu.memory_space<vmem>>) target(%dma_start3A_107 : memref<256x128xf32, #tpu.memory_space<hbm>>) target_semaphore(%run_scoped3A : memref<!tpu.dma_semaphore, #tpu.memory_space<semaphore_mem>>)
        %dma_wait3A_108 = arith.constant 0 : i32
        %dma_wait3A_109 = tpu.memref_slice %arg6[%add3A_103, %dma_wait3A_108] : memref<131072x128xf32, #tpu.memory_space<hbm>> -> memref<256x128xf32, #tpu.memory_space<hbm>>
        %dma_wait3A_110 = arith.constant 0 : i32
        %dma_wait3A_111 = tpu.memref_slice %arg6[%add3A_103, %dma_wait3A_110] : memref<131072x128xf32, #tpu.memory_space<hbm>> -> memref<256x128xf32, #tpu.memory_space<hbm>>
        tpu.wait_dma2 semaphore(%run_scoped3A : memref<!tpu.dma_semaphore, #tpu.memory_space<semaphore_mem>>) src(%arg10 : memref<256x128xf32, #tpu.memory_space<vmem>>) dst(%dma_wait3A_111 : memref<256x128xf32, #tpu.memory_space<hbm>>)
        tpu.yield
      }) : () -> ()
    }
    %scan3A_24 = arith.constant 8 : i32
    %mul3A_25 = arith.constant 1 : i32
    %mul3A_26 = arith.muli %add3A, %mul3A_25 : i32
    "tpu.region"() ({
      %run_scoped3A = tpu.sem_alloc : memref<!tpu.dma_semaphore, #tpu.memory_space<semaphore_mem>>
      %dma_start3A_43 = arith.constant 0 : i32
      %dma_start3A_44 = tpu.memref_slice %arg5[%mul3A_26, %dma_start3A_43] : memref<32x128xi32, #tpu.memory_space<hbm>> -> memref<1x128xi32, #tpu.memory_space<hbm>>
      %dma_start3A_45 = arith.constant 0 : i32
      %dma_start3A_46 = tpu.memref_slice %arg5[%mul3A_26, %dma_start3A_45] : memref<32x128xi32, #tpu.memory_space<hbm>> -> memref<1x128xi32, #tpu.memory_space<hbm>>
      tpu.enqueue_dma source(%dma_start3A_46 : memref<1x128xi32, #tpu.memory_space<hbm>>) target(%arg12 : memref<1x128xi32, #tpu.memory_space<vmem>>) target_semaphore(%run_scoped3A : memref<!tpu.dma_semaphore, #tpu.memory_space<semaphore_mem>>)
      %dma_wait3A_47 = arith.constant 0 : i32
      %dma_wait3A_48 = tpu.memref_slice %arg5[%mul3A_26, %dma_wait3A_47] : memref<32x128xi32, #tpu.memory_space<hbm>> -> memref<1x128xi32, #tpu.memory_space<hbm>>
      %dma_wait3A_49 = arith.constant 0 : i32
      %dma_wait3A_50 = tpu.memref_slice %arg5[%mul3A_26, %dma_wait3A_49] : memref<32x128xi32, #tpu.memory_space<hbm>> -> memref<1x128xi32, #tpu.memory_space<hbm>>
      tpu.wait_dma2 semaphore(%run_scoped3A : memref<!tpu.dma_semaphore, #tpu.memory_space<semaphore_mem>>) src(%dma_wait3A_50 : memref<1x128xi32, #tpu.memory_space<hbm>>) dst(%arg12 : memref<1x128xi32, #tpu.memory_space<vmem>>)
      tpu.yield
    }) : () -> ()
    %dma_start3A_27 = arith.constant 0 : i32
    %dma_start3A_28 = arith.constant 0 : i32
    %dma_start3A_29 = tpu.memref_slice %arg12[%dma_start3A_27, %dma_start3A_28] : memref<1x128xi32, #tpu.memory_space<vmem>> -> memref<1x128xi32, #tpu.memory_space<vmem>>
    %dma_start3A_30 = tpu.memref_squeeze %dma_start3A_29 : memref<1x128xi32, #tpu.memory_space<vmem>> -> memref<128xi32, #tpu.memory_space<vmem>>
    %dma_start3A_31 = arith.constant 0 : i32
    %dma_start3A_32 = arith.constant 0 : i32
    %dma_start3A_33 = tpu.memref_slice %arg3[%dma_start3A_31, %dma_start3A_32] : memref<100000x128xf32, #tpu.memory_space<hbm>> -> memref<100000x128xf32, #tpu.memory_space<hbm>>
    tpu.enqueue_indirect_dma source(%dma_start3A_33 : memref<100000x128xf32, #tpu.memory_space<hbm>>) target(%arg11 : memref<128x128xf32, #tpu.memory_space<vmem>>) offsets(%dma_start3A_30 : memref<128xi32, #tpu.memory_space<vmem>>) semaphore(%arg13 : memref<!tpu.dma_semaphore, #tpu.memory_space<semaphore_mem>>)
    %dma_wait3A = arith.constant 0 : i32
    %dma_wait3A_34 = arith.constant 0 : i32
    %dma_wait3A_35 = tpu.memref_slice %arg3[%dma_wait3A, %dma_wait3A_34] : memref<100000x128xf32, #tpu.memory_space<hbm>> -> memref<128x128xf32, #tpu.memory_space<hbm>>
    %dma_wait3A_36 = arith.constant 0 : i32
    %dma_wait3A_37 = arith.constant 0 : i32
    %dma_wait3A_38 = tpu.memref_slice %arg3[%dma_wait3A_36, %dma_wait3A_37] : memref<100000x128xf32, #tpu.memory_space<hbm>> -> memref<128x128xf32, #tpu.memory_space<hbm>>
    tpu.wait_dma2 semaphore(%arg13 : memref<!tpu.dma_semaphore, #tpu.memory_space<semaphore_mem>>) src(%dma_wait3A_38 : memref<128x128xf32, #tpu.memory_space<hbm>>) dst(%arg11 : memref<128x128xf32, #tpu.memory_space<vmem>>)
    %mul3A_39 = arith.constant 128 : i32
    %mul3A_40 = arith.muli %add3A, %mul3A_39 : i32
    %add3A_41 = arith.constant 0 : i32
    %add3A_42 = arith.addi %mul3A_40, %add3A_41 : i32
    "tpu.region"() ({
      %run_scoped3A = tpu.sem_alloc : memref<!tpu.dma_semaphore, #tpu.memory_space<semaphore_mem>>
      %dma_start3A_43 = arith.constant 0 : i32
      %dma_start3A_44 = tpu.memref_slice %arg7[%add3A_42, %dma_start3A_43] : memref<4096x128xf32, #tpu.memory_space<hbm>> -> memref<128x128xf32, #tpu.memory_space<hbm>>
      %dma_start3A_45 = arith.constant 0 : i32
      %dma_start3A_46 = tpu.memref_slice %arg7[%add3A_42, %dma_start3A_45] : memref<4096x128xf32, #tpu.memory_space<hbm>> -> memref<128x128xf32, #tpu.memory_space<hbm>>
      tpu.enqueue_dma source(%arg11 : memref<128x128xf32, #tpu.memory_space<vmem>>) target(%dma_start3A_46 : memref<128x128xf32, #tpu.memory_space<hbm>>) target_semaphore(%run_scoped3A : memref<!tpu.dma_semaphore, #tpu.memory_space<semaphore_mem>>)
      %dma_wait3A_47 = arith.constant 0 : i32
      %dma_wait3A_48 = tpu.memref_slice %arg7[%add3A_42, %dma_wait3A_47] : memref<4096x128xf32, #tpu.memory_space<hbm>> -> memref<128x128xf32, #tpu.memory_space<hbm>>
      %dma_wait3A_49 = arith.constant 0 : i32
      %dma_wait3A_50 = tpu.memref_slice %arg7[%add3A_42, %dma_wait3A_49] : memref<4096x128xf32, #tpu.memory_space<hbm>> -> memref<128x128xf32, #tpu.memory_space<hbm>>
      tpu.wait_dma2 semaphore(%run_scoped3A : memref<!tpu.dma_semaphore, #tpu.memory_space<semaphore_mem>>) src(%arg11 : memref<128x128xf32, #tpu.memory_space<vmem>>) dst(%dma_wait3A_50 : memref<128x128xf32, #tpu.memory_space<hbm>>)
      tpu.yield
    }) : () -> ()
    return
  }
}

#map = affine_map<(d0, d1) -> (0, 0)>
#map1 = affine_map<(d0, d1) -> (0, 0, 0)>
module attributes {stable_mosaic.version = 14 : i64} {
  func.func @_sc_gather_body(%arg0: i32, %arg1: i32, %arg2: memref<100000x128xf32, #tpu.memory_space<hbm>>, %arg3: memref<100000x128xf32, #tpu.memory_space<hbm>>, %arg4: memref<32x32x128xi32, #tpu.memory_space<hbm>>, %arg5: memref<32x128xi32, #tpu.memory_space<hbm>>, %arg6: memref<131072x128xf32, #tpu.memory_space<hbm>>, %arg7: memref<4096x128xf32, #tpu.memory_space<hbm>>, %arg8: memref<32x128xi32, #tpu.memory_space<vmem>>, %arg9: memref<256x128xf32, #tpu.memory_space<vmem>>, %arg10: memref<256x128xf32, #tpu.memory_space<vmem>>, %arg11: memref<128x128xf32, #tpu.memory_space<vmem>>, %arg12: memref<1x128xi32, #tpu.memory_space<vmem>>, %arg13: memref<!tpu.dma_semaphore, #tpu.memory_space<semaphore_mem>>) attributes {dimension_semantics = [#tpu.dimension_semantics<core_parallel>, #tpu.dimension_semantics<subcore_parallel>], iteration_bounds = array<i64: 2, 16>, scalar_prefetch = 0 : i64, scratch_operands = 6 : i64, tpu.core_type = #tpu.core_type<sc_vector_subcore>, window_params = [{transform_indices = #map}, {transform_indices = #map}, {transform_indices = #map1}, {transform_indices = #map}, {transform_indices = #map}, {transform_indices = #map}]} {
    %mul3A = arith.constant 2 : i32
    %mul3A_0 = arith.muli %arg1, %mul3A : i32
    %add3A = arith.addi %mul3A_0, %arg0 : i32
    "tpu.region"() ({
      %run_scoped3A = tpu.sem_alloc : memref<!tpu.dma_semaphore, #tpu.memory_space<semaphore_mem>>
      %dma_start3A_43 = arith.constant 0 : i32
      %dma_start3A_44 = arith.constant 0 : i32
      %dma_start3A_45 = tpu.memref_slice %arg4[%add3A, %dma_start3A_43, %dma_start3A_44] : memref<32x32x128xi32, #tpu.memory_space<hbm>> -> memref<1x32x128xi32, #tpu.memory_space<hbm>>
      %dma_start3A_46 = tpu.memref_squeeze %dma_start3A_45 : memref<1x32x128xi32, #tpu.memory_space<hbm>> -> memref<32x128xi32, #tpu.memory_space<hbm>>
      %dma_start3A_47 = arith.constant 0 : i32
      %dma_start3A_48 = arith.constant 0 : i32
      %dma_start3A_49 = tpu.memref_slice %arg4[%add3A, %dma_start3A_47, %dma_start3A_48] : memref<32x32x128xi32, #tpu.memory_space<hbm>> -> memref<1x32x128xi32, #tpu.memory_space<hbm>>
      %dma_start3A_50 = tpu.memref_squeeze %dma_start3A_49 : memref<1x32x128xi32, #tpu.memory_space<hbm>> -> memref<32x128xi32, #tpu.memory_space<hbm>>
      tpu.enqueue_dma source(%dma_start3A_50 : memref<32x128xi32, #tpu.memory_space<hbm>>) target(%arg8 : memref<32x128xi32, #tpu.memory_space<vmem>>) target_semaphore(%run_scoped3A : memref<!tpu.dma_semaphore, #tpu.memory_space<semaphore_mem>>)
      %dma_wait3A_51 = arith.constant 0 : i32
      %dma_wait3A_52 = arith.constant 0 : i32
      %dma_wait3A_53 = tpu.memref_slice %arg4[%add3A, %dma_wait3A_51, %dma_wait3A_52] : memref<32x32x128xi32, #tpu.memory_space<hbm>> -> memref<1x32x128xi32, #tpu.memory_space<hbm>>
      %dma_wait3A_54 = tpu.memref_squeeze %dma_wait3A_53 : memref<1x32x128xi32, #tpu.memory_space<hbm>> -> memref<32x128xi32, #tpu.memory_space<hbm>>
      %dma_wait3A_55 = arith.constant 0 : i32
      %dma_wait3A_56 = arith.constant 0 : i32
      %dma_wait3A_57 = tpu.memref_slice %arg4[%add3A, %dma_wait3A_55, %dma_wait3A_56] : memref<32x32x128xi32, #tpu.memory_space<hbm>> -> memref<1x32x128xi32, #tpu.memory_space<hbm>>
      %dma_wait3A_58 = tpu.memref_squeeze %dma_wait3A_57 : memref<1x32x128xi32, #tpu.memory_space<hbm>> -> memref<32x128xi32, #tpu.memory_space<hbm>>
      tpu.wait_dma2 semaphore(%run_scoped3A : memref<!tpu.dma_semaphore, #tpu.memory_space<semaphore_mem>>) src(%dma_wait3A_58 : memref<32x128xi32, #tpu.memory_space<hbm>>) dst(%arg8 : memref<32x128xi32, #tpu.memory_space<vmem>>)
      tpu.yield
    }) : () -> ()
    %dma_start3A = arith.constant 0 : i32
    %dma_start3A_1 = arith.constant 0 : i32
    %dma_start3A_2 = arith.constant 0 : i32
    %dma_start3A_3 = tpu.memref_slice %arg9[%dma_start3A_1, %dma_start3A_2] : memref<256x128xf32, #tpu.memory_space<vmem>> -> memref<128x128xf32, #tpu.memory_space<vmem>>
    %dma_start3A_4 = arith.constant 0 : i32
    %dma_start3A_5 = tpu.memref_slice %arg8[%dma_start3A, %dma_start3A_4] : memref<32x128xi32, #tpu.memory_space<vmem>> -> memref<1x128xi32, #tpu.memory_space<vmem>>
    %dma_start3A_6 = tpu.memref_squeeze %dma_start3A_5 : memref<1x128xi32, #tpu.memory_space<vmem>> -> memref<128xi32, #tpu.memory_space<vmem>>
    %dma_start3A_7 = arith.constant 0 : i32
    %dma_start3A_8 = arith.constant 0 : i32
    %dma_start3A_9 = tpu.memref_slice %arg2[%dma_start3A_7, %dma_start3A_8] : memref<100000x128xf32, #tpu.memory_space<hbm>> -> memref<100000x128xf32, #tpu.memory_space<hbm>>
    tpu.enqueue_indirect_dma source(%dma_start3A_9 : memref<100000x128xf32, #tpu.memory_space<hbm>>) target(%dma_start3A_3 : memref<128x128xf32, #tpu.memory_space<vmem>>) offsets(%dma_start3A_6 : memref<128xi32, #tpu.memory_space<vmem>>) semaphore(%arg13 : memref<!tpu.dma_semaphore, #tpu.memory_space<semaphore_mem>>)
    %dma_start3A_10 = arith.constant 1 : i32
    %dma_start3A_11 = arith.constant 128 : i32
    %dma_start3A_12 = arith.constant 0 : i32
    %dma_start3A_13 = tpu.memref_slice %arg9[%dma_start3A_11, %dma_start3A_12] : memref<256x128xf32, #tpu.memory_space<vmem>> -> memref<128x128xf32, #tpu.memory_space<vmem>>
    %dma_start3A_14 = arith.constant 0 : i32
    %dma_start3A_15 = tpu.memref_slice %arg8[%dma_start3A_10, %dma_start3A_14] : memref<32x128xi32, #tpu.memory_space<vmem>> -> memref<1x128xi32, #tpu.memory_space<vmem>>
    %dma_start3A_16 = tpu.memref_squeeze %dma_start3A_15 : memref<1x128xi32, #tpu.memory_space<vmem>> -> memref<128xi32, #tpu.memory_space<vmem>>
    %dma_start3A_17 = arith.constant 0 : i32
    %dma_start3A_18 = arith.constant 0 : i32
    %dma_start3A_19 = tpu.memref_slice %arg2[%dma_start3A_17, %dma_start3A_18] : memref<100000x128xf32, #tpu.memory_space<hbm>> -> memref<100000x128xf32, #tpu.memory_space<hbm>>
    tpu.enqueue_indirect_dma source(%dma_start3A_19 : memref<100000x128xf32, #tpu.memory_space<hbm>>) target(%dma_start3A_13 : memref<128x128xf32, #tpu.memory_space<vmem>>) offsets(%dma_start3A_16 : memref<128xi32, #tpu.memory_space<vmem>>) semaphore(%arg13 : memref<!tpu.dma_semaphore, #tpu.memory_space<semaphore_mem>>)
    %scan3A = arith.constant 0 : i32
    %scan3A_20 = arith.constant 0 : i32
    %scan3A_21 = arith.constant 8 : i32
    %scan3A_22 = arith.addi %scan3A_20, %scan3A_21 : i32
    %scan3A_23 = arith.constant 1 : i32
    scf.for %scan3A_43 = %scan3A_20 to %scan3A_22 step %scan3A_23  : i32 {
      %mul3A_44 = arith.constant 2 : i32
      %mul3A_45 = arith.muli %scan3A_43, %mul3A_44 : i32
      %add3A_46 = arith.constant 1 : i32
      %add3A_47 = arith.addi %mul3A_45, %add3A_46 : i32
      %mul3A_48 = arith.constant 2 : i32
      %mul3A_49 = arith.muli %add3A_47, %mul3A_48 : i32
      %add3A_50 = arith.constant 0 : i32
      %add3A_51 = arith.addi %mul3A_49, %add3A_50 : i32
      %dma_start3A_52 = arith.constant 0 : i32
      %dma_start3A_53 = arith.constant 0 : i32
      %dma_start3A_54 = tpu.memref_slice %arg10[%dma_start3A_52, %dma_start3A_53] : memref<256x128xf32, #tpu.memory_space<vmem>> -> memref<128x128xf32, #tpu.memory_space<vmem>>
      %dma_start3A_55 = arith.constant 0 : i32
      %dma_start3A_56 = tpu.memref_slice %arg8[%add3A_51, %dma_start3A_55] : memref<32x128xi32, #tpu.memory_space<vmem>> -> memref<1x128xi32, #tpu.memory_space<vmem>>
      %dma_start3A_57 = tpu.memref_squeeze %dma_start3A_56 : memref<1x128xi32, #tpu.memory_space<vmem>> -> memref<128xi32, #tpu.memory_space<vmem>>
      %dma_start3A_58 = arith.constant 0 : i32
      %dma_start3A_59 = arith.constant 0 : i32
      %dma_start3A_60 = tpu.memref_slice %arg2[%dma_start3A_58, %dma_start3A_59] : memref<100000x128xf32, #tpu.memory_space<hbm>> -> memref<100000x128xf32, #tpu.memory_space<hbm>>
      tpu.enqueue_indirect_dma source(%dma_start3A_60 : memref<100000x128xf32, #tpu.memory_space<hbm>>) target(%dma_start3A_54 : memref<128x128xf32, #tpu.memory_space<vmem>>) offsets(%dma_start3A_57 : memref<128xi32, #tpu.memory_space<vmem>>) semaphore(%arg13 : memref<!tpu.dma_semaphore, #tpu.memory_space<semaphore_mem>>)
      %mul3A_61 = arith.constant 2 : i32
      %mul3A_62 = arith.muli %add3A_47, %mul3A_61 : i32
      %add3A_63 = arith.constant 1 : i32
      %add3A_64 = arith.addi %mul3A_62, %add3A_63 : i32
      %dma_start3A_65 = arith.constant 128 : i32
      %dma_start3A_66 = arith.constant 0 : i32
      %dma_start3A_67 = tpu.memref_slice %arg10[%dma_start3A_65, %dma_start3A_66] : memref<256x128xf32, #tpu.memory_space<vmem>> -> memref<128x128xf32, #tpu.memory_space<vmem>>
      %dma_start3A_68 = arith.constant 0 : i32
      %dma_start3A_69 = tpu.memref_slice %arg8[%add3A_64, %dma_start3A_68] : memref<32x128xi32, #tpu.memory_space<vmem>> -> memref<1x128xi32, #tpu.memory_space<vmem>>
      %dma_start3A_70 = tpu.memref_squeeze %dma_start3A_69 : memref<1x128xi32, #tpu.memory_space<vmem>> -> memref<128xi32, #tpu.memory_space<vmem>>
      %dma_start3A_71 = arith.constant 0 : i32
      %dma_start3A_72 = arith.constant 0 : i32
      %dma_start3A_73 = tpu.memref_slice %arg2[%dma_start3A_71, %dma_start3A_72] : memref<100000x128xf32, #tpu.memory_space<hbm>> -> memref<100000x128xf32, #tpu.memory_space<hbm>>
      tpu.enqueue_indirect_dma source(%dma_start3A_73 : memref<100000x128xf32, #tpu.memory_space<hbm>>) target(%dma_start3A_67 : memref<128x128xf32, #tpu.memory_space<vmem>>) offsets(%dma_start3A_70 : memref<128xi32, #tpu.memory_space<vmem>>) semaphore(%arg13 : memref<!tpu.dma_semaphore, #tpu.memory_space<semaphore_mem>>)
      %dma_wait3A_74 = arith.constant 0 : i32
      %dma_wait3A_75 = arith.constant 0 : i32
      %dma_wait3A_76 = tpu.memref_slice %arg2[%dma_wait3A_74, %dma_wait3A_75] : memref<100000x128xf32, #tpu.memory_space<hbm>> -> memref<256x128xf32, #tpu.memory_space<hbm>>
      %dma_wait3A_77 = arith.constant 0 : i32
      %dma_wait3A_78 = arith.constant 0 : i32
      %dma_wait3A_79 = tpu.memref_slice %arg2[%dma_wait3A_77, %dma_wait3A_78] : memref<100000x128xf32, #tpu.memory_space<hbm>> -> memref<256x128xf32, #tpu.memory_space<hbm>>
      tpu.wait_dma2 semaphore(%arg13 : memref<!tpu.dma_semaphore, #tpu.memory_space<semaphore_mem>>) src(%dma_wait3A_79 : memref<256x128xf32, #tpu.memory_space<hbm>>) dst(%arg9 : memref<256x128xf32, #tpu.memory_space<vmem>>)
      %mul3A_80 = arith.constant 32 : i32
      %mul3A_81 = arith.muli %add3A, %mul3A_80 : i32
      %mul3A_82 = arith.constant 128 : i32
      %mul3A_83 = arith.muli %mul3A_81, %mul3A_82 : i32
      %mul3A_84 = arith.constant 256 : i32
      %mul3A_85 = arith.muli %mul3A_45, %mul3A_84 : i32
      %add3A_86 = arith.addi %mul3A_83, %mul3A_85 : i32
      "tpu.region"() ({
        %run_scoped3A = tpu.sem_alloc : memref<!tpu.dma_semaphore, #tpu.memory_space<semaphore_mem>>
        %dma_start3A_104 = arith.constant 0 : i32
        %dma_start3A_105 = tpu.memref_slice %arg6[%add3A_86, %dma_start3A_104] : memref<131072x128xf32, #tpu.memory_space<hbm>> -> memref<256x128xf32, #tpu.memory_space<hbm>>
        %dma_start3A_106 = arith.constant 0 : i32
        %dma_start3A_107 = tpu.memref_slice %arg6[%add3A_86, %dma_start3A_106] : memref<131072x128xf32, #tpu.memory_space<hbm>> -> memref<256x128xf32, #tpu.memory_space<hbm>>
        tpu.enqueue_dma source(%arg9 : memref<256x128xf32, #tpu.memory_space<vmem>>) target(%dma_start3A_107 : memref<256x128xf32, #tpu.memory_space<hbm>>) target_semaphore(%run_scoped3A : memref<!tpu.dma_semaphore, #tpu.memory_space<semaphore_mem>>)
        %dma_wait3A_108 = arith.constant 0 : i32
        %dma_wait3A_109 = tpu.memref_slice %arg6[%add3A_86, %dma_wait3A_108] : memref<131072x128xf32, #tpu.memory_space<hbm>> -> memref<256x128xf32, #tpu.memory_space<hbm>>
        %dma_wait3A_110 = arith.constant 0 : i32
        %dma_wait3A_111 = tpu.memref_slice %arg6[%add3A_86, %dma_wait3A_110] : memref<131072x128xf32, #tpu.memory_space<hbm>> -> memref<256x128xf32, #tpu.memory_space<hbm>>
        tpu.wait_dma2 semaphore(%run_scoped3A : memref<!tpu.dma_semaphore, #tpu.memory_space<semaphore_mem>>) src(%arg9 : memref<256x128xf32, #tpu.memory_space<vmem>>) dst(%dma_wait3A_111 : memref<256x128xf32, #tpu.memory_space<hbm>>)
        tpu.yield
      }) : () -> ()
      %lt3A = arith.constant 7 : i32
      %lt3A_87 = arith.cmpi slt, %scan3A_43, %lt3A : i32
      %convert_element_type3A = arith.extui %lt3A_87 : i1 to i32
      %cond3A = arith.constant 0 : i32
      %cond3A_88 = arith.cmpi ne, %convert_element_type3A, %cond3A : i32
      scf.if %cond3A_88 {
        %add3A_104 = arith.constant 2 : i32
        %add3A_105 = arith.addi %mul3A_45, %add3A_104 : i32
        %mul3A_106 = arith.constant 2 : i32
        %mul3A_107 = arith.muli %add3A_105, %mul3A_106 : i32
        %add3A_108 = arith.constant 0 : i32
        %add3A_109 = arith.addi %mul3A_107, %add3A_108 : i32
        %dma_start3A_110 = arith.constant 0 : i32
        %dma_start3A_111 = arith.constant 0 : i32
        %dma_start3A_112 = tpu.memref_slice %arg9[%dma_start3A_110, %dma_start3A_111] : memref<256x128xf32, #tpu.memory_space<vmem>> -> memref<128x128xf32, #tpu.memory_space<vmem>>
        %dma_start3A_113 = arith.constant 0 : i32
        %dma_start3A_114 = tpu.memref_slice %arg8[%add3A_109, %dma_start3A_113] : memref<32x128xi32, #tpu.memory_space<vmem>> -> memref<1x128xi32, #tpu.memory_space<vmem>>
        %dma_start3A_115 = tpu.memref_squeeze %dma_start3A_114 : memref<1x128xi32, #tpu.memory_space<vmem>> -> memref<128xi32, #tpu.memory_space<vmem>>
        %dma_start3A_116 = arith.constant 0 : i32
        %dma_start3A_117 = arith.constant 0 : i32
        %dma_start3A_118 = tpu.memref_slice %arg2[%dma_start3A_116, %dma_start3A_117] : memref<100000x128xf32, #tpu.memory_space<hbm>> -> memref<100000x128xf32, #tpu.memory_space<hbm>>
        tpu.enqueue_indirect_dma source(%dma_start3A_118 : memref<100000x128xf32, #tpu.memory_space<hbm>>) target(%dma_start3A_112 : memref<128x128xf32, #tpu.memory_space<vmem>>) offsets(%dma_start3A_115 : memref<128xi32, #tpu.memory_space<vmem>>) semaphore(%arg13 : memref<!tpu.dma_semaphore, #tpu.memory_space<semaphore_mem>>)
        %mul3A_119 = arith.constant 2 : i32
        %mul3A_120 = arith.muli %add3A_105, %mul3A_119 : i32
        %add3A_121 = arith.constant 1 : i32
        %add3A_122 = arith.addi %mul3A_120, %add3A_121 : i32
        %dma_start3A_123 = arith.constant 128 : i32
        %dma_start3A_124 = arith.constant 0 : i32
        %dma_start3A_125 = tpu.memref_slice %arg9[%dma_start3A_123, %dma_start3A_124] : memref<256x128xf32, #tpu.memory_space<vmem>> -> memref<128x128xf32, #tpu.memory_space<vmem>>
        %dma_start3A_126 = arith.constant 0 : i32
        %dma_start3A_127 = tpu.memref_slice %arg8[%add3A_122, %dma_start3A_126] : memref<32x128xi32, #tpu.memory_space<vmem>> -> memref<1x128xi32, #tpu.memory_space<vmem>>
        %dma_start3A_128 = tpu.memref_squeeze %dma_start3A_127 : memref<1x128xi32, #tpu.memory_space<vmem>> -> memref<128xi32, #tpu.memory_space<vmem>>
        %dma_start3A_129 = arith.constant 0 : i32
        %dma_start3A_130 = arith.constant 0 : i32
        %dma_start3A_131 = tpu.memref_slice %arg2[%dma_start3A_129, %dma_start3A_130] : memref<100000x128xf32, #tpu.memory_space<hbm>> -> memref<100000x128xf32, #tpu.memory_space<hbm>>
        tpu.enqueue_indirect_dma source(%dma_start3A_131 : memref<100000x128xf32, #tpu.memory_space<hbm>>) target(%dma_start3A_125 : memref<128x128xf32, #tpu.memory_space<vmem>>) offsets(%dma_start3A_128 : memref<128xi32, #tpu.memory_space<vmem>>) semaphore(%arg13 : memref<!tpu.dma_semaphore, #tpu.memory_space<semaphore_mem>>)
      } else {
      }
      %dma_wait3A_89 = arith.constant 0 : i32
      %dma_wait3A_90 = arith.constant 0 : i32
      %dma_wait3A_91 = tpu.memref_slice %arg2[%dma_wait3A_89, %dma_wait3A_90] : memref<100000x128xf32, #tpu.memory_space<hbm>> -> memref<256x128xf32, #tpu.memory_space<hbm>>
      %dma_wait3A_92 = arith.constant 0 : i32
      %dma_wait3A_93 = arith.constant 0 : i32
      %dma_wait3A_94 = tpu.memref_slice %arg2[%dma_wait3A_92, %dma_wait3A_93] : memref<100000x128xf32, #tpu.memory_space<hbm>> -> memref<256x128xf32, #tpu.memory_space<hbm>>
      tpu.wait_dma2 semaphore(%arg13 : memref<!tpu.dma_semaphore, #tpu.memory_space<semaphore_mem>>) src(%dma_wait3A_94 : memref<256x128xf32, #tpu.memory_space<hbm>>) dst(%arg10 : memref<256x128xf32, #tpu.memory_space<vmem>>)
      %add3A_95 = arith.constant 1 : i32
      %add3A_96 = arith.addi %mul3A_45, %add3A_95 : i32
      %mul3A_97 = arith.constant 32 : i32
      %mul3A_98 = arith.muli %add3A, %mul3A_97 : i32
      %mul3A_99 = arith.constant 128 : i32
      %mul3A_100 = arith.muli %mul3A_98, %mul3A_99 : i32
      %mul3A_101 = arith.constant 256 : i32
      %mul3A_102 = arith.muli %add3A_96, %mul3A_101 : i32
      %add3A_103 = arith.addi %mul3A_100, %mul3A_102 : i32
      "tpu.region"() ({
        %run_scoped3A = tpu.sem_alloc : memref<!tpu.dma_semaphore, #tpu.memory_space<semaphore_mem>>
        %dma_start3A_104 = arith.constant 0 : i32
        %dma_start3A_105 = tpu.memref_slice %arg6[%add3A_103, %dma_start3A_104] : memref<131072x128xf32, #tpu.memory_space<hbm>> -> memref<256x128xf32, #tpu.memory_space<hbm>>
        %dma_start3A_106 = arith.constant 0 : i32
        %dma_start3A_107 = tpu.memref_slice %arg6[%add3A_103, %dma_start3A_106] : memref<131072x128xf32, #tpu.memory_space<hbm>> -> memref<256x128xf32, #tpu.memory_space<hbm>>
        tpu.enqueue_dma source(%arg10 : memref<256x128xf32, #tpu.memory_space<vmem>>) target(%dma_start3A_107 : memref<256x128xf32, #tpu.memory_space<hbm>>) target_semaphore(%run_scoped3A : memref<!tpu.dma_semaphore, #tpu.memory_space<semaphore_mem>>)
        %dma_wait3A_108 = arith.constant 0 : i32
        %dma_wait3A_109 = tpu.memref_slice %arg6[%add3A_103, %dma_wait3A_108] : memref<131072x128xf32, #tpu.memory_space<hbm>> -> memref<256x128xf32, #tpu.memory_space<hbm>>
        %dma_wait3A_110 = arith.constant 0 : i32
        %dma_wait3A_111 = tpu.memref_slice %arg6[%add3A_103, %dma_wait3A_110] : memref<131072x128xf32, #tpu.memory_space<hbm>> -> memref<256x128xf32, #tpu.memory_space<hbm>>
        tpu.wait_dma2 semaphore(%run_scoped3A : memref<!tpu.dma_semaphore, #tpu.memory_space<semaphore_mem>>) src(%arg10 : memref<256x128xf32, #tpu.memory_space<vmem>>) dst(%dma_wait3A_111 : memref<256x128xf32, #tpu.memory_space<hbm>>)
        tpu.yield
      }) : () -> ()
    }
    %scan3A_24 = arith.constant 8 : i32
    %mul3A_25 = arith.constant 1 : i32
    %mul3A_26 = arith.muli %add3A, %mul3A_25 : i32
    "tpu.region"() ({
      %run_scoped3A = tpu.sem_alloc : memref<!tpu.dma_semaphore, #tpu.memory_space<semaphore_mem>>
      %dma_start3A_43 = arith.constant 0 : i32
      %dma_start3A_44 = tpu.memref_slice %arg5[%mul3A_26, %dma_start3A_43] : memref<32x128xi32, #tpu.memory_space<hbm>> -> memref<1x128xi32, #tpu.memory_space<hbm>>
      %dma_start3A_45 = arith.constant 0 : i32
      %dma_start3A_46 = tpu.memref_slice %arg5[%mul3A_26, %dma_start3A_45] : memref<32x128xi32, #tpu.memory_space<hbm>> -> memref<1x128xi32, #tpu.memory_space<hbm>>
      tpu.enqueue_dma source(%dma_start3A_46 : memref<1x128xi32, #tpu.memory_space<hbm>>) target(%arg12 : memref<1x128xi32, #tpu.memory_space<vmem>>) target_semaphore(%run_scoped3A : memref<!tpu.dma_semaphore, #tpu.memory_space<semaphore_mem>>)
      %dma_wait3A_47 = arith.constant 0 : i32
      %dma_wait3A_48 = tpu.memref_slice %arg5[%mul3A_26, %dma_wait3A_47] : memref<32x128xi32, #tpu.memory_space<hbm>> -> memref<1x128xi32, #tpu.memory_space<hbm>>
      %dma_wait3A_49 = arith.constant 0 : i32
      %dma_wait3A_50 = tpu.memref_slice %arg5[%mul3A_26, %dma_wait3A_49] : memref<32x128xi32, #tpu.memory_space<hbm>> -> memref<1x128xi32, #tpu.memory_space<hbm>>
      tpu.wait_dma2 semaphore(%run_scoped3A : memref<!tpu.dma_semaphore, #tpu.memory_space<semaphore_mem>>) src(%dma_wait3A_50 : memref<1x128xi32, #tpu.memory_space<hbm>>) dst(%arg12 : memref<1x128xi32, #tpu.memory_space<vmem>>)
      tpu.yield
    }) : () -> ()
    %dma_start3A_27 = arith.constant 0 : i32
    %dma_start3A_28 = arith.constant 0 : i32
    %dma_start3A_29 = tpu.memref_slice %arg12[%dma_start3A_27, %dma_start3A_28] : memref<1x128xi32, #tpu.memory_space<vmem>> -> memref<1x128xi32, #tpu.memory_space<vmem>>
    %dma_start3A_30 = tpu.memref_squeeze %dma_start3A_29 : memref<1x128xi32, #tpu.memory_space<vmem>> -> memref<128xi32, #tpu.memory_space<vmem>>
    %dma_start3A_31 = arith.constant 0 : i32
    %dma_start3A_32 = arith.constant 0 : i32
    %dma_start3A_33 = tpu.memref_slice %arg3[%dma_start3A_31, %dma_start3A_32] : memref<100000x128xf32, #tpu.memory_space<hbm>> -> memref<100000x128xf32, #tpu.memory_space<hbm>>
    tpu.enqueue_indirect_dma source(%dma_start3A_33 : memref<100000x128xf32, #tpu.memory_space<hbm>>) target(%arg11 : memref<128x128xf32, #tpu.memory_space<vmem>>) offsets(%dma_start3A_30 : memref<128xi32, #tpu.memory_space<vmem>>) semaphore(%arg13 : memref<!tpu.dma_semaphore, #tpu.memory_space<semaphore_mem>>)
    %dma_wait3A = arith.constant 0 : i32
    %dma_wait3A_34 = arith.constant 0 : i32
    %dma_wait3A_35 = tpu.memref_slice %arg3[%dma_wait3A, %dma_wait3A_34] : memref<100000x128xf32, #tpu.memory_space<hbm>> -> memref<128x128xf32, #tpu.memory_space<hbm>>
    %dma_wait3A_36 = arith.constant 0 : i32
    %dma_wait3A_37 = arith.constant 0 : i32
    %dma_wait3A_38 = tpu.memref_slice %arg3[%dma_wait3A_36, %dma_wait3A_37] : memref<100000x128xf32, #tpu.memory_space<hbm>> -> memref<128x128xf32, #tpu.memory_space<hbm>>
    tpu.wait_dma2 semaphore(%arg13 : memref<!tpu.dma_semaphore, #tpu.memory_space<semaphore_mem>>) src(%dma_wait3A_38 : memref<128x128xf32, #tpu.memory_space<hbm>>) dst(%arg11 : memref<128x128xf32, #tpu.memory_space<vmem>>)
    %mul3A_39 = arith.constant 128 : i32
    %mul3A_40 = arith.muli %add3A, %mul3A_39 : i32
    %add3A_41 = arith.constant 0 : i32
    %add3A_42 = arith.addi %mul3A_40, %add3A_41 : i32
    "tpu.region"() ({
      %run_scoped3A = tpu.sem_alloc : memref<!tpu.dma_semaphore, #tpu.memory_space<semaphore_mem>>
      %dma_start3A_43 = arith.constant 0 : i32
      %dma_start3A_44 = tpu.memref_slice %arg7[%add3A_42, %dma_start3A_43] : memref<4096x128xf32, #tpu.memory_space<hbm>> -> memref<128x128xf32, #tpu.memory_space<hbm>>
      %dma_start3A_45 = arith.constant 0 : i32
      %dma_start3A_46 = tpu.memref_slice %arg7[%add3A_42, %dma_start3A_45] : memref<4096x128xf32, #tpu.memory_space<hbm>> -> memref<128x128xf32, #tpu.memory_space<hbm>>
      tpu.enqueue_dma source(%arg11 : memref<128x128xf32, #tpu.memory_space<vmem>>) target(%dma_start3A_46 : memref<128x128xf32, #tpu.memory_space<hbm>>) target_semaphore(%run_scoped3A : memref<!tpu.dma_semaphore, #tpu.memory_space<semaphore_mem>>)
      %dma_wait3A_47 = arith.constant 0 : i32
      %dma_wait3A_48 = tpu.memref_slice %arg7[%add3A_42, %dma_wait3A_47] : memref<4096x128xf32, #tpu.memory_space<hbm>> -> memref<128x128xf32, #tpu.memory_space<hbm>>
      %dma_wait3A_49 = arith.constant 0 : i32
      %dma_wait3A_50 = tpu.memref_slice %arg7[%add3A_42, %dma_wait3A_49] : memref<4096x128xf32, #tpu.memory_space<hbm>> -> memref<128x128xf32, #tpu.memory_space<hbm>>
      tpu.wait_dma2 semaphore(%run_scoped3A : memref<!tpu.dma_semaphore, #tpu.memory_space<semaphore_mem>>) src(%arg11 : memref<128x128xf32, #tpu.memory_space<vmem>>) dst(%dma_wait3A_50 : memref<128x128xf32, #tpu.memory_space<hbm>>)
      tpu.yield
    }) : () -> ()
    return
  }
}

#map = affine_map<(d0, d1) -> (0, 0)>
#map1 = affine_map<(d0, d1) -> (0, 0, 0)>
module attributes {stable_mosaic.version = 14 : i64} {
  func.func @_sc_gather_body(%arg0: i32, %arg1: i32, %arg2: memref<100000x128xf32, #tpu.memory_space<hbm>>, %arg3: memref<100000x128xf32, #tpu.memory_space<hbm>>, %arg4: memref<32x32x128xi32, #tpu.memory_space<hbm>>, %arg5: memref<32x128xi32, #tpu.memory_space<hbm>>, %arg6: memref<131072x128xf32, #tpu.memory_space<hbm>>, %arg7: memref<4096x128xf32, #tpu.memory_space<hbm>>, %arg8: memref<32x128xi32, #tpu.memory_space<vmem>>, %arg9: memref<256x128xf32, #tpu.memory_space<vmem>>, %arg10: memref<256x128xf32, #tpu.memory_space<vmem>>, %arg11: memref<128x128xf32, #tpu.memory_space<vmem>>, %arg12: memref<1x128xi32, #tpu.memory_space<vmem>>, %arg13: memref<!tpu.dma_semaphore, #tpu.memory_space<semaphore_mem>>) attributes {dimension_semantics = [#tpu.dimension_semantics<core_parallel>, #tpu.dimension_semantics<subcore_parallel>], iteration_bounds = array<i64: 2, 16>, scalar_prefetch = 0 : i64, scratch_operands = 6 : i64, tpu.core_type = #tpu.core_type<sc_vector_subcore>, window_params = [{transform_indices = #map}, {transform_indices = #map}, {transform_indices = #map1}, {transform_indices = #map}, {transform_indices = #map}, {transform_indices = #map}]} {
    %mul3A = arith.constant 2 : i32
    %mul3A_0 = arith.muli %arg1, %mul3A : i32
    %add3A = arith.addi %mul3A_0, %arg0 : i32
    "tpu.region"() ({
      %run_scoped3A = tpu.sem_alloc : memref<!tpu.dma_semaphore, #tpu.memory_space<semaphore_mem>>
      %dma_start3A_43 = arith.constant 0 : i32
      %dma_start3A_44 = arith.constant 0 : i32
      %dma_start3A_45 = tpu.memref_slice %arg4[%add3A, %dma_start3A_43, %dma_start3A_44] : memref<32x32x128xi32, #tpu.memory_space<hbm>> -> memref<1x32x128xi32, #tpu.memory_space<hbm>>
      %dma_start3A_46 = tpu.memref_squeeze %dma_start3A_45 : memref<1x32x128xi32, #tpu.memory_space<hbm>> -> memref<32x128xi32, #tpu.memory_space<hbm>>
      %dma_start3A_47 = arith.constant 0 : i32
      %dma_start3A_48 = arith.constant 0 : i32
      %dma_start3A_49 = tpu.memref_slice %arg4[%add3A, %dma_start3A_47, %dma_start3A_48] : memref<32x32x128xi32, #tpu.memory_space<hbm>> -> memref<1x32x128xi32, #tpu.memory_space<hbm>>
      %dma_start3A_50 = tpu.memref_squeeze %dma_start3A_49 : memref<1x32x128xi32, #tpu.memory_space<hbm>> -> memref<32x128xi32, #tpu.memory_space<hbm>>
      tpu.enqueue_dma source(%dma_start3A_50 : memref<32x128xi32, #tpu.memory_space<hbm>>) target(%arg8 : memref<32x128xi32, #tpu.memory_space<vmem>>) target_semaphore(%run_scoped3A : memref<!tpu.dma_semaphore, #tpu.memory_space<semaphore_mem>>)
      %dma_wait3A_51 = arith.constant 0 : i32
      %dma_wait3A_52 = arith.constant 0 : i32
      %dma_wait3A_53 = tpu.memref_slice %arg4[%add3A, %dma_wait3A_51, %dma_wait3A_52] : memref<32x32x128xi32, #tpu.memory_space<hbm>> -> memref<1x32x128xi32, #tpu.memory_space<hbm>>
      %dma_wait3A_54 = tpu.memref_squeeze %dma_wait3A_53 : memref<1x32x128xi32, #tpu.memory_space<hbm>> -> memref<32x128xi32, #tpu.memory_space<hbm>>
      %dma_wait3A_55 = arith.constant 0 : i32
      %dma_wait3A_56 = arith.constant 0 : i32
      %dma_wait3A_57 = tpu.memref_slice %arg4[%add3A, %dma_wait3A_55, %dma_wait3A_56] : memref<32x32x128xi32, #tpu.memory_space<hbm>> -> memref<1x32x128xi32, #tpu.memory_space<hbm>>
      %dma_wait3A_58 = tpu.memref_squeeze %dma_wait3A_57 : memref<1x32x128xi32, #tpu.memory_space<hbm>> -> memref<32x128xi32, #tpu.memory_space<hbm>>
      tpu.wait_dma2 semaphore(%run_scoped3A : memref<!tpu.dma_semaphore, #tpu.memory_space<semaphore_mem>>) src(%dma_wait3A_58 : memref<32x128xi32, #tpu.memory_space<hbm>>) dst(%arg8 : memref<32x128xi32, #tpu.memory_space<vmem>>)
      tpu.yield
    }) : () -> ()
    %dma_start3A = arith.constant 0 : i32
    %dma_start3A_1 = arith.constant 0 : i32
    %dma_start3A_2 = arith.constant 0 : i32
    %dma_start3A_3 = tpu.memref_slice %arg9[%dma_start3A_1, %dma_start3A_2] : memref<256x128xf32, #tpu.memory_space<vmem>> -> memref<128x128xf32, #tpu.memory_space<vmem>>
    %dma_start3A_4 = arith.constant 0 : i32
    %dma_start3A_5 = tpu.memref_slice %arg8[%dma_start3A, %dma_start3A_4] : memref<32x128xi32, #tpu.memory_space<vmem>> -> memref<1x128xi32, #tpu.memory_space<vmem>>
    %dma_start3A_6 = tpu.memref_squeeze %dma_start3A_5 : memref<1x128xi32, #tpu.memory_space<vmem>> -> memref<128xi32, #tpu.memory_space<vmem>>
    %dma_start3A_7 = arith.constant 0 : i32
    %dma_start3A_8 = arith.constant 0 : i32
    %dma_start3A_9 = tpu.memref_slice %arg2[%dma_start3A_7, %dma_start3A_8] : memref<100000x128xf32, #tpu.memory_space<hbm>> -> memref<100000x128xf32, #tpu.memory_space<hbm>>
    tpu.enqueue_indirect_dma source(%dma_start3A_9 : memref<100000x128xf32, #tpu.memory_space<hbm>>) target(%dma_start3A_3 : memref<128x128xf32, #tpu.memory_space<vmem>>) offsets(%dma_start3A_6 : memref<128xi32, #tpu.memory_space<vmem>>) semaphore(%arg13 : memref<!tpu.dma_semaphore, #tpu.memory_space<semaphore_mem>>)
    %dma_start3A_10 = arith.constant 1 : i32
    %dma_start3A_11 = arith.constant 128 : i32
    %dma_start3A_12 = arith.constant 0 : i32
    %dma_start3A_13 = tpu.memref_slice %arg9[%dma_start3A_11, %dma_start3A_12] : memref<256x128xf32, #tpu.memory_space<vmem>> -> memref<128x128xf32, #tpu.memory_space<vmem>>
    %dma_start3A_14 = arith.constant 0 : i32
    %dma_start3A_15 = tpu.memref_slice %arg8[%dma_start3A_10, %dma_start3A_14] : memref<32x128xi32, #tpu.memory_space<vmem>> -> memref<1x128xi32, #tpu.memory_space<vmem>>
    %dma_start3A_16 = tpu.memref_squeeze %dma_start3A_15 : memref<1x128xi32, #tpu.memory_space<vmem>> -> memref<128xi32, #tpu.memory_space<vmem>>
    %dma_start3A_17 = arith.constant 0 : i32
    %dma_start3A_18 = arith.constant 0 : i32
    %dma_start3A_19 = tpu.memref_slice %arg2[%dma_start3A_17, %dma_start3A_18] : memref<100000x128xf32, #tpu.memory_space<hbm>> -> memref<100000x128xf32, #tpu.memory_space<hbm>>
    tpu.enqueue_indirect_dma source(%dma_start3A_19 : memref<100000x128xf32, #tpu.memory_space<hbm>>) target(%dma_start3A_13 : memref<128x128xf32, #tpu.memory_space<vmem>>) offsets(%dma_start3A_16 : memref<128xi32, #tpu.memory_space<vmem>>) semaphore(%arg13 : memref<!tpu.dma_semaphore, #tpu.memory_space<semaphore_mem>>)
    %scan3A = arith.constant 0 : i32
    %scan3A_20 = arith.constant 0 : i32
    %scan3A_21 = arith.constant 8 : i32
    %scan3A_22 = arith.addi %scan3A_20, %scan3A_21 : i32
    %scan3A_23 = arith.constant 1 : i32
    scf.for %scan3A_43 = %scan3A_20 to %scan3A_22 step %scan3A_23  : i32 {
      %mul3A_44 = arith.constant 2 : i32
      %mul3A_45 = arith.muli %scan3A_43, %mul3A_44 : i32
      %add3A_46 = arith.constant 1 : i32
      %add3A_47 = arith.addi %mul3A_45, %add3A_46 : i32
      %mul3A_48 = arith.constant 2 : i32
      %mul3A_49 = arith.muli %add3A_47, %mul3A_48 : i32
      %add3A_50 = arith.constant 0 : i32
      %add3A_51 = arith.addi %mul3A_49, %add3A_50 : i32
      %dma_start3A_52 = arith.constant 0 : i32
      %dma_start3A_53 = arith.constant 0 : i32
      %dma_start3A_54 = tpu.memref_slice %arg10[%dma_start3A_52, %dma_start3A_53] : memref<256x128xf32, #tpu.memory_space<vmem>> -> memref<128x128xf32, #tpu.memory_space<vmem>>
      %dma_start3A_55 = arith.constant 0 : i32
      %dma_start3A_56 = tpu.memref_slice %arg8[%add3A_51, %dma_start3A_55] : memref<32x128xi32, #tpu.memory_space<vmem>> -> memref<1x128xi32, #tpu.memory_space<vmem>>
      %dma_start3A_57 = tpu.memref_squeeze %dma_start3A_56 : memref<1x128xi32, #tpu.memory_space<vmem>> -> memref<128xi32, #tpu.memory_space<vmem>>
      %dma_start3A_58 = arith.constant 0 : i32
      %dma_start3A_59 = arith.constant 0 : i32
      %dma_start3A_60 = tpu.memref_slice %arg2[%dma_start3A_58, %dma_start3A_59] : memref<100000x128xf32, #tpu.memory_space<hbm>> -> memref<100000x128xf32, #tpu.memory_space<hbm>>
      tpu.enqueue_indirect_dma source(%dma_start3A_60 : memref<100000x128xf32, #tpu.memory_space<hbm>>) target(%dma_start3A_54 : memref<128x128xf32, #tpu.memory_space<vmem>>) offsets(%dma_start3A_57 : memref<128xi32, #tpu.memory_space<vmem>>) semaphore(%arg13 : memref<!tpu.dma_semaphore, #tpu.memory_space<semaphore_mem>>)
      %mul3A_61 = arith.constant 2 : i32
      %mul3A_62 = arith.muli %add3A_47, %mul3A_61 : i32
      %add3A_63 = arith.constant 1 : i32
      %add3A_64 = arith.addi %mul3A_62, %add3A_63 : i32
      %dma_start3A_65 = arith.constant 128 : i32
      %dma_start3A_66 = arith.constant 0 : i32
      %dma_start3A_67 = tpu.memref_slice %arg10[%dma_start3A_65, %dma_start3A_66] : memref<256x128xf32, #tpu.memory_space<vmem>> -> memref<128x128xf32, #tpu.memory_space<vmem>>
      %dma_start3A_68 = arith.constant 0 : i32
      %dma_start3A_69 = tpu.memref_slice %arg8[%add3A_64, %dma_start3A_68] : memref<32x128xi32, #tpu.memory_space<vmem>> -> memref<1x128xi32, #tpu.memory_space<vmem>>
      %dma_start3A_70 = tpu.memref_squeeze %dma_start3A_69 : memref<1x128xi32, #tpu.memory_space<vmem>> -> memref<128xi32, #tpu.memory_space<vmem>>
      %dma_start3A_71 = arith.constant 0 : i32
      %dma_start3A_72 = arith.constant 0 : i32
      %dma_start3A_73 = tpu.memref_slice %arg2[%dma_start3A_71, %dma_start3A_72] : memref<100000x128xf32, #tpu.memory_space<hbm>> -> memref<100000x128xf32, #tpu.memory_space<hbm>>
      tpu.enqueue_indirect_dma source(%dma_start3A_73 : memref<100000x128xf32, #tpu.memory_space<hbm>>) target(%dma_start3A_67 : memref<128x128xf32, #tpu.memory_space<vmem>>) offsets(%dma_start3A_70 : memref<128xi32, #tpu.memory_space<vmem>>) semaphore(%arg13 : memref<!tpu.dma_semaphore, #tpu.memory_space<semaphore_mem>>)
      %dma_wait3A_74 = arith.constant 0 : i32
      %dma_wait3A_75 = arith.constant 0 : i32
      %dma_wait3A_76 = tpu.memref_slice %arg2[%dma_wait3A_74, %dma_wait3A_75] : memref<100000x128xf32, #tpu.memory_space<hbm>> -> memref<256x128xf32, #tpu.memory_space<hbm>>
      %dma_wait3A_77 = arith.constant 0 : i32
      %dma_wait3A_78 = arith.constant 0 : i32
      %dma_wait3A_79 = tpu.memref_slice %arg2[%dma_wait3A_77, %dma_wait3A_78] : memref<100000x128xf32, #tpu.memory_space<hbm>> -> memref<256x128xf32, #tpu.memory_space<hbm>>
      tpu.wait_dma2 semaphore(%arg13 : memref<!tpu.dma_semaphore, #tpu.memory_space<semaphore_mem>>) src(%dma_wait3A_79 : memref<256x128xf32, #tpu.memory_space<hbm>>) dst(%arg9 : memref<256x128xf32, #tpu.memory_space<vmem>>)
      %mul3A_80 = arith.constant 32 : i32
      %mul3A_81 = arith.muli %add3A, %mul3A_80 : i32
      %mul3A_82 = arith.constant 128 : i32
      %mul3A_83 = arith.muli %mul3A_81, %mul3A_82 : i32
      %mul3A_84 = arith.constant 256 : i32
      %mul3A_85 = arith.muli %mul3A_45, %mul3A_84 : i32
      %add3A_86 = arith.addi %mul3A_83, %mul3A_85 : i32
      "tpu.region"() ({
        %run_scoped3A = tpu.sem_alloc : memref<!tpu.dma_semaphore, #tpu.memory_space<semaphore_mem>>
        %dma_start3A_104 = arith.constant 0 : i32
        %dma_start3A_105 = tpu.memref_slice %arg6[%add3A_86, %dma_start3A_104] : memref<131072x128xf32, #tpu.memory_space<hbm>> -> memref<256x128xf32, #tpu.memory_space<hbm>>
        %dma_start3A_106 = arith.constant 0 : i32
        %dma_start3A_107 = tpu.memref_slice %arg6[%add3A_86, %dma_start3A_106] : memref<131072x128xf32, #tpu.memory_space<hbm>> -> memref<256x128xf32, #tpu.memory_space<hbm>>
        tpu.enqueue_dma source(%arg9 : memref<256x128xf32, #tpu.memory_space<vmem>>) target(%dma_start3A_107 : memref<256x128xf32, #tpu.memory_space<hbm>>) target_semaphore(%run_scoped3A : memref<!tpu.dma_semaphore, #tpu.memory_space<semaphore_mem>>)
        %dma_wait3A_108 = arith.constant 0 : i32
        %dma_wait3A_109 = tpu.memref_slice %arg6[%add3A_86, %dma_wait3A_108] : memref<131072x128xf32, #tpu.memory_space<hbm>> -> memref<256x128xf32, #tpu.memory_space<hbm>>
        %dma_wait3A_110 = arith.constant 0 : i32
        %dma_wait3A_111 = tpu.memref_slice %arg6[%add3A_86, %dma_wait3A_110] : memref<131072x128xf32, #tpu.memory_space<hbm>> -> memref<256x128xf32, #tpu.memory_space<hbm>>
        tpu.wait_dma2 semaphore(%run_scoped3A : memref<!tpu.dma_semaphore, #tpu.memory_space<semaphore_mem>>) src(%arg9 : memref<256x128xf32, #tpu.memory_space<vmem>>) dst(%dma_wait3A_111 : memref<256x128xf32, #tpu.memory_space<hbm>>)
        tpu.yield
      }) : () -> ()
      %lt3A = arith.constant 7 : i32
      %lt3A_87 = arith.cmpi slt, %scan3A_43, %lt3A : i32
      %convert_element_type3A = arith.extui %lt3A_87 : i1 to i32
      %cond3A = arith.constant 0 : i32
      %cond3A_88 = arith.cmpi ne, %convert_element_type3A, %cond3A : i32
      scf.if %cond3A_88 {
        %add3A_104 = arith.constant 2 : i32
        %add3A_105 = arith.addi %mul3A_45, %add3A_104 : i32
        %mul3A_106 = arith.constant 2 : i32
        %mul3A_107 = arith.muli %add3A_105, %mul3A_106 : i32
        %add3A_108 = arith.constant 0 : i32
        %add3A_109 = arith.addi %mul3A_107, %add3A_108 : i32
        %dma_start3A_110 = arith.constant 0 : i32
        %dma_start3A_111 = arith.constant 0 : i32
        %dma_start3A_112 = tpu.memref_slice %arg9[%dma_start3A_110, %dma_start3A_111] : memref<256x128xf32, #tpu.memory_space<vmem>> -> memref<128x128xf32, #tpu.memory_space<vmem>>
        %dma_start3A_113 = arith.constant 0 : i32
        %dma_start3A_114 = tpu.memref_slice %arg8[%add3A_109, %dma_start3A_113] : memref<32x128xi32, #tpu.memory_space<vmem>> -> memref<1x128xi32, #tpu.memory_space<vmem>>
        %dma_start3A_115 = tpu.memref_squeeze %dma_start3A_114 : memref<1x128xi32, #tpu.memory_space<vmem>> -> memref<128xi32, #tpu.memory_space<vmem>>
        %dma_start3A_116 = arith.constant 0 : i32
        %dma_start3A_117 = arith.constant 0 : i32
        %dma_start3A_118 = tpu.memref_slice %arg2[%dma_start3A_116, %dma_start3A_117] : memref<100000x128xf32, #tpu.memory_space<hbm>> -> memref<100000x128xf32, #tpu.memory_space<hbm>>
        tpu.enqueue_indirect_dma source(%dma_start3A_118 : memref<100000x128xf32, #tpu.memory_space<hbm>>) target(%dma_start3A_112 : memref<128x128xf32, #tpu.memory_space<vmem>>) offsets(%dma_start3A_115 : memref<128xi32, #tpu.memory_space<vmem>>) semaphore(%arg13 : memref<!tpu.dma_semaphore, #tpu.memory_space<semaphore_mem>>)
        %mul3A_119 = arith.constant 2 : i32
        %mul3A_120 = arith.muli %add3A_105, %mul3A_119 : i32
        %add3A_121 = arith.constant 1 : i32
        %add3A_122 = arith.addi %mul3A_120, %add3A_121 : i32
        %dma_start3A_123 = arith.constant 128 : i32
        %dma_start3A_124 = arith.constant 0 : i32
        %dma_start3A_125 = tpu.memref_slice %arg9[%dma_start3A_123, %dma_start3A_124] : memref<256x128xf32, #tpu.memory_space<vmem>> -> memref<128x128xf32, #tpu.memory_space<vmem>>
        %dma_start3A_126 = arith.constant 0 : i32
        %dma_start3A_127 = tpu.memref_slice %arg8[%add3A_122, %dma_start3A_126] : memref<32x128xi32, #tpu.memory_space<vmem>> -> memref<1x128xi32, #tpu.memory_space<vmem>>
        %dma_start3A_128 = tpu.memref_squeeze %dma_start3A_127 : memref<1x128xi32, #tpu.memory_space<vmem>> -> memref<128xi32, #tpu.memory_space<vmem>>
        %dma_start3A_129 = arith.constant 0 : i32
        %dma_start3A_130 = arith.constant 0 : i32
        %dma_start3A_131 = tpu.memref_slice %arg2[%dma_start3A_129, %dma_start3A_130] : memref<100000x128xf32, #tpu.memory_space<hbm>> -> memref<100000x128xf32, #tpu.memory_space<hbm>>
        tpu.enqueue_indirect_dma source(%dma_start3A_131 : memref<100000x128xf32, #tpu.memory_space<hbm>>) target(%dma_start3A_125 : memref<128x128xf32, #tpu.memory_space<vmem>>) offsets(%dma_start3A_128 : memref<128xi32, #tpu.memory_space<vmem>>) semaphore(%arg13 : memref<!tpu.dma_semaphore, #tpu.memory_space<semaphore_mem>>)
      } else {
      }
      %dma_wait3A_89 = arith.constant 0 : i32
      %dma_wait3A_90 = arith.constant 0 : i32
      %dma_wait3A_91 = tpu.memref_slice %arg2[%dma_wait3A_89, %dma_wait3A_90] : memref<100000x128xf32, #tpu.memory_space<hbm>> -> memref<256x128xf32, #tpu.memory_space<hbm>>
      %dma_wait3A_92 = arith.constant 0 : i32
      %dma_wait3A_93 = arith.constant 0 : i32
      %dma_wait3A_94 = tpu.memref_slice %arg2[%dma_wait3A_92, %dma_wait3A_93] : memref<100000x128xf32, #tpu.memory_space<hbm>> -> memref<256x128xf32, #tpu.memory_space<hbm>>
      tpu.wait_dma2 semaphore(%arg13 : memref<!tpu.dma_semaphore, #tpu.memory_space<semaphore_mem>>) src(%dma_wait3A_94 : memref<256x128xf32, #tpu.memory_space<hbm>>) dst(%arg10 : memref<256x128xf32, #tpu.memory_space<vmem>>)
      %add3A_95 = arith.constant 1 : i32
      %add3A_96 = arith.addi %mul3A_45, %add3A_95 : i32
      %mul3A_97 = arith.constant 32 : i32
      %mul3A_98 = arith.muli %add3A, %mul3A_97 : i32
      %mul3A_99 = arith.constant 128 : i32
      %mul3A_100 = arith.muli %mul3A_98, %mul3A_99 : i32
      %mul3A_101 = arith.constant 256 : i32
      %mul3A_102 = arith.muli %add3A_96, %mul3A_101 : i32
      %add3A_103 = arith.addi %mul3A_100, %mul3A_102 : i32
      "tpu.region"() ({
        %run_scoped3A = tpu.sem_alloc : memref<!tpu.dma_semaphore, #tpu.memory_space<semaphore_mem>>
        %dma_start3A_104 = arith.constant 0 : i32
        %dma_start3A_105 = tpu.memref_slice %arg6[%add3A_103, %dma_start3A_104] : memref<131072x128xf32, #tpu.memory_space<hbm>> -> memref<256x128xf32, #tpu.memory_space<hbm>>
        %dma_start3A_106 = arith.constant 0 : i32
        %dma_start3A_107 = tpu.memref_slice %arg6[%add3A_103, %dma_start3A_106] : memref<131072x128xf32, #tpu.memory_space<hbm>> -> memref<256x128xf32, #tpu.memory_space<hbm>>
        tpu.enqueue_dma source(%arg10 : memref<256x128xf32, #tpu.memory_space<vmem>>) target(%dma_start3A_107 : memref<256x128xf32, #tpu.memory_space<hbm>>) target_semaphore(%run_scoped3A : memref<!tpu.dma_semaphore, #tpu.memory_space<semaphore_mem>>)
        %dma_wait3A_108 = arith.constant 0 : i32
        %dma_wait3A_109 = tpu.memref_slice %arg6[%add3A_103, %dma_wait3A_108] : memref<131072x128xf32, #tpu.memory_space<hbm>> -> memref<256x128xf32, #tpu.memory_space<hbm>>
        %dma_wait3A_110 = arith.constant 0 : i32
        %dma_wait3A_111 = tpu.memref_slice %arg6[%add3A_103, %dma_wait3A_110] : memref<131072x128xf32, #tpu.memory_space<hbm>> -> memref<256x128xf32, #tpu.memory_space<hbm>>
        tpu.wait_dma2 semaphore(%run_scoped3A : memref<!tpu.dma_semaphore, #tpu.memory_space<semaphore_mem>>) src(%arg10 : memref<256x128xf32, #tpu.memory_space<vmem>>) dst(%dma_wait3A_111 : memref<256x128xf32, #tpu.memory_space<hbm>>)
        tpu.yield
      }) : () -> ()
    }
    %scan3A_24 = arith.constant 8 : i32
    %mul3A_25 = arith.constant 1 : i32
    %mul3A_26 = arith.muli %add3A, %mul3A_25 : i32
    "tpu.region"() ({
      %run_scoped3A = tpu.sem_alloc : memref<!tpu.dma_semaphore, #tpu.memory_space<semaphore_mem>>
      %dma_start3A_43 = arith.constant 0 : i32
      %dma_start3A_44 = tpu.memref_slice %arg5[%mul3A_26, %dma_start3A_43] : memref<32x128xi32, #tpu.memory_space<hbm>> -> memref<1x128xi32, #tpu.memory_space<hbm>>
      %dma_start3A_45 = arith.constant 0 : i32
      %dma_start3A_46 = tpu.memref_slice %arg5[%mul3A_26, %dma_start3A_45] : memref<32x128xi32, #tpu.memory_space<hbm>> -> memref<1x128xi32, #tpu.memory_space<hbm>>
      tpu.enqueue_dma source(%dma_start3A_46 : memref<1x128xi32, #tpu.memory_space<hbm>>) target(%arg12 : memref<1x128xi32, #tpu.memory_space<vmem>>) target_semaphore(%run_scoped3A : memref<!tpu.dma_semaphore, #tpu.memory_space<semaphore_mem>>)
      %dma_wait3A_47 = arith.constant 0 : i32
      %dma_wait3A_48 = tpu.memref_slice %arg5[%mul3A_26, %dma_wait3A_47] : memref<32x128xi32, #tpu.memory_space<hbm>> -> memref<1x128xi32, #tpu.memory_space<hbm>>
      %dma_wait3A_49 = arith.constant 0 : i32
      %dma_wait3A_50 = tpu.memref_slice %arg5[%mul3A_26, %dma_wait3A_49] : memref<32x128xi32, #tpu.memory_space<hbm>> -> memref<1x128xi32, #tpu.memory_space<hbm>>
      tpu.wait_dma2 semaphore(%run_scoped3A : memref<!tpu.dma_semaphore, #tpu.memory_space<semaphore_mem>>) src(%dma_wait3A_50 : memref<1x128xi32, #tpu.memory_space<hbm>>) dst(%arg12 : memref<1x128xi32, #tpu.memory_space<vmem>>)
      tpu.yield
    }) : () -> ()
    %dma_start3A_27 = arith.constant 0 : i32
    %dma_start3A_28 = arith.constant 0 : i32
    %dma_start3A_29 = tpu.memref_slice %arg12[%dma_start3A_27, %dma_start3A_28] : memref<1x128xi32, #tpu.memory_space<vmem>> -> memref<1x128xi32, #tpu.memory_space<vmem>>
    %dma_start3A_30 = tpu.memref_squeeze %dma_start3A_29 : memref<1x128xi32, #tpu.memory_space<vmem>> -> memref<128xi32, #tpu.memory_space<vmem>>
    %dma_start3A_31 = arith.constant 0 : i32
    %dma_start3A_32 = arith.constant 0 : i32
    %dma_start3A_33 = tpu.memref_slice %arg3[%dma_start3A_31, %dma_start3A_32] : memref<100000x128xf32, #tpu.memory_space<hbm>> -> memref<100000x128xf32, #tpu.memory_space<hbm>>
    tpu.enqueue_indirect_dma source(%dma_start3A_33 : memref<100000x128xf32, #tpu.memory_space<hbm>>) target(%arg11 : memref<128x128xf32, #tpu.memory_space<vmem>>) offsets(%dma_start3A_30 : memref<128xi32, #tpu.memory_space<vmem>>) semaphore(%arg13 : memref<!tpu.dma_semaphore, #tpu.memory_space<semaphore_mem>>)
    %dma_wait3A = arith.constant 0 : i32
    %dma_wait3A_34 = arith.constant 0 : i32
    %dma_wait3A_35 = tpu.memref_slice %arg3[%dma_wait3A, %dma_wait3A_34] : memref<100000x128xf32, #tpu.memory_space<hbm>> -> memref<128x128xf32, #tpu.memory_space<hbm>>
    %dma_wait3A_36 = arith.constant 0 : i32
    %dma_wait3A_37 = arith.constant 0 : i32
    %dma_wait3A_38 = tpu.memref_slice %arg3[%dma_wait3A_36, %dma_wait3A_37] : memref<100000x128xf32, #tpu.memory_space<hbm>> -> memref<128x128xf32, #tpu.memory_space<hbm>>
    tpu.wait_dma2 semaphore(%arg13 : memref<!tpu.dma_semaphore, #tpu.memory_space<semaphore_mem>>) src(%dma_wait3A_38 : memref<128x128xf32, #tpu.memory_space<hbm>>) dst(%arg11 : memref<128x128xf32, #tpu.memory_space<vmem>>)
    %mul3A_39 = arith.constant 128 : i32
    %mul3A_40 = arith.muli %add3A, %mul3A_39 : i32
    %add3A_41 = arith.constant 0 : i32
    %add3A_42 = arith.addi %mul3A_40, %add3A_41 : i32
    "tpu.region"() ({
      %run_scoped3A = tpu.sem_alloc : memref<!tpu.dma_semaphore, #tpu.memory_space<semaphore_mem>>
      %dma_start3A_43 = arith.constant 0 : i32
      %dma_start3A_44 = tpu.memref_slice %arg7[%add3A_42, %dma_start3A_43] : memref<4096x128xf32, #tpu.memory_space<hbm>> -> memref<128x128xf32, #tpu.memory_space<hbm>>
      %dma_start3A_45 = arith.constant 0 : i32
      %dma_start3A_46 = tpu.memref_slice %arg7[%add3A_42, %dma_start3A_45] : memref<4096x128xf32, #tpu.memory_space<hbm>> -> memref<128x128xf32, #tpu.memory_space<hbm>>
      tpu.enqueue_dma source(%arg11 : memref<128x128xf32, #tpu.memory_space<vmem>>) target(%dma_start3A_46 : memref<128x128xf32, #tpu.memory_space<hbm>>) target_semaphore(%run_scoped3A : memref<!tpu.dma_semaphore, #tpu.memory_space<semaphore_mem>>)
      %dma_wait3A_47 = arith.constant 0 : i32
      %dma_wait3A_48 = tpu.memref_slice %arg7[%add3A_42, %dma_wait3A_47] : memref<4096x128xf32, #tpu.memory_space<hbm>> -> memref<128x128xf32, #tpu.memory_space<hbm>>
      %dma_wait3A_49 = arith.constant 0 : i32
      %dma_wait3A_50 = tpu.memref_slice %arg7[%add3A_42, %dma_wait3A_49] : memref<4096x128xf32, #tpu.memory_space<hbm>> -> memref<128x128xf32, #tpu.memory_space<hbm>>
      tpu.wait_dma2 semaphore(%run_scoped3A : memref<!tpu.dma_semaphore, #tpu.memory_space<semaphore_mem>>) src(%arg11 : memref<128x128xf32, #tpu.memory_space<vmem>>) dst(%dma_wait3A_50 : memref<128x128xf32, #tpu.memory_space<hbm>>)
      tpu.yield
    }) : () -> ()
    return
  }
}

module attributes {stable_mosaic.version = 14 : i64} {
  func.func @_proj_kernel(%arg0: i32, %arg1: memref<10000x128xf32, #tpu.memory_space<vmem>>, %arg2: memref<128x128xf32, #tpu.memory_space<vmem>>, %arg3: memref<128x128xf32, #tpu.memory_space<vmem>>, %arg4: memref<10000x128xf32, #tpu.memory_space<vmem>>, %arg5: memref<10000x128xf32, #tpu.memory_space<vmem>>) attributes {dimension_semantics = [#tpu.dimension_semantics<arbitrary>], iteration_bounds = array<i64: 10>, scalar_prefetch = 0 : i64, scratch_operands = 0 : i64, tpu.core_type = #tpu.core_type<tc>, window_params = [{transform_indices = @transform_0, window_bounds = array<i64: 10000, 128>}, {pipeline_mode = #tpu.pipeline_mode<synchronous>, transform_indices = @transform_1, window_bounds = array<i64: 128, 128>}, {pipeline_mode = #tpu.pipeline_mode<synchronous>, transform_indices = @transform_2, window_bounds = array<i64: 128, 128>}, {transform_indices = @transform_3, window_bounds = array<i64: 10000, 128>}, {transform_indices = @transform_4, window_bounds = array<i64: 10000, 128>}]} {
    %get3A = arith.constant 0 : index
    %get3A_0 = arith.constant 0 : index
    %get3A_1 = vector.load %arg1[%get3A, %get3A_0] : memref<10000x128xf32, #tpu.memory_space<vmem>>, vector<10000x128xf32>
    %get3A_2 = arith.constant 0 : index
    %get3A_3 = arith.constant 0 : index
    %get3A_4 = vector.load %arg2[%get3A_2, %get3A_3] : memref<128x128xf32, #tpu.memory_space<vmem>>, vector<128x128xf32>
    %dot_general3A = arith.constant dense<0.000000e+00> : vector<10000x128xf32>
    %dot_general3A_5 = tpu.matmul %get3A_1, %get3A_4, %dot_general3A {dimension_numbers = #tpu.dot_dimension_numbers<[1], [0], [0], [1], [0, 0, 1, 1], [], []>, transpose_lhs_hint = false} : vector<10000x128xf32>, vector<128x128xf32>, vector<10000x128xf32> -> vector<10000x128xf32>
    %swap3A = arith.constant 0 : index
    %swap3A_6 = arith.constant 0 : index
    %swap3A_7 = vector.load %arg4[%swap3A, %swap3A_6] : memref<10000x128xf32, #tpu.memory_space<vmem>>, vector<10000x128xf32>
    tpu.vector_store %arg4[%swap3A, %swap3A_6], %dot_general3A_5 {strides = array<i32>} : memref<10000x128xf32, #tpu.memory_space<vmem>>, vector<10000x128xf32>,
    %get3A_8 = arith.constant 0 : index
    %get3A_9 = arith.constant 0 : index
    %get3A_10 = vector.load %arg3[%get3A_8, %get3A_9] : memref<128x128xf32, #tpu.memory_space<vmem>>, vector<128x128xf32>
    %dot_general3A_11 = arith.constant dense<0.000000e+00> : vector<10000x128xf32>
    %dot_general3A_12 = tpu.matmul %get3A_1, %get3A_10, %dot_general3A_11 {dimension_numbers = #tpu.dot_dimension_numbers<[1], [0], [0], [1], [0, 0, 1, 1], [], []>, transpose_lhs_hint = false} : vector<10000x128xf32>, vector<128x128xf32>, vector<10000x128xf32> -> vector<10000x128xf32>
    %swap3A_13 = arith.constant 0 : index
    %swap3A_14 = arith.constant 0 : index
    %swap3A_15 = vector.load %arg5[%swap3A_13, %swap3A_14] : memref<10000x128xf32, #tpu.memory_space<vmem>>, vector<10000x128xf32>
    tpu.vector_store %arg5[%swap3A_13, %swap3A_14], %dot_general3A_12 {strides = array<i32>} : memref<10000x128xf32, #tpu.memory_space<vmem>>, vector<10000x128xf32>,
    return
  }
  func.func @transform_0(%arg0: i32) -> (i32, i32) {
    %c0_i32 = arith.constant 0 : i32
    %c0_i32_0 = arith.constant 0 : i32
    return %arg0, %c0_i32 : i32, i32
  }
  func.func @transform_1(%arg0: i32) -> (i32, i32) {
    %c0_i32 = arith.constant 0 : i32
    %c0_i32_0 = arith.constant 0 : i32
    %c0_i32_1 = arith.constant 0 : i32
    return %c0_i32, %c0_i32_0 : i32, i32
  }
  func.func @transform_2(%arg0: i32) -> (i32, i32) {
    %c0_i32 = arith.constant 0 : i32
    %c0_i32_0 = arith.constant 0 : i32
    %c0_i32_1 = arith.constant 0 : i32
    return %c0_i32, %c0_i32_0 : i32, i32
  }
  func.func @transform_3(%arg0: i32) -> (i32, i32) {
    %c0_i32 = arith.constant 0 : i32
    %c0_i32_0 = arith.constant 0 : i32
    return %arg0, %c0_i32 : i32, i32
  }
  func.func @transform_4(%arg0: i32) -> (i32, i32) {
    %c0_i32 = arith.constant 0 : i32
    %c0_i32_0 = arith.constant 0 : i32
    return %arg0, %c0_i32 : i32, i32
  }
}

module attributes {stable_mosaic.version = 14 : i64} {
  func.func @_ctab_kernel(%arg0: memref<8x128xf32, #tpu.memory_space<vmem>>, %arg1: memref<128x128xf32, #tpu.memory_space<vmem>>, %arg2: memref<1x128xf32, #tpu.memory_space<vmem>>, %arg3: memref<8x128xf32, #tpu.memory_space<vmem>>) attributes {dimension_semantics = [], scalar_prefetch = 0 : i64, scratch_operands = 0 : i64, tpu.core_type = #tpu.core_type<tc>} {
    %get3A = arith.constant 0 : index
    %get3A_0 = arith.constant 0 : index
    %get3A_1 = vector.load %arg0[%get3A, %get3A_0] : memref<8x128xf32, #tpu.memory_space<vmem>>, vector<8x128xf32>
    %get3A_2 = arith.constant 0 : index
    %get3A_3 = arith.constant 0 : index
    %get3A_4 = vector.load %arg1[%get3A_2, %get3A_3] : memref<128x128xf32, #tpu.memory_space<vmem>>, vector<128x128xf32>
    %dot_general3A = arith.constant dense<0.000000e+00> : vector<8x128xf32>
    %dot_general3A_5 = tpu.matmul %get3A_1, %get3A_4, %dot_general3A {dimension_numbers = #tpu.dot_dimension_numbers<[1], [0], [0], [1], [0, 0, 1, 1], [], []>, transpose_lhs_hint = false} : vector<8x128xf32>, vector<128x128xf32>, vector<8x128xf32> -> vector<8x128xf32>
    %get3A_6 = arith.constant 0 : index
    %get3A_7 = arith.constant 0 : index
    %get3A_8 = vector.load %arg2[%get3A_6, %get3A_7] : memref<1x128xf32, #tpu.memory_space<vmem>>, vector<1x128xf32>
    %add3A = vector.broadcast %get3A_8 : vector<1x128xf32> to vector<8x128xf32>
    %add3A_9 = arith.addf %dot_general3A_5, %add3A : vector<8x128xf32>
    %swap3A = arith.constant 0 : index
    %swap3A_10 = arith.constant 0 : index
    %swap3A_11 = vector.load %arg3[%swap3A, %swap3A_10] : memref<8x128xf32, #tpu.memory_space<vmem>>, vector<8x128xf32>
    tpu.vector_store %arg3[%swap3A, %swap3A_10], %add3A_9 {strides = array<i32>} : memref<8x128xf32, #tpu.memory_space<vmem>>, vector<8x128xf32>,
    return
  }
}

module attributes {stable_mosaic.version = 14 : i64} {
  func.func @_combine_kernel(%arg0: i32, %arg1: memref<4096x128xf32, #tpu.memory_space<vmem>>, %arg2: memref<1x1x4096xi32, #tpu.memory_space<vmem>>, %arg3: memref<8x128xf32, #tpu.memory_space<vmem>>, %arg4: memref<128x128xf32, #tpu.memory_space<vmem>>, %arg5: memref<128x128xf32, #tpu.memory_space<vmem>>, %arg6: memref<1x128xf32, #tpu.memory_space<vmem>>, %arg7: memref<128x128xf32, #tpu.memory_space<vmem>>) attributes {dimension_semantics = [#tpu.dimension_semantics<arbitrary>], iteration_bounds = array<i64: 32>, scalar_prefetch = 0 : i64, scratch_operands = 0 : i64, tpu.core_type = #tpu.core_type<tc>, window_params = [{transform_indices = @transform_0, window_bounds = array<i64: 4096, 128>}, {transform_indices = @transform_1, window_bounds = array<i64: 1, 1, 4096>}, {pipeline_mode = #tpu.pipeline_mode<synchronous>, transform_indices = @transform_2, window_bounds = array<i64: 8, 128>}, {transform_indices = @transform_3, window_bounds = array<i64: 128, 128>}, {pipeline_mode = #tpu.pipeline_mode<synchronous>, transform_indices = @transform_4, window_bounds = array<i64: 128, 128>}, {pipeline_mode = #tpu.pipeline_mode<synchronous>, transform_indices = @transform_5, window_bounds = array<i64: 1, 128>}, {transform_indices = @transform_6, window_bounds = array<i64: 128, 128>}]} {
    %get3A = arith.constant 0 : index
    %get3A_0 = arith.constant 0 : index
    %get3A_1 = vector.load %arg1[%get3A, %get3A_0] : memref<4096x128xf32, #tpu.memory_space<vmem>>, vector<4096x128xf32>
    %get3A_2 = arith.constant 0 : index
    %get3A_3 = arith.constant 0 : index
    %get3A_4 = arith.constant 0 : index
    %get3A_5 = vector.load %arg2[%get3A_2, %get3A_3, %get3A_4] : memref<1x1x4096xi32, #tpu.memory_space<vmem>>, vector<1x1x4096xi32>
    %get3A_6 = vector.shape_cast %get3A_5 : vector<1x1x4096xi32> to vector<4096xi32>
    %get3A_7 = arith.constant 0 : index
    %get3A_8 = arith.constant 0 : index
    %get3A_9 = vector.load %arg3[%get3A_7, %get3A_8] : memref<8x128xf32, #tpu.memory_space<vmem>>, vector<8x128xf32>
    %broadcast_in_dim3A = vector.shape_cast %get3A_6 : vector<4096xi32> to vector<4096x1xi32>
    %broadcast_in_dim3A_10 = vector.shape_cast %broadcast_in_dim3A : vector<4096x1xi32> to vector<4096x1xi32>
    %broadcast_in_dim3A_11 = vector.broadcast %broadcast_in_dim3A_10 : vector<4096x1xi32> to vector<4096x128xi32>
    %lt3A = arith.constant 0 : i32
    %lt3A_12 = vector.broadcast %lt3A : i32 to vector<4096x128xi32>
    %lt3A_13 = arith.cmpi slt, %broadcast_in_dim3A_11, %lt3A_12 : vector<4096x128xi32>
    %add3A = arith.constant 8 : i32
    %add3A_14 = vector.broadcast %add3A : i32 to vector<4096x128xi32>
    %add3A_15 = arith.addi %broadcast_in_dim3A_11, %add3A_14 : vector<4096x128xi32>
    %select_n3A = arith.select %lt3A_13, %add3A_15, %broadcast_in_dim3A_11 : vector<4096x128xi1>, vector<4096x128xi32>
    %reshape3A = vector.shape_cast %select_n3A : vector<4096x128xi32> to vector<4096x128x1xi32>
    %gather3A = vector.shape_cast %reshape3A : vector<4096x128x1xi32> to vector<4096x128xi32>
    %gather3A_16 = tpu.dynamic_gather %get3A_9[%gather3A] in [0] : vector<8x128xf32>, vector<4096x128xi32> -> vector<4096x128xf32>
    %add3A_17 = arith.addf %get3A_1, %gather3A_16 : vector<4096x128xf32>
    %max3A = arith.constant 0.000000e+00 : f32
    %max3A_18 = vector.broadcast %max3A : f32 to vector<4096x128xf32>
    %max3A_19 = arith.maximumf %add3A_17, %max3A_18 : vector<4096x128xf32>
    %reshape3A_20 = vector.shape_cast %max3A_19 : vector<4096x128xf32> to vector<128x32x128xf32>
    %reduce_sum3A = arith.constant dense<0.000000e+00> : vector<128x128xf32>
    %reduce_sum3A_21 = vector.multi_reduction <add>, %reshape3A_20, %reduce_sum3A [1] : vector<128x32x128xf32> to vector<128x128xf32>
    %mul3A = arith.constant 3.125000e-02 : f32
    %mul3A_22 = vector.broadcast %mul3A : f32 to vector<128x128xf32>
    %mul3A_23 = arith.mulf %reduce_sum3A_21, %mul3A_22 : vector<128x128xf32>
    %get3A_24 = arith.constant 0 : index
    %get3A_25 = arith.constant 0 : index
    %get3A_26 = vector.load %arg4[%get3A_24, %get3A_25] : memref<128x128xf32, #tpu.memory_space<vmem>>, vector<128x128xf32>
    %get3A_27 = arith.constant 0 : index
    %get3A_28 = arith.constant 0 : index
    %get3A_29 = vector.load %arg5[%get3A_27, %get3A_28] : memref<128x128xf32, #tpu.memory_space<vmem>>, vector<128x128xf32>
    %dot_general3A = arith.constant dense<0.000000e+00> : vector<128x128xf32>
    %dot_general3A_30 = tpu.matmul %mul3A_23, %get3A_29, %dot_general3A {dimension_numbers = #tpu.dot_dimension_numbers<[1], [0], [0], [1], [0, 0, 1, 1], [], []>, transpose_lhs_hint = false} : vector<128x128xf32>, vector<128x128xf32>, vector<128x128xf32> -> vector<128x128xf32>
    %add3A_31 = arith.addf %get3A_26, %dot_general3A_30 : vector<128x128xf32>
    %get3A_32 = arith.constant 0 : index
    %get3A_33 = arith.constant 0 : index
    %get3A_34 = vector.load %arg6[%get3A_32, %get3A_33] : memref<1x128xf32, #tpu.memory_space<vmem>>, vector<1x128xf32>
    %add3A_35 = vector.broadcast %get3A_34 : vector<1x128xf32> to vector<128x128xf32>
    %add3A_36 = arith.addf %add3A_31, %add3A_35 : vector<128x128xf32>
    %max3A_37 = arith.constant 0.000000e+00 : f32
    %max3A_38 = vector.broadcast %max3A_37 : f32 to vector<128x128xf32>
    %max3A_39 = arith.maximumf %add3A_36, %max3A_38 : vector<128x128xf32>
    %swap3A = arith.constant 0 : index
    %swap3A_40 = arith.constant 0 : index
    %swap3A_41 = vector.load %arg7[%swap3A, %swap3A_40] : memref<128x128xf32, #tpu.memory_space<vmem>>, vector<128x128xf32>
    tpu.vector_store %arg7[%swap3A, %swap3A_40], %max3A_39 {strides = array<i32>} : memref<128x128xf32, #tpu.memory_space<vmem>>, vector<128x128xf32>,
    return
  }
  func.func @transform_0(%arg0: i32) -> (i32, i32) {
    %c0_i32 = arith.constant 0 : i32
    %c0_i32_0 = arith.constant 0 : i32
    return %arg0, %c0_i32 : i32, i32
  }
  func.func @transform_1(%arg0: i32) -> (i32, i32, i32) {
    %c0_i32 = arith.constant 0 : i32
    %c0_i32_0 = arith.constant 0 : i32
    %c0_i32_1 = arith.constant 0 : i32
    return %arg0, %c0_i32, %c0_i32_0 : i32, i32, i32
  }
  func.func @transform_2(%arg0: i32) -> (i32, i32) {
    %c0_i32 = arith.constant 0 : i32
    %c0_i32_0 = arith.constant 0 : i32
    %c0_i32_1 = arith.constant 0 : i32
    return %c0_i32, %c0_i32_0 : i32, i32
  }
  func.func @transform_3(%arg0: i32) -> (i32, i32) {
    %c0_i32 = arith.constant 0 : i32
    %c0_i32_0 = arith.constant 0 : i32
    return %arg0, %c0_i32 : i32, i32
  }
  func.func @transform_4(%arg0: i32) -> (i32, i32) {
    %c0_i32 = arith.constant 0 : i32
    %c0_i32_0 = arith.constant 0 : i32
    %c0_i32_1 = arith.constant 0 : i32
    return %c0_i32, %c0_i32_0 : i32, i32
  }
  func.func @transform_5(%arg0: i32) -> (i32, i32) {
    %c0_i32 = arith.constant 0 : i32
    %c0_i32_0 = arith.constant 0 : i32
    %c0_i32_1 = arith.constant 0 : i32
    return %c0_i32, %c0_i32_0 : i32, i32
  }
  func.func @transform_6(%arg0: i32) -> (i32, i32) {
    %c0_i32 = arith.constant 0 : i32
    %c0_i32_0 = arith.constant 0 : i32
    return %arg0, %c0_i32 : i32, i32
  }
}

</mosaic_0001>

<sc_bundles>
// kernel: kernel.12.cloned.1.call-start
scs
__scs_entry_jumppad:
0x0: {  	(pc) =	sbr.rel $0x88, $3  }
0x1: {  	(tag) =	ssettag $0x0;
	lr =	simm.s32 $0x1  }
0x2: {  	[smem:$0x3F98] =	sst lr;
	_ =	strace $0xD0000000  }
0x3: {  	_ = 	snop  }
0x4: {  	_ = 	snop  }
0x5: {  	_ = 	snop  }
0x6: {  	_ = 	snop  }
0x7: {  	_ = 	snop  }
__scs_overlays_trampoline_lowered:
0x8: {  	[smem:$0x3FA7] =	sst s0  }
0x9: {  	[smem:$0x3FA8] =	sst s1  }
0xa: {  	[smem:$0x3FA9] =	sst s2  }
0xb: {  	[smem:$0x3FAA] =	sst s3  }
0xc: {  	[smem:$0x3FAB] =	sst s4  }
0xd: {  	[smem:$0x3FAC] =	sst s5  }
0xe: {  	[smem:$0x3FAD] =	sst s6  }
0xf: {  	[smem:$0x3FAE] =	sst s7  }
0x10: {  	[smem:$0x3FAF] =	sst s8  }
0x11: {  	[smem:$0x3FB0] =	sst s9;
	s0 =	simm.s32 @!p0 $0x0  }
0x12: {  	s1 =	sld [smem:$0x3F96];
	s0 =	simm.s32 @p0 $0x1  }
0x13: {  	[smem:$0x3FB1] =	sst s0;
	s0 =	simm.s32 @!p1 $0x0  }
0x14: {  	s2 =	sld [smem:$0x3F95];
	s0 =	simm.s32 @p1 $0x1  }
0x15: {  	[smem:$0x3FB2] =	sst s0;
	s0 =	simm.s32 @!p2 $0x0  }
0x16: {  	s3 =	sld [smem:$0x3FDB];
	s0 =	simm.s32 @p2 $0x1  }
0x17: {  	s4 =	simm.s32 $0x1BF5;
	[smem:$0x3FB4] =	sst s0  }
0x18: {  	s0 =	sld [smem:$0x3F97];
	_ =	swait.ge [sflag:s4], $0x0  }
0x19: {  	s7 =	sld [smem:$0x3F98]  }
0x1a: {  	s8 =	sadd.s32 $0xFFFFE003, lr  }
0x1b: {  	s9 =	sadd.s32 $0xFFFFFEF7, lr;
	s5 =	simm.s32 $0xFFFFFFFF;
	p2 =	slt.u32 s8, $0xFFFFF086  }
0x1c: {  	p1 =	slt.u32 s9, $0xF7A;
	s5 =	simm.s32 @!p2 $0x0  }
0x1d: {  	s5 =	simm.s32 @p1 $0x1;
	p0 =	seq.s32 s7, s2  }
0x1e: {  	s7 =	smul.u32 @!p0 $0xF7A, s2;
	p2 =	seq.s32 @!p0 s5, $0x0  }
0x1f: {  	s9 =	smul.u32 $0xF7A, s1;
	s8 =	simm.s32 @!p0 $0x1BF5;
	p2 =	por !p2, p0  }
0x20: {  	[sflag:s8] =	ssyncset.s32 @!p0 $0xFFFFF086;
	s6 =	sadd.s32 @!p0 s3, s7;
	s7 =	simm.s32 @!p0 $0x108  }
0x21: {  	s3 =	sadd.s32 s3, s9;
	s6 =	sadd.s32 @!p0 $0x88, s6;
	s7 =	simm.s32 @p2 $0x1082  }
0x22: {  	[simem:s7], [sflag:s8] =	dma.local @!p0 [hbm:s6], $0xF7A  }
0x23: {  	s9 =	sor.u32 $0xD0000000, s2;
	s6 =	simm.s32 $0x108;
	_ =	swait.ge @!p0 [sflag:s8], $0x0  }
0x24: {  	s3 =	sadd.s32 $0x88, s3;
	s6 =	simm.s32 @!p1 $0x1082;
	[sflag:s4] =	ssyncset.s32 $0xFFFFF086  }
0x25: {  	[simem:s6], [sflag:s4] =	dma.local [hbm:s3], $0xF7A  }
0x26: {  	[smem:$0x3F98] =	sst s1;
	(tag) =	ssettag s2;
	_ =	strace s9  }
0x27: {  	s1 =	sld [smem:$0x3FA8]  }
0x28: {  	s2 =	sld [smem:$0x3FA9]  }
0x29: {  	s4 =	sld [smem:$0x3FAB]  }
0x2a: {  	p0 =	seq.s32 s5, $0x0;
	s5 =	sld [smem:$0x3FAC]  }
0x2b: {  	s6 =	sld [smem:$0x3FAD]  }
0x2c: {  	s7 =	sld [smem:$0x3FAE]  }
0x2d: {  	s3 =	simm.s32 $0x108;
	s8 =	sld [smem:$0x3FAF]  }
0x2e: {  	s3 =	simm.s32 @!p0 $0x1082;
	s9 =	sld [smem:$0x3FB0]  }
0x2f: {  	lr =	sadd.s32 s0, s3;
	s0 =	sld [smem:$0x3FA7]  }
0x30: {  	s3 =	sld [smem:$0x3FAA]  }
0x31: {  	[smem:$0x3FB3] =	sst s10  }
0x32: {  	s10 =	sld [smem:$0x3FB1];
	_ =	sdelay $0x3  }
0x33: {  	p0 =	seq.s32 s10, $0x1;
	s10 =	sld [smem:$0x3FB3];
	_ =	sdelay $0x3  }
0x34: {  	[smem:$0x3FB3] =	sst s10  }
0x35: {  	s10 =	sld [smem:$0x3FB2];
	_ =	sdelay $0x3  }
0x36: {  	p1 =	seq.s32 s10, $0x1;
	s10 =	sld [smem:$0x3FB3];
	_ =	sdelay $0x3  }
0x37: {  	[smem:$0x3FB3] =	sst s10  }
0x38: {  	s10 =	sld [smem:$0x3FB4]  }
0x39: {  	_ = 	snop;
	(pc) =	sbr.ind lr, $3  }
0x3a: {  	_ = 	snop  }
0x3b: {  	_ = 	snop  }
0x3c: {  	p2 =	seq.s32 s10, $0x1;
	s10 =	sld [smem:$0x3FB3]  }
0x3d: {  	_ =	shalt  }
0x3e: {  	_ =	shalt  }
0x3f: {  	_ =	shalt  }
0x40: {  	_ =	shalt  }
0x41: {  	_ =	shalt  }
0x42: {  	_ =	shalt  }
0x43: {  	_ =	shalt  }
0x44: {  	_ =	shalt  }
0x45: {  	_ =	shalt  }
0x46: {  	_ =	shalt  }
0x47: {  	_ =	shalt  }
0x48: {  	_ =	shalt  }
0x49: {  	_ =	shalt  }
0x4a: {  	_ =	shalt  }
0x4b: {  	_ =	shalt  }
0x4c: {  	_ =	shalt  }
0x4d: {  	_ =	shalt  }
0x4e: {  	_ =	shalt  }
0x4f: {  	_ =	shalt  }
0x50: {  	_ =	shalt  }
0x51: {  	_ =	shalt  }
0x52: {  	_ =	shalt  }
0x53: {  	_ =	shalt  }
0x54: {  	_ =	shalt  }
0x55: {  	_ =	shalt  }
0x56: {  	_ =	shalt  }
0x57: {  	_ =	shalt  }
0x58: {  	_ =	shalt  }
0x59: {  	_ =	shalt  }
0x5a: {  	_ =	shalt  }
0x5b: {  	_ =	shalt  }
0x5c: {  	_ =	shalt  }
0x5d: {  	_ =	shalt  }
0x5e: {  	_ =	shalt  }
0x5f: {  	_ =	shalt  }
0x60: {  	_ =	shalt  }
0x61: {  	_ =	shalt  }
0x62: {  	_ =	shalt  }
0x63: {  	_ =	shalt  }
0x64: {  	_ =	shalt  }
0x65: {  	_ =	shalt  }
0x66: {  	_ =	shalt  }
0x67: {  	_ =	shalt  }
0x68: {  	_ =	shalt  }
0x69: {  	_ =	shalt  }
0x6a: {  	_ =	shalt  }
0x6b: {  	_ =	shalt  }
0x6c: {  	_ =	shalt  }
0x6d: {  	_ =	shalt  }
0x6e: {  	_ =	shalt  }
0x6f: {  	_ =	shalt  }
0x70: {  	_ =	shalt  }
0x71: {  	_ =	shalt  }
0x72: {  	_ =	shalt  }
0x73: {  	_ =	shalt  }
0x74: {  	_ =	shalt  }
0x75: {  	_ =	shalt  }
0x76: {  	_ =	shalt  }
0x77: {  	_ =	shalt  }
0x78: {  	_ =	shalt  }
0x79: {  	_ =	shalt  }
0x7a: {  	_ =	shalt  }
0x7b: {  	_ =	shalt  }
0x7c: {  	_ =	shalt  }
0x7d: {  	_ =	shalt  }
0x7e: {  	_ =	shalt  }
0x7f: {  	_ =	shalt  }
0x80: {  	_ =	shalt  }
0x81: {  	_ =	shalt  }
0x82: {  	_ =	shalt  }
0x83: {  	_ =	shalt  }
0x84: {  	_ =	shalt  }
0x85: {  	_ =	shalt  }
0x86: {  	_ =	shalt  }
0x87: {  	_ =	shalt  }
.Lfunc_end0:
.L_simem_size_0:
called_computation_lowered:
.L_overlay_start_0:
0x88: {  	s2 =	sld [smem:$0x3FD9]  }
0x89: {  	s3 =	sld [smem:$0x3FFE];
	_ =	sdelay $0x1  }
0x8a: {  	s1 =	srdreg.scid  }
0x8b: {  	s0 =	sand.u32 $0x1, s1  }
0x8c: {  	s17 =	sshll.u32 s0, $0xA;
	s2 =	sadd.s32 s3, s2  }
0x8d: {  	s2 =	sadd.s32 s2, s17  }
0x8e: {  	[smem:$0x3FBF] =	sst s2  }
0x8f: {  	_ = 	snop  }
0x90: {  	s18 =	sld [smem:$0x3FD0];
	(tm) =	ssettm $0x1  }
0x91: {  	s19 =	sld [smem:$0x3FFB];
	_ =	sdelay $0x3  }
0x92: {  	_ =	strace s19  }
0x93: {  	s2 =	sld [smem:$0x3FFC];
	_ =	sdelay $0x3  }
0x94: {  	_ =	strace s2  }
0x95: {  	s2 =	sld [smem:$0x3FFD];
	_ =	sdelay $0x3  }
0x96: {  	_ =	strace s2  }
0x97: {  	_ =	strace $0x8FFFFFFF  }
0x98: {  	s20 =	sld [smem:$0x3FDB];
	_ =	sdelay $0x1  }
0x99: {  	s4 =	simm.s32 $_scs_section_size  }
0x9a: {  	s5 =	simm.s32 $_size__tile_overlayer_lowered;
	s6 =	simm.s32 $_tile_overlayer_lowered  }
0x9b: {  	s7 =	simm.s32 $0x1BFF;
	s21 =	sshll.u32 s6, $0x1;
	s4 =	sadd.s32 s4, s20  }
0x9c: {  	s22 =	simm.s32 $0x0;
	s5 =	sshll.u32 s5, $0x1;
	s6 =	sadd.s32 s21, s4  }
0x9d: {  	[timem:s22], [sflag:s7] =	dma.local [hbm:s6], s5  }
0x9e: {  	_ =	swait.ge [sflag:s7], s5  }
0x9f: {  	s5 =	ssub.s32 $0x0, s5;
	[sflag:s7] =	ssyncset.done $0x0  }
0xa0: {  	[sflag:s7] =	ssyncadd.s32 s5;
	_ =	sdelay $0x1  }
0xa1: {  	s23 =	simm.s32 $0x1B8B  }
0xa2: {  	_ =	swait.ge [sflag:s23], $0x1  }
0xa3: {  	[sflag:s23] =	ssyncset.done $0x0  }
0xa4: {  	[sflag:s23] =	ssyncadd.s32 $0xFFFFFFFF  }
0xa5: {  	s5 =	sld [smem:$0x0]  }
0xa6: {  	s6 =	sand.u32 $0xFFFFFFFE, s1  }
0xa7: {  	p0 =	sne.s32 s1, s6  }
0xa8: {  	s6 =	sshll.u32 @p0 s6, $0xE  }
0xa9: {  	s6 =	sadd.s32 @p0 $0x11B8D, s6;
	s7 =	sshll.u32 @p0 s5, $0x11  }
0xaa: {  	s6 =	sor.u32 @p0 s7, s6  }
0xab: {  	[sflag:s6] =	ssyncadd.remote.s32 @p0 $0x1;
	_ =	sdelay $0x1  }
0xac: {  	s6 =	simm.s32 @p0 $0x1B8D  }
0xad: {  	_ =	swait.eq @p0 [sflag:s6], $0x1  }
0xae: {  	[sflag:s6] =	ssyncadd.s32 @p0 $0xFFFFFFFF  }
0xaf: {  	s7 =	sshll.u32 @!p0 s1, $0xE  }
0xb0: {  	s7 =	sor.u32 @!p0 $0x4000, s7;
	s6 =	simm.s32 @!p0 $0x1B8D  }
0xb1: {  	s5 =	sshll.u32 @!p0 s5, $0x11;
	s7 =	sadd.s32 @!p0 $0x11B8D, s7;
	_ =	swait.eq @!p0 [sflag:s6], $0x1  }
0xb2: {  	s5 =	sor.u32 @!p0 s5, s7;
	[sflag:s6] =	ssyncadd.s32 @!p0 $0xFFFFFFFF  }
0xb3: {  	s25 =	simm.s32 $0x1B8E;
	s24 =	sld [smem:$0x3FFE];
	[sflag:s5] =	ssyncadd.remote.s32 @!p0 $0x1  }
0xb4: {  	s26 =	simm.s32 $execute0_lowered;
	[smem:$0x3FD2] =	sst s25  }
0xb5: {  	s6 =	sshll.u32 s26, $0x1;
	_ =	strace $0x8000004F;
	[dreg:$0x1] =	wrdreg $0xFFFFFFFF  }
0xb6: {  	s28 =	simm.s32 $_size_execute0_lowered;
	s4 =	sadd.s32 s4, s6;
	[dreg:$0x0] =	wrdreg $0x0  }
0xb7: {  	s6 =	sshll.u32 s28, $0x1;
	[dreg:$0x2] =	wrdreg s4  }
0xb8: {  	[dreg:$0x3] =	wrdreg s6  }
0xb9: {  	[dreg:$0x4] =	wrdreg $0xC0  }
0xba: {  	_ =	task [dreg:s22], $0x5FFFF  }
0xbb: {  	[dreg:$0x1] =	wrdreg $0xFFFFFFFF  }
0xbc: {  	[dreg:$0x0] =	wrdreg $0x60  }
0xbd: {  	[dreg:$0x2] =	wrdreg s24  }
0xbe: {  	[dreg:$0x3] =	wrdreg s18  }
0xbf: {  	[dreg:$0x4] =	wrdreg $0x9  }
0xc0: {  	_ =	task.clear_ibuf [dreg:s22], $0x5FFFF;
	_ =	strace $0x9000004F  }
0xc1: {  	s29 =	simm.s32 $0x9;
	_ =	strace $0x80000051  }
0xc2: {  	_ =	swait.ge [sflag:s29], $0x1  }
0xc3: {  	[sflag:s29] =	ssyncadd.s32 $0xFFFFFFFF  }
0xc4: {  	_ =	strace $0x90000051  }
0xc5: {  	_ =	sfence  }
0xc6: {  	s30 =	sld [smem:$0x0];
	_ =	sdelay $0x2  }
0xc7: {  	s31 =	sshll.u32 s1, $0xD;
	s1 =	sshrl.u32 s1, $0x2  }
0xc8: {  	s4 =	sand.u32 $0x4000, s31;
	s1 =	sadd.s32 s1, s30  }
0xc9: {  	s0 =	sor.u32 s4, s0;
	s1 =	sshll.u32 s1, $0x11  }
0xca: {  	s0 =	sor.u32 s1, s0  }
0xcb: {  	s0 =	sadd.s32 $0x8F2B, s0  }
0xcc: {  	[sflag:s0] =	ssyncadd.remote.s32 $0x1  }
0xcd: {  	_ =	sfence.sel $0xFFFF  }
0xce: {  	[dreg:$0x0] =	wrdreg $0xFFFFFFFF;
	(pc) =	sbr.abs _section_cstart, $3  }
0xcf: {  	[dreg:$0x1] =	wrdreg $0xFFFFFFFF  }
0xd0: {  	_ =	task.clear_ibuf [dreg:s22], $0x2FFFF;
	_ =	strace $0x9FFFFFFF  }
0xd1: {  	(tm) =	ssettm $0x7FFFFFFF  }
tec
execute0_lowered:
.L_overlay_start_1:
0x0: {  	(tag) =	ssettag $0x1  }
0x1: {  	s0 =	rddreg [dreg:$0x0]  }
0x2: {  	s1 =	rddreg [dreg:$0x1]  }
0x3: {  	s13 =	rddreg [dreg:$0x2];
	s2 =	simm.s32 $0x0;
	s3 =	srdreg.scid  }
0x4: {  	s4 =	stileid.u32;
	s14 =	simm.s32 $0x100;
	[smem:$0x7FF] =	sst s2  }
0x5: {  	s3 =	sand.u32 $0x1, s3;
	s4 =	sshll.u32 s4, $0x1;
	s5 =	sadd.s32 $0x198A00, s0  }
0x6: {  	_ =	strace $0x80000050;
	s4 =	sor.u32 s3, s4;
	[dreg:$0x3] =	wrdreg s5  }
0x7: {  	s15 =	simm.s32 $0x180;
	[dreg:$0x17] =	wrdreg s14;
	s6 =	sshll.u32 s4, $0x9  }
0x8: {  	s17 =	sshll.u32 s4, $0x10;
	s7 =	sshll.u32 s4, $0x4;
	s4 =	sshll.u32 s4, $0xB  }
0x9: {  	[dreg:$0x18] =	wrdreg s15;
	s16 =	sadd.s32 s6, s0;
	s1 =	sadd.s32 s1, s4  }
0xa: {  	s6 =	sadd.s32 s17, s0;
	s5 =	sadd.s32 $0x94F400, s16;
	[dreg:$0x7] =	wrdreg s1  }
0xb: {  	s7 =	sadd.s32 s7, s0;
	s18 =	sadd.s32 $0x953600, s6;
	[dreg:$0x4] =	wrdreg s5  }
0xc: {  	s19 =	sadd.s32 $0x953400, s7;
	[dreg:$0x5] =	wrdreg s18  }
0xd: {  	s20 =	sadd.s32 $0x961600, s6;
	[dreg:$0x6] =	wrdreg s19  }
0xe: {  	s21 =	sadd.s32 $0x962600, s6;
	[dreg:$0x8] =	wrdreg s20  }
0xf: {  	s22 =	sadd.s32 $0x954600, s6;
	[dreg:$0x9] =	wrdreg s21  }
0x10: {  	s23 =	sadd.s32 $0x955600, s6;
	[dreg:$0xa] =	wrdreg s22  }
0x11: {  	s24 =	sadd.s32 $0x956600, s6;
	[dreg:$0xb] =	wrdreg s23  }
0x12: {  	s25 =	sadd.s32 $0x957600, s6;
	[dreg:$0xc] =	wrdreg s24  }
0x13: {  	s31 =	simm.s32 $0x700;
	s26 =	sadd.s32 $0x958600, s6;
	[dreg:$0xd] =	wrdreg s25  }
0x14: {  	s29 =	simm.s32 $0x800;
	s4 =	sadd.s32 $0x959600, s6;
	[dreg:$0xe] =	wrdreg s26  }
0x15: {  	s30 =	simm.s32 $0x880;
	s7 =	sadd.s32 $0x95B600, s6;
	[dreg:$0xf] =	wrdreg s4  }
0x16: {  	s28 =	simm.s32 $0x980;
	s8 =	sadd.s32 $0x95C600, s6;
	[dreg:$0x11] =	wrdreg s7  }
0x17: {  	p0 =	por $0x0, $0x0;
	s9 =	sadd.s32 $0x95D600, s6;
	[dreg:$0x12] =	wrdreg s8  }
0x18: {  	s14 =	simm.s32 $0xF00;
	s10 =	sadd.s32 $0x95E600, s6;
	[dreg:$0x13] =	wrdreg s9  }
0x19: {  	s15 =	simm.s32 $0xF80;
	s11 =	sadd.s32 $0x95F600, s6;
	[dreg:$0x14] =	wrdreg s10  }
0x1a: {  	s17 =	ssub.s32 $0x2, s3;
	s12 =	sadd.s32 $0x960600, s6;
	[dreg:$0x15] =	wrdreg s11  }
0x1b: {  	s16 =	simm.s32 $0x200;
	s3 =	sshrl.u32 s17, $0x1;
	[dreg:$0x16] =	wrdreg s12  }
0x1c: {  	s5 =	sadd.s32 $0x95A600, s6;
	[dreg:$0x19] =	wrdreg s16;
	s18 =	simm.s32 $0x280  }
0x1d: {  	s19 =	simm.s32 $0x300;
	s1 =	ssub.s32 s17, s3;
	s20 =	simm.s32 $0x380  }
0x1e: {  	s21 =	simm.s32 $0x400;
	s3 =	simm.s32 $0x2;
	s22 =	simm.s32 $0x480  }
0x1f: {  	s4 =	simm.s32 $0x80;
	s23 =	simm.s32 $0x500;
	[dreg:$0x10] =	wrdreg s5  }
0x20: {  	s8 =	simm.s32 $0x1000;
	s24 =	simm.s32 $0x580;
	[dreg:$0x1a] =	wrdreg s18  }
0x21: {  	s12 =	simm.s32 $0x5000;
	s25 =	simm.s32 $0x600;
	[dreg:$0x1b] =	wrdreg s19  }
0x22: {  	s7 =	simm.s32 $0x9000;
	s26 =	simm.s32 $0x680;
	[dreg:$0x1c] =	wrdreg s20  }
0x23: {  	s10 =	simm.s32 $0xD000;
	s6 =	simm.s32 $0x1;
	[dreg:$0x1d] =	wrdreg s21  }
0x24: {  	s16 =	simm.s32 $0xE00;
	s17 =	simm.s32 $0xE80;
	[dreg:$0x1e] =	wrdreg s22  }
0x25: {  	s11 =	simm.s32 $0x15000;
	s1 =	smax.u32 s1, $0x1;
	[dreg:$0x1f] =	wrdreg s23  }
0x26: {  	s9 =	simm.s32 $0x11000;
	[smem:$0x7FB] =	sst s24;
	p1 =	sne.s32 s1, $0x1  }
.Ltmp0:
0x27: {  	s5 =	sadd.s32 $0x12000, s0;
	[smem:$0x7FC] =	sst s25;
	(pc) =	sbr.rel @!p1 .LBB2_1-.Ltmp0, $4  }
0x28: {  	[smem:$0x7FD] =	sst s26;
	s18 =	simm.s32 $0x780;
	s26 =	simm.s32 $0x900  }
0x29: {  	s24 =	simm.s32 $0xA00;
	s25 =	simm.s32 $0xA80;
	s22 =	simm.s32 $0xB00  }
0x2a: {  	s23 =	simm.s32 $0xB80;
	s20 =	simm.s32 $0xC00;
	s21 =	simm.s32 $0xC80  }
0x2b: {  	s19 =	simm.s32 $0xD80;
	s0 =	sadd.s32 $0xFFFFFFFF, s1;
	s1 =	rddreg [dreg:$0x4]  }
0x2c: {  	[tilespmem:s2], [sflag:$0x2] =	stream.linear.gather [hbm4b:s1+s2], $0x1000, $0x38;
	[tilespmem:$0x15080] =	vst v63  }
0x2d: {  	_ =	swait.ge [sflag:s3], $0x1000  }
0x2e: {  	[sflag:s3] =	ssyncset.done $0x0  }
0x2f: {  	[sflag:s3] =	ssyncadd.s32 $0xFFFFF000  }
0x30: {  	[tilespmem:s8], [sflag:$0x1] =	stream.indirect.gather [hbm4b:s5+s4], $0x80, s2, s4, $0xb8;
	[tilespmem:$0x15080] =	vst v63  }
0x31: {  	_ = 	snop  }
0x32: {  	[tilespmem:s12], [sflag:$0x1] =	stream.indirect.gather [hbm4b:s5+s4], $0x80, s4, s4, $0xb8;
	[tilespmem:$0x15080] =	vst v63  }
0x33: {  	s1 =	rddreg [dreg:$0x17]  }
0x34: {  	[tilespmem:s7], [sflag:$0x1] =	stream.indirect.gather [hbm4b:s5+s4], $0x80, s1, s4, $0xb8;
	[tilespmem:$0x15080] =	vst v63  }
0x35: {  	s13 =	smov.u32 s0;
	s0 =	rddreg [dreg:$0x18]  }
0x36: {  	[tilespmem:s10], [sflag:$0x1] =	stream.indirect.gather [hbm4b:s5+s4], $0x80, s0, s4, $0xb8;
	[tilespmem:$0x15080] =	vst v63  }
0x37: {  	_ =	swait.ge [sflag:s6], $0x8000  }
0x38: {  	[sflag:s6] =	ssyncset.done $0x0  }
0x39: {  	s1 =	rddreg [dreg:$0x5];
	[sflag:s6] =	ssyncadd.s32 $0xFFFF8000  }
0x3a: {  	[hbm4b:s1+s2] =	stream.linear.scatter [tilespmem:s8], [sflag:$0x2], $0x8000, $0x38;
	[tilespmem:$0x15080] =	vst v63  }
0x3b: {  	_ =	swait.ge [sflag:s3], $0x8000  }
0x3c: {  	[sflag:s3] =	ssyncset.done $0x0  }
0x3d: {  	s0 =	rddreg [dreg:$0x19];
	[sflag:s3] =	ssyncadd.s32 $0xFFFF8000  }
0x3e: {  	[tilespmem:s8], [sflag:$0x1] =	stream.indirect.gather [hbm4b:s5+s4], $0x80, s0, s4, $0xb8;
	[tilespmem:$0x15080] =	vst v63  }
0x3f: {  	s1 =	rddreg [dreg:$0x1a]  }
0x40: {  	[tilespmem:s12], [sflag:$0x1] =	stream.indirect.gather [hbm4b:s5+s4], $0x80, s1, s4, $0xb8;
	[tilespmem:$0x15080] =	vst v63  }
0x41: {  	_ =	swait.ge [sflag:s6], $0x8000  }
0x42: {  	[sflag:s6] =	ssyncset.done $0x0  }
0x43: {  	s1 =	rddreg [dreg:$0xa];
	[sflag:s6] =	ssyncadd.s32 $0xFFFF8000  }
0x44: {  	[hbm4b:s1+s2] =	stream.linear.scatter [tilespmem:s7], [sflag:$0x2], $0x8000, $0x38;
	[tilespmem:$0x15080] =	vst v63  }
0x45: {  	_ =	swait.ge [sflag:s3], $0x8000  }
0x46: {  	[sflag:s3] =	ssyncset.done $0x0  }
0x47: {  	s0 =	rddreg [dreg:$0x1b];
	[sflag:s3] =	ssyncadd.s32 $0xFFFF8000  }
0x48: {  	[tilespmem:s7], [sflag:$0x1] =	stream.indirect.gather [hbm4b:s5+s4], $0x80, s0, s4, $0xb8;
	[tilespmem:$0x15080] =	vst v63  }
0x49: {  	s1 =	rddreg [dreg:$0x1c]  }
0x4a: {  	[tilespmem:s10], [sflag:$0x1] =	stream.indirect.gather [hbm4b:s5+s4], $0x80, s1, s4, $0xb8;
	[tilespmem:$0x15080] =	vst v63  }
0x4b: {  	_ =	swait.ge [sflag:s6], $0x8000  }
0x4c: {  	[sflag:s6] =	ssyncset.done $0x0  }
0x4d: {  	s1 =	rddreg [dreg:$0xb];
	[sflag:s6] =	ssyncadd.s32 $0xFFFF8000  }
0x4e: {  	[hbm4b:s1+s2] =	stream.linear.scatter [tilespmem:s8], [sflag:$0x2], $0x8000, $0x38;
	[tilespmem:$0x15080] =	vst v63  }
0x4f: {  	_ =	swait.ge [sflag:s3], $0x8000  }
0x50: {  	[sflag:s3] =	ssyncset.done $0x0  }
0x51: {  	s0 =	rddreg [dreg:$0x1d];
	[sflag:s3] =	ssyncadd.s32 $0xFFFF8000  }
0x52: {  	[tilespmem:s8], [sflag:$0x1] =	stream.indirect.gather [hbm4b:s5+s4], $0x80, s0, s4, $0xb8;
	[tilespmem:$0x15080] =	vst v63  }
0x53: {  	s1 =	rddreg [dreg:$0x1e]  }
0x54: {  	[tilespmem:s12], [sflag:$0x1] =	stream.indirect.gather [hbm4b:s5+s4], $0x80, s1, s4, $0xb8;
	[tilespmem:$0x15080] =	vst v63  }
0x55: {  	_ =	swait.ge [sflag:s6], $0x8000  }
0x56: {  	[sflag:s6] =	ssyncset.done $0x0  }
0x57: {  	s1 =	rddreg [dreg:$0xc];
	[sflag:s6] =	ssyncadd.s32 $0xFFFF8000  }
0x58: {  	[hbm4b:s1+s2] =	stream.linear.scatter [tilespmem:s7], [sflag:$0x2], $0x8000, $0x38;
	[tilespmem:$0x15080] =	vst v63  }
0x59: {  	_ =	swait.ge [sflag:s3], $0x8000  }
0x5a: {  	s0 =	rddreg [dreg:$0x1f];
	[sflag:s3] =	ssyncset.done $0x0  }
0x5b: {  	s1 =	sld [smem:$0x7FB];
	[sflag:s3] =	ssyncadd.s32 $0xFFFF8000  }
0x5c: {  	[tilespmem:s7], [sflag:$0x1] =	stream.indirect.gather [hbm4b:s5+s4], $0x80, s0, s4, $0xb8;
	[tilespmem:$0x15080] =	vst v63  }
0x5d: {  	_ = 	snop  }
0x5e: {  	[tilespmem:s10], [sflag:$0x1] =	stream.indirect.gather [hbm4b:s5+s4], $0x80, s1, s4, $0xb8;
	[tilespmem:$0x15080] =	vst v63  }
0x5f: {  	_ =	swait.ge [sflag:s6], $0x8000  }
0x60: {  	[sflag:s6] =	ssyncset.done $0x0  }
0x61: {  	s1 =	rddreg [dreg:$0xd];
	[sflag:s6] =	ssyncadd.s32 $0xFFFF8000  }
0x62: {  	[hbm4b:s1+s2] =	stream.linear.scatter [tilespmem:s8], [sflag:$0x2], $0x8000, $0x38;
	[tilespmem:$0x15080] =	vst v63  }
0x63: {  	_ =	swait.ge [sflag:s3], $0x8000  }
0x64: {  	s0 =	sld [smem:$0x7FC]  }
0x65: {  	[sflag:s3] =	ssyncset.done $0x0  }
0x66: {  	s1 =	sld [smem:$0x7FD];
	[sflag:s3] =	ssyncadd.s32 $0xFFFF8000  }
0x67: {  	[tilespmem:s8], [sflag:$0x1] =	stream.indirect.gather [hbm4b:s5+s4], $0x80, s0, s4, $0xb8;
	[tilespmem:$0x15080] =	vst v63  }
0x68: {  	_ = 	snop  }
0x69: {  	[tilespmem:s12], [sflag:$0x1] =	stream.indirect.gather [hbm4b:s5+s4], $0x80, s1, s4, $0xb8;
	[tilespmem:$0x15080] =	vst v63  }
0x6a: {  	_ =	swait.ge [sflag:s6], $0x8000  }
0x6b: {  	[sflag:s6] =	ssyncset.done $0x0  }
0x6c: {  	s1 =	rddreg [dreg:$0xe];
	[sflag:s6] =	ssyncadd.s32 $0xFFFF8000  }
0x6d: {  	[hbm4b:s1+s2] =	stream.linear.scatter [tilespmem:s7], [sflag:$0x2], $0x8000, $0x38;
	[tilespmem:$0x15080] =	vst v63  }
0x6e: {  	_ =	swait.ge [sflag:s3], $0x8000  }
0x6f: {  	[sflag:s3] =	ssyncset.done $0x0  }
0x70: {  	[sflag:s3] =	ssyncadd.s32 $0xFFFF8000  }
0x71: {  	[tilespmem:s7], [sflag:$0x1] =	stream.indirect.gather [hbm4b:s5+s4], $0x80, s31, s4, $0xb8;
	[tilespmem:$0x15080] =	vst v63  }
0x72: {  	_ = 	snop  }
0x73: {  	[tilespmem:s10], [sflag:$0x1] =	stream.indirect.gather [hbm4b:s5+s4], $0x80, s18, s4, $0xb8;
	[tilespmem:$0x15080] =	vst v63  }
0x74: {  	_ =	swait.ge [sflag:s6], $0x8000  }
0x75: {  	[sflag:s6] =	ssyncset.done $0x0  }
0x76: {  	s1 =	rddreg [dreg:$0xf];
	[sflag:s6] =	ssyncadd.s32 $0xFFFF8000  }
0x77: {  	[hbm4b:s1+s2] =	stream.linear.scatter [tilespmem:s8], [sflag:$0x2], $0x8000, $0x38;
	[tilespmem:$0x15080] =	vst v63  }
0x78: {  	_ =	swait.ge [sflag:s3], $0x8000  }
0x79: {  	[sflag:s3] =	ssyncset.done $0x0  }
0x7a: {  	[sflag:s3] =	ssyncadd.s32 $0xFFFF8000  }
0x7b: {  	[tilespmem:s8], [sflag:$0x1] =	stream.indirect.gather [hbm4b:s5+s4], $0x80, s29, s4, $0xb8;
	[tilespmem:$0x15080] =	vst v63  }
0x7c: {  	_ = 	snop  }
0x7d: {  	[tilespmem:s12], [sflag:$0x1] =	stream.indirect.gather [hbm4b:s5+s4], $0x80, s30, s4, $0xb8;
	[tilespmem:$0x15080] =	vst v63  }
0x7e: {  	_ =	swait.ge [sflag:s6], $0x8000  }
0x7f: {  	[sflag:s6] =	ssyncset.done $0x0  }
0x80: {  	s1 =	rddreg [dreg:$0x10];
	[sflag:s6] =	ssyncadd.s32 $0xFFFF8000  }
0x81: {  	[hbm4b:s1+s2] =	stream.linear.scatter [tilespmem:s7], [sflag:$0x2], $0x8000, $0x38;
	[tilespmem:$0x15080] =	vst v63  }
0x82: {  	_ =	swait.ge [sflag:s3], $0x8000  }
0x83: {  	[sflag:s3] =	ssyncset.done $0x0  }
0x84: {  	[sflag:s3] =	ssyncadd.s32 $0xFFFF8000  }
0x85: {  	[tilespmem:s7], [sflag:$0x1] =	stream.indirect.gather [hbm4b:s5+s4], $0x80, s26, s4, $0xb8;
	[tilespmem:$0x15080] =	vst v63  }
0x86: {  	_ = 	snop  }
0x87: {  	[tilespmem:s10], [sflag:$0x1] =	stream.indirect.gather [hbm4b:s5+s4], $0x80, s28, s4, $0xb8;
	[tilespmem:$0x15080] =	vst v63  }
0x88: {  	_ =	swait.ge [sflag:s6], $0x8000  }
0x89: {  	[sflag:s6] =	ssyncset.done $0x0  }
0x8a: {  	s1 =	rddreg [dreg:$0x11];
	[sflag:s6] =	ssyncadd.s32 $0xFFFF8000  }
0x8b: {  	[hbm4b:s1+s2] =	stream.linear.scatter [tilespmem:s8], [sflag:$0x2], $0x8000, $0x38;
	[tilespmem:$0x15080] =	vst v63  }
0x8c: {  	_ =	swait.ge [sflag:s3], $0x8000  }
0x8d: {  	[sflag:s3] =	ssyncset.done $0x0  }
0x8e: {  	[sflag:s3] =	ssyncadd.s32 $0xFFFF8000  }
0x8f: {  	[tilespmem:s8], [sflag:$0x1] =	stream.indirect.gather [hbm4b:s5+s4], $0x80, s24, s4, $0xb8;
	[tilespmem:$0x15080] =	vst v63  }
0x90: {  	_ = 	snop  }
0x91: {  	[tilespmem:s12], [sflag:$0x1] =	stream.indirect.gather [hbm4b:s5+s4], $0x80, s25, s4, $0xb8;
	[tilespmem:$0x15080] =	vst v63  }
0x92: {  	_ =	swait.ge [sflag:s6], $0x8000  }
0x93: {  	[sflag:s6] =	ssyncset.done $0x0  }
0x94: {  	s1 =	rddreg [dreg:$0x12];
	[sflag:s6] =	ssyncadd.s32 $0xFFFF8000  }
0x95: {  	[hbm4b:s1+s2] =	stream.linear.scatter [tilespmem:s7], [sflag:$0x2], $0x8000, $0x38;
	[tilespmem:$0x15080] =	vst v63  }
0x96: {  	_ =	swait.ge [sflag:s3], $0x8000  }
0x97: {  	[sflag:s3] =	ssyncset.done $0x0  }
0x98: {  	[sflag:s3] =	ssyncadd.s32 $0xFFFF8000  }
0x99: {  	[tilespmem:s7], [sflag:$0x1] =	stream.indirect.gather [hbm4b:s5+s4], $0x80, s22, s4, $0xb8;
	[tilespmem:$0x15080] =	vst v63  }
0x9a: {  	_ = 	snop  }
0x9b: {  	[tilespmem:s10], [sflag:$0x1] =	stream.indirect.gather [hbm4b:s5+s4], $0x80, s23, s4, $0xb8;
	[tilespmem:$0x15080] =	vst v63  }
0x9c: {  	_ =	swait.ge [sflag:s6], $0x8000  }
0x9d: {  	[sflag:s6] =	ssyncset.done $0x0  }
0x9e: {  	s1 =	rddreg [dreg:$0x13];
	[sflag:s6] =	ssyncadd.s32 $0xFFFF8000  }
0x9f: {  	[hbm4b:s1+s2] =	stream.linear.scatter [tilespmem:s8], [sflag:$0x2], $0x8000, $0x38;
	[tilespmem:$0x15080] =	vst v63  }
0xa0: {  	_ =	swait.ge [sflag:s3], $0x8000  }
0xa1: {  	[sflag:s3] =	ssyncset.done $0x0  }
0xa2: {  	[sflag:s3] =	ssyncadd.s32 $0xFFFF8000  }
0xa3: {  	[tilespmem:s8], [sflag:$0x1] =	stream.indirect.gather [hbm4b:s5+s4], $0x80, s20, s4, $0xb8;
	[tilespmem:$0x15080] =	vst v63  }
0xa4: {  	_ = 	snop  }
0xa5: {  	[tilespmem:s12], [sflag:$0x1] =	stream.indirect.gather [hbm4b:s5+s4], $0x80, s21, s4, $0xb8;
	[tilespmem:$0x15080] =	vst v63  }
0xa6: {  	_ =	swait.ge [sflag:s6], $0x8000  }
0xa7: {  	[sflag:s6] =	ssyncset.done $0x0  }
0xa8: {  	s1 =	rddreg [dreg:$0x14];
	[sflag:s6] =	ssyncadd.s32 $0xFFFF8000  }
0xa9: {  	[hbm4b:s1+s2] =	stream.linear.scatter [tilespmem:s7], [sflag:$0x2], $0x8000, $0x38;
	[tilespmem:$0x15080] =	vst v63  }
0xaa: {  	_ =	swait.ge [sflag:s3], $0x8000  }
0xab: {  	[sflag:s3] =	ssyncset.done $0x0  }
0xac: {  	s1 =	simm.s32 $0xD00;
	[sflag:s3] =	ssyncadd.s32 $0xFFFF8000  }
0xad: {  	[tilespmem:s7], [sflag:$0x1] =	stream.indirect.gather [hbm4b:s5+s4], $0x80, s1, s4, $0xb8;
	[tilespmem:$0x15080] =	vst v63  }
0xae: {  	_ = 	snop  }
0xaf: {  	[tilespmem:s10], [sflag:$0x1] =	stream.indirect.gather [hbm4b:s5+s4], $0x80, s19, s4, $0xb8;
	[tilespmem:$0x15080] =	vst v63  }
0xb0: {  	_ =	swait.ge [sflag:s6], $0x8000  }
0xb1: {  	[sflag:s6] =	ssyncset.done $0x0  }
0xb2: {  	s1 =	rddreg [dreg:$0x15];
	[sflag:s6] =	ssyncadd.s32 $0xFFFF8000  }
0xb3: {  	[hbm4b:s1+s2] =	stream.linear.scatter [tilespmem:s8], [sflag:$0x2], $0x8000, $0x38;
	[tilespmem:$0x15080] =	vst v63  }
0xb4: {  	_ =	swait.ge [sflag:s3], $0x8000  }
0xb5: {  	[sflag:s3] =	ssyncset.done $0x0  }
0xb6: {  	[sflag:s3] =	ssyncadd.s32 $0xFFFF8000  }
0xb7: {  	[tilespmem:s8], [sflag:$0x1] =	stream.indirect.gather [hbm4b:s5+s4], $0x80, s16, s4, $0xb8;
	[tilespmem:$0x15080] =	vst v63  }
0xb8: {  	_ = 	snop  }
0xb9: {  	[tilespmem:s12], [sflag:$0x1] =	stream.indirect.gather [hbm4b:s5+s4], $0x80, s17, s4, $0xb8;
	[tilespmem:$0x15080] =	vst v63  }
0xba: {  	_ =	swait.ge [sflag:s6], $0x8000  }
0xbb: {  	[sflag:s6] =	ssyncset.done $0x0  }
0xbc: {  	s1 =	rddreg [dreg:$0x16];
	[sflag:s6] =	ssyncadd.s32 $0xFFFF8000  }
0xbd: {  	[hbm4b:s1+s2] =	stream.linear.scatter [tilespmem:s7], [sflag:$0x2], $0x8000, $0x38;
	[tilespmem:$0x15080] =	vst v63  }
0xbe: {  	_ =	swait.ge [sflag:s3], $0x8000  }
0xbf: {  	[sflag:s3] =	ssyncset.done $0x0  }
0xc0: {  	[sflag:s3] =	ssyncadd.s32 $0xFFFF8000  }
0xc1: {  	[tilespmem:s7], [sflag:$0x1] =	stream.indirect.gather [hbm4b:s5+s4], $0x80, s14, s4, $0xb8;
	[tilespmem:$0x15080] =	vst v63  }
0xc2: {  	_ = 	snop  }
0xc3: {  	[tilespmem:s10], [sflag:$0x1] =	stream.indirect.gather [hbm4b:s5+s4], $0x80, s15, s4, $0xb8;
	[tilespmem:$0x15080] =	vst v63  }
0xc4: {  	_ =	swait.ge [sflag:s6], $0x8000  }
0xc5: {  	[sflag:s6] =	ssyncset.done $0x0  }
0xc6: {  	s1 =	rddreg [dreg:$0x8];
	[sflag:s6] =	ssyncadd.s32 $0xFFFF8000  }
0xc7: {  	[hbm4b:s1+s2] =	stream.linear.scatter [tilespmem:s8], [sflag:$0x2], $0x8000, $0x38;
	[tilespmem:$0x15080] =	vst v63  }
0xc8: {  	_ =	swait.ge [sflag:s3], $0x8000  }
0xc9: {  	[sflag:s3] =	ssyncset.done $0x0  }
0xca: {  	[sflag:s3] =	ssyncadd.s32 $0xFFFF8000  }
0xcb: {  	_ =	swait.ge [sflag:s6], $0x8000  }
0xcc: {  	[sflag:s6] =	ssyncset.done $0x0  }
0xcd: {  	s1 =	rddreg [dreg:$0x9];
	[sflag:s6] =	ssyncadd.s32 $0xFFFF8000  }
0xce: {  	[hbm4b:s1+s2] =	stream.linear.scatter [tilespmem:s7], [sflag:$0x2], $0x8000, $0x38;
	[tilespmem:$0x15080] =	vst v63  }
0xcf: {  	_ =	swait.ge [sflag:s3], $0x8000  }
0xd0: {  	[sflag:s3] =	ssyncset.done $0x0  }
0xd1: {  	s1 =	rddreg [dreg:$0x6];
	[sflag:s3] =	ssyncadd.s32 $0xFFFF8000  }
0xd2: {  	[tilespmem:s11], [sflag:$0x2] =	stream.linear.gather [hbm4b:s1+s2], $0x80, $0x38;
	[tilespmem:$0x15080] =	vst v63  }
0xd3: {  	_ =	swait.ge [sflag:s3], $0x80  }
0xd4: {  	[sflag:s3] =	ssyncset.done $0x0  }
0xd5: {  	s1 =	rddreg [dreg:$0x3];
	[sflag:s3] =	ssyncadd.s32 $0xFFFFFF80  }
0xd6: {  	[tilespmem:s9], [sflag:$0x1] =	stream.indirect.gather [hbm4b:s1+s4], $0x80, s11, s4, $0xb8;
	[tilespmem:$0x15080] =	vst v63  }
0xd7: {  	p1 =	sne.s32 s13, $0x1;
	_ =	swait.ge [sflag:s6], $0x4000  }
.Ltmp1:
0xd8: {  	[sflag:s6] =	ssyncset.done $0x0;
	(pc) =	sbr.rel @!p1 .LBB2_3-.Ltmp1, $4  }
0xd9: {  	s1 =	rddreg [dreg:$0x7];
	[sflag:s6] =	ssyncadd.s32 $0xFFFFC000  }
0xda: {  	[hbm4b:s1+s2] =	stream.linear.scatter [tilespmem:s9], [sflag:$0x2], $0x4000, $0x38;
	[tilespmem:$0x15080] =	vst v63  }
0xdb: {  	p0 =	por $0x1, $0x1;
	_ =	swait.ge [sflag:s3], $0x4000  }
0xdc: {  	s0 =	sadd.s32 $0xFFFFFFFF, s13;
	s1 =	rddreg [dreg:$0x4];
	[sflag:s3] =	ssyncset.done $0x0  }
.LBB2_4:
0xdd: {  	[sflag:s3] =	ssyncadd.s32 $0xFFFFC000  }
0xde: {  	[tilespmem:s2], [sflag:$0x2] =	stream.linear.gather [hbm4b:s1+s2], $0x1000, $0x38;
	[tilespmem:$0x15080] =	vst v63  }
0xdf: {  	_ =	swait.ge [sflag:s3], $0x1000  }
0xe0: {  	[sflag:s3] =	ssyncset.done $0x0  }
0xe1: {  	[sflag:s3] =	ssyncadd.s32 $0xFFFFF000  }
0xe2: {  	[tilespmem:s8], [sflag:$0x1] =	stream.indirect.gather [hbm4b:s5+s4], $0x80, s2, s4, $0xb8;
	[tilespmem:$0x15080] =	vst v63  }
0xe3: {  	_ = 	snop  }
0xe4: {  	[tilespmem:s12], [sflag:$0x1] =	stream.indirect.gather [hbm4b:s5+s4], $0x80, s4, s4, $0xb8;
	[tilespmem:$0x15080] =	vst v63  }
0xe5: {  	s1 =	rddreg [dreg:$0x17]  }
0xe6: {  	[tilespmem:s7], [sflag:$0x1] =	stream.indirect.gather [hbm4b:s5+s4], $0x80, s1, s4, $0xb8;
	[tilespmem:$0x15080] =	vst v63  }
0xe7: {  	s13 =	rddreg [dreg:$0x18]  }
0xe8: {  	[tilespmem:s10], [sflag:$0x1] =	stream.indirect.gather [hbm4b:s5+s4], $0x80, s13, s4, $0xb8;
	[tilespmem:$0x15080] =	vst v63  }
0xe9: {  	_ =	swait.ge [sflag:s6], $0x8000  }
0xea: {  	[sflag:s6] =	ssyncset.done $0x0  }
0xeb: {  	s13 =	rddreg [dreg:$0x5];
	[sflag:s6] =	ssyncadd.s32 $0xFFFF8000  }
0xec: {  	[hbm4b:s13+s2] =	stream.linear.scatter [tilespmem:s8], [sflag:$0x2], $0x8000, $0x38;
	[tilespmem:$0x15080] =	vst v63  }
0xed: {  	_ =	swait.ge [sflag:s3], $0x8000  }
0xee: {  	[sflag:s3] =	ssyncset.done $0x0  }
0xef: {  	s1 =	rddreg [dreg:$0x19];
	[sflag:s3] =	ssyncadd.s32 $0xFFFF8000  }
0xf0: {  	[tilespmem:s8], [sflag:$0x1] =	stream.indirect.gather [hbm4b:s5+s4], $0x80, s1, s4, $0xb8;
	[tilespmem:$0x15080] =	vst v63  }
0xf1: {  	s13 =	rddreg [dreg:$0x1a]  }
0xf2: {  	[tilespmem:s12], [sflag:$0x1] =	stream.indirect.gather [hbm4b:s5+s4], $0x80, s13, s4, $0xb8;
	[tilespmem:$0x15080] =	vst v63  }
0xf3: {  	_ =	swait.ge [sflag:s6], $0x8000  }
0xf4: {  	[sflag:s6] =	ssyncset.done $0x0  }
0xf5: {  	s13 =	rddreg [dreg:$0xa];
	[sflag:s6] =	ssyncadd.s32 $0xFFFF8000  }
0xf6: {  	[hbm4b:s13+s2] =	stream.linear.scatter [tilespmem:s7], [sflag:$0x2], $0x8000, $0x38;
	[tilespmem:$0x15080] =	vst v63  }
0xf7: {  	_ =	swait.ge [sflag:s3], $0x8000  }
0xf8: {  	[sflag:s3] =	ssyncset.done $0x0  }
0xf9: {  	s1 =	rddreg [dreg:$0x1b];
	[sflag:s3] =	ssyncadd.s32 $0xFFFF8000  }
0xfa: {  	[tilespmem:s7], [sflag:$0x1] =	stream.indirect.gather [hbm4b:s5+s4], $0x80, s1, s4, $0xb8;
	[tilespmem:$0x15080] =	vst v63  }
0xfb: {  	s13 =	rddreg [dreg:$0x1c]  }
0xfc: {  	[tilespmem:s10], [sflag:$0x1] =	stream.indirect.gather [hbm4b:s5+s4], $0x80, s13, s4, $0xb8;
	[tilespmem:$0x15080] =	vst v63  }
0xfd: {  	_ =	swait.ge [sflag:s6], $0x8000  }
0xfe: {  	[sflag:s6] =	ssyncset.done $0x0  }
0xff: {  	s13 =	rddreg [dreg:$0xb];
	[sflag:s6] =	ssyncadd.s32 $0xFFFF8000  }
0x100: {  	[hbm4b:s13+s2] =	stream.linear.scatter [tilespmem:s8], [sflag:$0x2], $0x8000, $0x38;
	[tilespmem:$0x15080] =	vst v63  }
0x101: {  	_ =	swait.ge [sflag:s3], $0x8000  }
0x102: {  	[sflag:s3] =	ssyncset.done $0x0  }
0x103: {  	s1 =	rddreg [dreg:$0x1d];
	[sflag:s3] =	ssyncadd.s32 $0xFFFF8000  }
0x104: {  	[tilespmem:s8], [sflag:$0x1] =	stream.indirect.gather [hbm4b:s5+s4], $0x80, s1, s4, $0xb8;
	[tilespmem:$0x15080] =	vst v63  }
0x105: {  	s13 =	rddreg [dreg:$0x1e]  }
0x106: {  	[tilespmem:s12], [sflag:$0x1] =	stream.indirect.gather [hbm4b:s5+s4], $0x80, s13, s4, $0xb8;
	[tilespmem:$0x15080] =	vst v63  }
0x107: {  	_ =	swait.ge [sflag:s6], $0x8000  }
0x108: {  	[sflag:s6] =	ssyncset.done $0x0  }
0x109: {  	s13 =	rddreg [dreg:$0xc];
	[sflag:s6] =	ssyncadd.s32 $0xFFFF8000  }
0x10a: {  	[hbm4b:s13+s2] =	stream.linear.scatter [tilespmem:s7], [sflag:$0x2], $0x8000, $0x38;
	[tilespmem:$0x15080] =	vst v63  }
0x10b: {  	_ =	swait.ge [sflag:s3], $0x8000  }
0x10c: {  	s1 =	rddreg [dreg:$0x1f];
	[sflag:s3] =	ssyncset.done $0x0  }
0x10d: {  	s13 =	sld [smem:$0x7FB];
	[sflag:s3] =	ssyncadd.s32 $0xFFFF8000  }
0x10e: {  	[tilespmem:s7], [sflag:$0x1] =	stream.indirect.gather [hbm4b:s5+s4], $0x80, s1, s4, $0xb8;
	[tilespmem:$0x15080] =	vst v63  }
0x10f: {  	_ = 	snop  }
0x110: {  	[tilespmem:s10], [sflag:$0x1] =	stream.indirect.gather [hbm4b:s5+s4], $0x80, s13, s4, $0xb8;
	[tilespmem:$0x15080] =	vst v63  }
0x111: {  	_ =	swait.ge [sflag:s6], $0x8000  }
0x112: {  	[sflag:s6] =	ssyncset.done $0x0  }
0x113: {  	s13 =	rddreg [dreg:$0xd];
	[sflag:s6] =	ssyncadd.s32 $0xFFFF8000  }
0x114: {  	[hbm4b:s13+s2] =	stream.linear.scatter [tilespmem:s8], [sflag:$0x2], $0x8000, $0x38;
	[tilespmem:$0x15080] =	vst v63  }
0x115: {  	_ =	swait.ge [sflag:s3], $0x8000  }
0x116: {  	s1 =	sld [smem:$0x7FC]  }
0x117: {  	[sflag:s3] =	ssyncset.done $0x0  }
0x118: {  	s13 =	sld [smem:$0x7FD];
	[sflag:s3] =	ssyncadd.s32 $0xFFFF8000  }
0x119: {  	[tilespmem:s8], [sflag:$0x1] =	stream.indirect.gather [hbm4b:s5+s4], $0x80, s1, s4, $0xb8;
	[tilespmem:$0x15080] =	vst v63  }
0x11a: {  	_ = 	snop  }
0x11b: {  	[tilespmem:s12], [sflag:$0x1] =	stream.indirect.gather [hbm4b:s5+s4], $0x80, s13, s4, $0xb8;
	[tilespmem:$0x15080] =	vst v63  }
0x11c: {  	_ =	swait.ge [sflag:s6], $0x8000  }
0x11d: {  	[sflag:s6] =	ssyncset.done $0x0  }
0x11e: {  	s13 =	rddreg [dreg:$0xe];
	[sflag:s6] =	ssyncadd.s32 $0xFFFF8000  }
0x11f: {  	[hbm4b:s13+s2] =	stream.linear.scatter [tilespmem:s7], [sflag:$0x2], $0x8000, $0x38;
	[tilespmem:$0x15080] =	vst v63  }
0x120: {  	_ =	swait.ge [sflag:s3], $0x8000  }
0x121: {  	[sflag:s3] =	ssyncset.done $0x0  }
0x122: {  	[sflag:s3] =	ssyncadd.s32 $0xFFFF8000  }
0x123: {  	[tilespmem:s7], [sflag:$0x1] =	stream.indirect.gather [hbm4b:s5+s4], $0x80, s31, s4, $0xb8;
	[tilespmem:$0x15080] =	vst v63  }
0x124: {  	_ = 	snop  }
0x125: {  	[tilespmem:s10], [sflag:$0x1] =	stream.indirect.gather [hbm4b:s5+s4], $0x80, s18, s4, $0xb8;
	[tilespmem:$0x15080] =	vst v63  }
0x126: {  	_ =	swait.ge [sflag:s6], $0x8000  }
0x127: {  	[sflag:s6] =	ssyncset.done $0x0  }
0x128: {  	s13 =	rddreg [dreg:$0xf];
	[sflag:s6] =	ssyncadd.s32 $0xFFFF8000  }
0x129: {  	[hbm4b:s13+s2] =	stream.linear.scatter [tilespmem:s8], [sflag:$0x2], $0x8000, $0x38;
	[tilespmem:$0x15080] =	vst v63  }
0x12a: {  	_ =	swait.ge [sflag:s3], $0x8000  }
0x12b: {  	[sflag:s3] =	ssyncset.done $0x0  }
0x12c: {  	[sflag:s3] =	ssyncadd.s32 $0xFFFF8000  }
0x12d: {  	[tilespmem:s8], [sflag:$0x1] =	stream.indirect.gather [hbm4b:s5+s4], $0x80, s29, s4, $0xb8;
	[tilespmem:$0x15080] =	vst v63  }
0x12e: {  	_ = 	snop  }
0x12f: {  	[tilespmem:s12], [sflag:$0x1] =	stream.indirect.gather [hbm4b:s5+s4], $0x80, s30, s4, $0xb8;
	[tilespmem:$0x15080] =	vst v63  }
0x130: {  	_ =	swait.ge [sflag:s6], $0x8000  }
0x131: {  	[sflag:s6] =	ssyncset.done $0x0  }
0x132: {  	s13 =	rddreg [dreg:$0x10];
	[sflag:s6] =	ssyncadd.s32 $0xFFFF8000  }
0x133: {  	[hbm4b:s13+s2] =	stream.linear.scatter [tilespmem:s7], [sflag:$0x2], $0x8000, $0x38;
	[tilespmem:$0x15080] =	vst v63  }
0x134: {  	_ =	swait.ge [sflag:s3], $0x8000  }
0x135: {  	[sflag:s3] =	ssyncset.done $0x0  }
0x136: {  	[sflag:s3] =	ssyncadd.s32 $0xFFFF8000  }
0x137: {  	[tilespmem:s7], [sflag:$0x1] =	stream.indirect.gather [hbm4b:s5+s4], $0x80, s26, s4, $0xb8;
	[tilespmem:$0x15080] =	vst v63  }
0x138: {  	_ = 	snop  }
0x139: {  	[tilespmem:s10], [sflag:$0x1] =	stream.indirect.gather [hbm4b:s5+s4], $0x80, s28, s4, $0xb8;
	[tilespmem:$0x15080] =	vst v63  }
0x13a: {  	_ =	swait.ge [sflag:s6], $0x8000  }
0x13b: {  	[sflag:s6] =	ssyncset.done $0x0  }
0x13c: {  	s13 =	rddreg [dreg:$0x11];
	[sflag:s6] =	ssyncadd.s32 $0xFFFF8000  }
0x13d: {  	[hbm4b:s13+s2] =	stream.linear.scatter [tilespmem:s8], [sflag:$0x2], $0x8000, $0x38;
	[tilespmem:$0x15080] =	vst v63  }
0x13e: {  	_ =	swait.ge [sflag:s3], $0x8000  }
0x13f: {  	[sflag:s3] =	ssyncset.done $0x0  }
0x140: {  	[sflag:s3] =	ssyncadd.s32 $0xFFFF8000  }
0x141: {  	[tilespmem:s8], [sflag:$0x1] =	stream.indirect.gather [hbm4b:s5+s4], $0x80, s24, s4, $0xb8;
	[tilespmem:$0x15080] =	vst v63  }
0x142: {  	_ = 	snop  }
0x143: {  	[tilespmem:s12], [sflag:$0x1] =	stream.indirect.gather [hbm4b:s5+s4], $0x80, s25, s4, $0xb8;
	[tilespmem:$0x15080] =	vst v63  }
0x144: {  	_ =	swait.ge [sflag:s6], $0x8000  }
0x145: {  	[sflag:s6] =	ssyncset.done $0x0  }
0x146: {  	s13 =	rddreg [dreg:$0x12];
	[sflag:s6] =	ssyncadd.s32 $0xFFFF8000  }
0x147: {  	[hbm4b:s13+s2] =	stream.linear.scatter [tilespmem:s7], [sflag:$0x2], $0x8000, $0x38;
	[tilespmem:$0x15080] =	vst v63  }
0x148: {  	_ =	swait.ge [sflag:s3], $0x8000  }
0x149: {  	[sflag:s3] =	ssyncset.done $0x0  }
0x14a: {  	[sflag:s3] =	ssyncadd.s32 $0xFFFF8000  }
0x14b: {  	[tilespmem:s7], [sflag:$0x1] =	stream.indirect.gather [hbm4b:s5+s4], $0x80, s22, s4, $0xb8;
	[tilespmem:$0x15080] =	vst v63  }
0x14c: {  	_ = 	snop  }
0x14d: {  	[tilespmem:s10], [sflag:$0x1] =	stream.indirect.gather [hbm4b:s5+s4], $0x80, s23, s4, $0xb8;
	[tilespmem:$0x15080] =	vst v63  }
0x14e: {  	_ =	swait.ge [sflag:s6], $0x8000  }
0x14f: {  	[sflag:s6] =	ssyncset.done $0x0  }
0x150: {  	s13 =	rddreg [dreg:$0x13];
	[sflag:s6] =	ssyncadd.s32 $0xFFFF8000  }
0x151: {  	[hbm4b:s13+s2] =	stream.linear.scatter [tilespmem:s8], [sflag:$0x2], $0x8000, $0x38;
	[tilespmem:$0x15080] =	vst v63  }
0x152: {  	_ =	swait.ge [sflag:s3], $0x8000  }
0x153: {  	[sflag:s3] =	ssyncset.done $0x0  }
0x154: {  	[sflag:s3] =	ssyncadd.s32 $0xFFFF8000  }
0x155: {  	[tilespmem:s8], [sflag:$0x1] =	stream.indirect.gather [hbm4b:s5+s4], $0x80, s20, s4, $0xb8;
	[tilespmem:$0x15080] =	vst v63  }
0x156: {  	_ = 	snop  }
0x157: {  	[tilespmem:s12], [sflag:$0x1] =	stream.indirect.gather [hbm4b:s5+s4], $0x80, s21, s4, $0xb8;
	[tilespmem:$0x15080] =	vst v63  }
0x158: {  	_ =	swait.ge [sflag:s6], $0x8000  }
0x159: {  	[sflag:s6] =	ssyncset.done $0x0  }
0x15a: {  	s13 =	rddreg [dreg:$0x14];
	[sflag:s6] =	ssyncadd.s32 $0xFFFF8000  }
0x15b: {  	[hbm4b:s13+s2] =	stream.linear.scatter [tilespmem:s7], [sflag:$0x2], $0x8000, $0x38;
	[tilespmem:$0x15080] =	vst v63  }
0x15c: {  	_ =	swait.ge [sflag:s3], $0x8000  }
0x15d: {  	[sflag:s3] =	ssyncset.done $0x0  }
0x15e: {  	s13 =	simm.s32 $0xD00;
	[sflag:s3] =	ssyncadd.s32 $0xFFFF8000  }
0x15f: {  	[tilespmem:s7], [sflag:$0x1] =	stream.indirect.gather [hbm4b:s5+s4], $0x80, s13, s4, $0xb8;
	[tilespmem:$0x15080] =	vst v63  }
0x160: {  	_ = 	snop  }
0x161: {  	[tilespmem:s10], [sflag:$0x1] =	stream.indirect.gather [hbm4b:s5+s4], $0x80, s19, s4, $0xb8;
	[tilespmem:$0x15080] =	vst v63  }
0x162: {  	_ =	swait.ge [sflag:s6], $0x8000  }
0x163: {  	[sflag:s6] =	ssyncset.done $0x0  }
0x164: {  	s13 =	rddreg [dreg:$0x15];
	[sflag:s6] =	ssyncadd.s32 $0xFFFF8000  }
0x165: {  	[hbm4b:s13+s2] =	stream.linear.scatter [tilespmem:s8], [sflag:$0x2], $0x8000, $0x38;
	[tilespmem:$0x15080] =	vst v63  }
0x166: {  	_ =	swait.ge [sflag:s3], $0x8000  }
0x167: {  	[sflag:s3] =	ssyncset.done $0x0  }
0x168: {  	[sflag:s3] =	ssyncadd.s32 $0xFFFF8000  }
0x169: {  	[tilespmem:s8], [sflag:$0x1] =	stream.indirect.gather [hbm4b:s5+s4], $0x80, s16, s4, $0xb8;
	[tilespmem:$0x15080] =	vst v63  }
0x16a: {  	_ = 	snop  }
0x16b: {  	[tilespmem:s12], [sflag:$0x1] =	stream.indirect.gather [hbm4b:s5+s4], $0x80, s17, s4, $0xb8;
	[tilespmem:$0x15080] =	vst v63  }
0x16c: {  	_ =	swait.ge [sflag:s6], $0x8000  }
0x16d: {  	[sflag:s6] =	ssyncset.done $0x0  }
0x16e: {  	s13 =	rddreg [dreg:$0x16];
	[sflag:s6] =	ssyncadd.s32 $0xFFFF8000  }
0x16f: {  	[hbm4b:s13+s2] =	stream.linear.scatter [tilespmem:s7], [sflag:$0x2], $0x8000, $0x38;
	[tilespmem:$0x15080] =	vst v63  }
0x170: {  	_ =	swait.ge [sflag:s3], $0x8000  }
0x171: {  	[sflag:s3] =	ssyncset.done $0x0  }
0x172: {  	[sflag:s3] =	ssyncadd.s32 $0xFFFF8000  }
0x173: {  	[tilespmem:s7], [sflag:$0x1] =	stream.indirect.gather [hbm4b:s5+s4], $0x80, s14, s4, $0xb8;
	[tilespmem:$0x15080] =	vst v63  }
0x174: {  	_ = 	snop  }
0x175: {  	[tilespmem:s10], [sflag:$0x1] =	stream.indirect.gather [hbm4b:s5+s4], $0x80, s15, s4, $0xb8;
	[tilespmem:$0x15080] =	vst v63  }
0x176: {  	_ =	swait.ge [sflag:s6], $0x8000  }
0x177: {  	[sflag:s6] =	ssyncset.done $0x0  }
0x178: {  	s13 =	rddreg [dreg:$0x8];
	[sflag:s6] =	ssyncadd.s32 $0xFFFF8000  }
0x179: {  	[hbm4b:s13+s2] =	stream.linear.scatter [tilespmem:s8], [sflag:$0x2], $0x8000, $0x38;
	[tilespmem:$0x15080] =	vst v63  }
0x17a: {  	_ =	swait.ge [sflag:s3], $0x8000  }
0x17b: {  	[sflag:s3] =	ssyncset.done $0x0  }
0x17c: {  	[sflag:s3] =	ssyncadd.s32 $0xFFFF8000  }
0x17d: {  	_ =	swait.ge [sflag:s6], $0x8000  }
0x17e: {  	[sflag:s6] =	ssyncset.done $0x0  }
0x17f: {  	s13 =	rddreg [dreg:$0x9];
	[sflag:s6] =	ssyncadd.s32 $0xFFFF8000  }
0x180: {  	[hbm4b:s13+s2] =	stream.linear.scatter [tilespmem:s7], [sflag:$0x2], $0x8000, $0x38;
	[tilespmem:$0x15080] =	vst v63  }
0x181: {  	_ =	swait.ge [sflag:s3], $0x8000  }
0x182: {  	[sflag:s3] =	ssyncset.done $0x0  }
0x183: {  	s13 =	rddreg [dreg:$0x6];
	[sflag:s3] =	ssyncadd.s32 $0xFFFF8000  }
0x184: {  	[tilespmem:s11], [sflag:$0x2] =	stream.linear.gather [hbm4b:s13+s2], $0x80, $0x38;
	[tilespmem:$0x15080] =	vst v63  }
0x185: {  	_ =	swait.ge [sflag:s3], $0x80  }
0x186: {  	[sflag:s3] =	ssyncset.done $0x0  }
0x187: {  	s13 =	rddreg [dreg:$0x3];
	[sflag:s3] =	ssyncadd.s32 $0xFFFFFF80  }
0x188: {  	[tilespmem:s9], [sflag:$0x1] =	stream.indirect.gather [hbm4b:s13+s4], $0x80, s11, s4, $0xb8;
	[tilespmem:$0x15080] =	vst v63  }
0x189: {  	p1 =	sne.s32 s0, $0x1;
	_ =	swait.ge [sflag:s6], $0x4000  }
.Ltmp2:
0x18a: {  	[sflag:s6] =	ssyncset.done $0x0;
	(pc) =	sbr.rel @p1 .LBB2_4-.Ltmp2, $4  }
0x18b: {  	s13 =	rddreg [dreg:$0x7];
	[sflag:s6] =	ssyncadd.s32 $0xFFFFC000  }
0x18c: {  	[hbm4b:s13+s2] =	stream.linear.scatter [tilespmem:s9], [sflag:$0x2], $0x4000, $0x38;
	[tilespmem:$0x15080] =	vst v63  }
0x18d: {  	_ =	swait.ge [sflag:s3], $0x4000  }
0x18e: {  	s0 =	sadd.s32 $0xFFFFFFFF, s0;
	s1 =	rddreg [dreg:$0x4];
	[sflag:s3] =	ssyncset.done $0x0  }
0x18f: {  	s15 =	simm.s32 $0x780;
	s31 =	simm.s32 $0x700;
	s30 =	simm.s32 $0x880  }
0x190: {  	s29 =	simm.s32 $0x800;
	s28 =	simm.s32 $0x980;
	s26 =	simm.s32 $0x900  }
0x191: {  	s25 =	simm.s32 $0xA80;
	s24 =	simm.s32 $0xA00;
	s23 =	simm.s32 $0xB80  }
0x192: {  	s22 =	simm.s32 $0xB00;
	s21 =	simm.s32 $0xC80;
	s20 =	simm.s32 $0xC00  }
0x193: {  	s19 =	simm.s32 $0xD80;
	s18 =	simm.s32 $0xD00;
	s17 =	simm.s32 $0xE80  }
0x194: {  	s16 =	simm.s32 $0xE00;
	s14 =	simm.s32 $0xF00;
	s13 =	rddreg [dreg:$0x2]  }
.LBB2_6:
0x195: {  	[sflag:s3] =	ssyncadd.s32 @p0 $0xFFFFC000  }
0x196: {  	[tilespmem:s2], [sflag:$0x2] =	stream.linear.gather [hbm4b:s1+s2], $0x1000, $0x38;
	[tilespmem:$0x15080] =	vst v63  }
0x197: {  	_ =	swait.ge [sflag:s3], $0x1000  }
0x198: {  	[sflag:s3] =	ssyncset.done $0x0  }
0x199: {  	[sflag:s3] =	ssyncadd.s32 $0xFFFFF000  }
0x19a: {  	[tilespmem:s8], [sflag:$0x1] =	stream.indirect.gather [hbm4b:s5+s4], $0x80, s2, s4, $0xb8;
	[tilespmem:$0x15080] =	vst v63  }
0x19b: {  	_ = 	snop  }
0x19c: {  	[tilespmem:s12], [sflag:$0x1] =	stream.indirect.gather [hbm4b:s5+s4], $0x80, s4, s4, $0xb8;
	[tilespmem:$0x15080] =	vst v63  }
0x19d: {  	s0 =	rddreg [dreg:$0x17]  }
0x19e: {  	[tilespmem:s7], [sflag:$0x1] =	stream.indirect.gather [hbm4b:s5+s4], $0x80, s0, s4, $0xb8;
	[tilespmem:$0x15080] =	vst v63  }
0x19f: {  	s1 =	rddreg [dreg:$0x18]  }
0x1a0: {  	[tilespmem:s10], [sflag:$0x1] =	stream.indirect.gather [hbm4b:s5+s4], $0x80, s1, s4, $0xb8;
	[tilespmem:$0x15080] =	vst v63  }
0x1a1: {  	_ =	swait.ge [sflag:s6], $0x8000  }
0x1a2: {  	[sflag:s6] =	ssyncset.done $0x0  }
0x1a3: {  	s1 =	rddreg [dreg:$0x5];
	[sflag:s6] =	ssyncadd.s32 $0xFFFF8000  }
0x1a4: {  	[hbm4b:s1+s2] =	stream.linear.scatter [tilespmem:s8], [sflag:$0x2], $0x8000, $0x38;
	[tilespmem:$0x15080] =	vst v63  }
0x1a5: {  	_ =	swait.ge [sflag:s3], $0x8000  }
0x1a6: {  	[sflag:s3] =	ssyncset.done $0x0  }
0x1a7: {  	s0 =	rddreg [dreg:$0x19];
	[sflag:s3] =	ssyncadd.s32 $0xFFFF8000  }
0x1a8: {  	[tilespmem:s8], [sflag:$0x1] =	stream.indirect.gather [hbm4b:s5+s4], $0x80, s0, s4, $0xb8;
	[tilespmem:$0x15080] =	vst v63  }
0x1a9: {  	s1 =	rddreg [dreg:$0x1a]  }
0x1aa: {  	[tilespmem:s12], [sflag:$0x1] =	stream.indirect.gather [hbm4b:s5+s4], $0x80, s1, s4, $0xb8;
	[tilespmem:$0x15080] =	vst v63  }
0x1ab: {  	_ =	swait.ge [sflag:s6], $0x8000  }
0x1ac: {  	[sflag:s6] =	ssyncset.done $0x0  }
0x1ad: {  	s1 =	rddreg [dreg:$0xa];
	[sflag:s6] =	ssyncadd.s32 $0xFFFF8000  }
0x1ae: {  	[hbm4b:s1+s2] =	stream.linear.scatter [tilespmem:s7], [sflag:$0x2], $0x8000, $0x38;
	[tilespmem:$0x15080] =	vst v63  }
0x1af: {  	_ =	swait.ge [sflag:s3], $0x8000  }
0x1b0: {  	[sflag:s3] =	ssyncset.done $0x0  }
0x1b1: {  	s0 =	rddreg [dreg:$0x1b];
	[sflag:s3] =	ssyncadd.s32 $0xFFFF8000  }
0x1b2: {  	[tilespmem:s7], [sflag:$0x1] =	stream.indirect.gather [hbm4b:s5+s4], $0x80, s0, s4, $0xb8;
	[tilespmem:$0x15080] =	vst v63  }
0x1b3: {  	s1 =	rddreg [dreg:$0x1c]  }
0x1b4: {  	[tilespmem:s10], [sflag:$0x1] =	stream.indirect.gather [hbm4b:s5+s4], $0x80, s1, s4, $0xb8;
	[tilespmem:$0x15080] =	vst v63  }
0x1b5: {  	_ =	swait.ge [sflag:s6], $0x8000  }
0x1b6: {  	[sflag:s6] =	ssyncset.done $0x0  }
0x1b7: {  	s1 =	rddreg [dreg:$0xb];
	[sflag:s6] =	ssyncadd.s32 $0xFFFF8000  }
0x1b8: {  	[hbm4b:s1+s2] =	stream.linear.scatter [tilespmem:s8], [sflag:$0x2], $0x8000, $0x38;
	[tilespmem:$0x15080] =	vst v63  }
0x1b9: {  	_ =	swait.ge [sflag:s3], $0x8000  }
0x1ba: {  	[sflag:s3] =	ssyncset.done $0x0  }
0x1bb: {  	s0 =	rddreg [dreg:$0x1d];
	[sflag:s3] =	ssyncadd.s32 $0xFFFF8000  }
0x1bc: {  	[tilespmem:s8], [sflag:$0x1] =	stream.indirect.gather [hbm4b:s5+s4], $0x80, s0, s4, $0xb8;
	[tilespmem:$0x15080] =	vst v63  }
0x1bd: {  	s1 =	rddreg [dreg:$0x1e]  }
0x1be: {  	[tilespmem:s12], [sflag:$0x1] =	stream.indirect.gather [hbm4b:s5+s4], $0x80, s1, s4, $0xb8;
	[tilespmem:$0x15080] =	vst v63  }
0x1bf: {  	_ =	swait.ge [sflag:s6], $0x8000  }
0x1c0: {  	[sflag:s6] =	ssyncset.done $0x0  }
0x1c1: {  	s1 =	rddreg [dreg:$0xc];
	[sflag:s6] =	ssyncadd.s32 $0xFFFF8000  }
0x1c2: {  	[hbm4b:s1+s2] =	stream.linear.scatter [tilespmem:s7], [sflag:$0x2], $0x8000, $0x38;
	[tilespmem:$0x15080] =	vst v63  }
0x1c3: {  	_ =	swait.ge [sflag:s3], $0x8000  }
0x1c4: {  	s0 =	rddreg [dreg:$0x1f];
	[sflag:s3] =	ssyncset.done $0x0  }
0x1c5: {  	s1 =	sld [smem:$0x7FB];
	[sflag:s3] =	ssyncadd.s32 $0xFFFF8000  }
0x1c6: {  	[tilespmem:s7], [sflag:$0x1] =	stream.indirect.gather [hbm4b:s5+s4], $0x80, s0, s4, $0xb8;
	[tilespmem:$0x15080] =	vst v63  }
0x1c7: {  	_ = 	snop  }
0x1c8: {  	[tilespmem:s10], [sflag:$0x1] =	stream.indirect.gather [hbm4b:s5+s4], $0x80, s1, s4, $0xb8;
	[tilespmem:$0x15080] =	vst v63  }
0x1c9: {  	_ =	swait.ge [sflag:s6], $0x8000  }
0x1ca: {  	[sflag:s6] =	ssyncset.done $0x0  }
0x1cb: {  	s1 =	rddreg [dreg:$0xd];
	[sflag:s6] =	ssyncadd.s32 $0xFFFF8000  }
0x1cc: {  	[hbm4b:s1+s2] =	stream.linear.scatter [tilespmem:s8], [sflag:$0x2], $0x8000, $0x38;
	[tilespmem:$0x15080] =	vst v63  }
0x1cd: {  	_ =	swait.ge [sflag:s3], $0x8000  }
0x1ce: {  	s0 =	sld [smem:$0x7FC]  }
0x1cf: {  	[sflag:s3] =	ssyncset.done $0x0  }
0x1d0: {  	s1 =	sld [smem:$0x7FD];
	[sflag:s3] =	ssyncadd.s32 $0xFFFF8000  }
0x1d1: {  	[tilespmem:s8], [sflag:$0x1] =	stream.indirect.gather [hbm4b:s5+s4], $0x80, s0, s4, $0xb8;
	[tilespmem:$0x15080] =	vst v63  }
0x1d2: {  	_ = 	snop  }
0x1d3: {  	[tilespmem:s12], [sflag:$0x1] =	stream.indirect.gather [hbm4b:s5+s4], $0x80, s1, s4, $0xb8;
	[tilespmem:$0x15080] =	vst v63  }
0x1d4: {  	_ =	swait.ge [sflag:s6], $0x8000  }
0x1d5: {  	[sflag:s6] =	ssyncset.done $0x0  }
0x1d6: {  	s1 =	rddreg [dreg:$0xe];
	[sflag:s6] =	ssyncadd.s32 $0xFFFF8000  }
0x1d7: {  	[hbm4b:s1+s2] =	stream.linear.scatter [tilespmem:s7], [sflag:$0x2], $0x8000, $0x38;
	[tilespmem:$0x15080] =	vst v63  }
0x1d8: {  	_ =	swait.ge [sflag:s3], $0x8000  }
0x1d9: {  	[sflag:s3] =	ssyncset.done $0x0  }
0x1da: {  	[sflag:s3] =	ssyncadd.s32 $0xFFFF8000  }
0x1db: {  	[tilespmem:s7], [sflag:$0x1] =	stream.indirect.gather [hbm4b:s5+s4], $0x80, s31, s4, $0xb8;
	[tilespmem:$0x15080] =	vst v63  }
0x1dc: {  	_ = 	snop  }
0x1dd: {  	[tilespmem:s10], [sflag:$0x1] =	stream.indirect.gather [hbm4b:s5+s4], $0x80, s15, s4, $0xb8;
	[tilespmem:$0x15080] =	vst v63  }
0x1de: {  	_ =	swait.ge [sflag:s6], $0x8000  }
0x1df: {  	[sflag:s6] =	ssyncset.done $0x0  }
0x1e0: {  	s15 =	rddreg [dreg:$0xf];
	[sflag:s6] =	ssyncadd.s32 $0xFFFF8000  }
0x1e1: {  	[hbm4b:s15+s2] =	stream.linear.scatter [tilespmem:s8], [sflag:$0x2], $0x8000, $0x38;
	[tilespmem:$0x15080] =	vst v63  }
0x1e2: {  	_ =	swait.ge [sflag:s3], $0x8000  }
0x1e3: {  	[sflag:s3] =	ssyncset.done $0x0  }
0x1e4: {  	[sflag:s3] =	ssyncadd.s32 $0xFFFF8000  }
0x1e5: {  	[tilespmem:s8], [sflag:$0x1] =	stream.indirect.gather [hbm4b:s5+s4], $0x80, s29, s4, $0xb8;
	[tilespmem:$0x15080] =	vst v63  }
0x1e6: {  	_ = 	snop  }
0x1e7: {  	[tilespmem:s12], [sflag:$0x1] =	stream.indirect.gather [hbm4b:s5+s4], $0x80, s30, s4, $0xb8;
	[tilespmem:$0x15080] =	vst v63  }
0x1e8: {  	_ =	swait.ge [sflag:s6], $0x8000  }
0x1e9: {  	[sflag:s6] =	ssyncset.done $0x0  }
0x1ea: {  	s30 =	rddreg [dreg:$0x10];
	[sflag:s6] =	ssyncadd.s32 $0xFFFF8000  }
0x1eb: {  	[hbm4b:s30+s2] =	stream.linear.scatter [tilespmem:s7], [sflag:$0x2], $0x8000, $0x38;
	[tilespmem:$0x15080] =	vst v63  }
0x1ec: {  	_ =	swait.ge [sflag:s3], $0x8000  }
0x1ed: {  	[sflag:s3] =	ssyncset.done $0x0  }
0x1ee: {  	[sflag:s3] =	ssyncadd.s32 $0xFFFF8000  }
0x1ef: {  	[tilespmem:s7], [sflag:$0x1] =	stream.indirect.gather [hbm4b:s5+s4], $0x80, s26, s4, $0xb8;
	[tilespmem:$0x15080] =	vst v63  }
0x1f0: {  	_ = 	snop  }
0x1f1: {  	[tilespmem:s10], [sflag:$0x1] =	stream.indirect.gather [hbm4b:s5+s4], $0x80, s28, s4, $0xb8;
	[tilespmem:$0x15080] =	vst v63  }
0x1f2: {  	_ =	swait.ge [sflag:s6], $0x8000  }
0x1f3: {  	[sflag:s6] =	ssyncset.done $0x0  }
0x1f4: {  	s31 =	rddreg [dreg:$0x11];
	[sflag:s6] =	ssyncadd.s32 $0xFFFF8000  }
0x1f5: {  	[hbm4b:s31+s2] =	stream.linear.scatter [tilespmem:s8], [sflag:$0x2], $0x8000, $0x38;
	[tilespmem:$0x15080] =	vst v63  }
0x1f6: {  	_ =	swait.ge [sflag:s3], $0x8000  }
0x1f7: {  	[sflag:s3] =	ssyncset.done $0x0  }
0x1f8: {  	[sflag:s3] =	ssyncadd.s32 $0xFFFF8000  }
0x1f9: {  	[tilespmem:s8], [sflag:$0x1] =	stream.indirect.gather [hbm4b:s5+s4], $0x80, s24, s4, $0xb8;
	[tilespmem:$0x15080] =	vst v63  }
0x1fa: {  	_ = 	snop  }
0x1fb: {  	[tilespmem:s12], [sflag:$0x1] =	stream.indirect.gather [hbm4b:s5+s4], $0x80, s25, s4, $0xb8;
	[tilespmem:$0x15080] =	vst v63  }
0x1fc: {  	_ =	swait.ge [sflag:s6], $0x8000  }
0x1fd: {  	[sflag:s6] =	ssyncset.done $0x0  }
0x1fe: {  	s1 =	rddreg [dreg:$0x12];
	[sflag:s6] =	ssyncadd.s32 $0xFFFF8000  }
0x1ff: {  	[hbm4b:s1+s2] =	stream.linear.scatter [tilespmem:s7], [sflag:$0x2], $0x8000, $0x38;
	[tilespmem:$0x15080] =	vst v63  }
0x200: {  	_ =	swait.ge [sflag:s3], $0x8000  }
0x201: {  	[sflag:s3] =	ssyncset.done $0x0  }
0x202: {  	[sflag:s3] =	ssyncadd.s32 $0xFFFF8000  }
0x203: {  	[tilespmem:s7], [sflag:$0x1] =	stream.indirect.gather [hbm4b:s5+s4], $0x80, s22, s4, $0xb8;
	[tilespmem:$0x15080] =	vst v63  }
0x204: {  	_ = 	snop  }
0x205: {  	[tilespmem:s10], [sflag:$0x1] =	stream.indirect.gather [hbm4b:s5+s4], $0x80, s23, s4, $0xb8;
	[tilespmem:$0x15080] =	vst v63  }
0x206: {  	_ =	swait.ge [sflag:s6], $0x8000  }
0x207: {  	[sflag:s6] =	ssyncset.done $0x0  }
0x208: {  	s15 =	rddreg [dreg:$0x13];
	[sflag:s6] =	ssyncadd.s32 $0xFFFF8000  }
0x209: {  	[hbm4b:s15+s2] =	stream.linear.scatter [tilespmem:s8], [sflag:$0x2], $0x8000, $0x38;
	[tilespmem:$0x15080] =	vst v63  }
0x20a: {  	_ =	swait.ge [sflag:s3], $0x8000  }
0x20b: {  	[sflag:s3] =	ssyncset.done $0x0  }
0x20c: {  	[sflag:s3] =	ssyncadd.s32 $0xFFFF8000  }
0x20d: {  	[tilespmem:s8], [sflag:$0x1] =	stream.indirect.gather [hbm4b:s5+s4], $0x80, s20, s4, $0xb8;
	[tilespmem:$0x15080] =	vst v63  }
0x20e: {  	_ = 	snop  }
0x20f: {  	[tilespmem:s12], [sflag:$0x1] =	stream.indirect.gather [hbm4b:s5+s4], $0x80, s21, s4, $0xb8;
	[tilespmem:$0x15080] =	vst v63  }
0x210: {  	_ =	swait.ge [sflag:s6], $0x8000  }
0x211: {  	[sflag:s6] =	ssyncset.done $0x0  }
0x212: {  	s21 =	rddreg [dreg:$0x14];
	[sflag:s6] =	ssyncadd.s32 $0xFFFF8000  }
0x213: {  	[hbm4b:s21+s2] =	stream.linear.scatter [tilespmem:s7], [sflag:$0x2], $0x8000, $0x38;
	[tilespmem:$0x15080] =	vst v63  }
0x214: {  	_ =	swait.ge [sflag:s3], $0x8000  }
0x215: {  	[sflag:s3] =	ssyncset.done $0x0  }
0x216: {  	[sflag:s3] =	ssyncadd.s32 $0xFFFF8000  }
0x217: {  	[tilespmem:s7], [sflag:$0x1] =	stream.indirect.gather [hbm4b:s5+s4], $0x80, s18, s4, $0xb8;
	[tilespmem:$0x15080] =	vst v63  }
0x218: {  	_ = 	snop  }
0x219: {  	[tilespmem:s10], [sflag:$0x1] =	stream.indirect.gather [hbm4b:s5+s4], $0x80, s19, s4, $0xb8;
	[tilespmem:$0x15080] =	vst v63  }
0x21a: {  	_ =	swait.ge [sflag:s6], $0x8000  }
0x21b: {  	[sflag:s6] =	ssyncset.done $0x0  }
0x21c: {  	s22 =	rddreg [dreg:$0x15];
	[sflag:s6] =	ssyncadd.s32 $0xFFFF8000  }
0x21d: {  	[hbm4b:s22+s2] =	stream.linear.scatter [tilespmem:s8], [sflag:$0x2], $0x8000, $0x38;
	[tilespmem:$0x15080] =	vst v63  }
0x21e: {  	_ =	swait.ge [sflag:s3], $0x8000  }
0x21f: {  	[sflag:s3] =	ssyncset.done $0x0  }
0x220: {  	[sflag:s3] =	ssyncadd.s32 $0xFFFF8000  }
0x221: {  	[tilespmem:s8], [sflag:$0x1] =	stream.indirect.gather [hbm4b:s5+s4], $0x80, s16, s4, $0xb8;
	[tilespmem:$0x15080] =	vst v63  }
0x222: {  	_ = 	snop  }
0x223: {  	[tilespmem:s12], [sflag:$0x1] =	stream.indirect.gather [hbm4b:s5+s4], $0x80, s17, s4, $0xb8;
	[tilespmem:$0x15080] =	vst v63  }
0x224: {  	_ =	swait.ge [sflag:s6], $0x8000  }
0x225: {  	[sflag:s6] =	ssyncset.done $0x0  }
0x226: {  	s23 =	rddreg [dreg:$0x16];
	[sflag:s6] =	ssyncadd.s32 $0xFFFF8000  }
0x227: {  	[hbm4b:s23+s2] =	stream.linear.scatter [tilespmem:s7], [sflag:$0x2], $0x8000, $0x38;
	[tilespmem:$0x15080] =	vst v63  }
0x228: {  	_ =	swait.ge [sflag:s3], $0x8000  }
0x229: {  	[sflag:s3] =	ssyncset.done $0x0  }
0x22a: {  	[sflag:s3] =	ssyncadd.s32 $0xFFFF8000  }
0x22b: {  	[tilespmem:s7], [sflag:$0x1] =	stream.indirect.gather [hbm4b:s5+s4], $0x80, s14, s4, $0xb8;
	[tilespmem:$0x15080] =	vst v63  }
0x22c: {  	s24 =	simm.s32 $0xF80  }
0x22d: {  	[tilespmem:s10], [sflag:$0x1] =	stream.indirect.gather [hbm4b:s5+s4], $0x80, s24, s4, $0xb8;
	[tilespmem:$0x15080] =	vst v63  }
0x22e: {  	_ =	swait.ge [sflag:s6], $0x8000  }
0x22f: {  	[sflag:s6] =	ssyncset.done $0x0  }
0x230: {  	s25 =	rddreg [dreg:$0x8];
	[sflag:s6] =	ssyncadd.s32 $0xFFFF8000  }
0x231: {  	[hbm4b:s25+s2] =	stream.linear.scatter [tilespmem:s8], [sflag:$0x2], $0x8000, $0x38;
	[tilespmem:$0x15080] =	vst v63  }
0x232: {  	_ =	swait.ge [sflag:s3], $0x8000  }
0x233: {  	[sflag:s3] =	ssyncset.done $0x0  }
0x234: {  	[sflag:s3] =	ssyncadd.s32 $0xFFFF8000  }
0x235: {  	_ =	swait.ge [sflag:s6], $0x8000  }
0x236: {  	[sflag:s6] =	ssyncset.done $0x0  }
0x237: {  	s26 =	rddreg [dreg:$0x9];
	[sflag:s6] =	ssyncadd.s32 $0xFFFF8000  }
0x238: {  	[hbm4b:s26+s2] =	stream.linear.scatter [tilespmem:s7], [sflag:$0x2], $0x8000, $0x38;
	[tilespmem:$0x15080] =	vst v63  }
0x239: {  	_ =	swait.ge [sflag:s3], $0x8000  }
0x23a: {  	[sflag:s3] =	ssyncset.done $0x0  }
0x23b: {  	s28 =	rddreg [dreg:$0x6];
	[sflag:s3] =	ssyncadd.s32 $0xFFFF8000  }
0x23c: {  	[tilespmem:s11], [sflag:$0x2] =	stream.linear.gather [hbm4b:s28+s2], $0x80, $0x38;
	[tilespmem:$0x15080] =	vst v63  }
0x23d: {  	_ =	swait.ge [sflag:s3], $0x80  }
0x23e: {  	[sflag:s3] =	ssyncset.done $0x0  }
0x23f: {  	s29 =	rddreg [dreg:$0x3];
	[sflag:s3] =	ssyncadd.s32 $0xFFFFFF80  }
0x240: {  	[tilespmem:s9], [sflag:$0x1] =	stream.indirect.gather [hbm4b:s29+s4], $0x80, s11, s4, $0xb8;
	[tilespmem:$0x15080] =	vst v63  }
0x241: {  	_ =	swait.ge [sflag:s6], $0x4000  }
0x242: {  	[sflag:s6] =	ssyncset.done $0x0  }
0x243: {  	s30 =	rddreg [dreg:$0x7];
	[sflag:s6] =	ssyncadd.s32 $0xFFFFC000  }
0x244: {  	[hbm4b:s30+s2] =	stream.linear.scatter [tilespmem:s9], [sflag:$0x2], $0x4000, $0x38;
	[tilespmem:$0x15080] =	vst v63  }
0x245: {  	_ =	swait.ge [sflag:s3], $0x4000  }
0x246: {  	[sflag:s3] =	ssyncset.done $0x0  }
0x247: {  	[sflag:s3] =	ssyncadd.s32 $0xFFFFC000  }
0x248: {  	_ =	sfence.sel $0x180000  }
0x249: {  	s31 =	stileid.u32;
	[bflag:$0x0] =	sbarrier.arrive $0xFFFF  }
0x24a: {  	p0 =	sne.s32 s31, $0x0;
	_ =	strace $0x90000050  }
0x24b: {  	s0 =	sadd.s32 @!p0 $0x100000, s13;
	[bflag:$0x2] =	sbarrier.arrive $0xFFFF  }
0x24c: {  	[sflag:s0] =	ssyncadd.tile.s32 @!p0 $0x1;
	_ =	shalt  }
.LBB2_1:
0x24d: {  	s15 =	simm.s32 $0x780;
	s31 =	simm.s32 $0x700;
	s30 =	simm.s32 $0x880  }
.Ltmp3:
0x24e: {  	s29 =	simm.s32 $0x800;
	s28 =	simm.s32 $0x980;
	(pc) =	sbr.rel .LBB2_6-.Ltmp3, $4  }
0x24f: {  	s26 =	simm.s32 $0x900;
	s25 =	simm.s32 $0xA80;
	s24 =	simm.s32 $0xA00  }
0x250: {  	s23 =	simm.s32 $0xB80;
	s22 =	simm.s32 $0xB00;
	s21 =	simm.s32 $0xC80  }
0x251: {  	s20 =	simm.s32 $0xC00;
	s19 =	simm.s32 $0xD80;
	s18 =	simm.s32 $0xD00  }
0x252: {  	s17 =	simm.s32 $0xE80;
	s16 =	simm.s32 $0xE00;
	s14 =	simm.s32 $0xF00  }
.LBB2_3:
0x253: {  	s15 =	simm.s32 $0x780  }
0x254: {  	s31 =	simm.s32 $0x700;
	s30 =	simm.s32 $0x880;
	s29 =	simm.s32 $0x800  }
.Ltmp4:
0x255: {  	s28 =	simm.s32 $0x980;
	s26 =	simm.s32 $0x900;
	(pc) =	sbr.rel .LBB2_6-.Ltmp4, $4  }
0x256: {  	s25 =	simm.s32 $0xA80;
	s24 =	simm.s32 $0xA00;
	s23 =	simm.s32 $0xB80  }
0x257: {  	s22 =	simm.s32 $0xB00;
	s21 =	simm.s32 $0xC80;
	s20 =	simm.s32 $0xC00  }
0x258: {  	s19 =	simm.s32 $0xD80;
	s18 =	simm.s32 $0xD00;
	s17 =	simm.s32 $0xE80  }
0x259: {  	s16 =	simm.s32 $0xE00;
	s14 =	simm.s32 $0xF00;
	s13 =	rddreg [dreg:$0x2]  }
.Lfunc_end2:
_tile_overlayer_lowered:
.L_overlay_start_2:
0x25a: {  	(tag) =	ssettag $0x2  }
0x25b: {  	s0 =	rddreg [dreg:$0x0];
	s2 =	stileid.u32  }
0x25c: {  	s1 =	rddreg [dreg:$0x1];
	p0 =	sne.s32 s2, $0x0  }
0x25d: {  	s3 =	rddreg [dreg:$0x2];
	[bflag:$0x3] =	sbarrier.arrive $0xFFFF;
	s2 =	simm.s32 @!p0 $0x1C02  }
0x25e: {  	[timem:s3], [sflag:s2] =	dma.local @!p0 [hbm:s0], s1  }
0x25f: {  	s0 =	simm.s32 @!p0 $0x2  }
0x260: {  	_ =	swait.ge @!p0 [sflag:s0], s1  }
0x261: {  	s1 =	ssub.s32 @!p0 $0x0, s1;
	[sflag:s0] =	ssyncset.done @!p0 $0x0  }
0x262: {  	[sflag:s0] =	ssyncadd.s32 @!p0 s1  }
0x263: {  	[bflag:$0x3] =	sbarrier.arrive $0xFFFF  }
0x264: {  	_ =	shalt  }

// kernel: kernel.15.cloned.1.call-start
scs
__scs_entry_jumppad:
0x0: {  	(pc) =	sbr.rel $0x88, $3  }
0x1: {  	(tag) =	ssettag $0x0;
	lr =	simm.s32 $0x1  }
0x2: {  	[smem:$0x3F98] =	sst lr;
	_ =	strace $0xD0000000  }
0x3: {  	_ = 	snop  }
0x4: {  	_ = 	snop  }
0x5: {  	_ = 	snop  }
0x6: {  	_ = 	snop  }
0x7: {  	_ = 	snop  }
__scs_overlays_trampoline_lowered:
0x8: {  	[smem:$0x3FA7] =	sst s0  }
0x9: {  	[smem:$0x3FA8] =	sst s1  }
0xa: {  	[smem:$0x3FA9] =	sst s2  }
0xb: {  	[smem:$0x3FAA] =	sst s3  }
0xc: {  	[smem:$0x3FAB] =	sst s4  }
0xd: {  	[smem:$0x3FAC] =	sst s5  }
0xe: {  	[smem:$0x3FAD] =	sst s6  }
0xf: {  	[smem:$0x3FAE] =	sst s7  }
0x10: {  	[smem:$0x3FAF] =	sst s8  }
0x11: {  	[smem:$0x3FB0] =	sst s9;
	s0 =	simm.s32 @!p0 $0x0  }
0x12: {  	s1 =	sld [smem:$0x3F96];
	s0 =	simm.s32 @p0 $0x1  }
0x13: {  	[smem:$0x3FB1] =	sst s0;
	s0 =	simm.s32 @!p1 $0x0  }
0x14: {  	s2 =	sld [smem:$0x3F95];
	s0 =	simm.s32 @p1 $0x1  }
0x15: {  	[smem:$0x3FB2] =	sst s0;
	s0 =	simm.s32 @!p2 $0x0  }
0x16: {  	s3 =	sld [smem:$0x3FDB];
	s0 =	simm.s32 @p2 $0x1  }
0x17: {  	s4 =	simm.s32 $0x1BF5;
	[smem:$0x3FB4] =	sst s0  }
0x18: {  	s0 =	sld [smem:$0x3F97];
	_ =	swait.ge [sflag:s4], $0x0  }
0x19: {  	s7 =	sld [smem:$0x3F98]  }
0x1a: {  	s8 =	sadd.s32 $0xFFFFE003, lr  }
0x1b: {  	s9 =	sadd.s32 $0xFFFFFEF7, lr;
	s5 =	simm.s32 $0xFFFFFFFF;
	p2 =	slt.u32 s8, $0xFFFFF086  }
0x1c: {  	p1 =	slt.u32 s9, $0xF7A;
	s5 =	simm.s32 @!p2 $0x0  }
0x1d: {  	s5 =	simm.s32 @p1 $0x1;
	p0 =	seq.s32 s7, s2  }
0x1e: {  	s7 =	smul.u32 @!p0 $0xF7A, s2;
	p2 =	seq.s32 @!p0 s5, $0x0  }
0x1f: {  	s9 =	smul.u32 $0xF7A, s1;
	s8 =	simm.s32 @!p0 $0x1BF5;
	p2 =	por !p2, p0  }
0x20: {  	[sflag:s8] =	ssyncset.s32 @!p0 $0xFFFFF086;
	s6 =	sadd.s32 @!p0 s3, s7;
	s7 =	simm.s32 @!p0 $0x108  }
0x21: {  	s3 =	sadd.s32 s3, s9;
	s6 =	sadd.s32 @!p0 $0x88, s6;
	s7 =	simm.s32 @p2 $0x1082  }
0x22: {  	[simem:s7], [sflag:s8] =	dma.local @!p0 [hbm:s6], $0xF7A  }
0x23: {  	s9 =	sor.u32 $0xD0000000, s2;
	s6 =	simm.s32 $0x108;
	_ =	swait.ge @!p0 [sflag:s8], $0x0  }
0x24: {  	s3 =	sadd.s32 $0x88, s3;
	s6 =	simm.s32 @!p1 $0x1082;
	[sflag:s4] =	ssyncset.s32 $0xFFFFF086  }
0x25: {  	[simem:s6], [sflag:s4] =	dma.local [hbm:s3], $0xF7A  }
0x26: {  	[smem:$0x3F98] =	sst s1;
	(tag) =	ssettag s2;
	_ =	strace s9  }
0x27: {  	s1 =	sld [smem:$0x3FA8]  }
0x28: {  	s2 =	sld [smem:$0x3FA9]  }
0x29: {  	s4 =	sld [smem:$0x3FAB]  }
0x2a: {  	p0 =	seq.s32 s5, $0x0;
	s5 =	sld [smem:$0x3FAC]  }
0x2b: {  	s6 =	sld [smem:$0x3FAD]  }
0x2c: {  	s7 =	sld [smem:$0x3FAE]  }
0x2d: {  	s3 =	simm.s32 $0x108;
	s8 =	sld [smem:$0x3FAF]  }
0x2e: {  	s3 =	simm.s32 @!p0 $0x1082;
	s9 =	sld [smem:$0x3FB0]  }
0x2f: {  	lr =	sadd.s32 s0, s3;
	s0 =	sld [smem:$0x3FA7]  }
0x30: {  	s3 =	sld [smem:$0x3FAA]  }
0x31: {  	[smem:$0x3FB3] =	sst s10  }
0x32: {  	s10 =	sld [smem:$0x3FB1];
	_ =	sdelay $0x3  }
0x33: {  	p0 =	seq.s32 s10, $0x1;
	s10 =	sld [smem:$0x3FB3];
	_ =	sdelay $0x3  }
0x34: {  	[smem:$0x3FB3] =	sst s10  }
0x35: {  	s10 =	sld [smem:$0x3FB2];
	_ =	sdelay $0x3  }
0x36: {  	p1 =	seq.s32 s10, $0x1;
	s10 =	sld [smem:$0x3FB3];
	_ =	sdelay $0x3  }
0x37: {  	[smem:$0x3FB3] =	sst s10  }
0x38: {  	s10 =	sld [smem:$0x3FB4]  }
0x39: {  	_ = 	snop;
	(pc) =	sbr.ind lr, $3  }
0x3a: {  	_ = 	snop  }
0x3b: {  	_ = 	snop  }
0x3c: {  	p2 =	seq.s32 s10, $0x1;
	s10 =	sld [smem:$0x3FB3]  }
0x3d: {  	_ =	shalt  }
0x3e: {  	_ =	shalt  }
0x3f: {  	_ =	shalt  }
0x40: {  	_ =	shalt  }
0x41: {  	_ =	shalt  }
0x42: {  	_ =	shalt  }
0x43: {  	_ =	shalt  }
0x44: {  	_ =	shalt  }
0x45: {  	_ =	shalt  }
0x46: {  	_ =	shalt  }
0x47: {  	_ =	shalt  }
0x48: {  	_ =	shalt  }
0x49: {  	_ =	shalt  }
0x4a: {  	_ =	shalt  }
0x4b: {  	_ =	shalt  }
0x4c: {  	_ =	shalt  }
0x4d: {  	_ =	shalt  }
0x4e: {  	_ =	shalt  }
0x4f: {  	_ =	shalt  }
0x50: {  	_ =	shalt  }
0x51: {  	_ =	shalt  }
0x52: {  	_ =	shalt  }
0x53: {  	_ =	shalt  }
0x54: {  	_ =	shalt  }
0x55: {  	_ =	shalt  }
0x56: {  	_ =	shalt  }
0x57: {  	_ =	shalt  }
0x58: {  	_ =	shalt  }
0x59: {  	_ =	shalt  }
0x5a: {  	_ =	shalt  }
0x5b: {  	_ =	shalt  }
0x5c: {  	_ =	shalt  }
0x5d: {  	_ =	shalt  }
0x5e: {  	_ =	shalt  }
0x5f: {  	_ =	shalt  }
0x60: {  	_ =	shalt  }
0x61: {  	_ =	shalt  }
0x62: {  	_ =	shalt  }
0x63: {  	_ =	shalt  }
0x64: {  	_ =	shalt  }
0x65: {  	_ =	shalt  }
0x66: {  	_ =	shalt  }
0x67: {  	_ =	shalt  }
0x68: {  	_ =	shalt  }
0x69: {  	_ =	shalt  }
0x6a: {  	_ =	shalt  }
0x6b: {  	_ =	shalt  }
0x6c: {  	_ =	shalt  }
0x6d: {  	_ =	shalt  }
0x6e: {  	_ =	shalt  }
0x6f: {  	_ =	shalt  }
0x70: {  	_ =	shalt  }
0x71: {  	_ =	shalt  }
0x72: {  	_ =	shalt  }
0x73: {  	_ =	shalt  }
0x74: {  	_ =	shalt  }
0x75: {  	_ =	shalt  }
0x76: {  	_ =	shalt  }
0x77: {  	_ =	shalt  }
0x78: {  	_ =	shalt  }
0x79: {  	_ =	shalt  }
0x7a: {  	_ =	shalt  }
0x7b: {  	_ =	shalt  }
0x7c: {  	_ =	shalt  }
0x7d: {  	_ =	shalt  }
0x7e: {  	_ =	shalt  }
0x7f: {  	_ =	shalt  }
0x80: {  	_ =	shalt  }
0x81: {  	_ =	shalt  }
0x82: {  	_ =	shalt  }
0x83: {  	_ =	shalt  }
0x84: {  	_ =	shalt  }
0x85: {  	_ =	shalt  }
0x86: {  	_ =	shalt  }
0x87: {  	_ =	shalt  }
.Lfunc_end0:
.L_simem_size_0:
called_computation.1_lowered:
.L_overlay_start_0:
0x88: {  	s2 =	sld [smem:$0x3FD9]  }
0x89: {  	s3 =	sld [smem:$0x3FFE];
	_ =	sdelay $0x1  }
0x8a: {  	s1 =	srdreg.scid  }
0x8b: {  	s0 =	sand.u32 $0x1, s1  }
0x8c: {  	s17 =	sshll.u32 s0, $0xA;
	s2 =	sadd.s32 s3, s2  }
0x8d: {  	s2 =	sadd.s32 s2, s17  }
0x8e: {  	[smem:$0x3FBF] =	sst s2  }
0x8f: {  	_ = 	snop  }
0x90: {  	(tm) =	ssettm $0x1  }
0x91: {  	s18 =	sld [smem:$0x3FFB];
	_ =	sdelay $0x3  }
0x92: {  	_ =	strace s18  }
0x93: {  	s2 =	sld [smem:$0x3FFC];
	_ =	sdelay $0x3  }
0x94: {  	_ =	strace s2  }
0x95: {  	s2 =	sld [smem:$0x3FFD];
	_ =	sdelay $0x3  }
0x96: {  	_ =	strace s2  }
0x97: {  	_ =	strace $0x8FFFFFFF  }
0x98: {  	s19 =	sld [smem:$0x3FDB];
	_ =	sdelay $0x1  }
0x99: {  	s20 =	simm.s32 $_scs_section_size  }
0x9a: {  	s4 =	simm.s32 $_size__tile_overlayer_lowered;
	s5 =	simm.s32 $_tile_overlayer_lowered  }
0x9b: {  	s6 =	simm.s32 $0x1BFF;
	s21 =	sshll.u32 s5, $0x1;
	s3 =	sadd.s32 s20, s19  }
0x9c: {  	s22 =	simm.s32 $0x0;
	s4 =	sshll.u32 s4, $0x1;
	s5 =	sadd.s32 s21, s3  }
0x9d: {  	[timem:s22], [sflag:s6] =	dma.local [hbm:s5], s4  }
0x9e: {  	_ =	swait.ge [sflag:s6], s4  }
0x9f: {  	s4 =	ssub.s32 $0x0, s4;
	[sflag:s6] =	ssyncset.done $0x0  }
0xa0: {  	[sflag:s6] =	ssyncadd.s32 s4;
	_ =	sdelay $0x1  }
0xa1: {  	s23 =	simm.s32 $0x1B8B  }
0xa2: {  	_ =	swait.ge [sflag:s23], $0x1  }
0xa3: {  	[sflag:s23] =	ssyncset.done $0x0  }
0xa4: {  	[sflag:s23] =	ssyncadd.s32 $0xFFFFFFFF  }
0xa5: {  	s4 =	sld [smem:$0x0]  }
0xa6: {  	s5 =	sand.u32 $0xFFFFFFFE, s1  }
0xa7: {  	p0 =	sne.s32 s1, s5  }
0xa8: {  	s5 =	sshll.u32 @p0 s5, $0xE  }
0xa9: {  	s5 =	sadd.s32 @p0 $0x11B8D, s5;
	s6 =	sshll.u32 @p0 s4, $0x11  }
0xaa: {  	s5 =	sor.u32 @p0 s6, s5  }
0xab: {  	[sflag:s5] =	ssyncadd.remote.s32 @p0 $0x1;
	_ =	sdelay $0x1  }
0xac: {  	s5 =	simm.s32 @p0 $0x1B8D  }
0xad: {  	_ =	swait.eq @p0 [sflag:s5], $0x1  }
0xae: {  	[sflag:s5] =	ssyncadd.s32 @p0 $0xFFFFFFFF  }
0xaf: {  	s6 =	sshll.u32 @!p0 s1, $0xE  }
0xb0: {  	s6 =	sor.u32 @!p0 $0x4000, s6;
	s5 =	simm.s32 @!p0 $0x1B8D  }
0xb1: {  	s4 =	sshll.u32 @!p0 s4, $0x11;
	s6 =	sadd.s32 @!p0 $0x11B8D, s6;
	_ =	swait.eq @!p0 [sflag:s5], $0x1  }
0xb2: {  	s4 =	sor.u32 @!p0 s4, s6;
	[sflag:s5] =	ssyncadd.s32 @!p0 $0xFFFFFFFF  }
0xb3: {  	s25 =	simm.s32 $0x1B8E;
	s24 =	sld [smem:$0x3FFE];
	[sflag:s4] =	ssyncadd.remote.s32 @!p0 $0x1  }
0xb4: {  	s26 =	simm.s32 $execute0_lowered;
	[smem:$0x3FD2] =	sst s25  }
0xb5: {  	s5 =	sshll.u32 s26, $0x1;
	_ =	strace $0x8000004C;
	[dreg:$0x1] =	wrdreg $0xFFFFFFFF  }
0xb6: {  	s28 =	simm.s32 $_size_execute0_lowered;
	s3 =	sadd.s32 s3, s5;
	[dreg:$0x0] =	wrdreg $0x0  }
0xb7: {  	s5 =	sshll.u32 s28, $0x1;
	[dreg:$0x2] =	wrdreg s3  }
0xb8: {  	[dreg:$0x3] =	wrdreg s5  }
0xb9: {  	[dreg:$0x4] =	wrdreg $0xC0  }
0xba: {  	_ =	task [dreg:s22], $0x5FFFF  }
0xbb: {  	[dreg:$0x1] =	wrdreg $0xFFFFFFFF  }
0xbc: {  	[dreg:$0x0] =	wrdreg $0x60  }
0xbd: {  	[dreg:$0x2] =	wrdreg s24  }
0xbe: {  	[dreg:$0x3] =	wrdreg $0xA  }
0xbf: {  	_ =	task.clear_ibuf [dreg:s22], $0x4FFFF;
	_ =	strace $0x9000004C  }
0xc0: {  	s29 =	simm.s32 $0xA;
	_ =	strace $0x8000004E  }
0xc1: {  	_ =	swait.ge [sflag:s29], $0x1  }
0xc2: {  	[sflag:s29] =	ssyncadd.s32 $0xFFFFFFFF  }
0xc3: {  	_ =	strace $0x9000004E  }
0xc4: {  	_ =	sfence  }
0xc5: {  	s30 =	sld [smem:$0x0];
	_ =	sdelay $0x2  }
0xc6: {  	s31 =	sshll.u32 s1, $0xD;
	s1 =	sshrl.u32 s1, $0x2  }
0xc7: {  	s4 =	sand.u32 $0x4000, s31;
	s1 =	sadd.s32 s1, s30  }
0xc8: {  	s0 =	sor.u32 s4, s0;
	s1 =	sshll.u32 s1, $0x11  }
0xc9: {  	s0 =	sor.u32 s1, s0  }
0xca: {  	s0 =	sadd.s32 $0x8F2B, s0  }
0xcb: {  	[sflag:s0] =	ssyncadd.remote.s32 $0x1  }
0xcc: {  	_ =	sfence.sel $0xFFFF  }
0xcd: {  	[dreg:$0x0] =	wrdreg $0xFFFFFFFF;
	(pc) =	sbr.abs _section_cstart, $3  }
0xce: {  	[dreg:$0x1] =	wrdreg $0xFFFFFFFF  }
0xcf: {  	_ =	task.clear_ibuf [dreg:s22], $0x2FFFF;
	_ =	strace $0x9FFFFFFF  }
0xd0: {  	(tm) =	ssettm $0x7FFFFFFF  }
0xd1: {  	_ =	shalt  }
tec
execute0_lowered:
.L_overlay_start_1:
0x0: {  	(tag) =	ssettag $0x1  }
0x1: {  	s0 =	rddreg [dreg:$0x0]  }
0x2: {  	s13 =	rddreg [dreg:$0x1];
	s2 =	simm.s32 $0x0;
	s1 =	srdreg.scid  }
0x3: {  	s3 =	stileid.u32;
	[smem:$0x7FF] =	sst s2;
	s4 =	sadd.s32 $0x198A00, s0  }
0x4: {  	s14 =	simm.s32 $0x100;
	_ =	strace $0x8000004D;
	[dreg:$0x2] =	wrdreg s4  }
0x5: {  	s15 =	simm.s32 $0x180;
	s16 =	simm.s32 $0x200;
	[dreg:$0x16] =	wrdreg s14  }
0x6: {  	s1 =	sand.u32 $0x1, s1;
	s3 =	sshll.u32 s3, $0x1;
	[dreg:$0x17] =	wrdreg s15  }
0x7: {  	s3 =	sor.u32 s1, s3;
	[dreg:$0x18] =	wrdreg s16  }
0x8: {  	s17 =	sshll.u32 s3, $0x9;
	s5 =	sshll.u32 s3, $0x4;
	s6 =	sshll.u32 s3, $0x10  }
0x9: {  	s3 =	sshll.u32 s3, $0xB;
	s4 =	sadd.s32 s17, s0;
	s17 =	simm.s32 $0x280  }
0xa: {  	s6 =	sadd.s32 s6, s0;
	s4 =	sadd.s32 $0xD000, s4;
	[dreg:$0x19] =	wrdreg s17  }
0xb: {  	s5 =	sadd.s32 s5, s0;
	s18 =	sadd.s32 $0x74F400, s6;
	[dreg:$0x3] =	wrdreg s4  }
0xc: {  	s3 =	sadd.s32 s3, s0;
	s19 =	sadd.s32 $0x4E00, s5;
	[dreg:$0x4] =	wrdreg s18  }
0xd: {  	s3 =	sadd.s32 $0x73F400, s3;
	[dreg:$0x5] =	wrdreg s19  }
0xe: {  	s20 =	sadd.s32 $0x75D400, s6;
	[dreg:$0x6] =	wrdreg s3  }
0xf: {  	s21 =	sadd.s32 $0x75E400, s6;
	[dreg:$0x7] =	wrdreg s20  }
0x10: {  	s22 =	sadd.s32 $0x750400, s6;
	[dreg:$0x8] =	wrdreg s21  }
0x11: {  	s23 =	sadd.s32 $0x751400, s6;
	[dreg:$0x9] =	wrdreg s22  }
0x12: {  	s31 =	simm.s32 $0x700;
	s24 =	sadd.s32 $0x752400, s6;
	[dreg:$0xa] =	wrdreg s23  }
0x13: {  	s29 =	simm.s32 $0x800;
	s25 =	sadd.s32 $0x753400, s6;
	[dreg:$0xb] =	wrdreg s24  }
0x14: {  	s30 =	simm.s32 $0x880;
	s26 =	sadd.s32 $0x754400, s6;
	[dreg:$0xc] =	wrdreg s25  }
0x15: {  	s28 =	simm.s32 $0x980;
	s5 =	sadd.s32 $0x756400, s6;
	[dreg:$0xd] =	wrdreg s26  }
0x16: {  	p0 =	por $0x0, $0x0;
	s7 =	sadd.s32 $0x757400, s6;
	[dreg:$0xf] =	wrdreg s5  }
0x17: {  	s1 =	ssub.s32 $0x2, s1;
	s8 =	sadd.s32 $0x758400, s6;
	[dreg:$0x10] =	wrdreg s7  }
0x18: {  	s16 =	simm.s32 $0xE00;
	s9 =	sadd.s32 $0x759400, s6;
	[dreg:$0x11] =	wrdreg s8  }
0x19: {  	s14 =	simm.s32 $0xF00;
	s10 =	sadd.s32 $0x75A400, s6;
	[dreg:$0x12] =	wrdreg s9  }
0x1a: {  	s15 =	simm.s32 $0xF80;
	s11 =	sadd.s32 $0x75B400, s6;
	[dreg:$0x13] =	wrdreg s10  }
0x1b: {  	s12 =	sadd.s32 $0x75C400, s6;
	s17 =	simm.s32 $0xE80;
	[dreg:$0x14] =	wrdreg s11  }
0x1c: {  	s4 =	sadd.s32 $0x755400, s6;
	[dreg:$0x15] =	wrdreg s12;
	s5 =	sadd.s32 $0x12000, s0  }
0x1d: {  	s18 =	sshrl.u32 s1, $0x1;
	s19 =	simm.s32 $0x300;
	s20 =	simm.s32 $0x380  }
0x1e: {  	s21 =	simm.s32 $0x400;
	s3 =	simm.s32 $0x2;
	s22 =	simm.s32 $0x480  }
0x1f: {  	s23 =	simm.s32 $0x500;
	s8 =	simm.s32 $0x1000;
	[dreg:$0xe] =	wrdreg s4  }
0x20: {  	s24 =	simm.s32 $0x580;
	s12 =	simm.s32 $0x5000;
	[dreg:$0x1a] =	wrdreg s19  }
0x21: {  	s25 =	simm.s32 $0x600;
	s7 =	simm.s32 $0x9000;
	[dreg:$0x1b] =	wrdreg s20  }
0x22: {  	s26 =	simm.s32 $0x680;
	s10 =	simm.s32 $0xD000;
	[dreg:$0x1c] =	wrdreg s21  }
0x23: {  	s6 =	simm.s32 $0x1;
	s1 =	ssub.s32 s1, s18;
	[dreg:$0x1d] =	wrdreg s22  }
0x24: {  	s11 =	simm.s32 $0x15000;
	[dreg:$0x1e] =	wrdreg s23;
	s1 =	smax.u32 s1, $0x1  }
0x25: {  	s9 =	simm.s32 $0x11000;
	[dreg:$0x1f] =	wrdreg s24;
	p1 =	sne.s32 s1, $0x1  }
.Ltmp0:
0x26: {  	s4 =	simm.s32 $0x80;
	[smem:$0x7FC] =	sst s25;
	(pc) =	sbr.rel @!p1 .LBB2_1-.Ltmp0, $4  }
0x27: {  	[smem:$0x7FD] =	sst s26;
	s18 =	simm.s32 $0x780;
	s26 =	simm.s32 $0x900  }
0x28: {  	s24 =	simm.s32 $0xA00;
	s25 =	simm.s32 $0xA80;
	s22 =	simm.s32 $0xB00  }
0x29: {  	s23 =	simm.s32 $0xB80;
	s20 =	simm.s32 $0xC00;
	s21 =	simm.s32 $0xC80  }
0x2a: {  	s19 =	simm.s32 $0xD80;
	s0 =	sadd.s32 $0xFFFFFFFF, s1;
	s1 =	rddreg [dreg:$0x3]  }
0x2b: {  	[tilespmem:s2], [sflag:$0x2] =	stream.linear.gather [hbm4b:s1+s2], $0x1000, $0x38;
	[tilespmem:$0x15080] =	vst v63  }
0x2c: {  	_ =	swait.ge [sflag:s3], $0x1000  }
0x2d: {  	[sflag:s3] =	ssyncset.done $0x0  }
0x2e: {  	[sflag:s3] =	ssyncadd.s32 $0xFFFFF000  }
0x2f: {  	[tilespmem:s8], [sflag:$0x1] =	stream.indirect.gather [hbm4b:s5+s4], $0x80, s2, s4, $0xb8;
	[tilespmem:$0x15080] =	vst v63  }
0x30: {  	_ = 	snop  }
0x31: {  	[tilespmem:s12], [sflag:$0x1] =	stream.indirect.gather [hbm4b:s5+s4], $0x80, s4, s4, $0xb8;
	[tilespmem:$0x15080] =	vst v63  }
0x32: {  	s1 =	rddreg [dreg:$0x16]  }
0x33: {  	[tilespmem:s7], [sflag:$0x1] =	stream.indirect.gather [hbm4b:s5+s4], $0x80, s1, s4, $0xb8;
	[tilespmem:$0x15080] =	vst v63  }
0x34: {  	s13 =	smov.u32 s0;
	s0 =	rddreg [dreg:$0x17]  }
0x35: {  	[tilespmem:s10], [sflag:$0x1] =	stream.indirect.gather [hbm4b:s5+s4], $0x80, s0, s4, $0xb8;
	[tilespmem:$0x15080] =	vst v63  }
0x36: {  	_ =	swait.ge [sflag:s6], $0x8000  }
0x37: {  	[sflag:s6] =	ssyncset.done $0x0  }
0x38: {  	s1 =	rddreg [dreg:$0x4];
	[sflag:s6] =	ssyncadd.s32 $0xFFFF8000  }
0x39: {  	[hbm4b:s1+s2] =	stream.linear.scatter [tilespmem:s8], [sflag:$0x2], $0x8000, $0x38;
	[tilespmem:$0x15080] =	vst v63  }
0x3a: {  	_ =	swait.ge [sflag:s3], $0x8000  }
0x3b: {  	[sflag:s3] =	ssyncset.done $0x0  }
0x3c: {  	s0 =	rddreg [dreg:$0x18];
	[sflag:s3] =	ssyncadd.s32 $0xFFFF8000  }
0x3d: {  	[tilespmem:s8], [sflag:$0x1] =	stream.indirect.gather [hbm4b:s5+s4], $0x80, s0, s4, $0xb8;
	[tilespmem:$0x15080] =	vst v63  }
0x3e: {  	s1 =	rddreg [dreg:$0x19]  }
0x3f: {  	[tilespmem:s12], [sflag:$0x1] =	stream.indirect.gather [hbm4b:s5+s4], $0x80, s1, s4, $0xb8;
	[tilespmem:$0x15080] =	vst v63  }
0x40: {  	_ =	swait.ge [sflag:s6], $0x8000  }
0x41: {  	[sflag:s6] =	ssyncset.done $0x0  }
0x42: {  	s1 =	rddreg [dreg:$0x9];
	[sflag:s6] =	ssyncadd.s32 $0xFFFF8000  }
0x43: {  	[hbm4b:s1+s2] =	stream.linear.scatter [tilespmem:s7], [sflag:$0x2], $0x8000, $0x38;
	[tilespmem:$0x15080] =	vst v63  }
0x44: {  	_ =	swait.ge [sflag:s3], $0x8000  }
0x45: {  	[sflag:s3] =	ssyncset.done $0x0  }
0x46: {  	s0 =	rddreg [dreg:$0x1a];
	[sflag:s3] =	ssyncadd.s32 $0xFFFF8000  }
0x47: {  	[tilespmem:s7], [sflag:$0x1] =	stream.indirect.gather [hbm4b:s5+s4], $0x80, s0, s4, $0xb8;
	[tilespmem:$0x15080] =	vst v63  }
0x48: {  	s1 =	rddreg [dreg:$0x1b]  }
0x49: {  	[tilespmem:s10], [sflag:$0x1] =	stream.indirect.gather [hbm4b:s5+s4], $0x80, s1, s4, $0xb8;
	[tilespmem:$0x15080] =	vst v63  }
0x4a: {  	_ =	swait.ge [sflag:s6], $0x8000  }
0x4b: {  	[sflag:s6] =	ssyncset.done $0x0  }
0x4c: {  	s1 =	rddreg [dreg:$0xa];
	[sflag:s6] =	ssyncadd.s32 $0xFFFF8000  }
0x4d: {  	[hbm4b:s1+s2] =	stream.linear.scatter [tilespmem:s8], [sflag:$0x2], $0x8000, $0x38;
	[tilespmem:$0x15080] =	vst v63  }
0x4e: {  	_ =	swait.ge [sflag:s3], $0x8000  }
0x4f: {  	[sflag:s3] =	ssyncset.done $0x0  }
0x50: {  	s0 =	rddreg [dreg:$0x1c];
	[sflag:s3] =	ssyncadd.s32 $0xFFFF8000  }
0x51: {  	[tilespmem:s8], [sflag:$0x1] =	stream.indirect.gather [hbm4b:s5+s4], $0x80, s0, s4, $0xb8;
	[tilespmem:$0x15080] =	vst v63  }
0x52: {  	s1 =	rddreg [dreg:$0x1d]  }
0x53: {  	[tilespmem:s12], [sflag:$0x1] =	stream.indirect.gather [hbm4b:s5+s4], $0x80, s1, s4, $0xb8;
	[tilespmem:$0x15080] =	vst v63  }
0x54: {  	_ =	swait.ge [sflag:s6], $0x8000  }
0x55: {  	[sflag:s6] =	ssyncset.done $0x0  }
0x56: {  	s1 =	rddreg [dreg:$0xb];
	[sflag:s6] =	ssyncadd.s32 $0xFFFF8000  }
0x57: {  	[hbm4b:s1+s2] =	stream.linear.scatter [tilespmem:s7], [sflag:$0x2], $0x8000, $0x38;
	[tilespmem:$0x15080] =	vst v63  }
0x58: {  	_ =	swait.ge [sflag:s3], $0x8000  }
0x59: {  	[sflag:s3] =	ssyncset.done $0x0  }
0x5a: {  	s0 =	rddreg [dreg:$0x1e];
	[sflag:s3] =	ssyncadd.s32 $0xFFFF8000  }
0x5b: {  	[tilespmem:s7], [sflag:$0x1] =	stream.indirect.gather [hbm4b:s5+s4], $0x80, s0, s4, $0xb8;
	[tilespmem:$0x15080] =	vst v63  }
0x5c: {  	s1 =	rddreg [dreg:$0x1f]  }
0x5d: {  	[tilespmem:s10], [sflag:$0x1] =	stream.indirect.gather [hbm4b:s5+s4], $0x80, s1, s4, $0xb8;
	[tilespmem:$0x15080] =	vst v63  }
0x5e: {  	_ =	swait.ge [sflag:s6], $0x8000  }
0x5f: {  	[sflag:s6] =	ssyncset.done $0x0  }
0x60: {  	s1 =	rddreg [dreg:$0xc];
	[sflag:s6] =	ssyncadd.s32 $0xFFFF8000  }
0x61: {  	[hbm4b:s1+s2] =	stream.linear.scatter [tilespmem:s8], [sflag:$0x2], $0x8000, $0x38;
	[tilespmem:$0x15080] =	vst v63  }
0x62: {  	_ =	swait.ge [sflag:s3], $0x8000  }
0x63: {  	s0 =	sld [smem:$0x7FC]  }
0x64: {  	[sflag:s3] =	ssyncset.done $0x0  }
0x65: {  	s1 =	sld [smem:$0x7FD];
	[sflag:s3] =	ssyncadd.s32 $0xFFFF8000  }
0x66: {  	[tilespmem:s8], [sflag:$0x1] =	stream.indirect.gather [hbm4b:s5+s4], $0x80, s0, s4, $0xb8;
	[tilespmem:$0x15080] =	vst v63  }
0x67: {  	_ = 	snop  }
0x68: {  	[tilespmem:s12], [sflag:$0x1] =	stream.indirect.gather [hbm4b:s5+s4], $0x80, s1, s4, $0xb8;
	[tilespmem:$0x15080] =	vst v63  }
0x69: {  	_ =	swait.ge [sflag:s6], $0x8000  }
0x6a: {  	[sflag:s6] =	ssyncset.done $0x0  }
0x6b: {  	s1 =	rddreg [dreg:$0xd];
	[sflag:s6] =	ssyncadd.s32 $0xFFFF8000  }
0x6c: {  	[hbm4b:s1+s2] =	stream.linear.scatter [tilespmem:s7], [sflag:$0x2], $0x8000, $0x38;
	[tilespmem:$0x15080] =	vst v63  }
0x6d: {  	_ =	swait.ge [sflag:s3], $0x8000  }
0x6e: {  	[sflag:s3] =	ssyncset.done $0x0  }
0x6f: {  	[sflag:s3] =	ssyncadd.s32 $0xFFFF8000  }
0x70: {  	[tilespmem:s7], [sflag:$0x1] =	stream.indirect.gather [hbm4b:s5+s4], $0x80, s31, s4, $0xb8;
	[tilespmem:$0x15080] =	vst v63  }
0x71: {  	_ = 	snop  }
0x72: {  	[tilespmem:s10], [sflag:$0x1] =	stream.indirect.gather [hbm4b:s5+s4], $0x80, s18, s4, $0xb8;
	[tilespmem:$0x15080] =	vst v63  }
0x73: {  	_ =	swait.ge [sflag:s6], $0x8000  }
0x74: {  	[sflag:s6] =	ssyncset.done $0x0  }
0x75: {  	s1 =	rddreg [dreg:$0xe];
	[sflag:s6] =	ssyncadd.s32 $0xFFFF8000  }
0x76: {  	[hbm4b:s1+s2] =	stream.linear.scatter [tilespmem:s8], [sflag:$0x2], $0x8000, $0x38;
	[tilespmem:$0x15080] =	vst v63  }
0x77: {  	_ =	swait.ge [sflag:s3], $0x8000  }
0x78: {  	[sflag:s3] =	ssyncset.done $0x0  }
0x79: {  	[sflag:s3] =	ssyncadd.s32 $0xFFFF8000  }
0x7a: {  	[tilespmem:s8], [sflag:$0x1] =	stream.indirect.gather [hbm4b:s5+s4], $0x80, s29, s4, $0xb8;
	[tilespmem:$0x15080] =	vst v63  }
0x7b: {  	_ = 	snop  }
0x7c: {  	[tilespmem:s12], [sflag:$0x1] =	stream.indirect.gather [hbm4b:s5+s4], $0x80, s30, s4, $0xb8;
	[tilespmem:$0x15080] =	vst v63  }
0x7d: {  	_ =	swait.ge [sflag:s6], $0x8000  }
0x7e: {  	[sflag:s6] =	ssyncset.done $0x0  }
0x7f: {  	s1 =	rddreg [dreg:$0xf];
	[sflag:s6] =	ssyncadd.s32 $0xFFFF8000  }
0x80: {  	[hbm4b:s1+s2] =	stream.linear.scatter [tilespmem:s7], [sflag:$0x2], $0x8000, $0x38;
	[tilespmem:$0x15080] =	vst v63  }
0x81: {  	_ =	swait.ge [sflag:s3], $0x8000  }
0x82: {  	[sflag:s3] =	ssyncset.done $0x0  }
0x83: {  	[sflag:s3] =	ssyncadd.s32 $0xFFFF8000  }
0x84: {  	[tilespmem:s7], [sflag:$0x1] =	stream.indirect.gather [hbm4b:s5+s4], $0x80, s26, s4, $0xb8;
	[tilespmem:$0x15080] =	vst v63  }
0x85: {  	_ = 	snop  }
0x86: {  	[tilespmem:s10], [sflag:$0x1] =	stream.indirect.gather [hbm4b:s5+s4], $0x80, s28, s4, $0xb8;
	[tilespmem:$0x15080] =	vst v63  }
0x87: {  	_ =	swait.ge [sflag:s6], $0x8000  }
0x88: {  	[sflag:s6] =	ssyncset.done $0x0  }
0x89: {  	s1 =	rddreg [dreg:$0x10];
	[sflag:s6] =	ssyncadd.s32 $0xFFFF8000  }
0x8a: {  	[hbm4b:s1+s2] =	stream.linear.scatter [tilespmem:s8], [sflag:$0x2], $0x8000, $0x38;
	[tilespmem:$0x15080] =	vst v63  }
0x8b: {  	_ =	swait.ge [sflag:s3], $0x8000  }
0x8c: {  	[sflag:s3] =	ssyncset.done $0x0  }
0x8d: {  	[sflag:s3] =	ssyncadd.s32 $0xFFFF8000  }
0x8e: {  	[tilespmem:s8], [sflag:$0x1] =	stream.indirect.gather [hbm4b:s5+s4], $0x80, s24, s4, $0xb8;
	[tilespmem:$0x15080] =	vst v63  }
0x8f: {  	_ = 	snop  }
0x90: {  	[tilespmem:s12], [sflag:$0x1] =	stream.indirect.gather [hbm4b:s5+s4], $0x80, s25, s4, $0xb8;
	[tilespmem:$0x15080] =	vst v63  }
0x91: {  	_ =	swait.ge [sflag:s6], $0x8000  }
0x92: {  	[sflag:s6] =	ssyncset.done $0x0  }
0x93: {  	s1 =	rddreg [dreg:$0x11];
	[sflag:s6] =	ssyncadd.s32 $0xFFFF8000  }
0x94: {  	[hbm4b:s1+s2] =	stream.linear.scatter [tilespmem:s7], [sflag:$0x2], $0x8000, $0x38;
	[tilespmem:$0x15080] =	vst v63  }
0x95: {  	_ =	swait.ge [sflag:s3], $0x8000  }
0x96: {  	[sflag:s3] =	ssyncset.done $0x0  }
0x97: {  	[sflag:s3] =	ssyncadd.s32 $0xFFFF8000  }
0x98: {  	[tilespmem:s7], [sflag:$0x1] =	stream.indirect.gather [hbm4b:s5+s4], $0x80, s22, s4, $0xb8;
	[tilespmem:$0x15080] =	vst v63  }
0x99: {  	_ = 	snop  }
0x9a: {  	[tilespmem:s10], [sflag:$0x1] =	stream.indirect.gather [hbm4b:s5+s4], $0x80, s23, s4, $0xb8;
	[tilespmem:$0x15080] =	vst v63  }
0x9b: {  	_ =	swait.ge [sflag:s6], $0x8000  }
0x9c: {  	[sflag:s6] =	ssyncset.done $0x0  }
0x9d: {  	s1 =	rddreg [dreg:$0x12];
	[sflag:s6] =	ssyncadd.s32 $0xFFFF8000  }
0x9e: {  	[hbm4b:s1+s2] =	stream.linear.scatter [tilespmem:s8], [sflag:$0x2], $0x8000, $0x38;
	[tilespmem:$0x15080] =	vst v63  }
0x9f: {  	_ =	swait.ge [sflag:s3], $0x8000  }
0xa0: {  	[sflag:s3] =	ssyncset.done $0x0  }
0xa1: {  	[sflag:s3] =	ssyncadd.s32 $0xFFFF8000  }
0xa2: {  	[tilespmem:s8], [sflag:$0x1] =	stream.indirect.gather [hbm4b:s5+s4], $0x80, s20, s4, $0xb8;
	[tilespmem:$0x15080] =	vst v63  }
0xa3: {  	_ = 	snop  }
0xa4: {  	[tilespmem:s12], [sflag:$0x1] =	stream.indirect.gather [hbm4b:s5+s4], $0x80, s21, s4, $0xb8;
	[tilespmem:$0x15080] =	vst v63  }
0xa5: {  	_ =	swait.ge [sflag:s6], $0x8000  }
0xa6: {  	[sflag:s6] =	ssyncset.done $0x0  }
0xa7: {  	s1 =	rddreg [dreg:$0x13];
	[sflag:s6] =	ssyncadd.s32 $0xFFFF8000  }
0xa8: {  	[hbm4b:s1+s2] =	stream.linear.scatter [tilespmem:s7], [sflag:$0x2], $0x8000, $0x38;
	[tilespmem:$0x15080] =	vst v63  }
0xa9: {  	_ =	swait.ge [sflag:s3], $0x8000  }
0xaa: {  	[sflag:s3] =	ssyncset.done $0x0  }
0xab: {  	s1 =	simm.s32 $0xD00;
	[sflag:s3] =	ssyncadd.s32 $0xFFFF8000  }
0xac: {  	[tilespmem:s7], [sflag:$0x1] =	stream.indirect.gather [hbm4b:s5+s4], $0x80, s1, s4, $0xb8;
	[tilespmem:$0x15080] =	vst v63  }
0xad: {  	_ = 	snop  }
0xae: {  	[tilespmem:s10], [sflag:$0x1] =	stream.indirect.gather [hbm4b:s5+s4], $0x80, s19, s4, $0xb8;
	[tilespmem:$0x15080] =	vst v63  }
0xaf: {  	_ =	swait.ge [sflag:s6], $0x8000  }
0xb0: {  	[sflag:s6] =	ssyncset.done $0x0  }
0xb1: {  	s1 =	rddreg [dreg:$0x14];
	[sflag:s6] =	ssyncadd.s32 $0xFFFF8000  }
0xb2: {  	[hbm4b:s1+s2] =	stream.linear.scatter [tilespmem:s8], [sflag:$0x2], $0x8000, $0x38;
	[tilespmem:$0x15080] =	vst v63  }
0xb3: {  	_ =	swait.ge [sflag:s3], $0x8000  }
0xb4: {  	[sflag:s3] =	ssyncset.done $0x0  }
0xb5: {  	[sflag:s3] =	ssyncadd.s32 $0xFFFF8000  }
0xb6: {  	[tilespmem:s8], [sflag:$0x1] =	stream.indirect.gather [hbm4b:s5+s4], $0x80, s16, s4, $0xb8;
	[tilespmem:$0x15080] =	vst v63  }
0xb7: {  	_ = 	snop  }
0xb8: {  	[tilespmem:s12], [sflag:$0x1] =	stream.indirect.gather [hbm4b:s5+s4], $0x80, s17, s4, $0xb8;
	[tilespmem:$0x15080] =	vst v63  }
0xb9: {  	_ =	swait.ge [sflag:s6], $0x8000  }
0xba: {  	[sflag:s6] =	ssyncset.done $0x0  }
0xbb: {  	s1 =	rddreg [dreg:$0x15];
	[sflag:s6] =	ssyncadd.s32 $0xFFFF8000  }
0xbc: {  	[hbm4b:s1+s2] =	stream.linear.scatter [tilespmem:s7], [sflag:$0x2], $0x8000, $0x38;
	[tilespmem:$0x15080] =	vst v63  }
0xbd: {  	_ =	swait.ge [sflag:s3], $0x8000  }
0xbe: {  	[sflag:s3] =	ssyncset.done $0x0  }
0xbf: {  	[sflag:s3] =	ssyncadd.s32 $0xFFFF8000  }
0xc0: {  	[tilespmem:s7], [sflag:$0x1] =	stream.indirect.gather [hbm4b:s5+s4], $0x80, s14, s4, $0xb8;
	[tilespmem:$0x15080] =	vst v63  }
0xc1: {  	_ = 	snop  }
0xc2: {  	[tilespmem:s10], [sflag:$0x1] =	stream.indirect.gather [hbm4b:s5+s4], $0x80, s15, s4, $0xb8;
	[tilespmem:$0x15080] =	vst v63  }
0xc3: {  	_ =	swait.ge [sflag:s6], $0x8000  }
0xc4: {  	[sflag:s6] =	ssyncset.done $0x0  }
0xc5: {  	s1 =	rddreg [dreg:$0x7];
	[sflag:s6] =	ssyncadd.s32 $0xFFFF8000  }
0xc6: {  	[hbm4b:s1+s2] =	stream.linear.scatter [tilespmem:s8], [sflag:$0x2], $0x8000, $0x38;
	[tilespmem:$0x15080] =	vst v63  }
0xc7: {  	_ =	swait.ge [sflag:s3], $0x8000  }
0xc8: {  	[sflag:s3] =	ssyncset.done $0x0  }
0xc9: {  	[sflag:s3] =	ssyncadd.s32 $0xFFFF8000  }
0xca: {  	_ =	swait.ge [sflag:s6], $0x8000  }
0xcb: {  	[sflag:s6] =	ssyncset.done $0x0  }
0xcc: {  	s1 =	rddreg [dreg:$0x8];
	[sflag:s6] =	ssyncadd.s32 $0xFFFF8000  }
0xcd: {  	[hbm4b:s1+s2] =	stream.linear.scatter [tilespmem:s7], [sflag:$0x2], $0x8000, $0x38;
	[tilespmem:$0x15080] =	vst v63  }
0xce: {  	_ =	swait.ge [sflag:s3], $0x8000  }
0xcf: {  	[sflag:s3] =	ssyncset.done $0x0  }
0xd0: {  	s1 =	rddreg [dreg:$0x5];
	[sflag:s3] =	ssyncadd.s32 $0xFFFF8000  }
0xd1: {  	[tilespmem:s11], [sflag:$0x2] =	stream.linear.gather [hbm4b:s1+s2], $0x80, $0x38;
	[tilespmem:$0x15080] =	vst v63  }
0xd2: {  	_ =	swait.ge [sflag:s3], $0x80  }
0xd3: {  	[sflag:s3] =	ssyncset.done $0x0  }
0xd4: {  	s1 =	rddreg [dreg:$0x2];
	[sflag:s3] =	ssyncadd.s32 $0xFFFFFF80  }
0xd5: {  	[tilespmem:s9], [sflag:$0x1] =	stream.indirect.gather [hbm4b:s1+s4], $0x80, s11, s4, $0xb8;
	[tilespmem:$0x15080] =	vst v63  }
0xd6: {  	p1 =	sne.s32 s13, $0x1;
	_ =	swait.ge [sflag:s6], $0x4000  }
.Ltmp1:
0xd7: {  	[sflag:s6] =	ssyncset.done $0x0;
	(pc) =	sbr.rel @!p1 .LBB2_3-.Ltmp1, $4  }
0xd8: {  	s1 =	rddreg [dreg:$0x6];
	[sflag:s6] =	ssyncadd.s32 $0xFFFFC000  }
0xd9: {  	[hbm4b:s1+s2] =	stream.linear.scatter [tilespmem:s9], [sflag:$0x2], $0x4000, $0x38;
	[tilespmem:$0x15080] =	vst v63  }
0xda: {  	p0 =	por $0x1, $0x1;
	_ =	swait.ge [sflag:s3], $0x4000  }
0xdb: {  	s0 =	sadd.s32 $0xFFFFFFFF, s13;
	s1 =	rddreg [dreg:$0x3];
	[sflag:s3] =	ssyncset.done $0x0  }
.LBB2_4:
0xdc: {  	[sflag:s3] =	ssyncadd.s32 $0xFFFFC000  }
0xdd: {  	[tilespmem:s2], [sflag:$0x2] =	stream.linear.gather [hbm4b:s1+s2], $0x1000, $0x38;
	[tilespmem:$0x15080] =	vst v63  }
0xde: {  	_ =	swait.ge [sflag:s3], $0x1000  }
0xdf: {  	[sflag:s3] =	ssyncset.done $0x0  }
0xe0: {  	[sflag:s3] =	ssyncadd.s32 $0xFFFFF000  }
0xe1: {  	[tilespmem:s8], [sflag:$0x1] =	stream.indirect.gather [hbm4b:s5+s4], $0x80, s2, s4, $0xb8;
	[tilespmem:$0x15080] =	vst v63  }
0xe2: {  	_ = 	snop  }
0xe3: {  	[tilespmem:s12], [sflag:$0x1] =	stream.indirect.gather [hbm4b:s5+s4], $0x80, s4, s4, $0xb8;
	[tilespmem:$0x15080] =	vst v63  }
0xe4: {  	s1 =	rddreg [dreg:$0x16]  }
0xe5: {  	[tilespmem:s7], [sflag:$0x1] =	stream.indirect.gather [hbm4b:s5+s4], $0x80, s1, s4, $0xb8;
	[tilespmem:$0x15080] =	vst v63  }
0xe6: {  	s13 =	rddreg [dreg:$0x17]  }
0xe7: {  	[tilespmem:s10], [sflag:$0x1] =	stream.indirect.gather [hbm4b:s5+s4], $0x80, s13, s4, $0xb8;
	[tilespmem:$0x15080] =	vst v63  }
0xe8: {  	_ =	swait.ge [sflag:s6], $0x8000  }
0xe9: {  	[sflag:s6] =	ssyncset.done $0x0  }
0xea: {  	s13 =	rddreg [dreg:$0x4];
	[sflag:s6] =	ssyncadd.s32 $0xFFFF8000  }
0xeb: {  	[hbm4b:s13+s2] =	stream.linear.scatter [tilespmem:s8], [sflag:$0x2], $0x8000, $0x38;
	[tilespmem:$0x15080] =	vst v63  }
0xec: {  	_ =	swait.ge [sflag:s3], $0x8000  }
0xed: {  	[sflag:s3] =	ssyncset.done $0x0  }
0xee: {  	s1 =	rddreg [dreg:$0x18];
	[sflag:s3] =	ssyncadd.s32 $0xFFFF8000  }
0xef: {  	[tilespmem:s8], [sflag:$0x1] =	stream.indirect.gather [hbm4b:s5+s4], $0x80, s1, s4, $0xb8;
	[tilespmem:$0x15080] =	vst v63  }
0xf0: {  	s13 =	rddreg [dreg:$0x19]  }
0xf1: {  	[tilespmem:s12], [sflag:$0x1] =	stream.indirect.gather [hbm4b:s5+s4], $0x80, s13, s4, $0xb8;
	[tilespmem:$0x15080] =	vst v63  }
0xf2: {  	_ =	swait.ge [sflag:s6], $0x8000  }
0xf3: {  	[sflag:s6] =	ssyncset.done $0x0  }
0xf4: {  	s13 =	rddreg [dreg:$0x9];
	[sflag:s6] =	ssyncadd.s32 $0xFFFF8000  }
0xf5: {  	[hbm4b:s13+s2] =	stream.linear.scatter [tilespmem:s7], [sflag:$0x2], $0x8000, $0x38;
	[tilespmem:$0x15080] =	vst v63  }
0xf6: {  	_ =	swait.ge [sflag:s3], $0x8000  }
0xf7: {  	[sflag:s3] =	ssyncset.done $0x0  }
0xf8: {  	s1 =	rddreg [dreg:$0x1a];
	[sflag:s3] =	ssyncadd.s32 $0xFFFF8000  }
0xf9: {  	[tilespmem:s7], [sflag:$0x1] =	stream.indirect.gather [hbm4b:s5+s4], $0x80, s1, s4, $0xb8;
	[tilespmem:$0x15080] =	vst v63  }
0xfa: {  	s13 =	rddreg [dreg:$0x1b]  }
0xfb: {  	[tilespmem:s10], [sflag:$0x1] =	stream.indirect.gather [hbm4b:s5+s4], $0x80, s13, s4, $0xb8;
	[tilespmem:$0x15080] =	vst v63  }
0xfc: {  	_ =	swait.ge [sflag:s6], $0x8000  }
0xfd: {  	[sflag:s6] =	ssyncset.done $0x0  }
0xfe: {  	s13 =	rddreg [dreg:$0xa];
	[sflag:s6] =	ssyncadd.s32 $0xFFFF8000  }
0xff: {  	[hbm4b:s13+s2] =	stream.linear.scatter [tilespmem:s8], [sflag:$0x2], $0x8000, $0x38;
	[tilespmem:$0x15080] =	vst v63  }
0x100: {  	_ =	swait.ge [sflag:s3], $0x8000  }
0x101: {  	[sflag:s3] =	ssyncset.done $0x0  }
0x102: {  	s1 =	rddreg [dreg:$0x1c];
	[sflag:s3] =	ssyncadd.s32 $0xFFFF8000  }
0x103: {  	[tilespmem:s8], [sflag:$0x1] =	stream.indirect.gather [hbm4b:s5+s4], $0x80, s1, s4, $0xb8;
	[tilespmem:$0x15080] =	vst v63  }
0x104: {  	s13 =	rddreg [dreg:$0x1d]  }
0x105: {  	[tilespmem:s12], [sflag:$0x1] =	stream.indirect.gather [hbm4b:s5+s4], $0x80, s13, s4, $0xb8;
	[tilespmem:$0x15080] =	vst v63  }
0x106: {  	_ =	swait.ge [sflag:s6], $0x8000  }
0x107: {  	[sflag:s6] =	ssyncset.done $0x0  }
0x108: {  	s13 =	rddreg [dreg:$0xb];
	[sflag:s6] =	ssyncadd.s32 $0xFFFF8000  }
0x109: {  	[hbm4b:s13+s2] =	stream.linear.scatter [tilespmem:s7], [sflag:$0x2], $0x8000, $0x38;
	[tilespmem:$0x15080] =	vst v63  }
0x10a: {  	_ =	swait.ge [sflag:s3], $0x8000  }
0x10b: {  	[sflag:s3] =	ssyncset.done $0x0  }
0x10c: {  	s1 =	rddreg [dreg:$0x1e];
	[sflag:s3] =	ssyncadd.s32 $0xFFFF8000  }
0x10d: {  	[tilespmem:s7], [sflag:$0x1] =	stream.indirect.gather [hbm4b:s5+s4], $0x80, s1, s4, $0xb8;
	[tilespmem:$0x15080] =	vst v63  }
0x10e: {  	s13 =	rddreg [dreg:$0x1f]  }
0x10f: {  	[tilespmem:s10], [sflag:$0x1] =	stream.indirect.gather [hbm4b:s5+s4], $0x80, s13, s4, $0xb8;
	[tilespmem:$0x15080] =	vst v63  }
0x110: {  	_ =	swait.ge [sflag:s6], $0x8000  }
0x111: {  	[sflag:s6] =	ssyncset.done $0x0  }
0x112: {  	s13 =	rddreg [dreg:$0xc];
	[sflag:s6] =	ssyncadd.s32 $0xFFFF8000  }
0x113: {  	[hbm4b:s13+s2] =	stream.linear.scatter [tilespmem:s8], [sflag:$0x2], $0x8000, $0x38;
	[tilespmem:$0x15080] =	vst v63  }
0x114: {  	_ =	swait.ge [sflag:s3], $0x8000  }
0x115: {  	s1 =	sld [smem:$0x7FC]  }
0x116: {  	[sflag:s3] =	ssyncset.done $0x0  }
0x117: {  	s13 =	sld [smem:$0x7FD];
	[sflag:s3] =	ssyncadd.s32 $0xFFFF8000  }
0x118: {  	[tilespmem:s8], [sflag:$0x1] =	stream.indirect.gather [hbm4b:s5+s4], $0x80, s1, s4, $0xb8;
	[tilespmem:$0x15080] =	vst v63  }
0x119: {  	_ = 	snop  }
0x11a: {  	[tilespmem:s12], [sflag:$0x1] =	stream.indirect.gather [hbm4b:s5+s4], $0x80, s13, s4, $0xb8;
	[tilespmem:$0x15080] =	vst v63  }
0x11b: {  	_ =	swait.ge [sflag:s6], $0x8000  }
0x11c: {  	[sflag:s6] =	ssyncset.done $0x0  }
0x11d: {  	s13 =	rddreg [dreg:$0xd];
	[sflag:s6] =	ssyncadd.s32 $0xFFFF8000  }
0x11e: {  	[hbm4b:s13+s2] =	stream.linear.scatter [tilespmem:s7], [sflag:$0x2], $0x8000, $0x38;
	[tilespmem:$0x15080] =	vst v63  }
0x11f: {  	_ =	swait.ge [sflag:s3], $0x8000  }
0x120: {  	[sflag:s3] =	ssyncset.done $0x0  }
0x121: {  	[sflag:s3] =	ssyncadd.s32 $0xFFFF8000  }
0x122: {  	[tilespmem:s7], [sflag:$0x1] =	stream.indirect.gather [hbm4b:s5+s4], $0x80, s31, s4, $0xb8;
	[tilespmem:$0x15080] =	vst v63  }
0x123: {  	_ = 	snop  }
0x124: {  	[tilespmem:s10], [sflag:$0x1] =	stream.indirect.gather [hbm4b:s5+s4], $0x80, s18, s4, $0xb8;
	[tilespmem:$0x15080] =	vst v63  }
0x125: {  	_ =	swait.ge [sflag:s6], $0x8000  }
0x126: {  	[sflag:s6] =	ssyncset.done $0x0  }
0x127: {  	s13 =	rddreg [dreg:$0xe];
	[sflag:s6] =	ssyncadd.s32 $0xFFFF8000  }
0x128: {  	[hbm4b:s13+s2] =	stream.linear.scatter [tilespmem:s8], [sflag:$0x2], $0x8000, $0x38;
	[tilespmem:$0x15080] =	vst v63  }
0x129: {  	_ =	swait.ge [sflag:s3], $0x8000  }
0x12a: {  	[sflag:s3] =	ssyncset.done $0x0  }
0x12b: {  	[sflag:s3] =	ssyncadd.s32 $0xFFFF8000  }
0x12c: {  	[tilespmem:s8], [sflag:$0x1] =	stream.indirect.gather [hbm4b:s5+s4], $0x80, s29, s4, $0xb8;
	[tilespmem:$0x15080] =	vst v63  }
0x12d: {  	_ = 	snop  }
0x12e: {  	[tilespmem:s12], [sflag:$0x1] =	stream.indirect.gather [hbm4b:s5+s4], $0x80, s30, s4, $0xb8;
	[tilespmem:$0x15080] =	vst v63  }
0x12f: {  	_ =	swait.ge [sflag:s6], $0x8000  }
0x130: {  	[sflag:s6] =	ssyncset.done $0x0  }
0x131: {  	s13 =	rddreg [dreg:$0xf];
	[sflag:s6] =	ssyncadd.s32 $0xFFFF8000  }
0x132: {  	[hbm4b:s13+s2] =	stream.linear.scatter [tilespmem:s7], [sflag:$0x2], $0x8000, $0x38;
	[tilespmem:$0x15080] =	vst v63  }
0x133: {  	_ =	swait.ge [sflag:s3], $0x8000  }
0x134: {  	[sflag:s3] =	ssyncset.done $0x0  }
0x135: {  	[sflag:s3] =	ssyncadd.s32 $0xFFFF8000  }
0x136: {  	[tilespmem:s7], [sflag:$0x1] =	stream.indirect.gather [hbm4b:s5+s4], $0x80, s26, s4, $0xb8;
	[tilespmem:$0x15080] =	vst v63  }
0x137: {  	_ = 	snop  }
0x138: {  	[tilespmem:s10], [sflag:$0x1] =	stream.indirect.gather [hbm4b:s5+s4], $0x80, s28, s4, $0xb8;
	[tilespmem:$0x15080] =	vst v63  }
0x139: {  	_ =	swait.ge [sflag:s6], $0x8000  }
0x13a: {  	[sflag:s6] =	ssyncset.done $0x0  }
0x13b: {  	s13 =	rddreg [dreg:$0x10];
	[sflag:s6] =	ssyncadd.s32 $0xFFFF8000  }
0x13c: {  	[hbm4b:s13+s2] =	stream.linear.scatter [tilespmem:s8], [sflag:$0x2], $0x8000, $0x38;
	[tilespmem:$0x15080] =	vst v63  }
0x13d: {  	_ =	swait.ge [sflag:s3], $0x8000  }
0x13e: {  	[sflag:s3] =	ssyncset.done $0x0  }
0x13f: {  	[sflag:s3] =	ssyncadd.s32 $0xFFFF8000  }
0x140: {  	[tilespmem:s8], [sflag:$0x1] =	stream.indirect.gather [hbm4b:s5+s4], $0x80, s24, s4, $0xb8;
	[tilespmem:$0x15080] =	vst v63  }
0x141: {  	_ = 	snop  }
0x142: {  	[tilespmem:s12], [sflag:$0x1] =	stream.indirect.gather [hbm4b:s5+s4], $0x80, s25, s4, $0xb8;
	[tilespmem:$0x15080] =	vst v63  }
0x143: {  	_ =	swait.ge [sflag:s6], $0x8000  }
0x144: {  	[sflag:s6] =	ssyncset.done $0x0  }
0x145: {  	s13 =	rddreg [dreg:$0x11];
	[sflag:s6] =	ssyncadd.s32 $0xFFFF8000  }
0x146: {  	[hbm4b:s13+s2] =	stream.linear.scatter [tilespmem:s7], [sflag:$0x2], $0x8000, $0x38;
	[tilespmem:$0x15080] =	vst v63  }
0x147: {  	_ =	swait.ge [sflag:s3], $0x8000  }
0x148: {  	[sflag:s3] =	ssyncset.done $0x0  }
0x149: {  	[sflag:s3] =	ssyncadd.s32 $0xFFFF8000  }
0x14a: {  	[tilespmem:s7], [sflag:$0x1] =	stream.indirect.gather [hbm4b:s5+s4], $0x80, s22, s4, $0xb8;
	[tilespmem:$0x15080] =	vst v63  }
0x14b: {  	_ = 	snop  }
0x14c: {  	[tilespmem:s10], [sflag:$0x1] =	stream.indirect.gather [hbm4b:s5+s4], $0x80, s23, s4, $0xb8;
	[tilespmem:$0x15080] =	vst v63  }
0x14d: {  	_ =	swait.ge [sflag:s6], $0x8000  }
0x14e: {  	[sflag:s6] =	ssyncset.done $0x0  }
0x14f: {  	s13 =	rddreg [dreg:$0x12];
	[sflag:s6] =	ssyncadd.s32 $0xFFFF8000  }
0x150: {  	[hbm4b:s13+s2] =	stream.linear.scatter [tilespmem:s8], [sflag:$0x2], $0x8000, $0x38;
	[tilespmem:$0x15080] =	vst v63  }
0x151: {  	_ =	swait.ge [sflag:s3], $0x8000  }
0x152: {  	[sflag:s3] =	ssyncset.done $0x0  }
0x153: {  	[sflag:s3] =	ssyncadd.s32 $0xFFFF8000  }
0x154: {  	[tilespmem:s8], [sflag:$0x1] =	stream.indirect.gather [hbm4b:s5+s4], $0x80, s20, s4, $0xb8;
	[tilespmem:$0x15080] =	vst v63  }
0x155: {  	_ = 	snop  }
0x156: {  	[tilespmem:s12], [sflag:$0x1] =	stream.indirect.gather [hbm4b:s5+s4], $0x80, s21, s4, $0xb8;
	[tilespmem:$0x15080] =	vst v63  }
0x157: {  	_ =	swait.ge [sflag:s6], $0x8000  }
0x158: {  	[sflag:s6] =	ssyncset.done $0x0  }
0x159: {  	s13 =	rddreg [dreg:$0x13];
	[sflag:s6] =	ssyncadd.s32 $0xFFFF8000  }
0x15a: {  	[hbm4b:s13+s2] =	stream.linear.scatter [tilespmem:s7], [sflag:$0x2], $0x8000, $0x38;
	[tilespmem:$0x15080] =	vst v63  }
0x15b: {  	_ =	swait.ge [sflag:s3], $0x8000  }
0x15c: {  	[sflag:s3] =	ssyncset.done $0x0  }
0x15d: {  	s13 =	simm.s32 $0xD00;
	[sflag:s3] =	ssyncadd.s32 $0xFFFF8000  }
0x15e: {  	[tilespmem:s7], [sflag:$0x1] =	stream.indirect.gather [hbm4b:s5+s4], $0x80, s13, s4, $0xb8;
	[tilespmem:$0x15080] =	vst v63  }
0x15f: {  	_ = 	snop  }
0x160: {  	[tilespmem:s10], [sflag:$0x1] =	stream.indirect.gather [hbm4b:s5+s4], $0x80, s19, s4, $0xb8;
	[tilespmem:$0x15080] =	vst v63  }
0x161: {  	_ =	swait.ge [sflag:s6], $0x8000  }
0x162: {  	[sflag:s6] =	ssyncset.done $0x0  }
0x163: {  	s13 =	rddreg [dreg:$0x14];
	[sflag:s6] =	ssyncadd.s32 $0xFFFF8000  }
0x164: {  	[hbm4b:s13+s2] =	stream.linear.scatter [tilespmem:s8], [sflag:$0x2], $0x8000, $0x38;
	[tilespmem:$0x15080] =	vst v63  }
0x165: {  	_ =	swait.ge [sflag:s3], $0x8000  }
0x166: {  	[sflag:s3] =	ssyncset.done $0x0  }
0x167: {  	[sflag:s3] =	ssyncadd.s32 $0xFFFF8000  }
0x168: {  	[tilespmem:s8], [sflag:$0x1] =	stream.indirect.gather [hbm4b:s5+s4], $0x80, s16, s4, $0xb8;
	[tilespmem:$0x15080] =	vst v63  }
0x169: {  	_ = 	snop  }
0x16a: {  	[tilespmem:s12], [sflag:$0x1] =	stream.indirect.gather [hbm4b:s5+s4], $0x80, s17, s4, $0xb8;
	[tilespmem:$0x15080] =	vst v63  }
0x16b: {  	_ =	swait.ge [sflag:s6], $0x8000  }
0x16c: {  	[sflag:s6] =	ssyncset.done $0x0  }
0x16d: {  	s13 =	rddreg [dreg:$0x15];
	[sflag:s6] =	ssyncadd.s32 $0xFFFF8000  }
0x16e: {  	[hbm4b:s13+s2] =	stream.linear.scatter [tilespmem:s7], [sflag:$0x2], $0x8000, $0x38;
	[tilespmem:$0x15080] =	vst v63  }
0x16f: {  	_ =	swait.ge [sflag:s3], $0x8000  }
0x170: {  	[sflag:s3] =	ssyncset.done $0x0  }
0x171: {  	[sflag:s3] =	ssyncadd.s32 $0xFFFF8000  }
0x172: {  	[tilespmem:s7], [sflag:$0x1] =	stream.indirect.gather [hbm4b:s5+s4], $0x80, s14, s4, $0xb8;
	[tilespmem:$0x15080] =	vst v63  }
0x173: {  	_ = 	snop  }
0x174: {  	[tilespmem:s10], [sflag:$0x1] =	stream.indirect.gather [hbm4b:s5+s4], $0x80, s15, s4, $0xb8;
	[tilespmem:$0x15080] =	vst v63  }
0x175: {  	_ =	swait.ge [sflag:s6], $0x8000  }
0x176: {  	[sflag:s6] =	ssyncset.done $0x0  }
0x177: {  	s13 =	rddreg [dreg:$0x7];
	[sflag:s6] =	ssyncadd.s32 $0xFFFF8000  }
0x178: {  	[hbm4b:s13+s2] =	stream.linear.scatter [tilespmem:s8], [sflag:$0x2], $0x8000, $0x38;
	[tilespmem:$0x15080] =	vst v63  }
0x179: {  	_ =	swait.ge [sflag:s3], $0x8000  }
0x17a: {  	[sflag:s3] =	ssyncset.done $0x0  }
0x17b: {  	[sflag:s3] =	ssyncadd.s32 $0xFFFF8000  }
0x17c: {  	_ =	swait.ge [sflag:s6], $0x8000  }
0x17d: {  	[sflag:s6] =	ssyncset.done $0x0  }
0x17e: {  	s13 =	rddreg [dreg:$0x8];
	[sflag:s6] =	ssyncadd.s32 $0xFFFF8000  }
0x17f: {  	[hbm4b:s13+s2] =	stream.linear.scatter [tilespmem:s7], [sflag:$0x2], $0x8000, $0x38;
	[tilespmem:$0x15080] =	vst v63  }
0x180: {  	_ =	swait.ge [sflag:s3], $0x8000  }
0x181: {  	[sflag:s3] =	ssyncset.done $0x0  }
0x182: {  	s13 =	rddreg [dreg:$0x5];
	[sflag:s3] =	ssyncadd.s32 $0xFFFF8000  }
0x183: {  	[tilespmem:s11], [sflag:$0x2] =	stream.linear.gather [hbm4b:s13+s2], $0x80, $0x38;
	[tilespmem:$0x15080] =	vst v63  }
0x184: {  	_ =	swait.ge [sflag:s3], $0x80  }
0x185: {  	[sflag:s3] =	ssyncset.done $0x0  }
0x186: {  	s13 =	rddreg [dreg:$0x2];
	[sflag:s3] =	ssyncadd.s32 $0xFFFFFF80  }
0x187: {  	[tilespmem:s9], [sflag:$0x1] =	stream.indirect.gather [hbm4b:s13+s4], $0x80, s11, s4, $0xb8;
	[tilespmem:$0x15080] =	vst v63  }
0x188: {  	p1 =	sne.s32 s0, $0x1;
	_ =	swait.ge [sflag:s6], $0x4000  }
.Ltmp2:
0x189: {  	[sflag:s6] =	ssyncset.done $0x0;
	(pc) =	sbr.rel @p1 .LBB2_4-.Ltmp2, $4  }
0x18a: {  	s13 =	rddreg [dreg:$0x6];
	[sflag:s6] =	ssyncadd.s32 $0xFFFFC000  }
0x18b: {  	[hbm4b:s13+s2] =	stream.linear.scatter [tilespmem:s9], [sflag:$0x2], $0x4000, $0x38;
	[tilespmem:$0x15080] =	vst v63  }
0x18c: {  	_ =	swait.ge [sflag:s3], $0x4000  }
0x18d: {  	s0 =	sadd.s32 $0xFFFFFFFF, s0;
	s1 =	rddreg [dreg:$0x3];
	[sflag:s3] =	ssyncset.done $0x0  }
0x18e: {  	s15 =	simm.s32 $0x780;
	s31 =	simm.s32 $0x700;
	s30 =	simm.s32 $0x880  }
0x18f: {  	s29 =	simm.s32 $0x800;
	s28 =	simm.s32 $0x980;
	s26 =	simm.s32 $0x900  }
0x190: {  	s25 =	simm.s32 $0xA80;
	s24 =	simm.s32 $0xA00;
	s23 =	simm.s32 $0xB80  }
0x191: {  	s22 =	simm.s32 $0xB00;
	s21 =	simm.s32 $0xC80;
	s20 =	simm.s32 $0xC00  }
0x192: {  	s19 =	simm.s32 $0xD80;
	s18 =	simm.s32 $0xD00;
	s17 =	simm.s32 $0xE80  }
0x193: {  	s16 =	simm.s32 $0xE00;
	s14 =	simm.s32 $0xF00;
	s13 =	rddreg [dreg:$0x1]  }
.LBB2_6:
0x194: {  	[sflag:s3] =	ssyncadd.s32 @p0 $0xFFFFC000  }
0x195: {  	[tilespmem:s2], [sflag:$0x2] =	stream.linear.gather [hbm4b:s1+s2], $0x1000, $0x38;
	[tilespmem:$0x15080] =	vst v63  }
0x196: {  	_ =	swait.ge [sflag:s3], $0x1000  }
0x197: {  	[sflag:s3] =	ssyncset.done $0x0  }
0x198: {  	[sflag:s3] =	ssyncadd.s32 $0xFFFFF000  }
0x199: {  	[tilespmem:s8], [sflag:$0x1] =	stream.indirect.gather [hbm4b:s5+s4], $0x80, s2, s4, $0xb8;
	[tilespmem:$0x15080] =	vst v63  }
0x19a: {  	_ = 	snop  }
0x19b: {  	[tilespmem:s12], [sflag:$0x1] =	stream.indirect.gather [hbm4b:s5+s4], $0x80, s4, s4, $0xb8;
	[tilespmem:$0x15080] =	vst v63  }
0x19c: {  	s0 =	rddreg [dreg:$0x16]  }
0x19d: {  	[tilespmem:s7], [sflag:$0x1] =	stream.indirect.gather [hbm4b:s5+s4], $0x80, s0, s4, $0xb8;
	[tilespmem:$0x15080] =	vst v63  }
0x19e: {  	s1 =	rddreg [dreg:$0x17]  }
0x19f: {  	[tilespmem:s10], [sflag:$0x1] =	stream.indirect.gather [hbm4b:s5+s4], $0x80, s1, s4, $0xb8;
	[tilespmem:$0x15080] =	vst v63  }
0x1a0: {  	_ =	swait.ge [sflag:s6], $0x8000  }
0x1a1: {  	[sflag:s6] =	ssyncset.done $0x0  }
0x1a2: {  	s1 =	rddreg [dreg:$0x4];
	[sflag:s6] =	ssyncadd.s32 $0xFFFF8000  }
0x1a3: {  	[hbm4b:s1+s2] =	stream.linear.scatter [tilespmem:s8], [sflag:$0x2], $0x8000, $0x38;
	[tilespmem:$0x15080] =	vst v63  }
0x1a4: {  	_ =	swait.ge [sflag:s3], $0x8000  }
0x1a5: {  	[sflag:s3] =	ssyncset.done $0x0  }
0x1a6: {  	s0 =	rddreg [dreg:$0x18];
	[sflag:s3] =	ssyncadd.s32 $0xFFFF8000  }
0x1a7: {  	[tilespmem:s8], [sflag:$0x1] =	stream.indirect.gather [hbm4b:s5+s4], $0x80, s0, s4, $0xb8;
	[tilespmem:$0x15080] =	vst v63  }
0x1a8: {  	s1 =	rddreg [dreg:$0x19]  }
0x1a9: {  	[tilespmem:s12], [sflag:$0x1] =	stream.indirect.gather [hbm4b:s5+s4], $0x80, s1, s4, $0xb8;
	[tilespmem:$0x15080] =	vst v63  }
0x1aa: {  	_ =	swait.ge [sflag:s6], $0x8000  }
0x1ab: {  	[sflag:s6] =	ssyncset.done $0x0  }
0x1ac: {  	s1 =	rddreg [dreg:$0x9];
	[sflag:s6] =	ssyncadd.s32 $0xFFFF8000  }
0x1ad: {  	[hbm4b:s1+s2] =	stream.linear.scatter [tilespmem:s7], [sflag:$0x2], $0x8000, $0x38;
	[tilespmem:$0x15080] =	vst v63  }
0x1ae: {  	_ =	swait.ge [sflag:s3], $0x8000  }
0x1af: {  	[sflag:s3] =	ssyncset.done $0x0  }
0x1b0: {  	s0 =	rddreg [dreg:$0x1a];
	[sflag:s3] =	ssyncadd.s32 $0xFFFF8000  }
0x1b1: {  	[tilespmem:s7], [sflag:$0x1] =	stream.indirect.gather [hbm4b:s5+s4], $0x80, s0, s4, $0xb8;
	[tilespmem:$0x15080] =	vst v63  }
0x1b2: {  	s1 =	rddreg [dreg:$0x1b]  }
0x1b3: {  	[tilespmem:s10], [sflag:$0x1] =	stream.indirect.gather [hbm4b:s5+s4], $0x80, s1, s4, $0xb8;
	[tilespmem:$0x15080] =	vst v63  }
0x1b4: {  	_ =	swait.ge [sflag:s6], $0x8000  }
0x1b5: {  	[sflag:s6] =	ssyncset.done $0x0  }
0x1b6: {  	s1 =	rddreg [dreg:$0xa];
	[sflag:s6] =	ssyncadd.s32 $0xFFFF8000  }
0x1b7: {  	[hbm4b:s1+s2] =	stream.linear.scatter [tilespmem:s8], [sflag:$0x2], $0x8000, $0x38;
	[tilespmem:$0x15080] =	vst v63  }
0x1b8: {  	_ =	swait.ge [sflag:s3], $0x8000  }
0x1b9: {  	[sflag:s3] =	ssyncset.done $0x0  }
0x1ba: {  	s0 =	rddreg [dreg:$0x1c];
	[sflag:s3] =	ssyncadd.s32 $0xFFFF8000  }
0x1bb: {  	[tilespmem:s8], [sflag:$0x1] =	stream.indirect.gather [hbm4b:s5+s4], $0x80, s0, s4, $0xb8;
	[tilespmem:$0x15080] =	vst v63  }
0x1bc: {  	s1 =	rddreg [dreg:$0x1d]  }
0x1bd: {  	[tilespmem:s12], [sflag:$0x1] =	stream.indirect.gather [hbm4b:s5+s4], $0x80, s1, s4, $0xb8;
	[tilespmem:$0x15080] =	vst v63  }
0x1be: {  	_ =	swait.ge [sflag:s6], $0x8000  }
0x1bf: {  	[sflag:s6] =	ssyncset.done $0x0  }
0x1c0: {  	s1 =	rddreg [dreg:$0xb];
	[sflag:s6] =	ssyncadd.s32 $0xFFFF8000  }
0x1c1: {  	[hbm4b:s1+s2] =	stream.linear.scatter [tilespmem:s7], [sflag:$0x2], $0x8000, $0x38;
	[tilespmem:$0x15080] =	vst v63  }
0x1c2: {  	_ =	swait.ge [sflag:s3], $0x8000  }
0x1c3: {  	[sflag:s3] =	ssyncset.done $0x0  }
0x1c4: {  	s0 =	rddreg [dreg:$0x1e];
	[sflag:s3] =	ssyncadd.s32 $0xFFFF8000  }
0x1c5: {  	[tilespmem:s7], [sflag:$0x1] =	stream.indirect.gather [hbm4b:s5+s4], $0x80, s0, s4, $0xb8;
	[tilespmem:$0x15080] =	vst v63  }
0x1c6: {  	s1 =	rddreg [dreg:$0x1f]  }
0x1c7: {  	[tilespmem:s10], [sflag:$0x1] =	stream.indirect.gather [hbm4b:s5+s4], $0x80, s1, s4, $0xb8;
	[tilespmem:$0x15080] =	vst v63  }
0x1c8: {  	_ =	swait.ge [sflag:s6], $0x8000  }
0x1c9: {  	[sflag:s6] =	ssyncset.done $0x0  }
0x1ca: {  	s1 =	rddreg [dreg:$0xc];
	[sflag:s6] =	ssyncadd.s32 $0xFFFF8000  }
0x1cb: {  	[hbm4b:s1+s2] =	stream.linear.scatter [tilespmem:s8], [sflag:$0x2], $0x8000, $0x38;
	[tilespmem:$0x15080] =	vst v63  }
0x1cc: {  	_ =	swait.ge [sflag:s3], $0x8000  }
0x1cd: {  	s0 =	sld [smem:$0x7FC]  }
0x1ce: {  	[sflag:s3] =	ssyncset.done $0x0  }
0x1cf: {  	s1 =	sld [smem:$0x7FD];
	[sflag:s3] =	ssyncadd.s32 $0xFFFF8000  }
0x1d0: {  	[tilespmem:s8], [sflag:$0x1] =	stream.indirect.gather [hbm4b:s5+s4], $0x80, s0, s4, $0xb8;
	[tilespmem:$0x15080] =	vst v63  }
0x1d1: {  	_ = 	snop  }
0x1d2: {  	[tilespmem:s12], [sflag:$0x1] =	stream.indirect.gather [hbm4b:s5+s4], $0x80, s1, s4, $0xb8;
	[tilespmem:$0x15080] =	vst v63  }
0x1d3: {  	_ =	swait.ge [sflag:s6], $0x8000  }
0x1d4: {  	[sflag:s6] =	ssyncset.done $0x0  }
0x1d5: {  	s1 =	rddreg [dreg:$0xd];
	[sflag:s6] =	ssyncadd.s32 $0xFFFF8000  }
0x1d6: {  	[hbm4b:s1+s2] =	stream.linear.scatter [tilespmem:s7], [sflag:$0x2], $0x8000, $0x38;
	[tilespmem:$0x15080] =	vst v63  }
0x1d7: {  	_ =	swait.ge [sflag:s3], $0x8000  }
0x1d8: {  	[sflag:s3] =	ssyncset.done $0x0  }
0x1d9: {  	[sflag:s3] =	ssyncadd.s32 $0xFFFF8000  }
0x1da: {  	[tilespmem:s7], [sflag:$0x1] =	stream.indirect.gather [hbm4b:s5+s4], $0x80, s31, s4, $0xb8;
	[tilespmem:$0x15080] =	vst v63  }
0x1db: {  	_ = 	snop  }
0x1dc: {  	[tilespmem:s10], [sflag:$0x1] =	stream.indirect.gather [hbm4b:s5+s4], $0x80, s15, s4, $0xb8;
	[tilespmem:$0x15080] =	vst v63  }
0x1dd: {  	_ =	swait.ge [sflag:s6], $0x8000  }
0x1de: {  	[sflag:s6] =	ssyncset.done $0x0  }
0x1df: {  	s15 =	rddreg [dreg:$0xe];
	[sflag:s6] =	ssyncadd.s32 $0xFFFF8000  }
0x1e0: {  	[hbm4b:s15+s2] =	stream.linear.scatter [tilespmem:s8], [sflag:$0x2], $0x8000, $0x38;
	[tilespmem:$0x15080] =	vst v63  }
0x1e1: {  	_ =	swait.ge [sflag:s3], $0x8000  }
0x1e2: {  	[sflag:s3] =	ssyncset.done $0x0  }
0x1e3: {  	[sflag:s3] =	ssyncadd.s32 $0xFFFF8000  }
0x1e4: {  	[tilespmem:s8], [sflag:$0x1] =	stream.indirect.gather [hbm4b:s5+s4], $0x80, s29, s4, $0xb8;
	[tilespmem:$0x15080] =	vst v63  }
0x1e5: {  	_ = 	snop  }
0x1e6: {  	[tilespmem:s12], [sflag:$0x1] =	stream.indirect.gather [hbm4b:s5+s4], $0x80, s30, s4, $0xb8;
	[tilespmem:$0x15080] =	vst v63  }
0x1e7: {  	_ =	swait.ge [sflag:s6], $0x8000  }
0x1e8: {  	[sflag:s6] =	ssyncset.done $0x0  }
0x1e9: {  	s30 =	rddreg [dreg:$0xf];
	[sflag:s6] =	ssyncadd.s32 $0xFFFF8000  }
0x1ea: {  	[hbm4b:s30+s2] =	stream.linear.scatter [tilespmem:s7], [sflag:$0x2], $0x8000, $0x38;
	[tilespmem:$0x15080] =	vst v63  }
0x1eb: {  	_ =	swait.ge [sflag:s3], $0x8000  }
0x1ec: {  	[sflag:s3] =	ssyncset.done $0x0  }
0x1ed: {  	[sflag:s3] =	ssyncadd.s32 $0xFFFF8000  }
0x1ee: {  	[tilespmem:s7], [sflag:$0x1] =	stream.indirect.gather [hbm4b:s5+s4], $0x80, s26, s4, $0xb8;
	[tilespmem:$0x15080] =	vst v63  }
0x1ef: {  	_ = 	snop  }
0x1f0: {  	[tilespmem:s10], [sflag:$0x1] =	stream.indirect.gather [hbm4b:s5+s4], $0x80, s28, s4, $0xb8;
	[tilespmem:$0x15080] =	vst v63  }
0x1f1: {  	_ =	swait.ge [sflag:s6], $0x8000  }
0x1f2: {  	[sflag:s6] =	ssyncset.done $0x0  }
0x1f3: {  	s31 =	rddreg [dreg:$0x10];
	[sflag:s6] =	ssyncadd.s32 $0xFFFF8000  }
0x1f4: {  	[hbm4b:s31+s2] =	stream.linear.scatter [tilespmem:s8], [sflag:$0x2], $0x8000, $0x38;
	[tilespmem:$0x15080] =	vst v63  }
0x1f5: {  	_ =	swait.ge [sflag:s3], $0x8000  }
0x1f6: {  	[sflag:s3] =	ssyncset.done $0x0  }
0x1f7: {  	[sflag:s3] =	ssyncadd.s32 $0xFFFF8000  }
0x1f8: {  	[tilespmem:s8], [sflag:$0x1] =	stream.indirect.gather [hbm4b:s5+s4], $0x80, s24, s4, $0xb8;
	[tilespmem:$0x15080] =	vst v63  }
0x1f9: {  	_ = 	snop  }
0x1fa: {  	[tilespmem:s12], [sflag:$0x1] =	stream.indirect.gather [hbm4b:s5+s4], $0x80, s25, s4, $0xb8;
	[tilespmem:$0x15080] =	vst v63  }
0x1fb: {  	_ =	swait.ge [sflag:s6], $0x8000  }
0x1fc: {  	[sflag:s6] =	ssyncset.done $0x0  }
0x1fd: {  	s1 =	rddreg [dreg:$0x11];
	[sflag:s6] =	ssyncadd.s32 $0xFFFF8000  }
0x1fe: {  	[hbm4b:s1+s2] =	stream.linear.scatter [tilespmem:s7], [sflag:$0x2], $0x8000, $0x38;
	[tilespmem:$0x15080] =	vst v63  }
0x1ff: {  	_ =	swait.ge [sflag:s3], $0x8000  }
0x200: {  	[sflag:s3] =	ssyncset.done $0x0  }
0x201: {  	[sflag:s3] =	ssyncadd.s32 $0xFFFF8000  }
0x202: {  	[tilespmem:s7], [sflag:$0x1] =	stream.indirect.gather [hbm4b:s5+s4], $0x80, s22, s4, $0xb8;
	[tilespmem:$0x15080] =	vst v63  }
0x203: {  	_ = 	snop  }
0x204: {  	[tilespmem:s10], [sflag:$0x1] =	stream.indirect.gather [hbm4b:s5+s4], $0x80, s23, s4, $0xb8;
	[tilespmem:$0x15080] =	vst v63  }
0x205: {  	_ =	swait.ge [sflag:s6], $0x8000  }
0x206: {  	[sflag:s6] =	ssyncset.done $0x0  }
0x207: {  	s15 =	rddreg [dreg:$0x12];
	[sflag:s6] =	ssyncadd.s32 $0xFFFF8000  }
0x208: {  	[hbm4b:s15+s2] =	stream.linear.scatter [tilespmem:s8], [sflag:$0x2], $0x8000, $0x38;
	[tilespmem:$0x15080] =	vst v63  }
0x209: {  	_ =	swait.ge [sflag:s3], $0x8000  }
0x20a: {  	[sflag:s3] =	ssyncset.done $0x0  }
0x20b: {  	[sflag:s3] =	ssyncadd.s32 $0xFFFF8000  }
0x20c: {  	[tilespmem:s8], [sflag:$0x1] =	stream.indirect.gather [hbm4b:s5+s4], $0x80, s20, s4, $0xb8;
	[tilespmem:$0x15080] =	vst v63  }
0x20d: {  	_ = 	snop  }
0x20e: {  	[tilespmem:s12], [sflag:$0x1] =	stream.indirect.gather [hbm4b:s5+s4], $0x80, s21, s4, $0xb8;
	[tilespmem:$0x15080] =	vst v63  }
0x20f: {  	_ =	swait.ge [sflag:s6], $0x8000  }
0x210: {  	[sflag:s6] =	ssyncset.done $0x0  }
0x211: {  	s21 =	rddreg [dreg:$0x13];
	[sflag:s6] =	ssyncadd.s32 $0xFFFF8000  }
0x212: {  	[hbm4b:s21+s2] =	stream.linear.scatter [tilespmem:s7], [sflag:$0x2], $0x8000, $0x38;
	[tilespmem:$0x15080] =	vst v63  }
0x213: {  	_ =	swait.ge [sflag:s3], $0x8000  }
0x214: {  	[sflag:s3] =	ssyncset.done $0x0  }
0x215: {  	[sflag:s3] =	ssyncadd.s32 $0xFFFF8000  }
0x216: {  	[tilespmem:s7], [sflag:$0x1] =	stream.indirect.gather [hbm4b:s5+s4], $0x80, s18, s4, $0xb8;
	[tilespmem:$0x15080] =	vst v63  }
0x217: {  	_ = 	snop  }
0x218: {  	[tilespmem:s10], [sflag:$0x1] =	stream.indirect.gather [hbm4b:s5+s4], $0x80, s19, s4, $0xb8;
	[tilespmem:$0x15080] =	vst v63  }
0x219: {  	_ =	swait.ge [sflag:s6], $0x8000  }
0x21a: {  	[sflag:s6] =	ssyncset.done $0x0  }
0x21b: {  	s22 =	rddreg [dreg:$0x14];
	[sflag:s6] =	ssyncadd.s32 $0xFFFF8000  }
0x21c: {  	[hbm4b:s22+s2] =	stream.linear.scatter [tilespmem:s8], [sflag:$0x2], $0x8000, $0x38;
	[tilespmem:$0x15080] =	vst v63  }
0x21d: {  	_ =	swait.ge [sflag:s3], $0x8000  }
0x21e: {  	[sflag:s3] =	ssyncset.done $0x0  }
0x21f: {  	[sflag:s3] =	ssyncadd.s32 $0xFFFF8000  }
0x220: {  	[tilespmem:s8], [sflag:$0x1] =	stream.indirect.gather [hbm4b:s5+s4], $0x80, s16, s4, $0xb8;
	[tilespmem:$0x15080] =	vst v63  }
0x221: {  	_ = 	snop  }
0x222: {  	[tilespmem:s12], [sflag:$0x1] =	stream.indirect.gather [hbm4b:s5+s4], $0x80, s17, s4, $0xb8;
	[tilespmem:$0x15080] =	vst v63  }
0x223: {  	_ =	swait.ge [sflag:s6], $0x8000  }
0x224: {  	[sflag:s6] =	ssyncset.done $0x0  }
0x225: {  	s23 =	rddreg [dreg:$0x15];
	[sflag:s6] =	ssyncadd.s32 $0xFFFF8000  }
0x226: {  	[hbm4b:s23+s2] =	stream.linear.scatter [tilespmem:s7], [sflag:$0x2], $0x8000, $0x38;
	[tilespmem:$0x15080] =	vst v63  }
0x227: {  	_ =	swait.ge [sflag:s3], $0x8000  }
0x228: {  	[sflag:s3] =	ssyncset.done $0x0  }
0x229: {  	[sflag:s3] =	ssyncadd.s32 $0xFFFF8000  }
0x22a: {  	[tilespmem:s7], [sflag:$0x1] =	stream.indirect.gather [hbm4b:s5+s4], $0x80, s14, s4, $0xb8;
	[tilespmem:$0x15080] =	vst v63  }
0x22b: {  	s24 =	simm.s32 $0xF80  }
0x22c: {  	[tilespmem:s10], [sflag:$0x1] =	stream.indirect.gather [hbm4b:s5+s4], $0x80, s24, s4, $0xb8;
	[tilespmem:$0x15080] =	vst v63  }
0x22d: {  	_ =	swait.ge [sflag:s6], $0x8000  }
0x22e: {  	[sflag:s6] =	ssyncset.done $0x0  }
0x22f: {  	s25 =	rddreg [dreg:$0x7];
	[sflag:s6] =	ssyncadd.s32 $0xFFFF8000  }
0x230: {  	[hbm4b:s25+s2] =	stream.linear.scatter [tilespmem:s8], [sflag:$0x2], $0x8000, $0x38;
	[tilespmem:$0x15080] =	vst v63  }
0x231: {  	_ =	swait.ge [sflag:s3], $0x8000  }
0x232: {  	[sflag:s3] =	ssyncset.done $0x0  }
0x233: {  	[sflag:s3] =	ssyncadd.s32 $0xFFFF8000  }
0x234: {  	_ =	swait.ge [sflag:s6], $0x8000  }
0x235: {  	[sflag:s6] =	ssyncset.done $0x0  }
0x236: {  	s26 =	rddreg [dreg:$0x8];
	[sflag:s6] =	ssyncadd.s32 $0xFFFF8000  }
0x237: {  	[hbm4b:s26+s2] =	stream.linear.scatter [tilespmem:s7], [sflag:$0x2], $0x8000, $0x38;
	[tilespmem:$0x15080] =	vst v63  }
0x238: {  	_ =	swait.ge [sflag:s3], $0x8000  }
0x239: {  	[sflag:s3] =	ssyncset.done $0x0  }
0x23a: {  	s28 =	rddreg [dreg:$0x5];
	[sflag:s3] =	ssyncadd.s32 $0xFFFF8000  }
0x23b: {  	[tilespmem:s11], [sflag:$0x2] =	stream.linear.gather [hbm4b:s28+s2], $0x80, $0x38;
	[tilespmem:$0x15080] =	vst v63  }
0x23c: {  	_ =	swait.ge [sflag:s3], $0x80  }
0x23d: {  	[sflag:s3] =	ssyncset.done $0x0  }
0x23e: {  	s29 =	rddreg [dreg:$0x2];
	[sflag:s3] =	ssyncadd.s32 $0xFFFFFF80  }
0x23f: {  	[tilespmem:s9], [sflag:$0x1] =	stream.indirect.gather [hbm4b:s29+s4], $0x80, s11, s4, $0xb8;
	[tilespmem:$0x15080] =	vst v63  }
0x240: {  	_ =	swait.ge [sflag:s6], $0x4000  }
0x241: {  	[sflag:s6] =	ssyncset.done $0x0  }
0x242: {  	s30 =	rddreg [dreg:$0x6];
	[sflag:s6] =	ssyncadd.s32 $0xFFFFC000  }
0x243: {  	[hbm4b:s30+s2] =	stream.linear.scatter [tilespmem:s9], [sflag:$0x2], $0x4000, $0x38;
	[tilespmem:$0x15080] =	vst v63  }
0x244: {  	_ =	swait.ge [sflag:s3], $0x4000  }
0x245: {  	[sflag:s3] =	ssyncset.done $0x0  }
0x246: {  	[sflag:s3] =	ssyncadd.s32 $0xFFFFC000  }
0x247: {  	_ =	sfence.sel $0x180000  }
0x248: {  	s31 =	stileid.u32;
	[bflag:$0x0] =	sbarrier.arrive $0xFFFF  }
0x249: {  	p0 =	sne.s32 s31, $0x0;
	_ =	strace $0x9000004D  }
0x24a: {  	s0 =	sadd.s32 @!p0 $0x100000, s13;
	[bflag:$0x2] =	sbarrier.arrive $0xFFFF  }
0x24b: {  	[sflag:s0] =	ssyncadd.tile.s32 @!p0 $0x1;
	_ =	shalt  }
.LBB2_1:
0x24c: {  	s15 =	simm.s32 $0x780;
	s31 =	simm.s32 $0x700;
	s30 =	simm.s32 $0x880  }
.Ltmp3:
0x24d: {  	s29 =	simm.s32 $0x800;
	s28 =	simm.s32 $0x980;
	(pc) =	sbr.rel .LBB2_6-.Ltmp3, $4  }
0x24e: {  	s26 =	simm.s32 $0x900;
	s25 =	simm.s32 $0xA80;
	s24 =	simm.s32 $0xA00  }
0x24f: {  	s23 =	simm.s32 $0xB80;
	s22 =	simm.s32 $0xB00;
	s21 =	simm.s32 $0xC80  }
0x250: {  	s20 =	simm.s32 $0xC00;
	s19 =	simm.s32 $0xD80;
	s18 =	simm.s32 $0xD00  }
0x251: {  	s17 =	simm.s32 $0xE80;
	s16 =	simm.s32 $0xE00;
	s14 =	simm.s32 $0xF00  }
.LBB2_3:
0x252: {  	s15 =	simm.s32 $0x780  }
0x253: {  	s31 =	simm.s32 $0x700;
	s30 =	simm.s32 $0x880;
	s29 =	simm.s32 $0x800  }
.Ltmp4:
0x254: {  	s28 =	simm.s32 $0x980;
	s26 =	simm.s32 $0x900;
	(pc) =	sbr.rel .LBB2_6-.Ltmp4, $4  }
0x255: {  	s25 =	simm.s32 $0xA80;
	s24 =	simm.s32 $0xA00;
	s23 =	simm.s32 $0xB80  }
0x256: {  	s22 =	simm.s32 $0xB00;
	s21 =	simm.s32 $0xC80;
	s20 =	simm.s32 $0xC00  }
0x257: {  	s19 =	simm.s32 $0xD80;
	s18 =	simm.s32 $0xD00;
	s17 =	simm.s32 $0xE80  }
0x258: {  	s16 =	simm.s32 $0xE00;
	s14 =	simm.s32 $0xF00;
	s13 =	rddreg [dreg:$0x1]  }
.Lfunc_end2:
_tile_overlayer_lowered:
.L_overlay_start_2:
0x259: {  	(tag) =	ssettag $0x2  }
0x25a: {  	s0 =	rddreg [dreg:$0x0];
	s2 =	stileid.u32  }
0x25b: {  	s1 =	rddreg [dreg:$0x1];
	p0 =	sne.s32 s2, $0x0  }
0x25c: {  	s3 =	rddreg [dreg:$0x2];
	[bflag:$0x3] =	sbarrier.arrive $0xFFFF;
	s2 =	simm.s32 @!p0 $0x1C02  }
0x25d: {  	[timem:s3], [sflag:s2] =	dma.local @!p0 [hbm:s0], s1  }
0x25e: {  	s0 =	simm.s32 @!p0 $0x2  }
0x25f: {  	_ =	swait.ge @!p0 [sflag:s0], s1  }
0x260: {  	s1 =	ssub.s32 @!p0 $0x0, s1;
	[sflag:s0] =	ssyncset.done @!p0 $0x0  }
0x261: {  	[sflag:s0] =	ssyncadd.s32 @!p0 s1  }
0x262: {  	[bflag:$0x3] =	sbarrier.arrive $0xFFFF  }
0x263: {  	_ =	shalt  }

// kernel: kernel.18.cloned.1.call-start
scs
__scs_entry_jumppad:
0x0: {  	(pc) =	sbr.rel $0x88, $3  }
0x1: {  	(tag) =	ssettag $0x0;
	lr =	simm.s32 $0x1  }
0x2: {  	[smem:$0x3F98] =	sst lr;
	_ =	strace $0xD0000000  }
0x3: {  	_ = 	snop  }
0x4: {  	_ = 	snop  }
0x5: {  	_ = 	snop  }
0x6: {  	_ = 	snop  }
0x7: {  	_ = 	snop  }
__scs_overlays_trampoline_lowered:
0x8: {  	[smem:$0x3FA7] =	sst s0  }
0x9: {  	[smem:$0x3FA8] =	sst s1  }
0xa: {  	[smem:$0x3FA9] =	sst s2  }
0xb: {  	[smem:$0x3FAA] =	sst s3  }
0xc: {  	[smem:$0x3FAB] =	sst s4  }
0xd: {  	[smem:$0x3FAC] =	sst s5  }
0xe: {  	[smem:$0x3FAD] =	sst s6  }
0xf: {  	[smem:$0x3FAE] =	sst s7  }
0x10: {  	[smem:$0x3FAF] =	sst s8  }
0x11: {  	[smem:$0x3FB0] =	sst s9;
	s0 =	simm.s32 @!p0 $0x0  }
0x12: {  	s1 =	sld [smem:$0x3F96];
	s0 =	simm.s32 @p0 $0x1  }
0x13: {  	[smem:$0x3FB1] =	sst s0;
	s0 =	simm.s32 @!p1 $0x0  }
0x14: {  	s2 =	sld [smem:$0x3F95];
	s0 =	simm.s32 @p1 $0x1  }
0x15: {  	[smem:$0x3FB2] =	sst s0;
	s0 =	simm.s32 @!p2 $0x0  }
0x16: {  	s3 =	sld [smem:$0x3FDB];
	s0 =	simm.s32 @p2 $0x1  }
0x17: {  	s4 =	simm.s32 $0x1BF5;
	[smem:$0x3FB4] =	sst s0  }
0x18: {  	s0 =	sld [smem:$0x3F97];
	_ =	swait.ge [sflag:s4], $0x0  }
0x19: {  	s7 =	sld [smem:$0x3F98]  }
0x1a: {  	s8 =	sadd.s32 $0xFFFFE003, lr  }
0x1b: {  	s9 =	sadd.s32 $0xFFFFFEF7, lr;
	s5 =	simm.s32 $0xFFFFFFFF;
	p2 =	slt.u32 s8, $0xFFFFF086  }
0x1c: {  	p1 =	slt.u32 s9, $0xF7A;
	s5 =	simm.s32 @!p2 $0x0  }
0x1d: {  	s5 =	simm.s32 @p1 $0x1;
	p0 =	seq.s32 s7, s2  }
0x1e: {  	s7 =	smul.u32 @!p0 $0xF7A, s2;
	p2 =	seq.s32 @!p0 s5, $0x0  }
0x1f: {  	s9 =	smul.u32 $0xF7A, s1;
	s8 =	simm.s32 @!p0 $0x1BF5;
	p2 =	por !p2, p0  }
0x20: {  	[sflag:s8] =	ssyncset.s32 @!p0 $0xFFFFF086;
	s6 =	sadd.s32 @!p0 s3, s7;
	s7 =	simm.s32 @!p0 $0x108  }
0x21: {  	s3 =	sadd.s32 s3, s9;
	s6 =	sadd.s32 @!p0 $0x88, s6;
	s7 =	simm.s32 @p2 $0x1082  }
0x22: {  	[simem:s7], [sflag:s8] =	dma.local @!p0 [hbm:s6], $0xF7A  }
0x23: {  	s9 =	sor.u32 $0xD0000000, s2;
	s6 =	simm.s32 $0x108;
	_ =	swait.ge @!p0 [sflag:s8], $0x0  }
0x24: {  	s3 =	sadd.s32 $0x88, s3;
	s6 =	simm.s32 @!p1 $0x1082;
	[sflag:s4] =	ssyncset.s32 $0xFFFFF086  }
0x25: {  	[simem:s6], [sflag:s4] =	dma.local [hbm:s3], $0xF7A  }
0x26: {  	[smem:$0x3F98] =	sst s1;
	(tag) =	ssettag s2;
	_ =	strace s9  }
0x27: {  	s1 =	sld [smem:$0x3FA8]  }
0x28: {  	s2 =	sld [smem:$0x3FA9]  }
0x29: {  	s4 =	sld [smem:$0x3FAB]  }
0x2a: {  	p0 =	seq.s32 s5, $0x0;
	s5 =	sld [smem:$0x3FAC]  }
0x2b: {  	s6 =	sld [smem:$0x3FAD]  }
0x2c: {  	s7 =	sld [smem:$0x3FAE]  }
0x2d: {  	s3 =	simm.s32 $0x108;
	s8 =	sld [smem:$0x3FAF]  }
0x2e: {  	s3 =	simm.s32 @!p0 $0x1082;
	s9 =	sld [smem:$0x3FB0]  }
0x2f: {  	lr =	sadd.s32 s0, s3;
	s0 =	sld [smem:$0x3FA7]  }
0x30: {  	s3 =	sld [smem:$0x3FAA]  }
0x31: {  	[smem:$0x3FB3] =	sst s10  }
0x32: {  	s10 =	sld [smem:$0x3FB1];
	_ =	sdelay $0x3  }
0x33: {  	p0 =	seq.s32 s10, $0x1;
	s10 =	sld [smem:$0x3FB3];
	_ =	sdelay $0x3  }
0x34: {  	[smem:$0x3FB3] =	sst s10  }
0x35: {  	s10 =	sld [smem:$0x3FB2];
	_ =	sdelay $0x3  }
0x36: {  	p1 =	seq.s32 s10, $0x1;
	s10 =	sld [smem:$0x3FB3];
	_ =	sdelay $0x3  }
0x37: {  	[smem:$0x3FB3] =	sst s10  }
0x38: {  	s10 =	sld [smem:$0x3FB4]  }
0x39: {  	_ = 	snop;
	(pc) =	sbr.ind lr, $3  }
0x3a: {  	_ = 	snop  }
0x3b: {  	_ = 	snop  }
0x3c: {  	p2 =	seq.s32 s10, $0x1;
	s10 =	sld [smem:$0x3FB3]  }
0x3d: {  	_ =	shalt  }
0x3e: {  	_ =	shalt  }
0x3f: {  	_ =	shalt  }
0x40: {  	_ =	shalt  }
0x41: {  	_ =	shalt  }
0x42: {  	_ =	shalt  }
0x43: {  	_ =	shalt  }
0x44: {  	_ =	shalt  }
0x45: {  	_ =	shalt  }
0x46: {  	_ =	shalt  }
0x47: {  	_ =	shalt  }
0x48: {  	_ =	shalt  }
0x49: {  	_ =	shalt  }
0x4a: {  	_ =	shalt  }
0x4b: {  	_ =	shalt  }
0x4c: {  	_ =	shalt  }
0x4d: {  	_ =	shalt  }
0x4e: {  	_ =	shalt  }
0x4f: {  	_ =	shalt  }
0x50: {  	_ =	shalt  }
0x51: {  	_ =	shalt  }
0x52: {  	_ =	shalt  }
0x53: {  	_ =	shalt  }
0x54: {  	_ =	shalt  }
0x55: {  	_ =	shalt  }
0x56: {  	_ =	shalt  }
0x57: {  	_ =	shalt  }
0x58: {  	_ =	shalt  }
0x59: {  	_ =	shalt  }
0x5a: {  	_ =	shalt  }
0x5b: {  	_ =	shalt  }
0x5c: {  	_ =	shalt  }
0x5d: {  	_ =	shalt  }
0x5e: {  	_ =	shalt  }
0x5f: {  	_ =	shalt  }
0x60: {  	_ =	shalt  }
0x61: {  	_ =	shalt  }
0x62: {  	_ =	shalt  }
0x63: {  	_ =	shalt  }
0x64: {  	_ =	shalt  }
0x65: {  	_ =	shalt  }
0x66: {  	_ =	shalt  }
0x67: {  	_ =	shalt  }
0x68: {  	_ =	shalt  }
0x69: {  	_ =	shalt  }
0x6a: {  	_ =	shalt  }
0x6b: {  	_ =	shalt  }
0x6c: {  	_ =	shalt  }
0x6d: {  	_ =	shalt  }
0x6e: {  	_ =	shalt  }
0x6f: {  	_ =	shalt  }
0x70: {  	_ =	shalt  }
0x71: {  	_ =	shalt  }
0x72: {  	_ =	shalt  }
0x73: {  	_ =	shalt  }
0x74: {  	_ =	shalt  }
0x75: {  	_ =	shalt  }
0x76: {  	_ =	shalt  }
0x77: {  	_ =	shalt  }
0x78: {  	_ =	shalt  }
0x79: {  	_ =	shalt  }
0x7a: {  	_ =	shalt  }
0x7b: {  	_ =	shalt  }
0x7c: {  	_ =	shalt  }
0x7d: {  	_ =	shalt  }
0x7e: {  	_ =	shalt  }
0x7f: {  	_ =	shalt  }
0x80: {  	_ =	shalt  }
0x81: {  	_ =	shalt  }
0x82: {  	_ =	shalt  }
0x83: {  	_ =	shalt  }
0x84: {  	_ =	shalt  }
0x85: {  	_ =	shalt  }
0x86: {  	_ =	shalt  }
0x87: {  	_ =	shalt  }
.Lfunc_end0:
.L_simem_size_0:
called_computation.2_lowered:
.L_overlay_start_0:
0x88: {  	s2 =	sld [smem:$0x3FD9]  }
0x89: {  	s3 =	sld [smem:$0x3FFE];
	_ =	sdelay $0x1  }
0x8a: {  	s1 =	srdreg.scid  }
0x8b: {  	s0 =	sand.u32 $0x1, s1  }
0x8c: {  	s17 =	sshll.u32 s0, $0xA;
	s2 =	sadd.s32 s3, s2  }
0x8d: {  	s2 =	sadd.s32 s2, s17  }
0x8e: {  	[smem:$0x3FBF] =	sst s2  }
0x8f: {  	_ = 	snop  }
0x90: {  	(tm) =	ssettm $0x1  }
0x91: {  	s18 =	sld [smem:$0x3FFB];
	_ =	sdelay $0x3  }
0x92: {  	_ =	strace s18  }
0x93: {  	s2 =	sld [smem:$0x3FFC];
	_ =	sdelay $0x3  }
0x94: {  	_ =	strace s2  }
0x95: {  	s2 =	sld [smem:$0x3FFD];
	_ =	sdelay $0x3  }
0x96: {  	_ =	strace s2  }
0x97: {  	_ =	strace $0x8FFFFFFF  }
0x98: {  	s19 =	sld [smem:$0x3FDB];
	_ =	sdelay $0x1  }
0x99: {  	s20 =	simm.s32 $_scs_section_size  }
0x9a: {  	s4 =	simm.s32 $_size__tile_overlayer_lowered;
	s5 =	simm.s32 $_tile_overlayer_lowered  }
0x9b: {  	s6 =	simm.s32 $0x1BFF;
	s21 =	sshll.u32 s5, $0x1;
	s3 =	sadd.s32 s20, s19  }
0x9c: {  	s22 =	simm.s32 $0x0;
	s4 =	sshll.u32 s4, $0x1;
	s5 =	sadd.s32 s21, s3  }
0x9d: {  	[timem:s22], [sflag:s6] =	dma.local [hbm:s5], s4  }
0x9e: {  	_ =	swait.ge [sflag:s6], s4  }
0x9f: {  	s4 =	ssub.s32 $0x0, s4;
	[sflag:s6] =	ssyncset.done $0x0  }
0xa0: {  	[sflag:s6] =	ssyncadd.s32 s4;
	_ =	sdelay $0x1  }
0xa1: {  	s23 =	simm.s32 $0x1B8B  }
0xa2: {  	_ =	swait.ge [sflag:s23], $0x1  }
0xa3: {  	[sflag:s23] =	ssyncset.done $0x0  }
0xa4: {  	[sflag:s23] =	ssyncadd.s32 $0xFFFFFFFF  }
0xa5: {  	s4 =	sld [smem:$0x0]  }
0xa6: {  	s5 =	sand.u32 $0xFFFFFFFE, s1  }
0xa7: {  	p0 =	sne.s32 s1, s5  }
0xa8: {  	s5 =	sshll.u32 @p0 s5, $0xE  }
0xa9: {  	s5 =	sadd.s32 @p0 $0x11B8D, s5;
	s6 =	sshll.u32 @p0 s4, $0x11  }
0xaa: {  	s5 =	sor.u32 @p0 s6, s5  }
0xab: {  	[sflag:s5] =	ssyncadd.remote.s32 @p0 $0x1;
	_ =	sdelay $0x1  }
0xac: {  	s5 =	simm.s32 @p0 $0x1B8D  }
0xad: {  	_ =	swait.eq @p0 [sflag:s5], $0x1  }
0xae: {  	[sflag:s5] =	ssyncadd.s32 @p0 $0xFFFFFFFF  }
0xaf: {  	s6 =	sshll.u32 @!p0 s1, $0xE  }
0xb0: {  	s6 =	sor.u32 @!p0 $0x4000, s6;
	s5 =	simm.s32 @!p0 $0x1B8D  }
0xb1: {  	s4 =	sshll.u32 @!p0 s4, $0x11;
	s6 =	sadd.s32 @!p0 $0x11B8D, s6;
	_ =	swait.eq @!p0 [sflag:s5], $0x1  }
0xb2: {  	s4 =	sor.u32 @!p0 s4, s6;
	[sflag:s5] =	ssyncadd.s32 @!p0 $0xFFFFFFFF  }
0xb3: {  	s25 =	simm.s32 $0x1B8E;
	s24 =	sld [smem:$0x3FFE];
	[sflag:s4] =	ssyncadd.remote.s32 @!p0 $0x1  }
0xb4: {  	s26 =	simm.s32 $execute0_lowered;
	[smem:$0x3FD2] =	sst s25  }
0xb5: {  	s5 =	sshll.u32 s26, $0x1;
	_ =	strace $0x80000049;
	[dreg:$0x1] =	wrdreg $0xFFFFFFFF  }
0xb6: {  	s28 =	simm.s32 $_size_execute0_lowered;
	s3 =	sadd.s32 s3, s5;
	[dreg:$0x0] =	wrdreg $0x0  }
0xb7: {  	s5 =	sshll.u32 s28, $0x1;
	[dreg:$0x2] =	wrdreg s3  }
0xb8: {  	[dreg:$0x3] =	wrdreg s5  }
0xb9: {  	[dreg:$0x4] =	wrdreg $0xC0  }
0xba: {  	_ =	task [dreg:s22], $0x5FFFF  }
0xbb: {  	[dreg:$0x1] =	wrdreg $0xFFFFFFFF  }
0xbc: {  	[dreg:$0x0] =	wrdreg $0x60  }
0xbd: {  	[dreg:$0x2] =	wrdreg s24  }
0xbe: {  	[dreg:$0x3] =	wrdreg $0xB  }
0xbf: {  	_ =	task.clear_ibuf [dreg:s22], $0x4FFFF;
	_ =	strace $0x90000049  }
0xc0: {  	s29 =	simm.s32 $0xB;
	_ =	strace $0x8000004B  }
0xc1: {  	_ =	swait.ge [sflag:s29], $0x1  }
0xc2: {  	[sflag:s29] =	ssyncadd.s32 $0xFFFFFFFF  }
0xc3: {  	_ =	strace $0x9000004B  }
0xc4: {  	_ =	sfence  }
0xc5: {  	s30 =	sld [smem:$0x0];
	_ =	sdelay $0x2  }
0xc6: {  	s31 =	sshll.u32 s1, $0xD;
	s1 =	sshrl.u32 s1, $0x2  }
0xc7: {  	s4 =	sand.u32 $0x4000, s31;
	s1 =	sadd.s32 s1, s30  }
0xc8: {  	s0 =	sor.u32 s4, s0;
	s1 =	sshll.u32 s1, $0x11  }
0xc9: {  	s0 =	sor.u32 s1, s0  }
0xca: {  	s0 =	sadd.s32 $0x8F2B, s0  }
0xcb: {  	[sflag:s0] =	ssyncadd.remote.s32 $0x1  }
0xcc: {  	_ =	sfence.sel $0xFFFF  }
0xcd: {  	[dreg:$0x0] =	wrdreg $0xFFFFFFFF;
	(pc) =	sbr.abs _section_cstart, $3  }
0xce: {  	[dreg:$0x1] =	wrdreg $0xFFFFFFFF  }
0xcf: {  	_ =	task.clear_ibuf [dreg:s22], $0x2FFFF;
	_ =	strace $0x9FFFFFFF  }
0xd0: {  	(tm) =	ssettm $0x7FFFFFFF  }
0xd1: {  	_ =	shalt  }
tec
execute0_lowered:
.L_overlay_start_1:
0x0: {  	(tag) =	ssettag $0x1  }
0x1: {  	s0 =	rddreg [dreg:$0x0]  }
0x2: {  	s13 =	rddreg [dreg:$0x1];
	s2 =	simm.s32 $0x0;
	s1 =	srdreg.scid  }
0x3: {  	s3 =	stileid.u32;
	[smem:$0x7FF] =	sst s2;
	s4 =	sadd.s32 $0x198A00, s0  }
0x4: {  	s14 =	simm.s32 $0x100;
	_ =	strace $0x8000004A;
	[dreg:$0x2] =	wrdreg s4  }
0x5: {  	s15 =	simm.s32 $0x180;
	s16 =	simm.s32 $0x200;
	[dreg:$0x16] =	wrdreg s14  }
0x6: {  	s1 =	sand.u32 $0x1, s1;
	s3 =	sshll.u32 s3, $0x1;
	[dreg:$0x17] =	wrdreg s15  }
0x7: {  	s3 =	sor.u32 s1, s3;
	[dreg:$0x18] =	wrdreg s16  }
0x8: {  	s17 =	sshll.u32 s3, $0x9;
	s5 =	sshll.u32 s3, $0x4;
	s6 =	sshll.u32 s3, $0x10  }
0x9: {  	s3 =	sshll.u32 s3, $0xB;
	s4 =	sadd.s32 s17, s0;
	s17 =	simm.s32 $0x280  }
0xa: {  	s6 =	sadd.s32 s6, s0;
	s4 =	sadd.s32 $0x9000, s4;
	[dreg:$0x19] =	wrdreg s17  }
0xb: {  	s5 =	sadd.s32 s5, s0;
	s18 =	sadd.s32 $0x53F400, s6;
	[dreg:$0x3] =	wrdreg s4  }
0xc: {  	s3 =	sadd.s32 s3, s0;
	s19 =	sadd.s32 $0x4C00, s5;
	[dreg:$0x4] =	wrdreg s18  }
0xd: {  	s3 =	sadd.s32 $0x52F400, s3;
	[dreg:$0x5] =	wrdreg s19  }
0xe: {  	s20 =	sadd.s32 $0x54D400, s6;
	[dreg:$0x6] =	wrdreg s3  }
0xf: {  	s21 =	sadd.s32 $0x54E400, s6;
	[dreg:$0x7] =	wrdreg s20  }
0x10: {  	s22 =	sadd.s32 $0x540400, s6;
	[dreg:$0x8] =	wrdreg s21  }
0x11: {  	s23 =	sadd.s32 $0x541400, s6;
	[dreg:$0x9] =	wrdreg s22  }
0x12: {  	s31 =	simm.s32 $0x700;
	s24 =	sadd.s32 $0x542400, s6;
	[dreg:$0xa] =	wrdreg s23  }
0x13: {  	s29 =	simm.s32 $0x800;
	s25 =	sadd.s32 $0x543400, s6;
	[dreg:$0xb] =	wrdreg s24  }
0x14: {  	s30 =	simm.s32 $0x880;
	s26 =	sadd.s32 $0x544400, s6;
	[dreg:$0xc] =	wrdreg s25  }
0x15: {  	s28 =	simm.s32 $0x980;
	s5 =	sadd.s32 $0x546400, s6;
	[dreg:$0xd] =	wrdreg s26  }
0x16: {  	p0 =	por $0x0, $0x0;
	s7 =	sadd.s32 $0x547400, s6;
	[dreg:$0xf] =	wrdreg s5  }
0x17: {  	s1 =	ssub.s32 $0x2, s1;
	s8 =	sadd.s32 $0x548400, s6;
	[dreg:$0x10] =	wrdreg s7  }
0x18: {  	s16 =	simm.s32 $0xE00;
	s9 =	sadd.s32 $0x549400, s6;
	[dreg:$0x11] =	wrdreg s8  }
0x19: {  	s14 =	simm.s32 $0xF00;
	s10 =	sadd.s32 $0x54A400, s6;
	[dreg:$0x12] =	wrdreg s9  }
0x1a: {  	s15 =	simm.s32 $0xF80;
	s11 =	sadd.s32 $0x54B400, s6;
	[dreg:$0x13] =	wrdreg s10  }
0x1b: {  	s12 =	sadd.s32 $0x54C400, s6;
	s17 =	simm.s32 $0xE80;
	[dreg:$0x14] =	wrdreg s11  }
0x1c: {  	s4 =	sadd.s32 $0x545400, s6;
	[dreg:$0x15] =	wrdreg s12;
	s5 =	sadd.s32 $0x12000, s0  }
0x1d: {  	s18 =	sshrl.u32 s1, $0x1;
	s19 =	simm.s32 $0x300;
	s20 =	simm.s32 $0x380  }
0x1e: {  	s21 =	simm.s32 $0x400;
	s3 =	simm.s32 $0x2;
	s22 =	simm.s32 $0x480  }
0x1f: {  	s23 =	simm.s32 $0x500;
	s8 =	simm.s32 $0x1000;
	[dreg:$0xe] =	wrdreg s4  }
0x20: {  	s24 =	simm.s32 $0x580;
	s12 =	simm.s32 $0x5000;
	[dreg:$0x1a] =	wrdreg s19  }
0x21: {  	s25 =	simm.s32 $0x600;
	s7 =	simm.s32 $0x9000;
	[dreg:$0x1b] =	wrdreg s20  }
0x22: {  	s26 =	simm.s32 $0x680;
	s10 =	simm.s32 $0xD000;
	[dreg:$0x1c] =	wrdreg s21  }
0x23: {  	s6 =	simm.s32 $0x1;
	s1 =	ssub.s32 s1, s18;
	[dreg:$0x1d] =	wrdreg s22  }
0x24: {  	s11 =	simm.s32 $0x15000;
	[dreg:$0x1e] =	wrdreg s23;
	s1 =	smax.u32 s1, $0x1  }
0x25: {  	s9 =	simm.s32 $0x11000;
	[dreg:$0x1f] =	wrdreg s24;
	p1 =	sne.s32 s1, $0x1  }
.Ltmp0:
0x26: {  	s4 =	simm.s32 $0x80;
	[smem:$0x7FC] =	sst s25;
	(pc) =	sbr.rel @!p1 .LBB2_1-.Ltmp0, $4  }
0x27: {  	[smem:$0x7FD] =	sst s26;
	s18 =	simm.s32 $0x780;
	s26 =	simm.s32 $0x900  }
0x28: {  	s24 =	simm.s32 $0xA00;
	s25 =	simm.s32 $0xA80;
	s22 =	simm.s32 $0xB00  }
0x29: {  	s23 =	simm.s32 $0xB80;
	s20 =	simm.s32 $0xC00;
	s21 =	simm.s32 $0xC80  }
0x2a: {  	s19 =	simm.s32 $0xD80;
	s0 =	sadd.s32 $0xFFFFFFFF, s1;
	s1 =	rddreg [dreg:$0x3]  }
0x2b: {  	[tilespmem:s2], [sflag:$0x2] =	stream.linear.gather [hbm4b:s1+s2], $0x1000, $0x38;
	[tilespmem:$0x15080] =	vst v63  }
0x2c: {  	_ =	swait.ge [sflag:s3], $0x1000  }
0x2d: {  	[sflag:s3] =	ssyncset.done $0x0  }
0x2e: {  	[sflag:s3] =	ssyncadd.s32 $0xFFFFF000  }
0x2f: {  	[tilespmem:s8], [sflag:$0x1] =	stream.indirect.gather [hbm4b:s5+s4], $0x80, s2, s4, $0xb8;
	[tilespmem:$0x15080] =	vst v63  }
0x30: {  	_ = 	snop  }
0x31: {  	[tilespmem:s12], [sflag:$0x1] =	stream.indirect.gather [hbm4b:s5+s4], $0x80, s4, s4, $0xb8;
	[tilespmem:$0x15080] =	vst v63  }
0x32: {  	s1 =	rddreg [dreg:$0x16]  }
0x33: {  	[tilespmem:s7], [sflag:$0x1] =	stream.indirect.gather [hbm4b:s5+s4], $0x80, s1, s4, $0xb8;
	[tilespmem:$0x15080] =	vst v63  }
0x34: {  	s13 =	smov.u32 s0;
	s0 =	rddreg [dreg:$0x17]  }
0x35: {  	[tilespmem:s10], [sflag:$0x1] =	stream.indirect.gather [hbm4b:s5+s4], $0x80, s0, s4, $0xb8;
	[tilespmem:$0x15080] =	vst v63  }
0x36: {  	_ =	swait.ge [sflag:s6], $0x8000  }
0x37: {  	[sflag:s6] =	ssyncset.done $0x0  }
0x38: {  	s1 =	rddreg [dreg:$0x4];
	[sflag:s6] =	ssyncadd.s32 $0xFFFF8000  }
0x39: {  	[hbm4b:s1+s2] =	stream.linear.scatter [tilespmem:s8], [sflag:$0x2], $0x8000, $0x38;
	[tilespmem:$0x15080] =	vst v63  }
0x3a: {  	_ =	swait.ge [sflag:s3], $0x8000  }
0x3b: {  	[sflag:s3] =	ssyncset.done $0x0  }
0x3c: {  	s0 =	rddreg [dreg:$0x18];
	[sflag:s3] =	ssyncadd.s32 $0xFFFF8000  }
0x3d: {  	[tilespmem:s8], [sflag:$0x1] =	stream.indirect.gather [hbm4b:s5+s4], $0x80, s0, s4, $0xb8;
	[tilespmem:$0x15080] =	vst v63  }
0x3e: {  	s1 =	rddreg [dreg:$0x19]  }
0x3f: {  	[tilespmem:s12], [sflag:$0x1] =	stream.indirect.gather [hbm4b:s5+s4], $0x80, s1, s4, $0xb8;
	[tilespmem:$0x15080] =	vst v63  }
0x40: {  	_ =	swait.ge [sflag:s6], $0x8000  }
0x41: {  	[sflag:s6] =	ssyncset.done $0x0  }
0x42: {  	s1 =	rddreg [dreg:$0x9];
	[sflag:s6] =	ssyncadd.s32 $0xFFFF8000  }
0x43: {  	[hbm4b:s1+s2] =	stream.linear.scatter [tilespmem:s7], [sflag:$0x2], $0x8000, $0x38;
	[tilespmem:$0x15080] =	vst v63  }
0x44: {  	_ =	swait.ge [sflag:s3], $0x8000  }
0x45: {  	[sflag:s3] =	ssyncset.done $0x0  }
0x46: {  	s0 =	rddreg [dreg:$0x1a];
	[sflag:s3] =	ssyncadd.s32 $0xFFFF8000  }
0x47: {  	[tilespmem:s7], [sflag:$0x1] =	stream.indirect.gather [hbm4b:s5+s4], $0x80, s0, s4, $0xb8;
	[tilespmem:$0x15080] =	vst v63  }
0x48: {  	s1 =	rddreg [dreg:$0x1b]  }
0x49: {  	[tilespmem:s10], [sflag:$0x1] =	stream.indirect.gather [hbm4b:s5+s4], $0x80, s1, s4, $0xb8;
	[tilespmem:$0x15080] =	vst v63  }
0x4a: {  	_ =	swait.ge [sflag:s6], $0x8000  }
0x4b: {  	[sflag:s6] =	ssyncset.done $0x0  }
0x4c: {  	s1 =	rddreg [dreg:$0xa];
	[sflag:s6] =	ssyncadd.s32 $0xFFFF8000  }
0x4d: {  	[hbm4b:s1+s2] =	stream.linear.scatter [tilespmem:s8], [sflag:$0x2], $0x8000, $0x38;
	[tilespmem:$0x15080] =	vst v63  }
0x4e: {  	_ =	swait.ge [sflag:s3], $0x8000  }
0x4f: {  	[sflag:s3] =	ssyncset.done $0x0  }
0x50: {  	s0 =	rddreg [dreg:$0x1c];
	[sflag:s3] =	ssyncadd.s32 $0xFFFF8000  }
0x51: {  	[tilespmem:s8], [sflag:$0x1] =	stream.indirect.gather [hbm4b:s5+s4], $0x80, s0, s4, $0xb8;
	[tilespmem:$0x15080] =	vst v63  }
0x52: {  	s1 =	rddreg [dreg:$0x1d]  }
0x53: {  	[tilespmem:s12], [sflag:$0x1] =	stream.indirect.gather [hbm4b:s5+s4], $0x80, s1, s4, $0xb8;
	[tilespmem:$0x15080] =	vst v63  }
0x54: {  	_ =	swait.ge [sflag:s6], $0x8000  }
0x55: {  	[sflag:s6] =	ssyncset.done $0x0  }
0x56: {  	s1 =	rddreg [dreg:$0xb];
	[sflag:s6] =	ssyncadd.s32 $0xFFFF8000  }
0x57: {  	[hbm4b:s1+s2] =	stream.linear.scatter [tilespmem:s7], [sflag:$0x2], $0x8000, $0x38;
	[tilespmem:$0x15080] =	vst v63  }
0x58: {  	_ =	swait.ge [sflag:s3], $0x8000  }
0x59: {  	[sflag:s3] =	ssyncset.done $0x0  }
0x5a: {  	s0 =	rddreg [dreg:$0x1e];
	[sflag:s3] =	ssyncadd.s32 $0xFFFF8000  }
0x5b: {  	[tilespmem:s7], [sflag:$0x1] =	stream.indirect.gather [hbm4b:s5+s4], $0x80, s0, s4, $0xb8;
	[tilespmem:$0x15080] =	vst v63  }
0x5c: {  	s1 =	rddreg [dreg:$0x1f]  }
0x5d: {  	[tilespmem:s10], [sflag:$0x1] =	stream.indirect.gather [hbm4b:s5+s4], $0x80, s1, s4, $0xb8;
	[tilespmem:$0x15080] =	vst v63  }
0x5e: {  	_ =	swait.ge [sflag:s6], $0x8000  }
0x5f: {  	[sflag:s6] =	ssyncset.done $0x0  }
0x60: {  	s1 =	rddreg [dreg:$0xc];
	[sflag:s6] =	ssyncadd.s32 $0xFFFF8000  }
0x61: {  	[hbm4b:s1+s2] =	stream.linear.scatter [tilespmem:s8], [sflag:$0x2], $0x8000, $0x38;
	[tilespmem:$0x15080] =	vst v63  }
0x62: {  	_ =	swait.ge [sflag:s3], $0x8000  }
0x63: {  	s0 =	sld [smem:$0x7FC]  }
0x64: {  	[sflag:s3] =	ssyncset.done $0x0  }
0x65: {  	s1 =	sld [smem:$0x7FD];
	[sflag:s3] =	ssyncadd.s32 $0xFFFF8000  }
0x66: {  	[tilespmem:s8], [sflag:$0x1] =	stream.indirect.gather [hbm4b:s5+s4], $0x80, s0, s4, $0xb8;
	[tilespmem:$0x15080] =	vst v63  }
0x67: {  	_ = 	snop  }
0x68: {  	[tilespmem:s12], [sflag:$0x1] =	stream.indirect.gather [hbm4b:s5+s4], $0x80, s1, s4, $0xb8;
	[tilespmem:$0x15080] =	vst v63  }
0x69: {  	_ =	swait.ge [sflag:s6], $0x8000  }
0x6a: {  	[sflag:s6] =	ssyncset.done $0x0  }
0x6b: {  	s1 =	rddreg [dreg:$0xd];
	[sflag:s6] =	ssyncadd.s32 $0xFFFF8000  }
0x6c: {  	[hbm4b:s1+s2] =	stream.linear.scatter [tilespmem:s7], [sflag:$0x2], $0x8000, $0x38;
	[tilespmem:$0x15080] =	vst v63  }
0x6d: {  	_ =	swait.ge [sflag:s3], $0x8000  }
0x6e: {  	[sflag:s3] =	ssyncset.done $0x0  }
0x6f: {  	[sflag:s3] =	ssyncadd.s32 $0xFFFF8000  }
0x70: {  	[tilespmem:s7], [sflag:$0x1] =	stream.indirect.gather [hbm4b:s5+s4], $0x80, s31, s4, $0xb8;
	[tilespmem:$0x15080] =	vst v63  }
0x71: {  	_ = 	snop  }
0x72: {  	[tilespmem:s10], [sflag:$0x1] =	stream.indirect.gather [hbm4b:s5+s4], $0x80, s18, s4, $0xb8;
	[tilespmem:$0x15080] =	vst v63  }
0x73: {  	_ =	swait.ge [sflag:s6], $0x8000  }
0x74: {  	[sflag:s6] =	ssyncset.done $0x0  }
0x75: {  	s1 =	rddreg [dreg:$0xe];
	[sflag:s6] =	ssyncadd.s32 $0xFFFF8000  }
0x76: {  	[hbm4b:s1+s2] =	stream.linear.scatter [tilespmem:s8], [sflag:$0x2], $0x8000, $0x38;
	[tilespmem:$0x15080] =	vst v63  }
0x77: {  	_ =	swait.ge [sflag:s3], $0x8000  }
0x78: {  	[sflag:s3] =	ssyncset.done $0x0  }
0x79: {  	[sflag:s3] =	ssyncadd.s32 $0xFFFF8000  }
0x7a: {  	[tilespmem:s8], [sflag:$0x1] =	stream.indirect.gather [hbm4b:s5+s4], $0x80, s29, s4, $0xb8;
	[tilespmem:$0x15080] =	vst v63  }
0x7b: {  	_ = 	snop  }
0x7c: {  	[tilespmem:s12], [sflag:$0x1] =	stream.indirect.gather [hbm4b:s5+s4], $0x80, s30, s4, $0xb8;
	[tilespmem:$0x15080] =	vst v63  }
0x7d: {  	_ =	swait.ge [sflag:s6], $0x8000  }
0x7e: {  	[sflag:s6] =	ssyncset.done $0x0  }
0x7f: {  	s1 =	rddreg [dreg:$0xf];
	[sflag:s6] =	ssyncadd.s32 $0xFFFF8000  }
0x80: {  	[hbm4b:s1+s2] =	stream.linear.scatter [tilespmem:s7], [sflag:$0x2], $0x8000, $0x38;
	[tilespmem:$0x15080] =	vst v63  }
0x81: {  	_ =	swait.ge [sflag:s3], $0x8000  }
0x82: {  	[sflag:s3] =	ssyncset.done $0x0  }
0x83: {  	[sflag:s3] =	ssyncadd.s32 $0xFFFF8000  }
0x84: {  	[tilespmem:s7], [sflag:$0x1] =	stream.indirect.gather [hbm4b:s5+s4], $0x80, s26, s4, $0xb8;
	[tilespmem:$0x15080] =	vst v63  }
0x85: {  	_ = 	snop  }
0x86: {  	[tilespmem:s10], [sflag:$0x1] =	stream.indirect.gather [hbm4b:s5+s4], $0x80, s28, s4, $0xb8;
	[tilespmem:$0x15080] =	vst v63  }
0x87: {  	_ =	swait.ge [sflag:s6], $0x8000  }
0x88: {  	[sflag:s6] =	ssyncset.done $0x0  }
0x89: {  	s1 =	rddreg [dreg:$0x10];
	[sflag:s6] =	ssyncadd.s32 $0xFFFF8000  }
0x8a: {  	[hbm4b:s1+s2] =	stream.linear.scatter [tilespmem:s8], [sflag:$0x2], $0x8000, $0x38;
	[tilespmem:$0x15080] =	vst v63  }
0x8b: {  	_ =	swait.ge [sflag:s3], $0x8000  }
0x8c: {  	[sflag:s3] =	ssyncset.done $0x0  }
0x8d: {  	[sflag:s3] =	ssyncadd.s32 $0xFFFF8000  }
0x8e: {  	[tilespmem:s8], [sflag:$0x1] =	stream.indirect.gather [hbm4b:s5+s4], $0x80, s24, s4, $0xb8;
	[tilespmem:$0x15080] =	vst v63  }
0x8f: {  	_ = 	snop  }
0x90: {  	[tilespmem:s12], [sflag:$0x1] =	stream.indirect.gather [hbm4b:s5+s4], $0x80, s25, s4, $0xb8;
	[tilespmem:$0x15080] =	vst v63  }
0x91: {  	_ =	swait.ge [sflag:s6], $0x8000  }
0x92: {  	[sflag:s6] =	ssyncset.done $0x0  }
0x93: {  	s1 =	rddreg [dreg:$0x11];
	[sflag:s6] =	ssyncadd.s32 $0xFFFF8000  }
0x94: {  	[hbm4b:s1+s2] =	stream.linear.scatter [tilespmem:s7], [sflag:$0x2], $0x8000, $0x38;
	[tilespmem:$0x15080] =	vst v63  }
0x95: {  	_ =	swait.ge [sflag:s3], $0x8000  }
0x96: {  	[sflag:s3] =	ssyncset.done $0x0  }
0x97: {  	[sflag:s3] =	ssyncadd.s32 $0xFFFF8000  }
0x98: {  	[tilespmem:s7], [sflag:$0x1] =	stream.indirect.gather [hbm4b:s5+s4], $0x80, s22, s4, $0xb8;
	[tilespmem:$0x15080] =	vst v63  }
0x99: {  	_ = 	snop  }
0x9a: {  	[tilespmem:s10], [sflag:$0x1] =	stream.indirect.gather [hbm4b:s5+s4], $0x80, s23, s4, $0xb8;
	[tilespmem:$0x15080] =	vst v63  }
0x9b: {  	_ =	swait.ge [sflag:s6], $0x8000  }
0x9c: {  	[sflag:s6] =	ssyncset.done $0x0  }
0x9d: {  	s1 =	rddreg [dreg:$0x12];
	[sflag:s6] =	ssyncadd.s32 $0xFFFF8000  }
0x9e: {  	[hbm4b:s1+s2] =	stream.linear.scatter [tilespmem:s8], [sflag:$0x2], $0x8000, $0x38;
	[tilespmem:$0x15080] =	vst v63  }
0x9f: {  	_ =	swait.ge [sflag:s3], $0x8000  }
0xa0: {  	[sflag:s3] =	ssyncset.done $0x0  }
0xa1: {  	[sflag:s3] =	ssyncadd.s32 $0xFFFF8000  }
0xa2: {  	[tilespmem:s8], [sflag:$0x1] =	stream.indirect.gather [hbm4b:s5+s4], $0x80, s20, s4, $0xb8;
	[tilespmem:$0x15080] =	vst v63  }
0xa3: {  	_ = 	snop  }
0xa4: {  	[tilespmem:s12], [sflag:$0x1] =	stream.indirect.gather [hbm4b:s5+s4], $0x80, s21, s4, $0xb8;
	[tilespmem:$0x15080] =	vst v63  }
0xa5: {  	_ =	swait.ge [sflag:s6], $0x8000  }
0xa6: {  	[sflag:s6] =	ssyncset.done $0x0  }
0xa7: {  	s1 =	rddreg [dreg:$0x13];
	[sflag:s6] =	ssyncadd.s32 $0xFFFF8000  }
0xa8: {  	[hbm4b:s1+s2] =	stream.linear.scatter [tilespmem:s7], [sflag:$0x2], $0x8000, $0x38;
	[tilespmem:$0x15080] =	vst v63  }
0xa9: {  	_ =	swait.ge [sflag:s3], $0x8000  }
0xaa: {  	[sflag:s3] =	ssyncset.done $0x0  }
0xab: {  	s1 =	simm.s32 $0xD00;
	[sflag:s3] =	ssyncadd.s32 $0xFFFF8000  }
0xac: {  	[tilespmem:s7], [sflag:$0x1] =	stream.indirect.gather [hbm4b:s5+s4], $0x80, s1, s4, $0xb8;
	[tilespmem:$0x15080] =	vst v63  }
0xad: {  	_ = 	snop  }
0xae: {  	[tilespmem:s10], [sflag:$0x1] =	stream.indirect.gather [hbm4b:s5+s4], $0x80, s19, s4, $0xb8;
	[tilespmem:$0x15080] =	vst v63  }
0xaf: {  	_ =	swait.ge [sflag:s6], $0x8000  }
0xb0: {  	[sflag:s6] =	ssyncset.done $0x0  }
0xb1: {  	s1 =	rddreg [dreg:$0x14];
	[sflag:s6] =	ssyncadd.s32 $0xFFFF8000  }
0xb2: {  	[hbm4b:s1+s2] =	stream.linear.scatter [tilespmem:s8], [sflag:$0x2], $0x8000, $0x38;
	[tilespmem:$0x15080] =	vst v63  }
0xb3: {  	_ =	swait.ge [sflag:s3], $0x8000  }
0xb4: {  	[sflag:s3] =	ssyncset.done $0x0  }
0xb5: {  	[sflag:s3] =	ssyncadd.s32 $0xFFFF8000  }
0xb6: {  	[tilespmem:s8], [sflag:$0x1] =	stream.indirect.gather [hbm4b:s5+s4], $0x80, s16, s4, $0xb8;
	[tilespmem:$0x15080] =	vst v63  }
0xb7: {  	_ = 	snop  }
0xb8: {  	[tilespmem:s12], [sflag:$0x1] =	stream.indirect.gather [hbm4b:s5+s4], $0x80, s17, s4, $0xb8;
	[tilespmem:$0x15080] =	vst v63  }
0xb9: {  	_ =	swait.ge [sflag:s6], $0x8000  }
0xba: {  	[sflag:s6] =	ssyncset.done $0x0  }
0xbb: {  	s1 =	rddreg [dreg:$0x15];
	[sflag:s6] =	ssyncadd.s32 $0xFFFF8000  }
0xbc: {  	[hbm4b:s1+s2] =	stream.linear.scatter [tilespmem:s7], [sflag:$0x2], $0x8000, $0x38;
	[tilespmem:$0x15080] =	vst v63  }
0xbd: {  	_ =	swait.ge [sflag:s3], $0x8000  }
0xbe: {  	[sflag:s3] =	ssyncset.done $0x0  }
0xbf: {  	[sflag:s3] =	ssyncadd.s32 $0xFFFF8000  }
0xc0: {  	[tilespmem:s7], [sflag:$0x1] =	stream.indirect.gather [hbm4b:s5+s4], $0x80, s14, s4, $0xb8;
	[tilespmem:$0x15080] =	vst v63  }
0xc1: {  	_ = 	snop  }
0xc2: {  	[tilespmem:s10], [sflag:$0x1] =	stream.indirect.gather [hbm4b:s5+s4], $0x80, s15, s4, $0xb8;
	[tilespmem:$0x15080] =	vst v63  }
0xc3: {  	_ =	swait.ge [sflag:s6], $0x8000  }
0xc4: {  	[sflag:s6] =	ssyncset.done $0x0  }
0xc5: {  	s1 =	rddreg [dreg:$0x7];
	[sflag:s6] =	ssyncadd.s32 $0xFFFF8000  }
0xc6: {  	[hbm4b:s1+s2] =	stream.linear.scatter [tilespmem:s8], [sflag:$0x2], $0x8000, $0x38;
	[tilespmem:$0x15080] =	vst v63  }
0xc7: {  	_ =	swait.ge [sflag:s3], $0x8000  }
0xc8: {  	[sflag:s3] =	ssyncset.done $0x0  }
0xc9: {  	[sflag:s3] =	ssyncadd.s32 $0xFFFF8000  }
0xca: {  	_ =	swait.ge [sflag:s6], $0x8000  }
0xcb: {  	[sflag:s6] =	ssyncset.done $0x0  }
0xcc: {  	s1 =	rddreg [dreg:$0x8];
	[sflag:s6] =	ssyncadd.s32 $0xFFFF8000  }
0xcd: {  	[hbm4b:s1+s2] =	stream.linear.scatter [tilespmem:s7], [sflag:$0x2], $0x8000, $0x38;
	[tilespmem:$0x15080] =	vst v63  }
0xce: {  	_ =	swait.ge [sflag:s3], $0x8000  }
0xcf: {  	[sflag:s3] =	ssyncset.done $0x0  }
0xd0: {  	s1 =	rddreg [dreg:$0x5];
	[sflag:s3] =	ssyncadd.s32 $0xFFFF8000  }
0xd1: {  	[tilespmem:s11], [sflag:$0x2] =	stream.linear.gather [hbm4b:s1+s2], $0x80, $0x38;
	[tilespmem:$0x15080] =	vst v63  }
0xd2: {  	_ =	swait.ge [sflag:s3], $0x80  }
0xd3: {  	[sflag:s3] =	ssyncset.done $0x0  }
0xd4: {  	s1 =	rddreg [dreg:$0x2];
	[sflag:s3] =	ssyncadd.s32 $0xFFFFFF80  }
0xd5: {  	[tilespmem:s9], [sflag:$0x1] =	stream.indirect.gather [hbm4b:s1+s4], $0x80, s11, s4, $0xb8;
	[tilespmem:$0x15080] =	vst v63  }
0xd6: {  	p1 =	sne.s32 s13, $0x1;
	_ =	swait.ge [sflag:s6], $0x4000  }
.Ltmp1:
0xd7: {  	[sflag:s6] =	ssyncset.done $0x0;
	(pc) =	sbr.rel @!p1 .LBB2_3-.Ltmp1, $4  }
0xd8: {  	s1 =	rddreg [dreg:$0x6];
	[sflag:s6] =	ssyncadd.s32 $0xFFFFC000  }
0xd9: {  	[hbm4b:s1+s2] =	stream.linear.scatter [tilespmem:s9], [sflag:$0x2], $0x4000, $0x38;
	[tilespmem:$0x15080] =	vst v63  }
0xda: {  	p0 =	por $0x1, $0x1;
	_ =	swait.ge [sflag:s3], $0x4000  }
0xdb: {  	s0 =	sadd.s32 $0xFFFFFFFF, s13;
	s1 =	rddreg [dreg:$0x3];
	[sflag:s3] =	ssyncset.done $0x0  }
.LBB2_4:
0xdc: {  	[sflag:s3] =	ssyncadd.s32 $0xFFFFC000  }
0xdd: {  	[tilespmem:s2], [sflag:$0x2] =	stream.linear.gather [hbm4b:s1+s2], $0x1000, $0x38;
	[tilespmem:$0x15080] =	vst v63  }
0xde: {  	_ =	swait.ge [sflag:s3], $0x1000  }
0xdf: {  	[sflag:s3] =	ssyncset.done $0x0  }
0xe0: {  	[sflag:s3] =	ssyncadd.s32 $0xFFFFF000  }
0xe1: {  	[tilespmem:s8], [sflag:$0x1] =	stream.indirect.gather [hbm4b:s5+s4], $0x80, s2, s4, $0xb8;
	[tilespmem:$0x15080] =	vst v63  }
0xe2: {  	_ = 	snop  }
0xe3: {  	[tilespmem:s12], [sflag:$0x1] =	stream.indirect.gather [hbm4b:s5+s4], $0x80, s4, s4, $0xb8;
	[tilespmem:$0x15080] =	vst v63  }
0xe4: {  	s1 =	rddreg [dreg:$0x16]  }
0xe5: {  	[tilespmem:s7], [sflag:$0x1] =	stream.indirect.gather [hbm4b:s5+s4], $0x80, s1, s4, $0xb8;
	[tilespmem:$0x15080] =	vst v63  }
0xe6: {  	s13 =	rddreg [dreg:$0x17]  }
0xe7: {  	[tilespmem:s10], [sflag:$0x1] =	stream.indirect.gather [hbm4b:s5+s4], $0x80, s13, s4, $0xb8;
	[tilespmem:$0x15080] =	vst v63  }
0xe8: {  	_ =	swait.ge [sflag:s6], $0x8000  }
0xe9: {  	[sflag:s6] =	ssyncset.done $0x0  }
0xea: {  	s13 =	rddreg [dreg:$0x4];
	[sflag:s6] =	ssyncadd.s32 $0xFFFF8000  }
0xeb: {  	[hbm4b:s13+s2] =	stream.linear.scatter [tilespmem:s8], [sflag:$0x2], $0x8000, $0x38;
	[tilespmem:$0x15080] =	vst v63  }
0xec: {  	_ =	swait.ge [sflag:s3], $0x8000  }
0xed: {  	[sflag:s3] =	ssyncset.done $0x0  }
0xee: {  	s1 =	rddreg [dreg:$0x18];
	[sflag:s3] =	ssyncadd.s32 $0xFFFF8000  }
0xef: {  	[tilespmem:s8], [sflag:$0x1] =	stream.indirect.gather [hbm4b:s5+s4], $0x80, s1, s4, $0xb8;
	[tilespmem:$0x15080] =	vst v63  }
0xf0: {  	s13 =	rddreg [dreg:$0x19]  }
0xf1: {  	[tilespmem:s12], [sflag:$0x1] =	stream.indirect.gather [hbm4b:s5+s4], $0x80, s13, s4, $0xb8;
	[tilespmem:$0x15080] =	vst v63  }
0xf2: {  	_ =	swait.ge [sflag:s6], $0x8000  }
0xf3: {  	[sflag:s6] =	ssyncset.done $0x0  }
0xf4: {  	s13 =	rddreg [dreg:$0x9];
	[sflag:s6] =	ssyncadd.s32 $0xFFFF8000  }
0xf5: {  	[hbm4b:s13+s2] =	stream.linear.scatter [tilespmem:s7], [sflag:$0x2], $0x8000, $0x38;
	[tilespmem:$0x15080] =	vst v63  }
0xf6: {  	_ =	swait.ge [sflag:s3], $0x8000  }
0xf7: {  	[sflag:s3] =	ssyncset.done $0x0  }
0xf8: {  	s1 =	rddreg [dreg:$0x1a];
	[sflag:s3] =	ssyncadd.s32 $0xFFFF8000  }
0xf9: {  	[tilespmem:s7], [sflag:$0x1] =	stream.indirect.gather [hbm4b:s5+s4], $0x80, s1, s4, $0xb8;
	[tilespmem:$0x15080] =	vst v63  }
0xfa: {  	s13 =	rddreg [dreg:$0x1b]  }
0xfb: {  	[tilespmem:s10], [sflag:$0x1] =	stream.indirect.gather [hbm4b:s5+s4], $0x80, s13, s4, $0xb8;
	[tilespmem:$0x15080] =	vst v63  }
0xfc: {  	_ =	swait.ge [sflag:s6], $0x8000  }
0xfd: {  	[sflag:s6] =	ssyncset.done $0x0  }
0xfe: {  	s13 =	rddreg [dreg:$0xa];
	[sflag:s6] =	ssyncadd.s32 $0xFFFF8000  }
0xff: {  	[hbm4b:s13+s2] =	stream.linear.scatter [tilespmem:s8], [sflag:$0x2], $0x8000, $0x38;
	[tilespmem:$0x15080] =	vst v63  }
0x100: {  	_ =	swait.ge [sflag:s3], $0x8000  }
0x101: {  	[sflag:s3] =	ssyncset.done $0x0  }
0x102: {  	s1 =	rddreg [dreg:$0x1c];
	[sflag:s3] =	ssyncadd.s32 $0xFFFF8000  }
0x103: {  	[tilespmem:s8], [sflag:$0x1] =	stream.indirect.gather [hbm4b:s5+s4], $0x80, s1, s4, $0xb8;
	[tilespmem:$0x15080] =	vst v63  }
0x104: {  	s13 =	rddreg [dreg:$0x1d]  }
0x105: {  	[tilespmem:s12], [sflag:$0x1] =	stream.indirect.gather [hbm4b:s5+s4], $0x80, s13, s4, $0xb8;
	[tilespmem:$0x15080] =	vst v63  }
0x106: {  	_ =	swait.ge [sflag:s6], $0x8000  }
0x107: {  	[sflag:s6] =	ssyncset.done $0x0  }
0x108: {  	s13 =	rddreg [dreg:$0xb];
	[sflag:s6] =	ssyncadd.s32 $0xFFFF8000  }
0x109: {  	[hbm4b:s13+s2] =	stream.linear.scatter [tilespmem:s7], [sflag:$0x2], $0x8000, $0x38;
	[tilespmem:$0x15080] =	vst v63  }
0x10a: {  	_ =	swait.ge [sflag:s3], $0x8000  }
0x10b: {  	[sflag:s3] =	ssyncset.done $0x0  }
0x10c: {  	s1 =	rddreg [dreg:$0x1e];
	[sflag:s3] =	ssyncadd.s32 $0xFFFF8000  }
0x10d: {  	[tilespmem:s7], [sflag:$0x1] =	stream.indirect.gather [hbm4b:s5+s4], $0x80, s1, s4, $0xb8;
	[tilespmem:$0x15080] =	vst v63  }
0x10e: {  	s13 =	rddreg [dreg:$0x1f]  }
0x10f: {  	[tilespmem:s10], [sflag:$0x1] =	stream.indirect.gather [hbm4b:s5+s4], $0x80, s13, s4, $0xb8;
	[tilespmem:$0x15080] =	vst v63  }
0x110: {  	_ =	swait.ge [sflag:s6], $0x8000  }
0x111: {  	[sflag:s6] =	ssyncset.done $0x0  }
0x112: {  	s13 =	rddreg [dreg:$0xc];
	[sflag:s6] =	ssyncadd.s32 $0xFFFF8000  }
0x113: {  	[hbm4b:s13+s2] =	stream.linear.scatter [tilespmem:s8], [sflag:$0x2], $0x8000, $0x38;
	[tilespmem:$0x15080] =	vst v63  }
0x114: {  	_ =	swait.ge [sflag:s3], $0x8000  }
0x115: {  	s1 =	sld [smem:$0x7FC]  }
0x116: {  	[sflag:s3] =	ssyncset.done $0x0  }
0x117: {  	s13 =	sld [smem:$0x7FD];
	[sflag:s3] =	ssyncadd.s32 $0xFFFF8000  }
0x118: {  	[tilespmem:s8], [sflag:$0x1] =	stream.indirect.gather [hbm4b:s5+s4], $0x80, s1, s4, $0xb8;
	[tilespmem:$0x15080] =	vst v63  }
0x119: {  	_ = 	snop  }
0x11a: {  	[tilespmem:s12], [sflag:$0x1] =	stream.indirect.gather [hbm4b:s5+s4], $0x80, s13, s4, $0xb8;
	[tilespmem:$0x15080] =	vst v63  }
0x11b: {  	_ =	swait.ge [sflag:s6], $0x8000  }
0x11c: {  	[sflag:s6] =	ssyncset.done $0x0  }
0x11d: {  	s13 =	rddreg [dreg:$0xd];
	[sflag:s6] =	ssyncadd.s32 $0xFFFF8000  }
0x11e: {  	[hbm4b:s13+s2] =	stream.linear.scatter [tilespmem:s7], [sflag:$0x2], $0x8000, $0x38;
	[tilespmem:$0x15080] =	vst v63  }
0x11f: {  	_ =	swait.ge [sflag:s3], $0x8000  }
0x120: {  	[sflag:s3] =	ssyncset.done $0x0  }
0x121: {  	[sflag:s3] =	ssyncadd.s32 $0xFFFF8000  }
0x122: {  	[tilespmem:s7], [sflag:$0x1] =	stream.indirect.gather [hbm4b:s5+s4], $0x80, s31, s4, $0xb8;
	[tilespmem:$0x15080] =	vst v63  }
0x123: {  	_ = 	snop  }
0x124: {  	[tilespmem:s10], [sflag:$0x1] =	stream.indirect.gather [hbm4b:s5+s4], $0x80, s18, s4, $0xb8;
	[tilespmem:$0x15080] =	vst v63  }
0x125: {  	_ =	swait.ge [sflag:s6], $0x8000  }
0x126: {  	[sflag:s6] =	ssyncset.done $0x0  }
0x127: {  	s13 =	rddreg [dreg:$0xe];
	[sflag:s6] =	ssyncadd.s32 $0xFFFF8000  }
0x128: {  	[hbm4b:s13+s2] =	stream.linear.scatter [tilespmem:s8], [sflag:$0x2], $0x8000, $0x38;
	[tilespmem:$0x15080] =	vst v63  }
0x129: {  	_ =	swait.ge [sflag:s3], $0x8000  }
0x12a: {  	[sflag:s3] =	ssyncset.done $0x0  }
0x12b: {  	[sflag:s3] =	ssyncadd.s32 $0xFFFF8000  }
0x12c: {  	[tilespmem:s8], [sflag:$0x1] =	stream.indirect.gather [hbm4b:s5+s4], $0x80, s29, s4, $0xb8;
	[tilespmem:$0x15080] =	vst v63  }
0x12d: {  	_ = 	snop  }
0x12e: {  	[tilespmem:s12], [sflag:$0x1] =	stream.indirect.gather [hbm4b:s5+s4], $0x80, s30, s4, $0xb8;
	[tilespmem:$0x15080] =	vst v63  }
0x12f: {  	_ =	swait.ge [sflag:s6], $0x8000  }
0x130: {  	[sflag:s6] =	ssyncset.done $0x0  }
0x131: {  	s13 =	rddreg [dreg:$0xf];
	[sflag:s6] =	ssyncadd.s32 $0xFFFF8000  }
0x132: {  	[hbm4b:s13+s2] =	stream.linear.scatter [tilespmem:s7], [sflag:$0x2], $0x8000, $0x38;
	[tilespmem:$0x15080] =	vst v63  }
0x133: {  	_ =	swait.ge [sflag:s3], $0x8000  }
0x134: {  	[sflag:s3] =	ssyncset.done $0x0  }
0x135: {  	[sflag:s3] =	ssyncadd.s32 $0xFFFF8000  }
0x136: {  	[tilespmem:s7], [sflag:$0x1] =	stream.indirect.gather [hbm4b:s5+s4], $0x80, s26, s4, $0xb8;
	[tilespmem:$0x15080] =	vst v63  }
0x137: {  	_ = 	snop  }
0x138: {  	[tilespmem:s10], [sflag:$0x1] =	stream.indirect.gather [hbm4b:s5+s4], $0x80, s28, s4, $0xb8;
	[tilespmem:$0x15080] =	vst v63  }
0x139: {  	_ =	swait.ge [sflag:s6], $0x8000  }
0x13a: {  	[sflag:s6] =	ssyncset.done $0x0  }
0x13b: {  	s13 =	rddreg [dreg:$0x10];
	[sflag:s6] =	ssyncadd.s32 $0xFFFF8000  }
0x13c: {  	[hbm4b:s13+s2] =	stream.linear.scatter [tilespmem:s8], [sflag:$0x2], $0x8000, $0x38;
	[tilespmem:$0x15080] =	vst v63  }
0x13d: {  	_ =	swait.ge [sflag:s3], $0x8000  }
0x13e: {  	[sflag:s3] =	ssyncset.done $0x0  }
0x13f: {  	[sflag:s3] =	ssyncadd.s32 $0xFFFF8000  }
0x140: {  	[tilespmem:s8], [sflag:$0x1] =	stream.indirect.gather [hbm4b:s5+s4], $0x80, s24, s4, $0xb8;
	[tilespmem:$0x15080] =	vst v63  }
0x141: {  	_ = 	snop  }
0x142: {  	[tilespmem:s12], [sflag:$0x1] =	stream.indirect.gather [hbm4b:s5+s4], $0x80, s25, s4, $0xb8;
	[tilespmem:$0x15080] =	vst v63  }
0x143: {  	_ =	swait.ge [sflag:s6], $0x8000  }
0x144: {  	[sflag:s6] =	ssyncset.done $0x0  }
0x145: {  	s13 =	rddreg [dreg:$0x11];
	[sflag:s6] =	ssyncadd.s32 $0xFFFF8000  }
0x146: {  	[hbm4b:s13+s2] =	stream.linear.scatter [tilespmem:s7], [sflag:$0x2], $0x8000, $0x38;
	[tilespmem:$0x15080] =	vst v63  }
0x147: {  	_ =	swait.ge [sflag:s3], $0x8000  }
0x148: {  	[sflag:s3] =	ssyncset.done $0x0  }
0x149: {  	[sflag:s3] =	ssyncadd.s32 $0xFFFF8000  }
0x14a: {  	[tilespmem:s7], [sflag:$0x1] =	stream.indirect.gather [hbm4b:s5+s4], $0x80, s22, s4, $0xb8;
	[tilespmem:$0x15080] =	vst v63  }
0x14b: {  	_ = 	snop  }
0x14c: {  	[tilespmem:s10], [sflag:$0x1] =	stream.indirect.gather [hbm4b:s5+s4], $0x80, s23, s4, $0xb8;
	[tilespmem:$0x15080] =	vst v63  }
0x14d: {  	_ =	swait.ge [sflag:s6], $0x8000  }
0x14e: {  	[sflag:s6] =	ssyncset.done $0x0  }
0x14f: {  	s13 =	rddreg [dreg:$0x12];
	[sflag:s6] =	ssyncadd.s32 $0xFFFF8000  }
0x150: {  	[hbm4b:s13+s2] =	stream.linear.scatter [tilespmem:s8], [sflag:$0x2], $0x8000, $0x38;
	[tilespmem:$0x15080] =	vst v63  }
0x151: {  	_ =	swait.ge [sflag:s3], $0x8000  }
0x152: {  	[sflag:s3] =	ssyncset.done $0x0  }
0x153: {  	[sflag:s3] =	ssyncadd.s32 $0xFFFF8000  }
0x154: {  	[tilespmem:s8], [sflag:$0x1] =	stream.indirect.gather [hbm4b:s5+s4], $0x80, s20, s4, $0xb8;
	[tilespmem:$0x15080] =	vst v63  }
0x155: {  	_ = 	snop  }
0x156: {  	[tilespmem:s12], [sflag:$0x1] =	stream.indirect.gather [hbm4b:s5+s4], $0x80, s21, s4, $0xb8;
	[tilespmem:$0x15080] =	vst v63  }
0x157: {  	_ =	swait.ge [sflag:s6], $0x8000  }
0x158: {  	[sflag:s6] =	ssyncset.done $0x0  }
0x159: {  	s13 =	rddreg [dreg:$0x13];
	[sflag:s6] =	ssyncadd.s32 $0xFFFF8000  }
0x15a: {  	[hbm4b:s13+s2] =	stream.linear.scatter [tilespmem:s7], [sflag:$0x2], $0x8000, $0x38;
	[tilespmem:$0x15080] =	vst v63  }
0x15b: {  	_ =	swait.ge [sflag:s3], $0x8000  }
0x15c: {  	[sflag:s3] =	ssyncset.done $0x0  }
0x15d: {  	s13 =	simm.s32 $0xD00;
	[sflag:s3] =	ssyncadd.s32 $0xFFFF8000  }
0x15e: {  	[tilespmem:s7], [sflag:$0x1] =	stream.indirect.gather [hbm4b:s5+s4], $0x80, s13, s4, $0xb8;
	[tilespmem:$0x15080] =	vst v63  }
0x15f: {  	_ = 	snop  }
0x160: {  	[tilespmem:s10], [sflag:$0x1] =	stream.indirect.gather [hbm4b:s5+s4], $0x80, s19, s4, $0xb8;
	[tilespmem:$0x15080] =	vst v63  }
0x161: {  	_ =	swait.ge [sflag:s6], $0x8000  }
0x162: {  	[sflag:s6] =	ssyncset.done $0x0  }
0x163: {  	s13 =	rddreg [dreg:$0x14];
	[sflag:s6] =	ssyncadd.s32 $0xFFFF8000  }
0x164: {  	[hbm4b:s13+s2] =	stream.linear.scatter [tilespmem:s8], [sflag:$0x2], $0x8000, $0x38;
	[tilespmem:$0x15080] =	vst v63  }
0x165: {  	_ =	swait.ge [sflag:s3], $0x8000  }
0x166: {  	[sflag:s3] =	ssyncset.done $0x0  }
0x167: {  	[sflag:s3] =	ssyncadd.s32 $0xFFFF8000  }
0x168: {  	[tilespmem:s8], [sflag:$0x1] =	stream.indirect.gather [hbm4b:s5+s4], $0x80, s16, s4, $0xb8;
	[tilespmem:$0x15080] =	vst v63  }
0x169: {  	_ = 	snop  }
0x16a: {  	[tilespmem:s12], [sflag:$0x1] =	stream.indirect.gather [hbm4b:s5+s4], $0x80, s17, s4, $0xb8;
	[tilespmem:$0x15080] =	vst v63  }
0x16b: {  	_ =	swait.ge [sflag:s6], $0x8000  }
0x16c: {  	[sflag:s6] =	ssyncset.done $0x0  }
0x16d: {  	s13 =	rddreg [dreg:$0x15];
	[sflag:s6] =	ssyncadd.s32 $0xFFFF8000  }
0x16e: {  	[hbm4b:s13+s2] =	stream.linear.scatter [tilespmem:s7], [sflag:$0x2], $0x8000, $0x38;
	[tilespmem:$0x15080] =	vst v63  }
0x16f: {  	_ =	swait.ge [sflag:s3], $0x8000  }
0x170: {  	[sflag:s3] =	ssyncset.done $0x0  }
0x171: {  	[sflag:s3] =	ssyncadd.s32 $0xFFFF8000  }
0x172: {  	[tilespmem:s7], [sflag:$0x1] =	stream.indirect.gather [hbm4b:s5+s4], $0x80, s14, s4, $0xb8;
	[tilespmem:$0x15080] =	vst v63  }
0x173: {  	_ = 	snop  }
0x174: {  	[tilespmem:s10], [sflag:$0x1] =	stream.indirect.gather [hbm4b:s5+s4], $0x80, s15, s4, $0xb8;
	[tilespmem:$0x15080] =	vst v63  }
0x175: {  	_ =	swait.ge [sflag:s6], $0x8000  }
0x176: {  	[sflag:s6] =	ssyncset.done $0x0  }
0x177: {  	s13 =	rddreg [dreg:$0x7];
	[sflag:s6] =	ssyncadd.s32 $0xFFFF8000  }
0x178: {  	[hbm4b:s13+s2] =	stream.linear.scatter [tilespmem:s8], [sflag:$0x2], $0x8000, $0x38;
	[tilespmem:$0x15080] =	vst v63  }
0x179: {  	_ =	swait.ge [sflag:s3], $0x8000  }
0x17a: {  	[sflag:s3] =	ssyncset.done $0x0  }
0x17b: {  	[sflag:s3] =	ssyncadd.s32 $0xFFFF8000  }
0x17c: {  	_ =	swait.ge [sflag:s6], $0x8000  }
0x17d: {  	[sflag:s6] =	ssyncset.done $0x0  }
0x17e: {  	s13 =	rddreg [dreg:$0x8];
	[sflag:s6] =	ssyncadd.s32 $0xFFFF8000  }
0x17f: {  	[hbm4b:s13+s2] =	stream.linear.scatter [tilespmem:s7], [sflag:$0x2], $0x8000, $0x38;
	[tilespmem:$0x15080] =	vst v63  }
0x180: {  	_ =	swait.ge [sflag:s3], $0x8000  }
0x181: {  	[sflag:s3] =	ssyncset.done $0x0  }
0x182: {  	s13 =	rddreg [dreg:$0x5];
	[sflag:s3] =	ssyncadd.s32 $0xFFFF8000  }
0x183: {  	[tilespmem:s11], [sflag:$0x2] =	stream.linear.gather [hbm4b:s13+s2], $0x80, $0x38;
	[tilespmem:$0x15080] =	vst v63  }
0x184: {  	_ =	swait.ge [sflag:s3], $0x80  }
0x185: {  	[sflag:s3] =	ssyncset.done $0x0  }
0x186: {  	s13 =	rddreg [dreg:$0x2];
	[sflag:s3] =	ssyncadd.s32 $0xFFFFFF80  }
0x187: {  	[tilespmem:s9], [sflag:$0x1] =	stream.indirect.gather [hbm4b:s13+s4], $0x80, s11, s4, $0xb8;
	[tilespmem:$0x15080] =	vst v63  }
0x188: {  	p1 =	sne.s32 s0, $0x1;
	_ =	swait.ge [sflag:s6], $0x4000  }
.Ltmp2:
0x189: {  	[sflag:s6] =	ssyncset.done $0x0;
	(pc) =	sbr.rel @p1 .LBB2_4-.Ltmp2, $4  }
0x18a: {  	s13 =	rddreg [dreg:$0x6];
	[sflag:s6] =	ssyncadd.s32 $0xFFFFC000  }
0x18b: {  	[hbm4b:s13+s2] =	stream.linear.scatter [tilespmem:s9], [sflag:$0x2], $0x4000, $0x38;
	[tilespmem:$0x15080] =	vst v63  }
0x18c: {  	_ =	swait.ge [sflag:s3], $0x4000  }
0x18d: {  	s0 =	sadd.s32 $0xFFFFFFFF, s0;
	s1 =	rddreg [dreg:$0x3];
	[sflag:s3] =	ssyncset.done $0x0  }
0x18e: {  	s15 =	simm.s32 $0x780;
	s31 =	simm.s32 $0x700;
	s30 =	simm.s32 $0x880  }
0x18f: {  	s29 =	simm.s32 $0x800;
	s28 =	simm.s32 $0x980;
	s26 =	simm.s32 $0x900  }
0x190: {  	s25 =	simm.s32 $0xA80;
	s24 =	simm.s32 $0xA00;
	s23 =	simm.s32 $0xB80  }
0x191: {  	s22 =	simm.s32 $0xB00;
	s21 =	simm.s32 $0xC80;
	s20 =	simm.s32 $0xC00  }
0x192: {  	s19 =	simm.s32 $0xD80;
	s18 =	simm.s32 $0xD00;
	s17 =	simm.s32 $0xE80  }
0x193: {  	s16 =	simm.s32 $0xE00;
	s14 =	simm.s32 $0xF00;
	s13 =	rddreg [dreg:$0x1]  }
.LBB2_6:
0x194: {  	[sflag:s3] =	ssyncadd.s32 @p0 $0xFFFFC000  }
0x195: {  	[tilespmem:s2], [sflag:$0x2] =	stream.linear.gather [hbm4b:s1+s2], $0x1000, $0x38;
	[tilespmem:$0x15080] =	vst v63  }
0x196: {  	_ =	swait.ge [sflag:s3], $0x1000  }
0x197: {  	[sflag:s3] =	ssyncset.done $0x0  }
0x198: {  	[sflag:s3] =	ssyncadd.s32 $0xFFFFF000  }
0x199: {  	[tilespmem:s8], [sflag:$0x1] =	stream.indirect.gather [hbm4b:s5+s4], $0x80, s2, s4, $0xb8;
	[tilespmem:$0x15080] =	vst v63  }
0x19a: {  	_ = 	snop  }
0x19b: {  	[tilespmem:s12], [sflag:$0x1] =	stream.indirect.gather [hbm4b:s5+s4], $0x80, s4, s4, $0xb8;
	[tilespmem:$0x15080] =	vst v63  }
0x19c: {  	s0 =	rddreg [dreg:$0x16]  }
0x19d: {  	[tilespmem:s7], [sflag:$0x1] =	stream.indirect.gather [hbm4b:s5+s4], $0x80, s0, s4, $0xb8;
	[tilespmem:$0x15080] =	vst v63  }
0x19e: {  	s1 =	rddreg [dreg:$0x17]  }
0x19f: {  	[tilespmem:s10], [sflag:$0x1] =	stream.indirect.gather [hbm4b:s5+s4], $0x80, s1, s4, $0xb8;
	[tilespmem:$0x15080] =	vst v63  }
0x1a0: {  	_ =	swait.ge [sflag:s6], $0x8000  }
0x1a1: {  	[sflag:s6] =	ssyncset.done $0x0  }
0x1a2: {  	s1 =	rddreg [dreg:$0x4];
	[sflag:s6] =	ssyncadd.s32 $0xFFFF8000  }
0x1a3: {  	[hbm4b:s1+s2] =	stream.linear.scatter [tilespmem:s8], [sflag:$0x2], $0x8000, $0x38;
	[tilespmem:$0x15080] =	vst v63  }
0x1a4: {  	_ =	swait.ge [sflag:s3], $0x8000  }
0x1a5: {  	[sflag:s3] =	ssyncset.done $0x0  }
0x1a6: {  	s0 =	rddreg [dreg:$0x18];
	[sflag:s3] =	ssyncadd.s32 $0xFFFF8000  }
0x1a7: {  	[tilespmem:s8], [sflag:$0x1] =	stream.indirect.gather [hbm4b:s5+s4], $0x80, s0, s4, $0xb8;
	[tilespmem:$0x15080] =	vst v63  }
0x1a8: {  	s1 =	rddreg [dreg:$0x19]  }
0x1a9: {  	[tilespmem:s12], [sflag:$0x1] =	stream.indirect.gather [hbm4b:s5+s4], $0x80, s1, s4, $0xb8;
	[tilespmem:$0x15080] =	vst v63  }
0x1aa: {  	_ =	swait.ge [sflag:s6], $0x8000  }
0x1ab: {  	[sflag:s6] =	ssyncset.done $0x0  }
0x1ac: {  	s1 =	rddreg [dreg:$0x9];
	[sflag:s6] =	ssyncadd.s32 $0xFFFF8000  }
0x1ad: {  	[hbm4b:s1+s2] =	stream.linear.scatter [tilespmem:s7], [sflag:$0x2], $0x8000, $0x38;
	[tilespmem:$0x15080] =	vst v63  }
0x1ae: {  	_ =	swait.ge [sflag:s3], $0x8000  }
0x1af: {  	[sflag:s3] =	ssyncset.done $0x0  }
0x1b0: {  	s0 =	rddreg [dreg:$0x1a];
	[sflag:s3] =	ssyncadd.s32 $0xFFFF8000  }
0x1b1: {  	[tilespmem:s7], [sflag:$0x1] =	stream.indirect.gather [hbm4b:s5+s4], $0x80, s0, s4, $0xb8;
	[tilespmem:$0x15080] =	vst v63  }
0x1b2: {  	s1 =	rddreg [dreg:$0x1b]  }
0x1b3: {  	[tilespmem:s10], [sflag:$0x1] =	stream.indirect.gather [hbm4b:s5+s4], $0x80, s1, s4, $0xb8;
	[tilespmem:$0x15080] =	vst v63  }
0x1b4: {  	_ =	swait.ge [sflag:s6], $0x8000  }
0x1b5: {  	[sflag:s6] =	ssyncset.done $0x0  }
0x1b6: {  	s1 =	rddreg [dreg:$0xa];
	[sflag:s6] =	ssyncadd.s32 $0xFFFF8000  }
0x1b7: {  	[hbm4b:s1+s2] =	stream.linear.scatter [tilespmem:s8], [sflag:$0x2], $0x8000, $0x38;
	[tilespmem:$0x15080] =	vst v63  }
0x1b8: {  	_ =	swait.ge [sflag:s3], $0x8000  }
0x1b9: {  	[sflag:s3] =	ssyncset.done $0x0  }
0x1ba: {  	s0 =	rddreg [dreg:$0x1c];
	[sflag:s3] =	ssyncadd.s32 $0xFFFF8000  }
0x1bb: {  	[tilespmem:s8], [sflag:$0x1] =	stream.indirect.gather [hbm4b:s5+s4], $0x80, s0, s4, $0xb8;
	[tilespmem:$0x15080] =	vst v63  }
0x1bc: {  	s1 =	rddreg [dreg:$0x1d]  }
0x1bd: {  	[tilespmem:s12], [sflag:$0x1] =	stream.indirect.gather [hbm4b:s5+s4], $0x80, s1, s4, $0xb8;
	[tilespmem:$0x15080] =	vst v63  }
0x1be: {  	_ =	swait.ge [sflag:s6], $0x8000  }
0x1bf: {  	[sflag:s6] =	ssyncset.done $0x0  }
0x1c0: {  	s1 =	rddreg [dreg:$0xb];
	[sflag:s6] =	ssyncadd.s32 $0xFFFF8000  }
0x1c1: {  	[hbm4b:s1+s2] =	stream.linear.scatter [tilespmem:s7], [sflag:$0x2], $0x8000, $0x38;
	[tilespmem:$0x15080] =	vst v63  }
0x1c2: {  	_ =	swait.ge [sflag:s3], $0x8000  }
0x1c3: {  	[sflag:s3] =	ssyncset.done $0x0  }
0x1c4: {  	s0 =	rddreg [dreg:$0x1e];
	[sflag:s3] =	ssyncadd.s32 $0xFFFF8000  }
0x1c5: {  	[tilespmem:s7], [sflag:$0x1] =	stream.indirect.gather [hbm4b:s5+s4], $0x80, s0, s4, $0xb8;
	[tilespmem:$0x15080] =	vst v63  }
0x1c6: {  	s1 =	rddreg [dreg:$0x1f]  }
0x1c7: {  	[tilespmem:s10], [sflag:$0x1] =	stream.indirect.gather [hbm4b:s5+s4], $0x80, s1, s4, $0xb8;
	[tilespmem:$0x15080] =	vst v63  }
0x1c8: {  	_ =	swait.ge [sflag:s6], $0x8000  }
0x1c9: {  	[sflag:s6] =	ssyncset.done $0x0  }
0x1ca: {  	s1 =	rddreg [dreg:$0xc];
	[sflag:s6] =	ssyncadd.s32 $0xFFFF8000  }
0x1cb: {  	[hbm4b:s1+s2] =	stream.linear.scatter [tilespmem:s8], [sflag:$0x2], $0x8000, $0x38;
	[tilespmem:$0x15080] =	vst v63  }
0x1cc: {  	_ =	swait.ge [sflag:s3], $0x8000  }
0x1cd: {  	s0 =	sld [smem:$0x7FC]  }
0x1ce: {  	[sflag:s3] =	ssyncset.done $0x0  }
0x1cf: {  	s1 =	sld [smem:$0x7FD];
	[sflag:s3] =	ssyncadd.s32 $0xFFFF8000  }
0x1d0: {  	[tilespmem:s8], [sflag:$0x1] =	stream.indirect.gather [hbm4b:s5+s4], $0x80, s0, s4, $0xb8;
	[tilespmem:$0x15080] =	vst v63  }
0x1d1: {  	_ = 	snop  }
0x1d2: {  	[tilespmem:s12], [sflag:$0x1] =	stream.indirect.gather [hbm4b:s5+s4], $0x80, s1, s4, $0xb8;
	[tilespmem:$0x15080] =	vst v63  }
0x1d3: {  	_ =	swait.ge [sflag:s6], $0x8000  }
0x1d4: {  	[sflag:s6] =	ssyncset.done $0x0  }
0x1d5: {  	s1 =	rddreg [dreg:$0xd];
	[sflag:s6] =	ssyncadd.s32 $0xFFFF8000  }
0x1d6: {  	[hbm4b:s1+s2] =	stream.linear.scatter [tilespmem:s7], [sflag:$0x2], $0x8000, $0x38;
	[tilespmem:$0x15080] =	vst v63  }
0x1d7: {  	_ =	swait.ge [sflag:s3], $0x8000  }
0x1d8: {  	[sflag:s3] =	ssyncset.done $0x0  }
0x1d9: {  	[sflag:s3] =	ssyncadd.s32 $0xFFFF8000  }
0x1da: {  	[tilespmem:s7], [sflag:$0x1] =	stream.indirect.gather [hbm4b:s5+s4], $0x80, s31, s4, $0xb8;
	[tilespmem:$0x15080] =	vst v63  }
0x1db: {  	_ = 	snop  }
0x1dc: {  	[tilespmem:s10], [sflag:$0x1] =	stream.indirect.gather [hbm4b:s5+s4], $0x80, s15, s4, $0xb8;
	[tilespmem:$0x15080] =	vst v63  }
0x1dd: {  	_ =	swait.ge [sflag:s6], $0x8000  }
0x1de: {  	[sflag:s6] =	ssyncset.done $0x0  }
0x1df: {  	s15 =	rddreg [dreg:$0xe];
	[sflag:s6] =	ssyncadd.s32 $0xFFFF8000  }
0x1e0: {  	[hbm4b:s15+s2] =	stream.linear.scatter [tilespmem:s8], [sflag:$0x2], $0x8000, $0x38;
	[tilespmem:$0x15080] =	vst v63  }
0x1e1: {  	_ =	swait.ge [sflag:s3], $0x8000  }
0x1e2: {  	[sflag:s3] =	ssyncset.done $0x0  }
0x1e3: {  	[sflag:s3] =	ssyncadd.s32 $0xFFFF8000  }
0x1e4: {  	[tilespmem:s8], [sflag:$0x1] =	stream.indirect.gather [hbm4b:s5+s4], $0x80, s29, s4, $0xb8;
	[tilespmem:$0x15080] =	vst v63  }
0x1e5: {  	_ = 	snop  }
0x1e6: {  	[tilespmem:s12], [sflag:$0x1] =	stream.indirect.gather [hbm4b:s5+s4], $0x80, s30, s4, $0xb8;
	[tilespmem:$0x15080] =	vst v63  }
0x1e7: {  	_ =	swait.ge [sflag:s6], $0x8000  }
0x1e8: {  	[sflag:s6] =	ssyncset.done $0x0  }
0x1e9: {  	s30 =	rddreg [dreg:$0xf];
	[sflag:s6] =	ssyncadd.s32 $0xFFFF8000  }
0x1ea: {  	[hbm4b:s30+s2] =	stream.linear.scatter [tilespmem:s7], [sflag:$0x2], $0x8000, $0x38;
	[tilespmem:$0x15080] =	vst v63  }
0x1eb: {  	_ =	swait.ge [sflag:s3], $0x8000  }
0x1ec: {  	[sflag:s3] =	ssyncset.done $0x0  }
0x1ed: {  	[sflag:s3] =	ssyncadd.s32 $0xFFFF8000  }
0x1ee: {  	[tilespmem:s7], [sflag:$0x1] =	stream.indirect.gather [hbm4b:s5+s4], $0x80, s26, s4, $0xb8;
	[tilespmem:$0x15080] =	vst v63  }
0x1ef: {  	_ = 	snop  }
0x1f0: {  	[tilespmem:s10], [sflag:$0x1] =	stream.indirect.gather [hbm4b:s5+s4], $0x80, s28, s4, $0xb8;
	[tilespmem:$0x15080] =	vst v63  }
0x1f1: {  	_ =	swait.ge [sflag:s6], $0x8000  }
0x1f2: {  	[sflag:s6] =	ssyncset.done $0x0  }
0x1f3: {  	s31 =	rddreg [dreg:$0x10];
	[sflag:s6] =	ssyncadd.s32 $0xFFFF8000  }
0x1f4: {  	[hbm4b:s31+s2] =	stream.linear.scatter [tilespmem:s8], [sflag:$0x2], $0x8000, $0x38;
	[tilespmem:$0x15080] =	vst v63  }
0x1f5: {  	_ =	swait.ge [sflag:s3], $0x8000  }
0x1f6: {  	[sflag:s3] =	ssyncset.done $0x0  }
0x1f7: {  	[sflag:s3] =	ssyncadd.s32 $0xFFFF8000  }
0x1f8: {  	[tilespmem:s8], [sflag:$0x1] =	stream.indirect.gather [hbm4b:s5+s4], $0x80, s24, s4, $0xb8;
	[tilespmem:$0x15080] =	vst v63  }
0x1f9: {  	_ = 	snop  }
0x1fa: {  	[tilespmem:s12], [sflag:$0x1] =	stream.indirect.gather [hbm4b:s5+s4], $0x80, s25, s4, $0xb8;
	[tilespmem:$0x15080] =	vst v63  }
0x1fb: {  	_ =	swait.ge [sflag:s6], $0x8000  }
0x1fc: {  	[sflag:s6] =	ssyncset.done $0x0  }
0x1fd: {  	s1 =	rddreg [dreg:$0x11];
	[sflag:s6] =	ssyncadd.s32 $0xFFFF8000  }
0x1fe: {  	[hbm4b:s1+s2] =	stream.linear.scatter [tilespmem:s7], [sflag:$0x2], $0x8000, $0x38;
	[tilespmem:$0x15080] =	vst v63  }
0x1ff: {  	_ =	swait.ge [sflag:s3], $0x8000  }
0x200: {  	[sflag:s3] =	ssyncset.done $0x0  }
0x201: {  	[sflag:s3] =	ssyncadd.s32 $0xFFFF8000  }
0x202: {  	[tilespmem:s7], [sflag:$0x1] =	stream.indirect.gather [hbm4b:s5+s4], $0x80, s22, s4, $0xb8;
	[tilespmem:$0x15080] =	vst v63  }
0x203: {  	_ = 	snop  }
0x204: {  	[tilespmem:s10], [sflag:$0x1] =	stream.indirect.gather [hbm4b:s5+s4], $0x80, s23, s4, $0xb8;
	[tilespmem:$0x15080] =	vst v63  }
0x205: {  	_ =	swait.ge [sflag:s6], $0x8000  }
0x206: {  	[sflag:s6] =	ssyncset.done $0x0  }
0x207: {  	s15 =	rddreg [dreg:$0x12];
	[sflag:s6] =	ssyncadd.s32 $0xFFFF8000  }
0x208: {  	[hbm4b:s15+s2] =	stream.linear.scatter [tilespmem:s8], [sflag:$0x2], $0x8000, $0x38;
	[tilespmem:$0x15080] =	vst v63  }
0x209: {  	_ =	swait.ge [sflag:s3], $0x8000  }
0x20a: {  	[sflag:s3] =	ssyncset.done $0x0  }
0x20b: {  	[sflag:s3] =	ssyncadd.s32 $0xFFFF8000  }
0x20c: {  	[tilespmem:s8], [sflag:$0x1] =	stream.indirect.gather [hbm4b:s5+s4], $0x80, s20, s4, $0xb8;
	[tilespmem:$0x15080] =	vst v63  }
0x20d: {  	_ = 	snop  }
0x20e: {  	[tilespmem:s12], [sflag:$0x1] =	stream.indirect.gather [hbm4b:s5+s4], $0x80, s21, s4, $0xb8;
	[tilespmem:$0x15080] =	vst v63  }
0x20f: {  	_ =	swait.ge [sflag:s6], $0x8000  }
0x210: {  	[sflag:s6] =	ssyncset.done $0x0  }
0x211: {  	s21 =	rddreg [dreg:$0x13];
	[sflag:s6] =	ssyncadd.s32 $0xFFFF8000  }
0x212: {  	[hbm4b:s21+s2] =	stream.linear.scatter [tilespmem:s7], [sflag:$0x2], $0x8000, $0x38;
	[tilespmem:$0x15080] =	vst v63  }
0x213: {  	_ =	swait.ge [sflag:s3], $0x8000  }
0x214: {  	[sflag:s3] =	ssyncset.done $0x0  }
0x215: {  	[sflag:s3] =	ssyncadd.s32 $0xFFFF8000  }
0x216: {  	[tilespmem:s7], [sflag:$0x1] =	stream.indirect.gather [hbm4b:s5+s4], $0x80, s18, s4, $0xb8;
	[tilespmem:$0x15080] =	vst v63  }
0x217: {  	_ = 	snop  }
0x218: {  	[tilespmem:s10], [sflag:$0x1] =	stream.indirect.gather [hbm4b:s5+s4], $0x80, s19, s4, $0xb8;
	[tilespmem:$0x15080] =	vst v63  }
0x219: {  	_ =	swait.ge [sflag:s6], $0x8000  }
0x21a: {  	[sflag:s6] =	ssyncset.done $0x0  }
0x21b: {  	s22 =	rddreg [dreg:$0x14];
	[sflag:s6] =	ssyncadd.s32 $0xFFFF8000  }
0x21c: {  	[hbm4b:s22+s2] =	stream.linear.scatter [tilespmem:s8], [sflag:$0x2], $0x8000, $0x38;
	[tilespmem:$0x15080] =	vst v63  }
0x21d: {  	_ =	swait.ge [sflag:s3], $0x8000  }
0x21e: {  	[sflag:s3] =	ssyncset.done $0x0  }
0x21f: {  	[sflag:s3] =	ssyncadd.s32 $0xFFFF8000  }
0x220: {  	[tilespmem:s8], [sflag:$0x1] =	stream.indirect.gather [hbm4b:s5+s4], $0x80, s16, s4, $0xb8;
	[tilespmem:$0x15080] =	vst v63  }
0x221: {  	_ = 	snop  }
0x222: {  	[tilespmem:s12], [sflag:$0x1] =	stream.indirect.gather [hbm4b:s5+s4], $0x80, s17, s4, $0xb8;
	[tilespmem:$0x15080] =	vst v63  }
0x223: {  	_ =	swait.ge [sflag:s6], $0x8000  }
0x224: {  	[sflag:s6] =	ssyncset.done $0x0  }
0x225: {  	s23 =	rddreg [dreg:$0x15];
	[sflag:s6] =	ssyncadd.s32 $0xFFFF8000  }
0x226: {  	[hbm4b:s23+s2] =	stream.linear.scatter [tilespmem:s7], [sflag:$0x2], $0x8000, $0x38;
	[tilespmem:$0x15080] =	vst v63  }
0x227: {  	_ =	swait.ge [sflag:s3], $0x8000  }
0x228: {  	[sflag:s3] =	ssyncset.done $0x0  }
0x229: {  	[sflag:s3] =	ssyncadd.s32 $0xFFFF8000  }
0x22a: {  	[tilespmem:s7], [sflag:$0x1] =	stream.indirect.gather [hbm4b:s5+s4], $0x80, s14, s4, $0xb8;
	[tilespmem:$0x15080] =	vst v63  }
0x22b: {  	s24 =	simm.s32 $0xF80  }
0x22c: {  	[tilespmem:s10], [sflag:$0x1] =	stream.indirect.gather [hbm4b:s5+s4], $0x80, s24, s4, $0xb8;
	[tilespmem:$0x15080] =	vst v63  }
0x22d: {  	_ =	swait.ge [sflag:s6], $0x8000  }
0x22e: {  	[sflag:s6] =	ssyncset.done $0x0  }
0x22f: {  	s25 =	rddreg [dreg:$0x7];
	[sflag:s6] =	ssyncadd.s32 $0xFFFF8000  }
0x230: {  	[hbm4b:s25+s2] =	stream.linear.scatter [tilespmem:s8], [sflag:$0x2], $0x8000, $0x38;
	[tilespmem:$0x15080] =	vst v63  }
0x231: {  	_ =	swait.ge [sflag:s3], $0x8000  }
0x232: {  	[sflag:s3] =	ssyncset.done $0x0  }
0x233: {  	[sflag:s3] =	ssyncadd.s32 $0xFFFF8000  }
0x234: {  	_ =	swait.ge [sflag:s6], $0x8000  }
0x235: {  	[sflag:s6] =	ssyncset.done $0x0  }
0x236: {  	s26 =	rddreg [dreg:$0x8];
	[sflag:s6] =	ssyncadd.s32 $0xFFFF8000  }
0x237: {  	[hbm4b:s26+s2] =	stream.linear.scatter [tilespmem:s7], [sflag:$0x2], $0x8000, $0x38;
	[tilespmem:$0x15080] =	vst v63  }
0x238: {  	_ =	swait.ge [sflag:s3], $0x8000  }
0x239: {  	[sflag:s3] =	ssyncset.done $0x0  }
0x23a: {  	s28 =	rddreg [dreg:$0x5];
	[sflag:s3] =	ssyncadd.s32 $0xFFFF8000  }
0x23b: {  	[tilespmem:s11], [sflag:$0x2] =	stream.linear.gather [hbm4b:s28+s2], $0x80, $0x38;
	[tilespmem:$0x15080] =	vst v63  }
0x23c: {  	_ =	swait.ge [sflag:s3], $0x80  }
0x23d: {  	[sflag:s3] =	ssyncset.done $0x0  }
0x23e: {  	s29 =	rddreg [dreg:$0x2];
	[sflag:s3] =	ssyncadd.s32 $0xFFFFFF80  }
0x23f: {  	[tilespmem:s9], [sflag:$0x1] =	stream.indirect.gather [hbm4b:s29+s4], $0x80, s11, s4, $0xb8;
	[tilespmem:$0x15080] =	vst v63  }
0x240: {  	_ =	swait.ge [sflag:s6], $0x4000  }
0x241: {  	[sflag:s6] =	ssyncset.done $0x0  }
0x242: {  	s30 =	rddreg [dreg:$0x6];
	[sflag:s6] =	ssyncadd.s32 $0xFFFFC000  }
0x243: {  	[hbm4b:s30+s2] =	stream.linear.scatter [tilespmem:s9], [sflag:$0x2], $0x4000, $0x38;
	[tilespmem:$0x15080] =	vst v63  }
0x244: {  	_ =	swait.ge [sflag:s3], $0x4000  }
0x245: {  	[sflag:s3] =	ssyncset.done $0x0  }
0x246: {  	[sflag:s3] =	ssyncadd.s32 $0xFFFFC000  }
0x247: {  	_ =	sfence.sel $0x180000  }
0x248: {  	s31 =	stileid.u32;
	[bflag:$0x0] =	sbarrier.arrive $0xFFFF  }
0x249: {  	p0 =	sne.s32 s31, $0x0;
	_ =	strace $0x9000004A  }
0x24a: {  	s0 =	sadd.s32 @!p0 $0x100000, s13;
	[bflag:$0x2] =	sbarrier.arrive $0xFFFF  }
0x24b: {  	[sflag:s0] =	ssyncadd.tile.s32 @!p0 $0x1;
	_ =	shalt  }
.LBB2_1:
0x24c: {  	s15 =	simm.s32 $0x780;
	s31 =	simm.s32 $0x700;
	s30 =	simm.s32 $0x880  }
.Ltmp3:
0x24d: {  	s29 =	simm.s32 $0x800;
	s28 =	simm.s32 $0x980;
	(pc) =	sbr.rel .LBB2_6-.Ltmp3, $4  }
0x24e: {  	s26 =	simm.s32 $0x900;
	s25 =	simm.s32 $0xA80;
	s24 =	simm.s32 $0xA00  }
0x24f: {  	s23 =	simm.s32 $0xB80;
	s22 =	simm.s32 $0xB00;
	s21 =	simm.s32 $0xC80  }
0x250: {  	s20 =	simm.s32 $0xC00;
	s19 =	simm.s32 $0xD80;
	s18 =	simm.s32 $0xD00  }
0x251: {  	s17 =	simm.s32 $0xE80;
	s16 =	simm.s32 $0xE00;
	s14 =	simm.s32 $0xF00  }
.LBB2_3:
0x252: {  	s15 =	simm.s32 $0x780  }
0x253: {  	s31 =	simm.s32 $0x700;
	s30 =	simm.s32 $0x880;
	s29 =	simm.s32 $0x800  }
.Ltmp4:
0x254: {  	s28 =	simm.s32 $0x980;
	s26 =	simm.s32 $0x900;
	(pc) =	sbr.rel .LBB2_6-.Ltmp4, $4  }
0x255: {  	s25 =	simm.s32 $0xA80;
	s24 =	simm.s32 $0xA00;
	s23 =	simm.s32 $0xB80  }
0x256: {  	s22 =	simm.s32 $0xB00;
	s21 =	simm.s32 $0xC80;
	s20 =	simm.s32 $0xC00  }
0x257: {  	s19 =	simm.s32 $0xD80;
	s18 =	simm.s32 $0xD00;
	s17 =	simm.s32 $0xE80  }
0x258: {  	s16 =	simm.s32 $0xE00;
	s14 =	simm.s32 $0xF00;
	s13 =	rddreg [dreg:$0x1]  }
.Lfunc_end2:
_tile_overlayer_lowered:
.L_overlay_start_2:
0x259: {  	(tag) =	ssettag $0x2  }
0x25a: {  	s0 =	rddreg [dreg:$0x0];
	s2 =	stileid.u32  }
0x25b: {  	s1 =	rddreg [dreg:$0x1];
	p0 =	sne.s32 s2, $0x0  }
0x25c: {  	s3 =	rddreg [dreg:$0x2];
	[bflag:$0x3] =	sbarrier.arrive $0xFFFF;
	s2 =	simm.s32 @!p0 $0x1C02  }
0x25d: {  	[timem:s3], [sflag:s2] =	dma.local @!p0 [hbm:s0], s1  }
0x25e: {  	s0 =	simm.s32 @!p0 $0x2  }
0x25f: {  	_ =	swait.ge @!p0 [sflag:s0], s1  }
0x260: {  	s1 =	ssub.s32 @!p0 $0x0, s1;
	[sflag:s0] =	ssyncset.done @!p0 $0x0  }
0x261: {  	[sflag:s0] =	ssyncadd.s32 @!p0 s1  }
0x262: {  	[bflag:$0x3] =	sbarrier.arrive $0xFFFF  }
0x263: {  	_ =	shalt  }

// kernel: kernel.21.cloned.1.call-start
scs
__scs_entry_jumppad:
0x0: {  	(pc) =	sbr.rel $0x88, $3  }
0x1: {  	(tag) =	ssettag $0x0;
	lr =	simm.s32 $0x1  }
0x2: {  	[smem:$0x3F98] =	sst lr;
	_ =	strace $0xD0000000  }
0x3: {  	_ = 	snop  }
0x4: {  	_ = 	snop  }
0x5: {  	_ = 	snop  }
0x6: {  	_ = 	snop  }
0x7: {  	_ = 	snop  }
__scs_overlays_trampoline_lowered:
0x8: {  	[smem:$0x3FA7] =	sst s0  }
0x9: {  	[smem:$0x3FA8] =	sst s1  }
0xa: {  	[smem:$0x3FA9] =	sst s2  }
0xb: {  	[smem:$0x3FAA] =	sst s3  }
0xc: {  	[smem:$0x3FAB] =	sst s4  }
0xd: {  	[smem:$0x3FAC] =	sst s5  }
0xe: {  	[smem:$0x3FAD] =	sst s6  }
0xf: {  	[smem:$0x3FAE] =	sst s7  }
0x10: {  	[smem:$0x3FAF] =	sst s8  }
0x11: {  	[smem:$0x3FB0] =	sst s9;
	s0 =	simm.s32 @!p0 $0x0  }
0x12: {  	s1 =	sld [smem:$0x3F96];
	s0 =	simm.s32 @p0 $0x1  }
0x13: {  	[smem:$0x3FB1] =	sst s0;
	s0 =	simm.s32 @!p1 $0x0  }
0x14: {  	s2 =	sld [smem:$0x3F95];
	s0 =	simm.s32 @p1 $0x1  }
0x15: {  	[smem:$0x3FB2] =	sst s0;
	s0 =	simm.s32 @!p2 $0x0  }
0x16: {  	s3 =	sld [smem:$0x3FDB];
	s0 =	simm.s32 @p2 $0x1  }
0x17: {  	s4 =	simm.s32 $0x1BF5;
	[smem:$0x3FB4] =	sst s0  }
0x18: {  	s0 =	sld [smem:$0x3F97];
	_ =	swait.ge [sflag:s4], $0x0  }
0x19: {  	s7 =	sld [smem:$0x3F98]  }
0x1a: {  	s8 =	sadd.s32 $0xFFFFE003, lr  }
0x1b: {  	s9 =	sadd.s32 $0xFFFFFEF7, lr;
	s5 =	simm.s32 $0xFFFFFFFF;
	p2 =	slt.u32 s8, $0xFFFFF086  }
0x1c: {  	p1 =	slt.u32 s9, $0xF7A;
	s5 =	simm.s32 @!p2 $0x0  }
0x1d: {  	s5 =	simm.s32 @p1 $0x1;
	p0 =	seq.s32 s7, s2  }
0x1e: {  	s7 =	smul.u32 @!p0 $0xF7A, s2;
	p2 =	seq.s32 @!p0 s5, $0x0  }
0x1f: {  	s9 =	smul.u32 $0xF7A, s1;
	s8 =	simm.s32 @!p0 $0x1BF5;
	p2 =	por !p2, p0  }
0x20: {  	[sflag:s8] =	ssyncset.s32 @!p0 $0xFFFFF086;
	s6 =	sadd.s32 @!p0 s3, s7;
	s7 =	simm.s32 @!p0 $0x108  }
0x21: {  	s3 =	sadd.s32 s3, s9;
	s6 =	sadd.s32 @!p0 $0x88, s6;
	s7 =	simm.s32 @p2 $0x1082  }
0x22: {  	[simem:s7], [sflag:s8] =	dma.local @!p0 [hbm:s6], $0xF7A  }
0x23: {  	s9 =	sor.u32 $0xD0000000, s2;
	s6 =	simm.s32 $0x108;
	_ =	swait.ge @!p0 [sflag:s8], $0x0  }
0x24: {  	s3 =	sadd.s32 $0x88, s3;
	s6 =	simm.s32 @!p1 $0x1082;
	[sflag:s4] =	ssyncset.s32 $0xFFFFF086  }
0x25: {  	[simem:s6], [sflag:s4] =	dma.local [hbm:s3], $0xF7A  }
0x26: {  	[smem:$0x3F98] =	sst s1;
	(tag) =	ssettag s2;
	_ =	strace s9  }
0x27: {  	s1 =	sld [smem:$0x3FA8]  }
0x28: {  	s2 =	sld [smem:$0x3FA9]  }
0x29: {  	s4 =	sld [smem:$0x3FAB]  }
0x2a: {  	p0 =	seq.s32 s5, $0x0;
	s5 =	sld [smem:$0x3FAC]  }
0x2b: {  	s6 =	sld [smem:$0x3FAD]  }
0x2c: {  	s7 =	sld [smem:$0x3FAE]  }
0x2d: {  	s3 =	simm.s32 $0x108;
	s8 =	sld [smem:$0x3FAF]  }
0x2e: {  	s3 =	simm.s32 @!p0 $0x1082;
	s9 =	sld [smem:$0x3FB0]  }
0x2f: {  	lr =	sadd.s32 s0, s3;
	s0 =	sld [smem:$0x3FA7]  }
0x30: {  	s3 =	sld [smem:$0x3FAA]  }
0x31: {  	[smem:$0x3FB3] =	sst s10  }
0x32: {  	s10 =	sld [smem:$0x3FB1];
	_ =	sdelay $0x3  }
0x33: {  	p0 =	seq.s32 s10, $0x1;
	s10 =	sld [smem:$0x3FB3];
	_ =	sdelay $0x3  }
0x34: {  	[smem:$0x3FB3] =	sst s10  }
0x35: {  	s10 =	sld [smem:$0x3FB2];
	_ =	sdelay $0x3  }
0x36: {  	p1 =	seq.s32 s10, $0x1;
	s10 =	sld [smem:$0x3FB3];
	_ =	sdelay $0x3  }
0x37: {  	[smem:$0x3FB3] =	sst s10  }
0x38: {  	s10 =	sld [smem:$0x3FB4]  }
0x39: {  	_ = 	snop;
	(pc) =	sbr.ind lr, $3  }
0x3a: {  	_ = 	snop  }
0x3b: {  	_ = 	snop  }
0x3c: {  	p2 =	seq.s32 s10, $0x1;
	s10 =	sld [smem:$0x3FB3]  }
0x3d: {  	_ =	shalt  }
0x3e: {  	_ =	shalt  }
0x3f: {  	_ =	shalt  }
0x40: {  	_ =	shalt  }
0x41: {  	_ =	shalt  }
0x42: {  	_ =	shalt  }
0x43: {  	_ =	shalt  }
0x44: {  	_ =	shalt  }
0x45: {  	_ =	shalt  }
0x46: {  	_ =	shalt  }
0x47: {  	_ =	shalt  }
0x48: {  	_ =	shalt  }
0x49: {  	_ =	shalt  }
0x4a: {  	_ =	shalt  }
0x4b: {  	_ =	shalt  }
0x4c: {  	_ =	shalt  }
0x4d: {  	_ =	shalt  }
0x4e: {  	_ =	shalt  }
0x4f: {  	_ =	shalt  }
0x50: {  	_ =	shalt  }
0x51: {  	_ =	shalt  }
0x52: {  	_ =	shalt  }
0x53: {  	_ =	shalt  }
0x54: {  	_ =	shalt  }
0x55: {  	_ =	shalt  }
0x56: {  	_ =	shalt  }
0x57: {  	_ =	shalt  }
0x58: {  	_ =	shalt  }
0x59: {  	_ =	shalt  }
0x5a: {  	_ =	shalt  }
0x5b: {  	_ =	shalt  }
0x5c: {  	_ =	shalt  }
0x5d: {  	_ =	shalt  }
0x5e: {  	_ =	shalt  }
0x5f: {  	_ =	shalt  }
0x60: {  	_ =	shalt  }
0x61: {  	_ =	shalt  }
0x62: {  	_ =	shalt  }
0x63: {  	_ =	shalt  }
0x64: {  	_ =	shalt  }
0x65: {  	_ =	shalt  }
0x66: {  	_ =	shalt  }
0x67: {  	_ =	shalt  }
0x68: {  	_ =	shalt  }
0x69: {  	_ =	shalt  }
0x6a: {  	_ =	shalt  }
0x6b: {  	_ =	shalt  }
0x6c: {  	_ =	shalt  }
0x6d: {  	_ =	shalt  }
0x6e: {  	_ =	shalt  }
0x6f: {  	_ =	shalt  }
0x70: {  	_ =	shalt  }
0x71: {  	_ =	shalt  }
0x72: {  	_ =	shalt  }
0x73: {  	_ =	shalt  }
0x74: {  	_ =	shalt  }
0x75: {  	_ =	shalt  }
0x76: {  	_ =	shalt  }
0x77: {  	_ =	shalt  }
0x78: {  	_ =	shalt  }
0x79: {  	_ =	shalt  }
0x7a: {  	_ =	shalt  }
0x7b: {  	_ =	shalt  }
0x7c: {  	_ =	shalt  }
0x7d: {  	_ =	shalt  }
0x7e: {  	_ =	shalt  }
0x7f: {  	_ =	shalt  }
0x80: {  	_ =	shalt  }
0x81: {  	_ =	shalt  }
0x82: {  	_ =	shalt  }
0x83: {  	_ =	shalt  }
0x84: {  	_ =	shalt  }
0x85: {  	_ =	shalt  }
0x86: {  	_ =	shalt  }
0x87: {  	_ =	shalt  }
.Lfunc_end0:
.L_simem_size_0:
called_computation.3_lowered:
.L_overlay_start_0:
0x88: {  	s2 =	sld [smem:$0x3FD9]  }
0x89: {  	s3 =	sld [smem:$0x3FFE];
	_ =	sdelay $0x1  }
0x8a: {  	s1 =	srdreg.scid  }
0x8b: {  	s0 =	sand.u32 $0x1, s1  }
0x8c: {  	s16 =	sshll.u32 s0, $0xA;
	s2 =	sadd.s32 s3, s2  }
0x8d: {  	s2 =	sadd.s32 s2, s16  }
0x8e: {  	[smem:$0x3FBF] =	sst s2  }
0x8f: {  	_ = 	snop  }
0x90: {  	(tm) =	ssettm $0x1  }
0x91: {  	s17 =	sld [smem:$0x3FFB];
	_ =	sdelay $0x3  }
0x92: {  	_ =	strace s17  }
0x93: {  	s2 =	sld [smem:$0x3FFC];
	_ =	sdelay $0x3  }
0x94: {  	_ =	strace s2  }
0x95: {  	s2 =	sld [smem:$0x3FFD];
	_ =	sdelay $0x3  }
0x96: {  	_ =	strace s2  }
0x97: {  	_ =	strace $0x8FFFFFFF  }
0x98: {  	s18 =	sld [smem:$0x3FDB];
	_ =	sdelay $0x1  }
0x99: {  	s19 =	simm.s32 $_scs_section_size  }
0x9a: {  	s4 =	simm.s32 $_size__tile_overlayer_lowered;
	s5 =	simm.s32 $_tile_overlayer_lowered  }
0x9b: {  	s22 =	simm.s32 $0x1BFF;
	s21 =	sshll.u32 s5, $0x1;
	s2 =	sadd.s32 s19, s18  }
0x9c: {  	s6 =	simm.s32 $0x0;
	s20 =	sshll.u32 s4, $0x1;
	s4 =	sadd.s32 s21, s2  }
0x9d: {  	[timem:s6], [sflag:s22] =	dma.local [hbm:s4], s20  }
0x9e: {  	_ =	swait.ge [sflag:s22], s20  }
0x9f: {  	s3 =	ssub.s32 $0x0, s20;
	[sflag:s22] =	ssyncset.done $0x0  }
0xa0: {  	[sflag:s22] =	ssyncadd.s32 s3;
	_ =	sdelay $0x1  }
0xa1: {  	s23 =	simm.s32 $0x1B8B  }
0xa2: {  	_ =	swait.ge [sflag:s23], $0x1  }
0xa3: {  	[sflag:s23] =	ssyncset.done $0x0  }
0xa4: {  	s25 =	simm.s32 $0x1B8E;
	s24 =	sld [smem:$0x3FFE];
	[sflag:s23] =	ssyncadd.s32 $0xFFFFFFFF  }
0xa5: {  	s26 =	simm.s32 $execute0_lowered;
	[smem:$0x3FD2] =	sst s25  }
0xa6: {  	s4 =	sshll.u32 s26, $0x1;
	_ =	strace $0x80000046;
	[dreg:$0x1] =	wrdreg $0xFFFFFFFF  }
0xa7: {  	s28 =	simm.s32 $_size_execute0_lowered;
	s2 =	sadd.s32 s2, s4;
	[dreg:$0x0] =	wrdreg $0x0  }
0xa8: {  	s4 =	sshll.u32 s28, $0x1;
	[dreg:$0x2] =	wrdreg s2  }
0xa9: {  	[dreg:$0x3] =	wrdreg s4  }
0xaa: {  	[dreg:$0x4] =	wrdreg $0xC0  }
0xab: {  	_ =	task [dreg:s6], $0x5FFFF  }
0xac: {  	[dreg:$0x1] =	wrdreg $0xFFFFFFFF  }
0xad: {  	[dreg:$0x0] =	wrdreg $0x60  }
0xae: {  	[dreg:$0x2] =	wrdreg s24  }
0xaf: {  	[dreg:$0x3] =	wrdreg $0xC  }
0xb0: {  	_ =	task.clear_ibuf [dreg:s6], $0x4FFFF;
	_ =	strace $0x90000046  }
0xb1: {  	s29 =	simm.s32 $0xC;
	_ =	strace $0x80000048  }
0xb2: {  	_ =	swait.ge [sflag:s29], $0x1  }
0xb3: {  	[sflag:s29] =	ssyncadd.s32 $0xFFFFFFFF  }
0xb4: {  	_ =	strace $0x90000048  }
0xb5: {  	_ =	sfence  }
0xb6: {  	s30 =	sld [smem:$0x0];
	_ =	sdelay $0x2  }
0xb7: {  	s31 =	sshll.u32 s1, $0xD;
	s1 =	sshrl.u32 s1, $0x2  }
0xb8: {  	s3 =	sand.u32 $0x4000, s31;
	s1 =	sadd.s32 s1, s30  }
0xb9: {  	s0 =	sor.u32 s3, s0;
	s1 =	sshll.u32 s1, $0x11  }
0xba: {  	s0 =	sor.u32 s1, s0  }
0xbb: {  	s0 =	sadd.s32 $0x8F2B, s0  }
0xbc: {  	[sflag:s0] =	ssyncadd.remote.s32 $0x1  }
0xbd: {  	_ =	sfence.sel $0xFFFF  }
0xbe: {  	[dreg:$0x0] =	wrdreg $0xFFFFFFFF;
	(pc) =	sbr.abs _section_cstart, $3  }
0xbf: {  	[dreg:$0x1] =	wrdreg $0xFFFFFFFF  }
0xc0: {  	_ =	task.clear_ibuf [dreg:s6], $0x2FFFF;
	_ =	strace $0x9FFFFFFF  }
0xc1: {  	(tm) =	ssettm $0x7FFFFFFF  }
tec
execute0_lowered:
.L_overlay_start_1:
0x0: {  	(tag) =	ssettag $0x1  }
0x1: {  	s0 =	rddreg [dreg:$0x0]  }
0x2: {  	s13 =	rddreg [dreg:$0x1];
	s2 =	simm.s32 $0x0;
	s1 =	srdreg.scid  }
0x3: {  	s3 =	stileid.u32;
	[smem:$0x7FF] =	sst s2;
	s4 =	sadd.s32 $0x198A00, s0  }
0x4: {  	s14 =	simm.s32 $0x100;
	_ =	strace $0x80000047;
	[dreg:$0x2] =	wrdreg s4  }
0x5: {  	s15 =	simm.s32 $0x180;
	s16 =	simm.s32 $0x200;
	[dreg:$0x16] =	wrdreg s14  }
0x6: {  	s1 =	sand.u32 $0x1, s1;
	s3 =	sshll.u32 s3, $0x1;
	[dreg:$0x17] =	wrdreg s15  }
0x7: {  	s3 =	sor.u32 s1, s3;
	[dreg:$0x18] =	wrdreg s16  }
0x8: {  	s17 =	sshll.u32 s3, $0x9;
	s5 =	sshll.u32 s3, $0x4;
	s6 =	sshll.u32 s3, $0x10  }
0x9: {  	s3 =	sshll.u32 s3, $0xB;
	s4 =	sadd.s32 s17, s0;
	s17 =	simm.s32 $0x280  }
0xa: {  	s6 =	sadd.s32 s6, s0;
	s4 =	sadd.s32 $0x5000, s4;
	[dreg:$0x19] =	wrdreg s17  }
0xb: {  	s5 =	sadd.s32 s5, s0;
	s18 =	sadd.s32 $0x32F400, s6;
	[dreg:$0x3] =	wrdreg s4  }
0xc: {  	s3 =	sadd.s32 s3, s0;
	s19 =	sadd.s32 $0x4A00, s5;
	[dreg:$0x4] =	wrdreg s18  }
0xd: {  	s3 =	sadd.s32 $0x31F400, s3;
	[dreg:$0x5] =	wrdreg s19  }
0xe: {  	s20 =	sadd.s32 $0x33D400, s6;
	[dreg:$0x6] =	wrdreg s3  }
0xf: {  	s21 =	sadd.s32 $0x33E400, s6;
	[dreg:$0x7] =	wrdreg s20  }
0x10: {  	s22 =	sadd.s32 $0x330400, s6;
	[dreg:$0x8] =	wrdreg s21  }
0x11: {  	s23 =	sadd.s32 $0x331400, s6;
	[dreg:$0x9] =	wrdreg s22  }
0x12: {  	s31 =	simm.s32 $0x700;
	s24 =	sadd.s32 $0x332400, s6;
	[dreg:$0xa] =	wrdreg s23  }
0x13: {  	s29 =	simm.s32 $0x800;
	s25 =	sadd.s32 $0x333400, s6;
	[dreg:$0xb] =	wrdreg s24  }
0x14: {  	s30 =	simm.s32 $0x880;
	s26 =	sadd.s32 $0x334400, s6;
	[dreg:$0xc] =	wrdreg s25  }
0x15: {  	s28 =	simm.s32 $0x980;
	s5 =	sadd.s32 $0x336400, s6;
	[dreg:$0xd] =	wrdreg s26  }
0x16: {  	p0 =	por $0x0, $0x0;
	s7 =	sadd.s32 $0x337400, s6;
	[dreg:$0xf] =	wrdreg s5  }
0x17: {  	s1 =	ssub.s32 $0x2, s1;
	s8 =	sadd.s32 $0x338400, s6;
	[dreg:$0x10] =	wrdreg s7  }
0x18: {  	s16 =	simm.s32 $0xE00;
	s9 =	sadd.s32 $0x339400, s6;
	[dreg:$0x11] =	wrdreg s8  }
0x19: {  	s14 =	simm.s32 $0xF00;
	s10 =	sadd.s32 $0x33A400, s6;
	[dreg:$0x12] =	wrdreg s9  }
0x1a: {  	s15 =	simm.s32 $0xF80;
	s11 =	sadd.s32 $0x33B400, s6;
	[dreg:$0x13] =	wrdreg s10  }
0x1b: {  	s12 =	sadd.s32 $0x33C400, s6;
	s17 =	simm.s32 $0xE80;
	[dreg:$0x14] =	wrdreg s11  }
0x1c: {  	s4 =	sadd.s32 $0x335400, s6;
	[dreg:$0x15] =	wrdreg s12;
	s5 =	sadd.s32 $0x12000, s0  }
0x1d: {  	s18 =	sshrl.u32 s1, $0x1;
	s19 =	simm.s32 $0x300;
	s20 =	simm.s32 $0x380  }
0x1e: {  	s21 =	simm.s32 $0x400;
	s3 =	simm.s32 $0x2;
	s22 =	simm.s32 $0x480  }
0x1f: {  	s23 =	simm.s32 $0x500;
	s8 =	simm.s32 $0x1000;
	[dreg:$0xe] =	wrdreg s4  }
0x20: {  	s24 =	simm.s32 $0x580;
	s12 =	simm.s32 $0x5000;
	[dreg:$0x1a] =	wrdreg s19  }
0x21: {  	s25 =	simm.s32 $0x600;
	s7 =	simm.s32 $0x9000;
	[dreg:$0x1b] =	wrdreg s20  }
0x22: {  	s26 =	simm.s32 $0x680;
	s10 =	simm.s32 $0xD000;
	[dreg:$0x1c] =	wrdreg s21  }
0x23: {  	s6 =	simm.s32 $0x1;
	s1 =	ssub.s32 s1, s18;
	[dreg:$0x1d] =	wrdreg s22  }
0x24: {  	s11 =	simm.s32 $0x15000;
	[dreg:$0x1e] =	wrdreg s23;
	s1 =	smax.u32 s1, $0x1  }
0x25: {  	s9 =	simm.s32 $0x11000;
	[dreg:$0x1f] =	wrdreg s24;
	p1 =	sne.s32 s1, $0x1  }
.Ltmp0:
0x26: {  	s4 =	simm.s32 $0x80;
	[smem:$0x7FC] =	sst s25;
	(pc) =	sbr.rel @!p1 .LBB2_1-.Ltmp0, $4  }
0x27: {  	[smem:$0x7FD] =	sst s26;
	s18 =	simm.s32 $0x780;
	s26 =	simm.s32 $0x900  }
0x28: {  	s24 =	simm.s32 $0xA00;
	s25 =	simm.s32 $0xA80;
	s22 =	simm.s32 $0xB00  }
0x29: {  	s23 =	simm.s32 $0xB80;
	s20 =	simm.s32 $0xC00;
	s21 =	simm.s32 $0xC80  }
0x2a: {  	s19 =	simm.s32 $0xD80;
	s0 =	sadd.s32 $0xFFFFFFFF, s1;
	s1 =	rddreg [dreg:$0x3]  }
0x2b: {  	[tilespmem:s2], [sflag:$0x2] =	stream.linear.gather [hbm4b:s1+s2], $0x1000, $0x38;
	[tilespmem:$0x15080] =	vst v63  }
0x2c: {  	_ =	swait.ge [sflag:s3], $0x1000  }
0x2d: {  	[sflag:s3] =	ssyncset.done $0x0  }
0x2e: {  	[sflag:s3] =	ssyncadd.s32 $0xFFFFF000  }
0x2f: {  	[tilespmem:s8], [sflag:$0x1] =	stream.indirect.gather [hbm4b:s5+s4], $0x80, s2, s4, $0xb8;
	[tilespmem:$0x15080] =	vst v63  }
0x30: {  	_ = 	snop  }
0x31: {  	[tilespmem:s12], [sflag:$0x1] =	stream.indirect.gather [hbm4b:s5+s4], $0x80, s4, s4, $0xb8;
	[tilespmem:$0x15080] =	vst v63  }
0x32: {  	s1 =	rddreg [dreg:$0x16]  }
0x33: {  	[tilespmem:s7], [sflag:$0x1] =	stream.indirect.gather [hbm4b:s5+s4], $0x80, s1, s4, $0xb8;
	[tilespmem:$0x15080] =	vst v63  }
0x34: {  	s13 =	smov.u32 s0;
	s0 =	rddreg [dreg:$0x17]  }
0x35: {  	[tilespmem:s10], [sflag:$0x1] =	stream.indirect.gather [hbm4b:s5+s4], $0x80, s0, s4, $0xb8;
	[tilespmem:$0x15080] =	vst v63  }
0x36: {  	_ =	swait.ge [sflag:s6], $0x8000  }
0x37: {  	[sflag:s6] =	ssyncset.done $0x0  }
0x38: {  	s1 =	rddreg [dreg:$0x4];
	[sflag:s6] =	ssyncadd.s32 $0xFFFF8000  }
0x39: {  	[hbm4b:s1+s2] =	stream.linear.scatter [tilespmem:s8], [sflag:$0x2], $0x8000, $0x38;
	[tilespmem:$0x15080] =	vst v63  }
0x3a: {  	_ =	swait.ge [sflag:s3], $0x8000  }
0x3b: {  	[sflag:s3] =	ssyncset.done $0x0  }
0x3c: {  	s0 =	rddreg [dreg:$0x18];
	[sflag:s3] =	ssyncadd.s32 $0xFFFF8000  }
0x3d: {  	[tilespmem:s8], [sflag:$0x1] =	stream.indirect.gather [hbm4b:s5+s4], $0x80, s0, s4, $0xb8;
	[tilespmem:$0x15080] =	vst v63  }
0x3e: {  	s1 =	rddreg [dreg:$0x19]  }
0x3f: {  	[tilespmem:s12], [sflag:$0x1] =	stream.indirect.gather [hbm4b:s5+s4], $0x80, s1, s4, $0xb8;
	[tilespmem:$0x15080] =	vst v63  }
0x40: {  	_ =	swait.ge [sflag:s6], $0x8000  }
0x41: {  	[sflag:s6] =	ssyncset.done $0x0  }
0x42: {  	s1 =	rddreg [dreg:$0x9];
	[sflag:s6] =	ssyncadd.s32 $0xFFFF8000  }
0x43: {  	[hbm4b:s1+s2] =	stream.linear.scatter [tilespmem:s7], [sflag:$0x2], $0x8000, $0x38;
	[tilespmem:$0x15080] =	vst v63  }
0x44: {  	_ =	swait.ge [sflag:s3], $0x8000  }
0x45: {  	[sflag:s3] =	ssyncset.done $0x0  }
0x46: {  	s0 =	rddreg [dreg:$0x1a];
	[sflag:s3] =	ssyncadd.s32 $0xFFFF8000  }
0x47: {  	[tilespmem:s7], [sflag:$0x1] =	stream.indirect.gather [hbm4b:s5+s4], $0x80, s0, s4, $0xb8;
	[tilespmem:$0x15080] =	vst v63  }
0x48: {  	s1 =	rddreg [dreg:$0x1b]  }
0x49: {  	[tilespmem:s10], [sflag:$0x1] =	stream.indirect.gather [hbm4b:s5+s4], $0x80, s1, s4, $0xb8;
	[tilespmem:$0x15080] =	vst v63  }
0x4a: {  	_ =	swait.ge [sflag:s6], $0x8000  }
0x4b: {  	[sflag:s6] =	ssyncset.done $0x0  }
0x4c: {  	s1 =	rddreg [dreg:$0xa];
	[sflag:s6] =	ssyncadd.s32 $0xFFFF8000  }
0x4d: {  	[hbm4b:s1+s2] =	stream.linear.scatter [tilespmem:s8], [sflag:$0x2], $0x8000, $0x38;
	[tilespmem:$0x15080] =	vst v63  }
0x4e: {  	_ =	swait.ge [sflag:s3], $0x8000  }
0x4f: {  	[sflag:s3] =	ssyncset.done $0x0  }
0x50: {  	s0 =	rddreg [dreg:$0x1c];
	[sflag:s3] =	ssyncadd.s32 $0xFFFF8000  }
0x51: {  	[tilespmem:s8], [sflag:$0x1] =	stream.indirect.gather [hbm4b:s5+s4], $0x80, s0, s4, $0xb8;
	[tilespmem:$0x15080] =	vst v63  }
0x52: {  	s1 =	rddreg [dreg:$0x1d]  }
0x53: {  	[tilespmem:s12], [sflag:$0x1] =	stream.indirect.gather [hbm4b:s5+s4], $0x80, s1, s4, $0xb8;
	[tilespmem:$0x15080] =	vst v63  }
0x54: {  	_ =	swait.ge [sflag:s6], $0x8000  }
0x55: {  	[sflag:s6] =	ssyncset.done $0x0  }
0x56: {  	s1 =	rddreg [dreg:$0xb];
	[sflag:s6] =	ssyncadd.s32 $0xFFFF8000  }
0x57: {  	[hbm4b:s1+s2] =	stream.linear.scatter [tilespmem:s7], [sflag:$0x2], $0x8000, $0x38;
	[tilespmem:$0x15080] =	vst v63  }
0x58: {  	_ =	swait.ge [sflag:s3], $0x8000  }
0x59: {  	[sflag:s3] =	ssyncset.done $0x0  }
0x5a: {  	s0 =	rddreg [dreg:$0x1e];
	[sflag:s3] =	ssyncadd.s32 $0xFFFF8000  }
0x5b: {  	[tilespmem:s7], [sflag:$0x1] =	stream.indirect.gather [hbm4b:s5+s4], $0x80, s0, s4, $0xb8;
	[tilespmem:$0x15080] =	vst v63  }
0x5c: {  	s1 =	rddreg [dreg:$0x1f]  }
0x5d: {  	[tilespmem:s10], [sflag:$0x1] =	stream.indirect.gather [hbm4b:s5+s4], $0x80, s1, s4, $0xb8;
	[tilespmem:$0x15080] =	vst v63  }
0x5e: {  	_ =	swait.ge [sflag:s6], $0x8000  }
0x5f: {  	[sflag:s6] =	ssyncset.done $0x0  }
0x60: {  	s1 =	rddreg [dreg:$0xc];
	[sflag:s6] =	ssyncadd.s32 $0xFFFF8000  }
0x61: {  	[hbm4b:s1+s2] =	stream.linear.scatter [tilespmem:s8], [sflag:$0x2], $0x8000, $0x38;
	[tilespmem:$0x15080] =	vst v63  }
0x62: {  	_ =	swait.ge [sflag:s3], $0x8000  }
0x63: {  	s0 =	sld [smem:$0x7FC]  }
0x64: {  	[sflag:s3] =	ssyncset.done $0x0  }
0x65: {  	s1 =	sld [smem:$0x7FD];
	[sflag:s3] =	ssyncadd.s32 $0xFFFF8000  }
0x66: {  	[tilespmem:s8], [sflag:$0x1] =	stream.indirect.gather [hbm4b:s5+s4], $0x80, s0, s4, $0xb8;
	[tilespmem:$0x15080] =	vst v63  }
0x67: {  	_ = 	snop  }
0x68: {  	[tilespmem:s12], [sflag:$0x1] =	stream.indirect.gather [hbm4b:s5+s4], $0x80, s1, s4, $0xb8;
	[tilespmem:$0x15080] =	vst v63  }
0x69: {  	_ =	swait.ge [sflag:s6], $0x8000  }
0x6a: {  	[sflag:s6] =	ssyncset.done $0x0  }
0x6b: {  	s1 =	rddreg [dreg:$0xd];
	[sflag:s6] =	ssyncadd.s32 $0xFFFF8000  }
0x6c: {  	[hbm4b:s1+s2] =	stream.linear.scatter [tilespmem:s7], [sflag:$0x2], $0x8000, $0x38;
	[tilespmem:$0x15080] =	vst v63  }
0x6d: {  	_ =	swait.ge [sflag:s3], $0x8000  }
0x6e: {  	[sflag:s3] =	ssyncset.done $0x0  }
0x6f: {  	[sflag:s3] =	ssyncadd.s32 $0xFFFF8000  }
0x70: {  	[tilespmem:s7], [sflag:$0x1] =	stream.indirect.gather [hbm4b:s5+s4], $0x80, s31, s4, $0xb8;
	[tilespmem:$0x15080] =	vst v63  }
0x71: {  	_ = 	snop  }
0x72: {  	[tilespmem:s10], [sflag:$0x1] =	stream.indirect.gather [hbm4b:s5+s4], $0x80, s18, s4, $0xb8;
	[tilespmem:$0x15080] =	vst v63  }
0x73: {  	_ =	swait.ge [sflag:s6], $0x8000  }
0x74: {  	[sflag:s6] =	ssyncset.done $0x0  }
0x75: {  	s1 =	rddreg [dreg:$0xe];
	[sflag:s6] =	ssyncadd.s32 $0xFFFF8000  }
0x76: {  	[hbm4b:s1+s2] =	stream.linear.scatter [tilespmem:s8], [sflag:$0x2], $0x8000, $0x38;
	[tilespmem:$0x15080] =	vst v63  }
0x77: {  	_ =	swait.ge [sflag:s3], $0x8000  }
0x78: {  	[sflag:s3] =	ssyncset.done $0x0  }
0x79: {  	[sflag:s3] =	ssyncadd.s32 $0xFFFF8000  }
0x7a: {  	[tilespmem:s8], [sflag:$0x1] =	stream.indirect.gather [hbm4b:s5+s4], $0x80, s29, s4, $0xb8;
	[tilespmem:$0x15080] =	vst v63  }
0x7b: {  	_ = 	snop  }
0x7c: {  	[tilespmem:s12], [sflag:$0x1] =	stream.indirect.gather [hbm4b:s5+s4], $0x80, s30, s4, $0xb8;
	[tilespmem:$0x15080] =	vst v63  }
0x7d: {  	_ =	swait.ge [sflag:s6], $0x8000  }
0x7e: {  	[sflag:s6] =	ssyncset.done $0x0  }
0x7f: {  	s1 =	rddreg [dreg:$0xf];
	[sflag:s6] =	ssyncadd.s32 $0xFFFF8000  }
0x80: {  	[hbm4b:s1+s2] =	stream.linear.scatter [tilespmem:s7], [sflag:$0x2], $0x8000, $0x38;
	[tilespmem:$0x15080] =	vst v63  }
0x81: {  	_ =	swait.ge [sflag:s3], $0x8000  }
0x82: {  	[sflag:s3] =	ssyncset.done $0x0  }
0x83: {  	[sflag:s3] =	ssyncadd.s32 $0xFFFF8000  }
0x84: {  	[tilespmem:s7], [sflag:$0x1] =	stream.indirect.gather [hbm4b:s5+s4], $0x80, s26, s4, $0xb8;
	[tilespmem:$0x15080] =	vst v63  }
0x85: {  	_ = 	snop  }
0x86: {  	[tilespmem:s10], [sflag:$0x1] =	stream.indirect.gather [hbm4b:s5+s4], $0x80, s28, s4, $0xb8;
	[tilespmem:$0x15080] =	vst v63  }
0x87: {  	_ =	swait.ge [sflag:s6], $0x8000  }
0x88: {  	[sflag:s6] =	ssyncset.done $0x0  }
0x89: {  	s1 =	rddreg [dreg:$0x10];
	[sflag:s6] =	ssyncadd.s32 $0xFFFF8000  }
0x8a: {  	[hbm4b:s1+s2] =	stream.linear.scatter [tilespmem:s8], [sflag:$0x2], $0x8000, $0x38;
	[tilespmem:$0x15080] =	vst v63  }
0x8b: {  	_ =	swait.ge [sflag:s3], $0x8000  }
0x8c: {  	[sflag:s3] =	ssyncset.done $0x0  }
0x8d: {  	[sflag:s3] =	ssyncadd.s32 $0xFFFF8000  }
0x8e: {  	[tilespmem:s8], [sflag:$0x1] =	stream.indirect.gather [hbm4b:s5+s4], $0x80, s24, s4, $0xb8;
	[tilespmem:$0x15080] =	vst v63  }
0x8f: {  	_ = 	snop  }
0x90: {  	[tilespmem:s12], [sflag:$0x1] =	stream.indirect.gather [hbm4b:s5+s4], $0x80, s25, s4, $0xb8;
	[tilespmem:$0x15080] =	vst v63  }
0x91: {  	_ =	swait.ge [sflag:s6], $0x8000  }
0x92: {  	[sflag:s6] =	ssyncset.done $0x0  }
0x93: {  	s1 =	rddreg [dreg:$0x11];
	[sflag:s6] =	ssyncadd.s32 $0xFFFF8000  }
0x94: {  	[hbm4b:s1+s2] =	stream.linear.scatter [tilespmem:s7], [sflag:$0x2], $0x8000, $0x38;
	[tilespmem:$0x15080] =	vst v63  }
0x95: {  	_ =	swait.ge [sflag:s3], $0x8000  }
0x96: {  	[sflag:s3] =	ssyncset.done $0x0  }
0x97: {  	[sflag:s3] =	ssyncadd.s32 $0xFFFF8000  }
0x98: {  	[tilespmem:s7], [sflag:$0x1] =	stream.indirect.gather [hbm4b:s5+s4], $0x80, s22, s4, $0xb8;
	[tilespmem:$0x15080] =	vst v63  }
0x99: {  	_ = 	snop  }
0x9a: {  	[tilespmem:s10], [sflag:$0x1] =	stream.indirect.gather [hbm4b:s5+s4], $0x80, s23, s4, $0xb8;
	[tilespmem:$0x15080] =	vst v63  }
0x9b: {  	_ =	swait.ge [sflag:s6], $0x8000  }
0x9c: {  	[sflag:s6] =	ssyncset.done $0x0  }
0x9d: {  	s1 =	rddreg [dreg:$0x12];
	[sflag:s6] =	ssyncadd.s32 $0xFFFF8000  }
0x9e: {  	[hbm4b:s1+s2] =	stream.linear.scatter [tilespmem:s8], [sflag:$0x2], $0x8000, $0x38;
	[tilespmem:$0x15080] =	vst v63  }
0x9f: {  	_ =	swait.ge [sflag:s3], $0x8000  }
0xa0: {  	[sflag:s3] =	ssyncset.done $0x0  }
0xa1: {  	[sflag:s3] =	ssyncadd.s32 $0xFFFF8000  }
0xa2: {  	[tilespmem:s8], [sflag:$0x1] =	stream.indirect.gather [hbm4b:s5+s4], $0x80, s20, s4, $0xb8;
	[tilespmem:$0x15080] =	vst v63  }
0xa3: {  	_ = 	snop  }
0xa4: {  	[tilespmem:s12], [sflag:$0x1] =	stream.indirect.gather [hbm4b:s5+s4], $0x80, s21, s4, $0xb8;
	[tilespmem:$0x15080] =	vst v63  }
0xa5: {  	_ =	swait.ge [sflag:s6], $0x8000  }
0xa6: {  	[sflag:s6] =	ssyncset.done $0x0  }
0xa7: {  	s1 =	rddreg [dreg:$0x13];
	[sflag:s6] =	ssyncadd.s32 $0xFFFF8000  }
0xa8: {  	[hbm4b:s1+s2] =	stream.linear.scatter [tilespmem:s7], [sflag:$0x2], $0x8000, $0x38;
	[tilespmem:$0x15080] =	vst v63  }
0xa9: {  	_ =	swait.ge [sflag:s3], $0x8000  }
0xaa: {  	[sflag:s3] =	ssyncset.done $0x0  }
0xab: {  	s1 =	simm.s32 $0xD00;
	[sflag:s3] =	ssyncadd.s32 $0xFFFF8000  }
0xac: {  	[tilespmem:s7], [sflag:$0x1] =	stream.indirect.gather [hbm4b:s5+s4], $0x80, s1, s4, $0xb8;
	[tilespmem:$0x15080] =	vst v63  }
0xad: {  	_ = 	snop  }
0xae: {  	[tilespmem:s10], [sflag:$0x1] =	stream.indirect.gather [hbm4b:s5+s4], $0x80, s19, s4, $0xb8;
	[tilespmem:$0x15080] =	vst v63  }
0xaf: {  	_ =	swait.ge [sflag:s6], $0x8000  }
0xb0: {  	[sflag:s6] =	ssyncset.done $0x0  }
0xb1: {  	s1 =	rddreg [dreg:$0x14];
	[sflag:s6] =	ssyncadd.s32 $0xFFFF8000  }
0xb2: {  	[hbm4b:s1+s2] =	stream.linear.scatter [tilespmem:s8], [sflag:$0x2], $0x8000, $0x38;
	[tilespmem:$0x15080] =	vst v63  }
0xb3: {  	_ =	swait.ge [sflag:s3], $0x8000  }
0xb4: {  	[sflag:s3] =	ssyncset.done $0x0  }
0xb5: {  	[sflag:s3] =	ssyncadd.s32 $0xFFFF8000  }
0xb6: {  	[tilespmem:s8], [sflag:$0x1] =	stream.indirect.gather [hbm4b:s5+s4], $0x80, s16, s4, $0xb8;
	[tilespmem:$0x15080] =	vst v63  }
0xb7: {  	_ = 	snop  }
0xb8: {  	[tilespmem:s12], [sflag:$0x1] =	stream.indirect.gather [hbm4b:s5+s4], $0x80, s17, s4, $0xb8;
	[tilespmem:$0x15080] =	vst v63  }
0xb9: {  	_ =	swait.ge [sflag:s6], $0x8000  }
0xba: {  	[sflag:s6] =	ssyncset.done $0x0  }
0xbb: {  	s1 =	rddreg [dreg:$0x15];
	[sflag:s6] =	ssyncadd.s32 $0xFFFF8000  }
0xbc: {  	[hbm4b:s1+s2] =	stream.linear.scatter [tilespmem:s7], [sflag:$0x2], $0x8000, $0x38;
	[tilespmem:$0x15080] =	vst v63  }
0xbd: {  	_ =	swait.ge [sflag:s3], $0x8000  }
0xbe: {  	[sflag:s3] =	ssyncset.done $0x0  }
0xbf: {  	[sflag:s3] =	ssyncadd.s32 $0xFFFF8000  }
0xc0: {  	[tilespmem:s7], [sflag:$0x1] =	stream.indirect.gather [hbm4b:s5+s4], $0x80, s14, s4, $0xb8;
	[tilespmem:$0x15080] =	vst v63  }
0xc1: {  	_ = 	snop  }
0xc2: {  	[tilespmem:s10], [sflag:$0x1] =	stream.indirect.gather [hbm4b:s5+s4], $0x80, s15, s4, $0xb8;
	[tilespmem:$0x15080] =	vst v63  }
0xc3: {  	_ =	swait.ge [sflag:s6], $0x8000  }
0xc4: {  	[sflag:s6] =	ssyncset.done $0x0  }
0xc5: {  	s1 =	rddreg [dreg:$0x7];
	[sflag:s6] =	ssyncadd.s32 $0xFFFF8000  }
0xc6: {  	[hbm4b:s1+s2] =	stream.linear.scatter [tilespmem:s8], [sflag:$0x2], $0x8000, $0x38;
	[tilespmem:$0x15080] =	vst v63  }
0xc7: {  	_ =	swait.ge [sflag:s3], $0x8000  }
0xc8: {  	[sflag:s3] =	ssyncset.done $0x0  }
0xc9: {  	[sflag:s3] =	ssyncadd.s32 $0xFFFF8000  }
0xca: {  	_ =	swait.ge [sflag:s6], $0x8000  }
0xcb: {  	[sflag:s6] =	ssyncset.done $0x0  }
0xcc: {  	s1 =	rddreg [dreg:$0x8];
	[sflag:s6] =	ssyncadd.s32 $0xFFFF8000  }
0xcd: {  	[hbm4b:s1+s2] =	stream.linear.scatter [tilespmem:s7], [sflag:$0x2], $0x8000, $0x38;
	[tilespmem:$0x15080] =	vst v63  }
0xce: {  	_ =	swait.ge [sflag:s3], $0x8000  }
0xcf: {  	[sflag:s3] =	ssyncset.done $0x0  }
0xd0: {  	s1 =	rddreg [dreg:$0x5];
	[sflag:s3] =	ssyncadd.s32 $0xFFFF8000  }
0xd1: {  	[tilespmem:s11], [sflag:$0x2] =	stream.linear.gather [hbm4b:s1+s2], $0x80, $0x38;
	[tilespmem:$0x15080] =	vst v63  }
0xd2: {  	_ =	swait.ge [sflag:s3], $0x80  }
0xd3: {  	[sflag:s3] =	ssyncset.done $0x0  }
0xd4: {  	s1 =	rddreg [dreg:$0x2];
	[sflag:s3] =	ssyncadd.s32 $0xFFFFFF80  }
0xd5: {  	[tilespmem:s9], [sflag:$0x1] =	stream.indirect.gather [hbm4b:s1+s4], $0x80, s11, s4, $0xb8;
	[tilespmem:$0x15080] =	vst v63  }
0xd6: {  	p1 =	sne.s32 s13, $0x1;
	_ =	swait.ge [sflag:s6], $0x4000  }
.Ltmp1:
0xd7: {  	[sflag:s6] =	ssyncset.done $0x0;
	(pc) =	sbr.rel @!p1 .LBB2_3-.Ltmp1, $4  }
0xd8: {  	s1 =	rddreg [dreg:$0x6];
	[sflag:s6] =	ssyncadd.s32 $0xFFFFC000  }
0xd9: {  	[hbm4b:s1+s2] =	stream.linear.scatter [tilespmem:s9], [sflag:$0x2], $0x4000, $0x38;
	[tilespmem:$0x15080] =	vst v63  }
0xda: {  	p0 =	por $0x1, $0x1;
	_ =	swait.ge [sflag:s3], $0x4000  }
0xdb: {  	s0 =	sadd.s32 $0xFFFFFFFF, s13;
	s1 =	rddreg [dreg:$0x3];
	[sflag:s3] =	ssyncset.done $0x0  }
.LBB2_4:
0xdc: {  	[sflag:s3] =	ssyncadd.s32 $0xFFFFC000  }
0xdd: {  	[tilespmem:s2], [sflag:$0x2] =	stream.linear.gather [hbm4b:s1+s2], $0x1000, $0x38;
	[tilespmem:$0x15080] =	vst v63  }
0xde: {  	_ =	swait.ge [sflag:s3], $0x1000  }
0xdf: {  	[sflag:s3] =	ssyncset.done $0x0  }
0xe0: {  	[sflag:s3] =	ssyncadd.s32 $0xFFFFF000  }
0xe1: {  	[tilespmem:s8], [sflag:$0x1] =	stream.indirect.gather [hbm4b:s5+s4], $0x80, s2, s4, $0xb8;
	[tilespmem:$0x15080] =	vst v63  }
0xe2: {  	_ = 	snop  }
0xe3: {  	[tilespmem:s12], [sflag:$0x1] =	stream.indirect.gather [hbm4b:s5+s4], $0x80, s4, s4, $0xb8;
	[tilespmem:$0x15080] =	vst v63  }
0xe4: {  	s1 =	rddreg [dreg:$0x16]  }
0xe5: {  	[tilespmem:s7], [sflag:$0x1] =	stream.indirect.gather [hbm4b:s5+s4], $0x80, s1, s4, $0xb8;
	[tilespmem:$0x15080] =	vst v63  }
0xe6: {  	s13 =	rddreg [dreg:$0x17]  }
0xe7: {  	[tilespmem:s10], [sflag:$0x1] =	stream.indirect.gather [hbm4b:s5+s4], $0x80, s13, s4, $0xb8;
	[tilespmem:$0x15080] =	vst v63  }
0xe8: {  	_ =	swait.ge [sflag:s6], $0x8000  }
0xe9: {  	[sflag:s6] =	ssyncset.done $0x0  }
0xea: {  	s13 =	rddreg [dreg:$0x4];
	[sflag:s6] =	ssyncadd.s32 $0xFFFF8000  }
0xeb: {  	[hbm4b:s13+s2] =	stream.linear.scatter [tilespmem:s8], [sflag:$0x2], $0x8000, $0x38;
	[tilespmem:$0x15080] =	vst v63  }
0xec: {  	_ =	swait.ge [sflag:s3], $0x8000  }
0xed: {  	[sflag:s3] =	ssyncset.done $0x0  }
0xee: {  	s1 =	rddreg [dreg:$0x18];
	[sflag:s3] =	ssyncadd.s32 $0xFFFF8000  }
0xef: {  	[tilespmem:s8], [sflag:$0x1] =	stream.indirect.gather [hbm4b:s5+s4], $0x80, s1, s4, $0xb8;
	[tilespmem:$0x15080] =	vst v63  }
0xf0: {  	s13 =	rddreg [dreg:$0x19]  }
0xf1: {  	[tilespmem:s12], [sflag:$0x1] =	stream.indirect.gather [hbm4b:s5+s4], $0x80, s13, s4, $0xb8;
	[tilespmem:$0x15080] =	vst v63  }
0xf2: {  	_ =	swait.ge [sflag:s6], $0x8000  }
0xf3: {  	[sflag:s6] =	ssyncset.done $0x0  }
0xf4: {  	s13 =	rddreg [dreg:$0x9];
	[sflag:s6] =	ssyncadd.s32 $0xFFFF8000  }
0xf5: {  	[hbm4b:s13+s2] =	stream.linear.scatter [tilespmem:s7], [sflag:$0x2], $0x8000, $0x38;
	[tilespmem:$0x15080] =	vst v63  }
0xf6: {  	_ =	swait.ge [sflag:s3], $0x8000  }
0xf7: {  	[sflag:s3] =	ssyncset.done $0x0  }
0xf8: {  	s1 =	rddreg [dreg:$0x1a];
	[sflag:s3] =	ssyncadd.s32 $0xFFFF8000  }
0xf9: {  	[tilespmem:s7], [sflag:$0x1] =	stream.indirect.gather [hbm4b:s5+s4], $0x80, s1, s4, $0xb8;
	[tilespmem:$0x15080] =	vst v63  }
0xfa: {  	s13 =	rddreg [dreg:$0x1b]  }
0xfb: {  	[tilespmem:s10], [sflag:$0x1] =	stream.indirect.gather [hbm4b:s5+s4], $0x80, s13, s4, $0xb8;
	[tilespmem:$0x15080] =	vst v63  }
0xfc: {  	_ =	swait.ge [sflag:s6], $0x8000  }
0xfd: {  	[sflag:s6] =	ssyncset.done $0x0  }
0xfe: {  	s13 =	rddreg [dreg:$0xa];
	[sflag:s6] =	ssyncadd.s32 $0xFFFF8000  }
0xff: {  	[hbm4b:s13+s2] =	stream.linear.scatter [tilespmem:s8], [sflag:$0x2], $0x8000, $0x38;
	[tilespmem:$0x15080] =	vst v63  }
0x100: {  	_ =	swait.ge [sflag:s3], $0x8000  }
0x101: {  	[sflag:s3] =	ssyncset.done $0x0  }
0x102: {  	s1 =	rddreg [dreg:$0x1c];
	[sflag:s3] =	ssyncadd.s32 $0xFFFF8000  }
0x103: {  	[tilespmem:s8], [sflag:$0x1] =	stream.indirect.gather [hbm4b:s5+s4], $0x80, s1, s4, $0xb8;
	[tilespmem:$0x15080] =	vst v63  }
0x104: {  	s13 =	rddreg [dreg:$0x1d]  }
0x105: {  	[tilespmem:s12], [sflag:$0x1] =	stream.indirect.gather [hbm4b:s5+s4], $0x80, s13, s4, $0xb8;
	[tilespmem:$0x15080] =	vst v63  }
0x106: {  	_ =	swait.ge [sflag:s6], $0x8000  }
0x107: {  	[sflag:s6] =	ssyncset.done $0x0  }
0x108: {  	s13 =	rddreg [dreg:$0xb];
	[sflag:s6] =	ssyncadd.s32 $0xFFFF8000  }
0x109: {  	[hbm4b:s13+s2] =	stream.linear.scatter [tilespmem:s7], [sflag:$0x2], $0x8000, $0x38;
	[tilespmem:$0x15080] =	vst v63  }
0x10a: {  	_ =	swait.ge [sflag:s3], $0x8000  }
0x10b: {  	[sflag:s3] =	ssyncset.done $0x0  }
0x10c: {  	s1 =	rddreg [dreg:$0x1e];
	[sflag:s3] =	ssyncadd.s32 $0xFFFF8000  }
0x10d: {  	[tilespmem:s7], [sflag:$0x1] =	stream.indirect.gather [hbm4b:s5+s4], $0x80, s1, s4, $0xb8;
	[tilespmem:$0x15080] =	vst v63  }
0x10e: {  	s13 =	rddreg [dreg:$0x1f]  }
0x10f: {  	[tilespmem:s10], [sflag:$0x1] =	stream.indirect.gather [hbm4b:s5+s4], $0x80, s13, s4, $0xb8;
	[tilespmem:$0x15080] =	vst v63  }
0x110: {  	_ =	swait.ge [sflag:s6], $0x8000  }
0x111: {  	[sflag:s6] =	ssyncset.done $0x0  }
0x112: {  	s13 =	rddreg [dreg:$0xc];
	[sflag:s6] =	ssyncadd.s32 $0xFFFF8000  }
0x113: {  	[hbm4b:s13+s2] =	stream.linear.scatter [tilespmem:s8], [sflag:$0x2], $0x8000, $0x38;
	[tilespmem:$0x15080] =	vst v63  }
0x114: {  	_ =	swait.ge [sflag:s3], $0x8000  }
0x115: {  	s1 =	sld [smem:$0x7FC]  }
0x116: {  	[sflag:s3] =	ssyncset.done $0x0  }
0x117: {  	s13 =	sld [smem:$0x7FD];
	[sflag:s3] =	ssyncadd.s32 $0xFFFF8000  }
0x118: {  	[tilespmem:s8], [sflag:$0x1] =	stream.indirect.gather [hbm4b:s5+s4], $0x80, s1, s4, $0xb8;
	[tilespmem:$0x15080] =	vst v63  }
0x119: {  	_ = 	snop  }
0x11a: {  	[tilespmem:s12], [sflag:$0x1] =	stream.indirect.gather [hbm4b:s5+s4], $0x80, s13, s4, $0xb8;
	[tilespmem:$0x15080] =	vst v63  }
0x11b: {  	_ =	swait.ge [sflag:s6], $0x8000  }
0x11c: {  	[sflag:s6] =	ssyncset.done $0x0  }
0x11d: {  	s13 =	rddreg [dreg:$0xd];
	[sflag:s6] =	ssyncadd.s32 $0xFFFF8000  }
0x11e: {  	[hbm4b:s13+s2] =	stream.linear.scatter [tilespmem:s7], [sflag:$0x2], $0x8000, $0x38;
	[tilespmem:$0x15080] =	vst v63  }
0x11f: {  	_ =	swait.ge [sflag:s3], $0x8000  }
0x120: {  	[sflag:s3] =	ssyncset.done $0x0  }
0x121: {  	[sflag:s3] =	ssyncadd.s32 $0xFFFF8000  }
0x122: {  	[tilespmem:s7], [sflag:$0x1] =	stream.indirect.gather [hbm4b:s5+s4], $0x80, s31, s4, $0xb8;
	[tilespmem:$0x15080] =	vst v63  }
0x123: {  	_ = 	snop  }
0x124: {  	[tilespmem:s10], [sflag:$0x1] =	stream.indirect.gather [hbm4b:s5+s4], $0x80, s18, s4, $0xb8;
	[tilespmem:$0x15080] =	vst v63  }
0x125: {  	_ =	swait.ge [sflag:s6], $0x8000  }
0x126: {  	[sflag:s6] =	ssyncset.done $0x0  }
0x127: {  	s13 =	rddreg [dreg:$0xe];
	[sflag:s6] =	ssyncadd.s32 $0xFFFF8000  }
0x128: {  	[hbm4b:s13+s2] =	stream.linear.scatter [tilespmem:s8], [sflag:$0x2], $0x8000, $0x38;
	[tilespmem:$0x15080] =	vst v63  }
0x129: {  	_ =	swait.ge [sflag:s3], $0x8000  }
0x12a: {  	[sflag:s3] =	ssyncset.done $0x0  }
0x12b: {  	[sflag:s3] =	ssyncadd.s32 $0xFFFF8000  }
0x12c: {  	[tilespmem:s8], [sflag:$0x1] =	stream.indirect.gather [hbm4b:s5+s4], $0x80, s29, s4, $0xb8;
	[tilespmem:$0x15080] =	vst v63  }
0x12d: {  	_ = 	snop  }
0x12e: {  	[tilespmem:s12], [sflag:$0x1] =	stream.indirect.gather [hbm4b:s5+s4], $0x80, s30, s4, $0xb8;
	[tilespmem:$0x15080] =	vst v63  }
0x12f: {  	_ =	swait.ge [sflag:s6], $0x8000  }
0x130: {  	[sflag:s6] =	ssyncset.done $0x0  }
0x131: {  	s13 =	rddreg [dreg:$0xf];
	[sflag:s6] =	ssyncadd.s32 $0xFFFF8000  }
0x132: {  	[hbm4b:s13+s2] =	stream.linear.scatter [tilespmem:s7], [sflag:$0x2], $0x8000, $0x38;
	[tilespmem:$0x15080] =	vst v63  }
0x133: {  	_ =	swait.ge [sflag:s3], $0x8000  }
0x134: {  	[sflag:s3] =	ssyncset.done $0x0  }
0x135: {  	[sflag:s3] =	ssyncadd.s32 $0xFFFF8000  }
0x136: {  	[tilespmem:s7], [sflag:$0x1] =	stream.indirect.gather [hbm4b:s5+s4], $0x80, s26, s4, $0xb8;
	[tilespmem:$0x15080] =	vst v63  }
0x137: {  	_ = 	snop  }
0x138: {  	[tilespmem:s10], [sflag:$0x1] =	stream.indirect.gather [hbm4b:s5+s4], $0x80, s28, s4, $0xb8;
	[tilespmem:$0x15080] =	vst v63  }
0x139: {  	_ =	swait.ge [sflag:s6], $0x8000  }
0x13a: {  	[sflag:s6] =	ssyncset.done $0x0  }
0x13b: {  	s13 =	rddreg [dreg:$0x10];
	[sflag:s6] =	ssyncadd.s32 $0xFFFF8000  }
0x13c: {  	[hbm4b:s13+s2] =	stream.linear.scatter [tilespmem:s8], [sflag:$0x2], $0x8000, $0x38;
	[tilespmem:$0x15080] =	vst v63  }
0x13d: {  	_ =	swait.ge [sflag:s3], $0x8000  }
0x13e: {  	[sflag:s3] =	ssyncset.done $0x0  }
0x13f: {  	[sflag:s3] =	ssyncadd.s32 $0xFFFF8000  }
0x140: {  	[tilespmem:s8], [sflag:$0x1] =	stream.indirect.gather [hbm4b:s5+s4], $0x80, s24, s4, $0xb8;
	[tilespmem:$0x15080] =	vst v63  }
0x141: {  	_ = 	snop  }
0x142: {  	[tilespmem:s12], [sflag:$0x1] =	stream.indirect.gather [hbm4b:s5+s4], $0x80, s25, s4, $0xb8;
	[tilespmem:$0x15080] =	vst v63  }
0x143: {  	_ =	swait.ge [sflag:s6], $0x8000  }
0x144: {  	[sflag:s6] =	ssyncset.done $0x0  }
0x145: {  	s13 =	rddreg [dreg:$0x11];
	[sflag:s6] =	ssyncadd.s32 $0xFFFF8000  }
0x146: {  	[hbm4b:s13+s2] =	stream.linear.scatter [tilespmem:s7], [sflag:$0x2], $0x8000, $0x38;
	[tilespmem:$0x15080] =	vst v63  }
0x147: {  	_ =	swait.ge [sflag:s3], $0x8000  }
0x148: {  	[sflag:s3] =	ssyncset.done $0x0  }
0x149: {  	[sflag:s3] =	ssyncadd.s32 $0xFFFF8000  }
0x14a: {  	[tilespmem:s7], [sflag:$0x1] =	stream.indirect.gather [hbm4b:s5+s4], $0x80, s22, s4, $0xb8;
	[tilespmem:$0x15080] =	vst v63  }
0x14b: {  	_ = 	snop  }
0x14c: {  	[tilespmem:s10], [sflag:$0x1] =	stream.indirect.gather [hbm4b:s5+s4], $0x80, s23, s4, $0xb8;
	[tilespmem:$0x15080] =	vst v63  }
0x14d: {  	_ =	swait.ge [sflag:s6], $0x8000  }
0x14e: {  	[sflag:s6] =	ssyncset.done $0x0  }
0x14f: {  	s13 =	rddreg [dreg:$0x12];
	[sflag:s6] =	ssyncadd.s32 $0xFFFF8000  }
0x150: {  	[hbm4b:s13+s2] =	stream.linear.scatter [tilespmem:s8], [sflag:$0x2], $0x8000, $0x38;
	[tilespmem:$0x15080] =	vst v63  }
0x151: {  	_ =	swait.ge [sflag:s3], $0x8000  }
0x152: {  	[sflag:s3] =	ssyncset.done $0x0  }
0x153: {  	[sflag:s3] =	ssyncadd.s32 $0xFFFF8000  }
0x154: {  	[tilespmem:s8], [sflag:$0x1] =	stream.indirect.gather [hbm4b:s5+s4], $0x80, s20, s4, $0xb8;
	[tilespmem:$0x15080] =	vst v63  }
0x155: {  	_ = 	snop  }
0x156: {  	[tilespmem:s12], [sflag:$0x1] =	stream.indirect.gather [hbm4b:s5+s4], $0x80, s21, s4, $0xb8;
	[tilespmem:$0x15080] =	vst v63  }
0x157: {  	_ =	swait.ge [sflag:s6], $0x8000  }
0x158: {  	[sflag:s6] =	ssyncset.done $0x0  }
0x159: {  	s13 =	rddreg [dreg:$0x13];
	[sflag:s6] =	ssyncadd.s32 $0xFFFF8000  }
0x15a: {  	[hbm4b:s13+s2] =	stream.linear.scatter [tilespmem:s7], [sflag:$0x2], $0x8000, $0x38;
	[tilespmem:$0x15080] =	vst v63  }
0x15b: {  	_ =	swait.ge [sflag:s3], $0x8000  }
0x15c: {  	[sflag:s3] =	ssyncset.done $0x0  }
0x15d: {  	s13 =	simm.s32 $0xD00;
	[sflag:s3] =	ssyncadd.s32 $0xFFFF8000  }
0x15e: {  	[tilespmem:s7], [sflag:$0x1] =	stream.indirect.gather [hbm4b:s5+s4], $0x80, s13, s4, $0xb8;
	[tilespmem:$0x15080] =	vst v63  }
0x15f: {  	_ = 	snop  }
0x160: {  	[tilespmem:s10], [sflag:$0x1] =	stream.indirect.gather [hbm4b:s5+s4], $0x80, s19, s4, $0xb8;
	[tilespmem:$0x15080] =	vst v63  }
0x161: {  	_ =	swait.ge [sflag:s6], $0x8000  }
0x162: {  	[sflag:s6] =	ssyncset.done $0x0  }
0x163: {  	s13 =	rddreg [dreg:$0x14];
	[sflag:s6] =	ssyncadd.s32 $0xFFFF8000  }
0x164: {  	[hbm4b:s13+s2] =	stream.linear.scatter [tilespmem:s8], [sflag:$0x2], $0x8000, $0x38;
	[tilespmem:$0x15080] =	vst v63  }
0x165: {  	_ =	swait.ge [sflag:s3], $0x8000  }
0x166: {  	[sflag:s3] =	ssyncset.done $0x0  }
0x167: {  	[sflag:s3] =	ssyncadd.s32 $0xFFFF8000  }
0x168: {  	[tilespmem:s8], [sflag:$0x1] =	stream.indirect.gather [hbm4b:s5+s4], $0x80, s16, s4, $0xb8;
	[tilespmem:$0x15080] =	vst v63  }
0x169: {  	_ = 	snop  }
0x16a: {  	[tilespmem:s12], [sflag:$0x1] =	stream.indirect.gather [hbm4b:s5+s4], $0x80, s17, s4, $0xb8;
	[tilespmem:$0x15080] =	vst v63  }
0x16b: {  	_ =	swait.ge [sflag:s6], $0x8000  }
0x16c: {  	[sflag:s6] =	ssyncset.done $0x0  }
0x16d: {  	s13 =	rddreg [dreg:$0x15];
	[sflag:s6] =	ssyncadd.s32 $0xFFFF8000  }
0x16e: {  	[hbm4b:s13+s2] =	stream.linear.scatter [tilespmem:s7], [sflag:$0x2], $0x8000, $0x38;
	[tilespmem:$0x15080] =	vst v63  }
0x16f: {  	_ =	swait.ge [sflag:s3], $0x8000  }
0x170: {  	[sflag:s3] =	ssyncset.done $0x0  }
0x171: {  	[sflag:s3] =	ssyncadd.s32 $0xFFFF8000  }
0x172: {  	[tilespmem:s7], [sflag:$0x1] =	stream.indirect.gather [hbm4b:s5+s4], $0x80, s14, s4, $0xb8;
	[tilespmem:$0x15080] =	vst v63  }
0x173: {  	_ = 	snop  }
0x174: {  	[tilespmem:s10], [sflag:$0x1] =	stream.indirect.gather [hbm4b:s5+s4], $0x80, s15, s4, $0xb8;
	[tilespmem:$0x15080] =	vst v63  }
0x175: {  	_ =	swait.ge [sflag:s6], $0x8000  }
0x176: {  	[sflag:s6] =	ssyncset.done $0x0  }
0x177: {  	s13 =	rddreg [dreg:$0x7];
	[sflag:s6] =	ssyncadd.s32 $0xFFFF8000  }
0x178: {  	[hbm4b:s13+s2] =	stream.linear.scatter [tilespmem:s8], [sflag:$0x2], $0x8000, $0x38;
	[tilespmem:$0x15080] =	vst v63  }
0x179: {  	_ =	swait.ge [sflag:s3], $0x8000  }
0x17a: {  	[sflag:s3] =	ssyncset.done $0x0  }
0x17b: {  	[sflag:s3] =	ssyncadd.s32 $0xFFFF8000  }
0x17c: {  	_ =	swait.ge [sflag:s6], $0x8000  }
0x17d: {  	[sflag:s6] =	ssyncset.done $0x0  }
0x17e: {  	s13 =	rddreg [dreg:$0x8];
	[sflag:s6] =	ssyncadd.s32 $0xFFFF8000  }
0x17f: {  	[hbm4b:s13+s2] =	stream.linear.scatter [tilespmem:s7], [sflag:$0x2], $0x8000, $0x38;
	[tilespmem:$0x15080] =	vst v63  }
0x180: {  	_ =	swait.ge [sflag:s3], $0x8000  }
0x181: {  	[sflag:s3] =	ssyncset.done $0x0  }
0x182: {  	s13 =	rddreg [dreg:$0x5];
	[sflag:s3] =	ssyncadd.s32 $0xFFFF8000  }
0x183: {  	[tilespmem:s11], [sflag:$0x2] =	stream.linear.gather [hbm4b:s13+s2], $0x80, $0x38;
	[tilespmem:$0x15080] =	vst v63  }
0x184: {  	_ =	swait.ge [sflag:s3], $0x80  }
0x185: {  	[sflag:s3] =	ssyncset.done $0x0  }
0x186: {  	s13 =	rddreg [dreg:$0x2];
	[sflag:s3] =	ssyncadd.s32 $0xFFFFFF80  }
0x187: {  	[tilespmem:s9], [sflag:$0x1] =	stream.indirect.gather [hbm4b:s13+s4], $0x80, s11, s4, $0xb8;
	[tilespmem:$0x15080] =	vst v63  }
0x188: {  	p1 =	sne.s32 s0, $0x1;
	_ =	swait.ge [sflag:s6], $0x4000  }
.Ltmp2:
0x189: {  	[sflag:s6] =	ssyncset.done $0x0;
	(pc) =	sbr.rel @p1 .LBB2_4-.Ltmp2, $4  }
0x18a: {  	s13 =	rddreg [dreg:$0x6];
	[sflag:s6] =	ssyncadd.s32 $0xFFFFC000  }
0x18b: {  	[hbm4b:s13+s2] =	stream.linear.scatter [tilespmem:s9], [sflag:$0x2], $0x4000, $0x38;
	[tilespmem:$0x15080] =	vst v63  }
0x18c: {  	_ =	swait.ge [sflag:s3], $0x4000  }
0x18d: {  	s0 =	sadd.s32 $0xFFFFFFFF, s0;
	s1 =	rddreg [dreg:$0x3];
	[sflag:s3] =	ssyncset.done $0x0  }
0x18e: {  	s15 =	simm.s32 $0x780;
	s31 =	simm.s32 $0x700;
	s30 =	simm.s32 $0x880  }
0x18f: {  	s29 =	simm.s32 $0x800;
	s28 =	simm.s32 $0x980;
	s26 =	simm.s32 $0x900  }
0x190: {  	s25 =	simm.s32 $0xA80;
	s24 =	simm.s32 $0xA00;
	s23 =	simm.s32 $0xB80  }
0x191: {  	s22 =	simm.s32 $0xB00;
	s21 =	simm.s32 $0xC80;
	s20 =	simm.s32 $0xC00  }
0x192: {  	s19 =	simm.s32 $0xD80;
	s18 =	simm.s32 $0xD00;
	s17 =	simm.s32 $0xE80  }
0x193: {  	s16 =	simm.s32 $0xE00;
	s14 =	simm.s32 $0xF00;
	s13 =	rddreg [dreg:$0x1]  }
.LBB2_6:
0x194: {  	[sflag:s3] =	ssyncadd.s32 @p0 $0xFFFFC000  }
0x195: {  	[tilespmem:s2], [sflag:$0x2] =	stream.linear.gather [hbm4b:s1+s2], $0x1000, $0x38;
	[tilespmem:$0x15080] =	vst v63  }
0x196: {  	_ =	swait.ge [sflag:s3], $0x1000  }
0x197: {  	[sflag:s3] =	ssyncset.done $0x0  }
0x198: {  	[sflag:s3] =	ssyncadd.s32 $0xFFFFF000  }
0x199: {  	[tilespmem:s8], [sflag:$0x1] =	stream.indirect.gather [hbm4b:s5+s4], $0x80, s2, s4, $0xb8;
	[tilespmem:$0x15080] =	vst v63  }
0x19a: {  	_ = 	snop  }
0x19b: {  	[tilespmem:s12], [sflag:$0x1] =	stream.indirect.gather [hbm4b:s5+s4], $0x80, s4, s4, $0xb8;
	[tilespmem:$0x15080] =	vst v63  }
0x19c: {  	s0 =	rddreg [dreg:$0x16]  }
0x19d: {  	[tilespmem:s7], [sflag:$0x1] =	stream.indirect.gather [hbm4b:s5+s4], $0x80, s0, s4, $0xb8;
	[tilespmem:$0x15080] =	vst v63  }
0x19e: {  	s1 =	rddreg [dreg:$0x17]  }
0x19f: {  	[tilespmem:s10], [sflag:$0x1] =	stream.indirect.gather [hbm4b:s5+s4], $0x80, s1, s4, $0xb8;
	[tilespmem:$0x15080] =	vst v63  }
0x1a0: {  	_ =	swait.ge [sflag:s6], $0x8000  }
0x1a1: {  	[sflag:s6] =	ssyncset.done $0x0  }
0x1a2: {  	s1 =	rddreg [dreg:$0x4];
	[sflag:s6] =	ssyncadd.s32 $0xFFFF8000  }
0x1a3: {  	[hbm4b:s1+s2] =	stream.linear.scatter [tilespmem:s8], [sflag:$0x2], $0x8000, $0x38;
	[tilespmem:$0x15080] =	vst v63  }
0x1a4: {  	_ =	swait.ge [sflag:s3], $0x8000  }
0x1a5: {  	[sflag:s3] =	ssyncset.done $0x0  }
0x1a6: {  	s0 =	rddreg [dreg:$0x18];
	[sflag:s3] =	ssyncadd.s32 $0xFFFF8000  }
0x1a7: {  	[tilespmem:s8], [sflag:$0x1] =	stream.indirect.gather [hbm4b:s5+s4], $0x80, s0, s4, $0xb8;
	[tilespmem:$0x15080] =	vst v63  }
0x1a8: {  	s1 =	rddreg [dreg:$0x19]  }
0x1a9: {  	[tilespmem:s12], [sflag:$0x1] =	stream.indirect.gather [hbm4b:s5+s4], $0x80, s1, s4, $0xb8;
	[tilespmem:$0x15080] =	vst v63  }
0x1aa: {  	_ =	swait.ge [sflag:s6], $0x8000  }
0x1ab: {  	[sflag:s6] =	ssyncset.done $0x0  }
0x1ac: {  	s1 =	rddreg [dreg:$0x9];
	[sflag:s6] =	ssyncadd.s32 $0xFFFF8000  }
0x1ad: {  	[hbm4b:s1+s2] =	stream.linear.scatter [tilespmem:s7], [sflag:$0x2], $0x8000, $0x38;
	[tilespmem:$0x15080] =	vst v63  }
0x1ae: {  	_ =	swait.ge [sflag:s3], $0x8000  }
0x1af: {  	[sflag:s3] =	ssyncset.done $0x0  }
0x1b0: {  	s0 =	rddreg [dreg:$0x1a];
	[sflag:s3] =	ssyncadd.s32 $0xFFFF8000  }
0x1b1: {  	[tilespmem:s7], [sflag:$0x1] =	stream.indirect.gather [hbm4b:s5+s4], $0x80, s0, s4, $0xb8;
	[tilespmem:$0x15080] =	vst v63  }
0x1b2: {  	s1 =	rddreg [dreg:$0x1b]  }
0x1b3: {  	[tilespmem:s10], [sflag:$0x1] =	stream.indirect.gather [hbm4b:s5+s4], $0x80, s1, s4, $0xb8;
	[tilespmem:$0x15080] =	vst v63  }
0x1b4: {  	_ =	swait.ge [sflag:s6], $0x8000  }
0x1b5: {  	[sflag:s6] =	ssyncset.done $0x0  }
0x1b6: {  	s1 =	rddreg [dreg:$0xa];
	[sflag:s6] =	ssyncadd.s32 $0xFFFF8000  }
0x1b7: {  	[hbm4b:s1+s2] =	stream.linear.scatter [tilespmem:s8], [sflag:$0x2], $0x8000, $0x38;
	[tilespmem:$0x15080] =	vst v63  }
0x1b8: {  	_ =	swait.ge [sflag:s3], $0x8000  }
0x1b9: {  	[sflag:s3] =	ssyncset.done $0x0  }
0x1ba: {  	s0 =	rddreg [dreg:$0x1c];
	[sflag:s3] =	ssyncadd.s32 $0xFFFF8000  }
0x1bb: {  	[tilespmem:s8], [sflag:$0x1] =	stream.indirect.gather [hbm4b:s5+s4], $0x80, s0, s4, $0xb8;
	[tilespmem:$0x15080] =	vst v63  }
0x1bc: {  	s1 =	rddreg [dreg:$0x1d]  }
0x1bd: {  	[tilespmem:s12], [sflag:$0x1] =	stream.indirect.gather [hbm4b:s5+s4], $0x80, s1, s4, $0xb8;
	[tilespmem:$0x15080] =	vst v63  }
0x1be: {  	_ =	swait.ge [sflag:s6], $0x8000  }
0x1bf: {  	[sflag:s6] =	ssyncset.done $0x0  }
0x1c0: {  	s1 =	rddreg [dreg:$0xb];
	[sflag:s6] =	ssyncadd.s32 $0xFFFF8000  }
0x1c1: {  	[hbm4b:s1+s2] =	stream.linear.scatter [tilespmem:s7], [sflag:$0x2], $0x8000, $0x38;
	[tilespmem:$0x15080] =	vst v63  }
0x1c2: {  	_ =	swait.ge [sflag:s3], $0x8000  }
0x1c3: {  	[sflag:s3] =	ssyncset.done $0x0  }
0x1c4: {  	s0 =	rddreg [dreg:$0x1e];
	[sflag:s3] =	ssyncadd.s32 $0xFFFF8000  }
0x1c5: {  	[tilespmem:s7], [sflag:$0x1] =	stream.indirect.gather [hbm4b:s5+s4], $0x80, s0, s4, $0xb8;
	[tilespmem:$0x15080] =	vst v63  }
0x1c6: {  	s1 =	rddreg [dreg:$0x1f]  }
0x1c7: {  	[tilespmem:s10], [sflag:$0x1] =	stream.indirect.gather [hbm4b:s5+s4], $0x80, s1, s4, $0xb8;
	[tilespmem:$0x15080] =	vst v63  }
0x1c8: {  	_ =	swait.ge [sflag:s6], $0x8000  }
0x1c9: {  	[sflag:s6] =	ssyncset.done $0x0  }
0x1ca: {  	s1 =	rddreg [dreg:$0xc];
	[sflag:s6] =	ssyncadd.s32 $0xFFFF8000  }
0x1cb: {  	[hbm4b:s1+s2] =	stream.linear.scatter [tilespmem:s8], [sflag:$0x2], $0x8000, $0x38;
	[tilespmem:$0x15080] =	vst v63  }
0x1cc: {  	_ =	swait.ge [sflag:s3], $0x8000  }
0x1cd: {  	s0 =	sld [smem:$0x7FC]  }
0x1ce: {  	[sflag:s3] =	ssyncset.done $0x0  }
0x1cf: {  	s1 =	sld [smem:$0x7FD];
	[sflag:s3] =	ssyncadd.s32 $0xFFFF8000  }
0x1d0: {  	[tilespmem:s8], [sflag:$0x1] =	stream.indirect.gather [hbm4b:s5+s4], $0x80, s0, s4, $0xb8;
	[tilespmem:$0x15080] =	vst v63  }
0x1d1: {  	_ = 	snop  }
0x1d2: {  	[tilespmem:s12], [sflag:$0x1] =	stream.indirect.gather [hbm4b:s5+s4], $0x80, s1, s4, $0xb8;
	[tilespmem:$0x15080] =	vst v63  }
0x1d3: {  	_ =	swait.ge [sflag:s6], $0x8000  }
0x1d4: {  	[sflag:s6] =	ssyncset.done $0x0  }
0x1d5: {  	s1 =	rddreg [dreg:$0xd];
	[sflag:s6] =	ssyncadd.s32 $0xFFFF8000  }
0x1d6: {  	[hbm4b:s1+s2] =	stream.linear.scatter [tilespmem:s7], [sflag:$0x2], $0x8000, $0x38;
	[tilespmem:$0x15080] =	vst v63  }
0x1d7: {  	_ =	swait.ge [sflag:s3], $0x8000  }
0x1d8: {  	[sflag:s3] =	ssyncset.done $0x0  }
0x1d9: {  	[sflag:s3] =	ssyncadd.s32 $0xFFFF8000  }
0x1da: {  	[tilespmem:s7], [sflag:$0x1] =	stream.indirect.gather [hbm4b:s5+s4], $0x80, s31, s4, $0xb8;
	[tilespmem:$0x15080] =	vst v63  }
0x1db: {  	_ = 	snop  }
0x1dc: {  	[tilespmem:s10], [sflag:$0x1] =	stream.indirect.gather [hbm4b:s5+s4], $0x80, s15, s4, $0xb8;
	[tilespmem:$0x15080] =	vst v63  }
0x1dd: {  	_ =	swait.ge [sflag:s6], $0x8000  }
0x1de: {  	[sflag:s6] =	ssyncset.done $0x0  }
0x1df: {  	s15 =	rddreg [dreg:$0xe];
	[sflag:s6] =	ssyncadd.s32 $0xFFFF8000  }
0x1e0: {  	[hbm4b:s15+s2] =	stream.linear.scatter [tilespmem:s8], [sflag:$0x2], $0x8000, $0x38;
	[tilespmem:$0x15080] =	vst v63  }
0x1e1: {  	_ =	swait.ge [sflag:s3], $0x8000  }
0x1e2: {  	[sflag:s3] =	ssyncset.done $0x0  }
0x1e3: {  	[sflag:s3] =	ssyncadd.s32 $0xFFFF8000  }
0x1e4: {  	[tilespmem:s8], [sflag:$0x1] =	stream.indirect.gather [hbm4b:s5+s4], $0x80, s29, s4, $0xb8;
	[tilespmem:$0x15080] =	vst v63  }
0x1e5: {  	_ = 	snop  }
0x1e6: {  	[tilespmem:s12], [sflag:$0x1] =	stream.indirect.gather [hbm4b:s5+s4], $0x80, s30, s4, $0xb8;
	[tilespmem:$0x15080] =	vst v63  }
0x1e7: {  	_ =	swait.ge [sflag:s6], $0x8000  }
0x1e8: {  	[sflag:s6] =	ssyncset.done $0x0  }
0x1e9: {  	s30 =	rddreg [dreg:$0xf];
	[sflag:s6] =	ssyncadd.s32 $0xFFFF8000  }
0x1ea: {  	[hbm4b:s30+s2] =	stream.linear.scatter [tilespmem:s7], [sflag:$0x2], $0x8000, $0x38;
	[tilespmem:$0x15080] =	vst v63  }
0x1eb: {  	_ =	swait.ge [sflag:s3], $0x8000  }
0x1ec: {  	[sflag:s3] =	ssyncset.done $0x0  }
0x1ed: {  	[sflag:s3] =	ssyncadd.s32 $0xFFFF8000  }
0x1ee: {  	[tilespmem:s7], [sflag:$0x1] =	stream.indirect.gather [hbm4b:s5+s4], $0x80, s26, s4, $0xb8;
	[tilespmem:$0x15080] =	vst v63  }
0x1ef: {  	_ = 	snop  }
0x1f0: {  	[tilespmem:s10], [sflag:$0x1] =	stream.indirect.gather [hbm4b:s5+s4], $0x80, s28, s4, $0xb8;
	[tilespmem:$0x15080] =	vst v63  }
0x1f1: {  	_ =	swait.ge [sflag:s6], $0x8000  }
0x1f2: {  	[sflag:s6] =	ssyncset.done $0x0  }
0x1f3: {  	s31 =	rddreg [dreg:$0x10];
	[sflag:s6] =	ssyncadd.s32 $0xFFFF8000  }
0x1f4: {  	[hbm4b:s31+s2] =	stream.linear.scatter [tilespmem:s8], [sflag:$0x2], $0x8000, $0x38;
	[tilespmem:$0x15080] =	vst v63  }
0x1f5: {  	_ =	swait.ge [sflag:s3], $0x8000  }
0x1f6: {  	[sflag:s3] =	ssyncset.done $0x0  }
0x1f7: {  	[sflag:s3] =	ssyncadd.s32 $0xFFFF8000  }
0x1f8: {  	[tilespmem:s8], [sflag:$0x1] =	stream.indirect.gather [hbm4b:s5+s4], $0x80, s24, s4, $0xb8;
	[tilespmem:$0x15080] =	vst v63  }
0x1f9: {  	_ = 	snop  }
0x1fa: {  	[tilespmem:s12], [sflag:$0x1] =	stream.indirect.gather [hbm4b:s5+s4], $0x80, s25, s4, $0xb8;
	[tilespmem:$0x15080] =	vst v63  }
0x1fb: {  	_ =	swait.ge [sflag:s6], $0x8000  }
0x1fc: {  	[sflag:s6] =	ssyncset.done $0x0  }
0x1fd: {  	s1 =	rddreg [dreg:$0x11];
	[sflag:s6] =	ssyncadd.s32 $0xFFFF8000  }
0x1fe: {  	[hbm4b:s1+s2] =	stream.linear.scatter [tilespmem:s7], [sflag:$0x2], $0x8000, $0x38;
	[tilespmem:$0x15080] =	vst v63  }
0x1ff: {  	_ =	swait.ge [sflag:s3], $0x8000  }
0x200: {  	[sflag:s3] =	ssyncset.done $0x0  }
0x201: {  	[sflag:s3] =	ssyncadd.s32 $0xFFFF8000  }
0x202: {  	[tilespmem:s7], [sflag:$0x1] =	stream.indirect.gather [hbm4b:s5+s4], $0x80, s22, s4, $0xb8;
	[tilespmem:$0x15080] =	vst v63  }
0x203: {  	_ = 	snop  }
0x204: {  	[tilespmem:s10], [sflag:$0x1] =	stream.indirect.gather [hbm4b:s5+s4], $0x80, s23, s4, $0xb8;
	[tilespmem:$0x15080] =	vst v63  }
0x205: {  	_ =	swait.ge [sflag:s6], $0x8000  }
0x206: {  	[sflag:s6] =	ssyncset.done $0x0  }
0x207: {  	s15 =	rddreg [dreg:$0x12];
	[sflag:s6] =	ssyncadd.s32 $0xFFFF8000  }
0x208: {  	[hbm4b:s15+s2] =	stream.linear.scatter [tilespmem:s8], [sflag:$0x2], $0x8000, $0x38;
	[tilespmem:$0x15080] =	vst v63  }
0x209: {  	_ =	swait.ge [sflag:s3], $0x8000  }
0x20a: {  	[sflag:s3] =	ssyncset.done $0x0  }
0x20b: {  	[sflag:s3] =	ssyncadd.s32 $0xFFFF8000  }
0x20c: {  	[tilespmem:s8], [sflag:$0x1] =	stream.indirect.gather [hbm4b:s5+s4], $0x80, s20, s4, $0xb8;
	[tilespmem:$0x15080] =	vst v63  }
0x20d: {  	_ = 	snop  }
0x20e: {  	[tilespmem:s12], [sflag:$0x1] =	stream.indirect.gather [hbm4b:s5+s4], $0x80, s21, s4, $0xb8;
	[tilespmem:$0x15080] =	vst v63  }
0x20f: {  	_ =	swait.ge [sflag:s6], $0x8000  }
0x210: {  	[sflag:s6] =	ssyncset.done $0x0  }
0x211: {  	s21 =	rddreg [dreg:$0x13];
	[sflag:s6] =	ssyncadd.s32 $0xFFFF8000  }
0x212: {  	[hbm4b:s21+s2] =	stream.linear.scatter [tilespmem:s7], [sflag:$0x2], $0x8000, $0x38;
	[tilespmem:$0x15080] =	vst v63  }
0x213: {  	_ =	swait.ge [sflag:s3], $0x8000  }
0x214: {  	[sflag:s3] =	ssyncset.done $0x0  }
0x215: {  	[sflag:s3] =	ssyncadd.s32 $0xFFFF8000  }
0x216: {  	[tilespmem:s7], [sflag:$0x1] =	stream.indirect.gather [hbm4b:s5+s4], $0x80, s18, s4, $0xb8;
	[tilespmem:$0x15080] =	vst v63  }
0x217: {  	_ = 	snop  }
0x218: {  	[tilespmem:s10], [sflag:$0x1] =	stream.indirect.gather [hbm4b:s5+s4], $0x80, s19, s4, $0xb8;
	[tilespmem:$0x15080] =	vst v63  }
0x219: {  	_ =	swait.ge [sflag:s6], $0x8000  }
0x21a: {  	[sflag:s6] =	ssyncset.done $0x0  }
0x21b: {  	s22 =	rddreg [dreg:$0x14];
	[sflag:s6] =	ssyncadd.s32 $0xFFFF8000  }
0x21c: {  	[hbm4b:s22+s2] =	stream.linear.scatter [tilespmem:s8], [sflag:$0x2], $0x8000, $0x38;
	[tilespmem:$0x15080] =	vst v63  }
0x21d: {  	_ =	swait.ge [sflag:s3], $0x8000  }
0x21e: {  	[sflag:s3] =	ssyncset.done $0x0  }
0x21f: {  	[sflag:s3] =	ssyncadd.s32 $0xFFFF8000  }
0x220: {  	[tilespmem:s8], [sflag:$0x1] =	stream.indirect.gather [hbm4b:s5+s4], $0x80, s16, s4, $0xb8;
	[tilespmem:$0x15080] =	vst v63  }
0x221: {  	_ = 	snop  }
0x222: {  	[tilespmem:s12], [sflag:$0x1] =	stream.indirect.gather [hbm4b:s5+s4], $0x80, s17, s4, $0xb8;
	[tilespmem:$0x15080] =	vst v63  }
0x223: {  	_ =	swait.ge [sflag:s6], $0x8000  }
0x224: {  	[sflag:s6] =	ssyncset.done $0x0  }
0x225: {  	s23 =	rddreg [dreg:$0x15];
	[sflag:s6] =	ssyncadd.s32 $0xFFFF8000  }
0x226: {  	[hbm4b:s23+s2] =	stream.linear.scatter [tilespmem:s7], [sflag:$0x2], $0x8000, $0x38;
	[tilespmem:$0x15080] =	vst v63  }
0x227: {  	_ =	swait.ge [sflag:s3], $0x8000  }
0x228: {  	[sflag:s3] =	ssyncset.done $0x0  }
0x229: {  	[sflag:s3] =	ssyncadd.s32 $0xFFFF8000  }
0x22a: {  	[tilespmem:s7], [sflag:$0x1] =	stream.indirect.gather [hbm4b:s5+s4], $0x80, s14, s4, $0xb8;
	[tilespmem:$0x15080] =	vst v63  }
0x22b: {  	s24 =	simm.s32 $0xF80  }
0x22c: {  	[tilespmem:s10], [sflag:$0x1] =	stream.indirect.gather [hbm4b:s5+s4], $0x80, s24, s4, $0xb8;
	[tilespmem:$0x15080] =	vst v63  }
0x22d: {  	_ =	swait.ge [sflag:s6], $0x8000  }
0x22e: {  	[sflag:s6] =	ssyncset.done $0x0  }
0x22f: {  	s25 =	rddreg [dreg:$0x7];
	[sflag:s6] =	ssyncadd.s32 $0xFFFF8000  }
0x230: {  	[hbm4b:s25+s2] =	stream.linear.scatter [tilespmem:s8], [sflag:$0x2], $0x8000, $0x38;
	[tilespmem:$0x15080] =	vst v63  }
0x231: {  	_ =	swait.ge [sflag:s3], $0x8000  }
0x232: {  	[sflag:s3] =	ssyncset.done $0x0  }
0x233: {  	[sflag:s3] =	ssyncadd.s32 $0xFFFF8000  }
0x234: {  	_ =	swait.ge [sflag:s6], $0x8000  }
0x235: {  	[sflag:s6] =	ssyncset.done $0x0  }
0x236: {  	s26 =	rddreg [dreg:$0x8];
	[sflag:s6] =	ssyncadd.s32 $0xFFFF8000  }
0x237: {  	[hbm4b:s26+s2] =	stream.linear.scatter [tilespmem:s7], [sflag:$0x2], $0x8000, $0x38;
	[tilespmem:$0x15080] =	vst v63  }
0x238: {  	_ =	swait.ge [sflag:s3], $0x8000  }
0x239: {  	[sflag:s3] =	ssyncset.done $0x0  }
0x23a: {  	s28 =	rddreg [dreg:$0x5];
	[sflag:s3] =	ssyncadd.s32 $0xFFFF8000  }
0x23b: {  	[tilespmem:s11], [sflag:$0x2] =	stream.linear.gather [hbm4b:s28+s2], $0x80, $0x38;
	[tilespmem:$0x15080] =	vst v63  }
0x23c: {  	_ =	swait.ge [sflag:s3], $0x80  }
0x23d: {  	[sflag:s3] =	ssyncset.done $0x0  }
0x23e: {  	s29 =	rddreg [dreg:$0x2];
	[sflag:s3] =	ssyncadd.s32 $0xFFFFFF80  }
0x23f: {  	[tilespmem:s9], [sflag:$0x1] =	stream.indirect.gather [hbm4b:s29+s4], $0x80, s11, s4, $0xb8;
	[tilespmem:$0x15080] =	vst v63  }
0x240: {  	_ =	swait.ge [sflag:s6], $0x4000  }
0x241: {  	[sflag:s6] =	ssyncset.done $0x0  }
0x242: {  	s30 =	rddreg [dreg:$0x6];
	[sflag:s6] =	ssyncadd.s32 $0xFFFFC000  }
0x243: {  	[hbm4b:s30+s2] =	stream.linear.scatter [tilespmem:s9], [sflag:$0x2], $0x4000, $0x38;
	[tilespmem:$0x15080] =	vst v63  }
0x244: {  	_ =	swait.ge [sflag:s3], $0x4000  }
0x245: {  	[sflag:s3] =	ssyncset.done $0x0  }
0x246: {  	[sflag:s3] =	ssyncadd.s32 $0xFFFFC000  }
0x247: {  	_ =	sfence.sel $0x180000  }
0x248: {  	s31 =	stileid.u32;
	[bflag:$0x0] =	sbarrier.arrive $0xFFFF  }
0x249: {  	p0 =	sne.s32 s31, $0x0;
	_ =	strace $0x90000047  }
0x24a: {  	s0 =	sadd.s32 @!p0 $0x100000, s13;
	[bflag:$0x2] =	sbarrier.arrive $0xFFFF  }
0x24b: {  	[sflag:s0] =	ssyncadd.tile.s32 @!p0 $0x1;
	_ =	shalt  }
.LBB2_1:
0x24c: {  	s15 =	simm.s32 $0x780;
	s31 =	simm.s32 $0x700;
	s30 =	simm.s32 $0x880  }
.Ltmp3:
0x24d: {  	s29 =	simm.s32 $0x800;
	s28 =	simm.s32 $0x980;
	(pc) =	sbr.rel .LBB2_6-.Ltmp3, $4  }
0x24e: {  	s26 =	simm.s32 $0x900;
	s25 =	simm.s32 $0xA80;
	s24 =	simm.s32 $0xA00  }
0x24f: {  	s23 =	simm.s32 $0xB80;
	s22 =	simm.s32 $0xB00;
	s21 =	simm.s32 $0xC80  }
0x250: {  	s20 =	simm.s32 $0xC00;
	s19 =	simm.s32 $0xD80;
	s18 =	simm.s32 $0xD00  }
0x251: {  	s17 =	simm.s32 $0xE80;
	s16 =	simm.s32 $0xE00;
	s14 =	simm.s32 $0xF00  }
.LBB2_3:
0x252: {  	s15 =	simm.s32 $0x780  }
0x253: {  	s31 =	simm.s32 $0x700;
	s30 =	simm.s32 $0x880;
	s29 =	simm.s32 $0x800  }
.Ltmp4:
0x254: {  	s28 =	simm.s32 $0x980;
	s26 =	simm.s32 $0x900;
	(pc) =	sbr.rel .LBB2_6-.Ltmp4, $4  }
0x255: {  	s25 =	simm.s32 $0xA80;
	s24 =	simm.s32 $0xA00;
	s23 =	simm.s32 $0xB80  }
0x256: {  	s22 =	simm.s32 $0xB00;
	s21 =	simm.s32 $0xC80;
	s20 =	simm.s32 $0xC00  }
0x257: {  	s19 =	simm.s32 $0xD80;
	s18 =	simm.s32 $0xD00;
	s17 =	simm.s32 $0xE80  }
0x258: {  	s16 =	simm.s32 $0xE00;
	s14 =	simm.s32 $0xF00;
	s13 =	rddreg [dreg:$0x1]  }
.Lfunc_end2:
_tile_overlayer_lowered:
.L_overlay_start_2:
0x259: {  	(tag) =	ssettag $0x2  }
0x25a: {  	s0 =	rddreg [dreg:$0x0];
	s2 =	stileid.u32  }
0x25b: {  	s1 =	rddreg [dreg:$0x1];
	p0 =	sne.s32 s2, $0x0  }
0x25c: {  	s3 =	rddreg [dreg:$0x2];
	[bflag:$0x3] =	sbarrier.arrive $0xFFFF;
	s2 =	simm.s32 @!p0 $0x1C02  }
0x25d: {  	[timem:s3], [sflag:s2] =	dma.local @!p0 [hbm:s0], s1  }
0x25e: {  	s0 =	simm.s32 @!p0 $0x2  }
0x25f: {  	_ =	swait.ge @!p0 [sflag:s0], s1  }
0x260: {  	s1 =	ssub.s32 @!p0 $0x0, s1;
	[sflag:s0] =	ssyncset.done @!p0 $0x0  }
0x261: {  	[sflag:s0] =	ssyncadd.s32 @!p0 s1  }
0x262: {  	[bflag:$0x3] =	sbarrier.arrive $0xFFFF  }
0x263: {  	_ =	shalt  }

</sc_bundles>
